<compile_context>
chip_gen: v7x
topology: tpu7x:2x2x1
jax: 0.10.2.dev20260603
libtpu: 0.0.44.dev20260713+nightly
codegen_flags: <defaults>
</compile_context>

<pallas_src>
import functools

import jax
import jax.numpy as jnp
from jax import lax
from jax.experimental import pallas as pl
from jax.experimental.pallas import tpu as pltpu
from jax.experimental.pallas import tpu_sc as plsc
from jax.experimental.layout import Layout, with_layout_constraint

BATCH = 4096
SEQ = 200
EMBED = 64
NUM_WORKERS = 32
BPW = BATCH // NUM_WORKERS
NBUF = 3
PITCH = 129

_MESH = plsc.VectorSubcoreMesh(
    core_axis_name="c", subcore_axis_name="s", num_cores=2, num_subcores=16
)


@functools.partial(
    pl.kernel,
    out_type=jax.ShapeDtypeStruct((SEQ, EMBED // 8, NUM_WORKERS, 8, 128),
                                  jnp.float32),
    mesh=_MESH,
    compiler_params=pltpu.CompilerParams(use_tc_tiling_on_sc=False,
                                         needs_layout_passes=False),
    scratch_types=[
        pltpu.VMEM((SEQ, BPW), jnp.int32),
        pltpu.VMEM((SEQ, BPW), jnp.int32),
    ]
    + [pltpu.VMEM((BPW, EMBED), jnp.float32) for _ in range(NBUF)]
    + [pltpu.VMEM((EMBED // 8, 8, 128), jnp.float32) for _ in range(NBUF)]
    + [pltpu.VMEM((EMBED * PITCH,), jnp.float32) for _ in range(NBUF)]
    + [pltpu.SemaphoreType.DMA] * (3 * NBUF),
)
def _embed_sum(notes_hbm, times_hbm, tok_hbm, pos_hbm, out_hbm,
               idx_n, idx_t, *bufs_and_sems):
    bufs = bufs_and_sems[:NBUF]
    tbufs = bufs_and_sems[NBUF:2 * NBUF]
    pbufs = bufs_and_sems[2 * NBUF:3 * NBUF]
    sem_a = bufs_and_sems[3 * NBUF:4 * NBUF]
    sem_b = bufs_and_sems[4 * NBUF:5 * NBUF]
    sem_c = bufs_and_sems[5 * NBUF:6 * NBUF]

    w = lax.axis_index("s") * 2 + lax.axis_index("c")
    pltpu.sync_copy(notes_hbm.at[pl.ds(0, SEQ), w], idx_n)
    pltpu.sync_copy(times_hbm.at[pl.ds(0, SEQ), w], idx_t)

    lanes = lax.iota(jnp.int32, 16)

    offs = [(16 * m + lanes) * PITCH for m in range(EMBED // 16)]

    def transpose_chunk(b):
        def scat(j0, carry):
            for dj in range(4):
                j = j0 * 4 + dj
                for m in range(EMBED // 16):
                    v = bufs[b][j, pl.ds(16 * m, 16)]
                    plsc.store_scatter(pbufs[b], [offs[m] + j], v)
            return carry

        lax.fori_loop(0, BPW // 4, scat, 0)

        def repack(m, carry):
            for q in range(8):
                e = m * 8 + q
                for k in range(8):
                    tbufs[b][m, q, pl.ds(16 * k, 16)] = (
                        pbufs[b][pl.ds(e * PITCH + 16 * k, 16)])
            return carry

        lax.fori_loop(0, EMBED // 8, repack, 0)

    def step(g):
        for b in range(NBUF):
            c = g + b
            b1 = (b - 1) % NBUF
            b2 = (b - 2) % NBUF

            @pl.when(c < SEQ)
            def _():
                pltpu.async_copy(tok_hbm.at[idx_n.at[c]], bufs[b], sem_a[b])

            c1 = c - 1
            @pl.when(jnp.logical_and(c1 >= 0, c1 < SEQ))
            def _():
                pltpu.make_async_copy(
                    tok_hbm.at[idx_n.at[c1]], bufs[b1], sem_a[b1]
                ).wait()
                pltpu.async_copy(
                    pos_hbm.at[idx_t.at[c1]], bufs[b1], sem_b[b1], add=True
                )

            c2 = c - 2
            @pl.when(jnp.logical_and(c2 >= 0, c2 < SEQ))
            def _():
                pltpu.make_async_copy(
                    pos_hbm.at[idx_t.at[c2]], bufs[b2], sem_b[b2]
                ).wait()

                @pl.when(c2 >= NBUF)
                def _():
                    pltpu.make_async_copy(
                        tbufs[b2], out_hbm.at[0, pl.ds(0, EMBED // 8), w],
                        sem_c[b2]
                    ).wait()

                transpose_chunk(b2)
                pltpu.async_copy(
                    tbufs[b2], out_hbm.at[c2, pl.ds(0, EMBED // 8), w],
                    sem_c[b2]
                )

    pl.loop(0, SEQ + 3 * NBUF, step=NBUF)(step)

    for b in range(NBUF):
        c_last = SEQ - NBUF + b
        pltpu.make_async_copy(
            tbufs[b % NBUF], out_hbm.at[0, pl.ds(0, EMBED // 8), w],
            sem_c[c_last % NBUF]
        ).wait()


def kernel(x, token_emb, pos_emb):
    notes_t = jnp.transpose(x[:, 0, :].astype(jnp.int32)).reshape(
        SEQ, NUM_WORKERS, BPW)
    times_t = jnp.transpose(x[:, 1, :].astype(jnp.int32)).reshape(
        SEQ, NUM_WORKERS, BPW)
    out5 = _embed_sum(notes_t, times_t, token_emb, pos_emb)
    t = jnp.transpose(out5, (2, 4, 0, 1, 3))
    r = t.reshape(BATCH, SEQ, EMBED)
    return with_layout_constraint(r, Layout(major_to_minor=(1, 2, 0)))

# --- scband reference (transcript-rebuilt; emitter-appended) ---
"""Pipeline reference for scband-token-and-position-embedding-249108103654 (READ-ONLY COPY).

The authoritative reference and input builder live on the scoring server;
editing this copy changes nothing except your own understanding.
"""

import jax, jax.numpy as jnp
import numpy as np

VOCAB_SIZE = 100000
MAX_LEN = 10000
EMBED_DIM = 64
BATCH = 4096
SEQ = 200

def setup_inputs(seed: int = 0) -> dict:
    key = jax.random.key(seed)
    k1, k2, k3 = jax.random.split(key, 3)
    # x packs two index streams: x[:,0,:] are note tokens, x[:,1,:] are time positions.
    # Values drawn < MAX_LEN (=10000) so they are valid for both tables (vocab=100000, max_len=10000).
    x = jax.random.randint(k1, (BATCH, 2, SEQ), 0, MAX_LEN, dtype=jnp.int64 if jax.config.jax_enable_x64 else jnp.int32)
    token_emb = jax.random.normal(k2, (VOCAB_SIZE, EMBED_DIM), dtype=jnp.float32) * 0.05
    pos_emb = jax.random.normal(k3, (MAX_LEN, EMBED_DIM), dtype=jnp.float32) * 0.05
    return {"x": x, "token_emb": token_emb, "pos_emb": pos_emb}

def reference(x, token_emb, pos_emb):
    L = x.shape[-1]
    notes = x[:, 0:1, :]
    times = x[:, 1:2, :]
    notes = jnp.reshape(notes, (-1, L))
    times = jnp.reshape(times, (-1, L))
    times_e = jnp.take(pos_emb, times, axis=0)
    notes_e = jnp.take(token_emb, notes, axis=0)
    return notes_e + times_e

if __name__ == "__main__":
    import jax
    _d = setup_inputs()
    print(jax.jit(kernel)(*tuple(_d.values())))

</pallas_src>

<mosaic_0001>
#map = affine_map<(d0, d1) -> (0, 0, 0)>
#map1 = affine_map<(d0, d1) -> (0, 0)>
#map2 = affine_map<(d0, d1) -> (0, 0, 0, 0, 0)>
module attributes {stable_mosaic.version = 14 : i64} {
  func.func @_embed_sum(%arg0: i32, %arg1: i32, %arg2: memref<200x32x128xi32, #tpu.memory_space<hbm>>, %arg3: memref<200x32x128xi32, #tpu.memory_space<hbm>>, %arg4: memref<100000x64xf32, #tpu.memory_space<hbm>>, %arg5: memref<10000x64xf32, #tpu.memory_space<hbm>>, %arg6: memref<200x8x32x8x128xf32, #tpu.memory_space<hbm>>, %arg7: memref<200x128xi32, #tpu.memory_space<vmem>>, %arg8: memref<200x128xi32, #tpu.memory_space<vmem>>, %arg9: memref<128x64xf32, #tpu.memory_space<vmem>>, %arg10: memref<128x64xf32, #tpu.memory_space<vmem>>, %arg11: memref<128x64xf32, #tpu.memory_space<vmem>>, %arg12: memref<8x8x128xf32, #tpu.memory_space<vmem>>, %arg13: memref<8x8x128xf32, #tpu.memory_space<vmem>>, %arg14: memref<8x8x128xf32, #tpu.memory_space<vmem>>, %arg15: memref<8256xf32, #tpu.memory_space<vmem>>, %arg16: memref<8256xf32, #tpu.memory_space<vmem>>, %arg17: memref<8256xf32, #tpu.memory_space<vmem>>, %arg18: memref<!tpu.dma_semaphore, #tpu.memory_space<semaphore_mem>>, %arg19: memref<!tpu.dma_semaphore, #tpu.memory_space<semaphore_mem>>, %arg20: memref<!tpu.dma_semaphore, #tpu.memory_space<semaphore_mem>>, %arg21: memref<!tpu.dma_semaphore, #tpu.memory_space<semaphore_mem>>, %arg22: memref<!tpu.dma_semaphore, #tpu.memory_space<semaphore_mem>>, %arg23: memref<!tpu.dma_semaphore, #tpu.memory_space<semaphore_mem>>, %arg24: memref<!tpu.dma_semaphore, #tpu.memory_space<semaphore_mem>>, %arg25: memref<!tpu.dma_semaphore, #tpu.memory_space<semaphore_mem>>, %arg26: memref<!tpu.dma_semaphore, #tpu.memory_space<semaphore_mem>>) attributes {dimension_semantics = [#tpu.dimension_semantics<core_parallel>, #tpu.dimension_semantics<subcore_parallel>], iteration_bounds = array<i64: 2, 16>, scalar_prefetch = 0 : i64, scratch_operands = 20 : i64, tpu.core_type = #tpu.core_type<sc_vector_subcore>, window_params = [{transform_indices = #map}, {transform_indices = #map}, {transform_indices = #map1}, {transform_indices = #map1}, {transform_indices = #map2}]} {
    %mul3A = arith.constant 2 : i32
    %mul3A_0 = arith.muli %arg1, %mul3A : i32
    %add3A = arith.addi %mul3A_0, %arg0 : i32
    "tpu.region"() ({
      %run_scoped3A = tpu.sem_alloc : memref<!tpu.dma_semaphore, #tpu.memory_space<semaphore_mem>>
      %dma_start3A = arith.constant 0 : i32
      %dma_start3A_61 = arith.constant 0 : i32
      %dma_start3A_62 = tpu.memref_slice %arg2[%dma_start3A, %add3A, %dma_start3A_61] : memref<200x32x128xi32, #tpu.memory_space<hbm>> -> memref<200x1x128xi32, #tpu.memory_space<hbm>>
      %dma_start3A_63 = tpu.memref_squeeze %dma_start3A_62 : memref<200x1x128xi32, #tpu.memory_space<hbm>> -> memref<200x128xi32, #tpu.memory_space<hbm>>
      %dma_start3A_64 = arith.constant 0 : i32
      %dma_start3A_65 = arith.constant 0 : i32
      %dma_start3A_66 = tpu.memref_slice %arg2[%dma_start3A_64, %add3A, %dma_start3A_65] : memref<200x32x128xi32, #tpu.memory_space<hbm>> -> memref<200x1x128xi32, #tpu.memory_space<hbm>>
      %dma_start3A_67 = tpu.memref_squeeze %dma_start3A_66 : memref<200x1x128xi32, #tpu.memory_space<hbm>> -> memref<200x128xi32, #tpu.memory_space<hbm>>
      tpu.enqueue_dma source(%dma_start3A_67 : memref<200x128xi32, #tpu.memory_space<hbm>>) target(%arg7 : memref<200x128xi32, #tpu.memory_space<vmem>>) target_semaphore(%run_scoped3A : memref<!tpu.dma_semaphore, #tpu.memory_space<semaphore_mem>>)
      %dma_wait3A_68 = arith.constant 0 : i32
      %dma_wait3A_69 = arith.constant 0 : i32
      %dma_wait3A_70 = tpu.memref_slice %arg2[%dma_wait3A_68, %add3A, %dma_wait3A_69] : memref<200x32x128xi32, #tpu.memory_space<hbm>> -> memref<200x1x128xi32, #tpu.memory_space<hbm>>
      %dma_wait3A_71 = tpu.memref_squeeze %dma_wait3A_70 : memref<200x1x128xi32, #tpu.memory_space<hbm>> -> memref<200x128xi32, #tpu.memory_space<hbm>>
      %dma_wait3A_72 = arith.constant 0 : i32
      %dma_wait3A_73 = arith.constant 0 : i32
      %dma_wait3A_74 = tpu.memref_slice %arg2[%dma_wait3A_72, %add3A, %dma_wait3A_73] : memref<200x32x128xi32, #tpu.memory_space<hbm>> -> memref<200x1x128xi32, #tpu.memory_space<hbm>>
      %dma_wait3A_75 = tpu.memref_squeeze %dma_wait3A_74 : memref<200x1x128xi32, #tpu.memory_space<hbm>> -> memref<200x128xi32, #tpu.memory_space<hbm>>
      tpu.wait_dma2 semaphore(%run_scoped3A : memref<!tpu.dma_semaphore, #tpu.memory_space<semaphore_mem>>) src(%dma_wait3A_75 : memref<200x128xi32, #tpu.memory_space<hbm>>) dst(%arg7 : memref<200x128xi32, #tpu.memory_space<vmem>>)
      tpu.yield
    }) : () -> ()
    "tpu.region"() ({
      %run_scoped3A = tpu.sem_alloc : memref<!tpu.dma_semaphore, #tpu.memory_space<semaphore_mem>>
      %dma_start3A = arith.constant 0 : i32
      %dma_start3A_61 = arith.constant 0 : i32
      %dma_start3A_62 = tpu.memref_slice %arg3[%dma_start3A, %add3A, %dma_start3A_61] : memref<200x32x128xi32, #tpu.memory_space<hbm>> -> memref<200x1x128xi32, #tpu.memory_space<hbm>>
      %dma_start3A_63 = tpu.memref_squeeze %dma_start3A_62 : memref<200x1x128xi32, #tpu.memory_space<hbm>> -> memref<200x128xi32, #tpu.memory_space<hbm>>
      %dma_start3A_64 = arith.constant 0 : i32
      %dma_start3A_65 = arith.constant 0 : i32
      %dma_start3A_66 = tpu.memref_slice %arg3[%dma_start3A_64, %add3A, %dma_start3A_65] : memref<200x32x128xi32, #tpu.memory_space<hbm>> -> memref<200x1x128xi32, #tpu.memory_space<hbm>>
      %dma_start3A_67 = tpu.memref_squeeze %dma_start3A_66 : memref<200x1x128xi32, #tpu.memory_space<hbm>> -> memref<200x128xi32, #tpu.memory_space<hbm>>
      tpu.enqueue_dma source(%dma_start3A_67 : memref<200x128xi32, #tpu.memory_space<hbm>>) target(%arg8 : memref<200x128xi32, #tpu.memory_space<vmem>>) target_semaphore(%run_scoped3A : memref<!tpu.dma_semaphore, #tpu.memory_space<semaphore_mem>>)
      %dma_wait3A_68 = arith.constant 0 : i32
      %dma_wait3A_69 = arith.constant 0 : i32
      %dma_wait3A_70 = tpu.memref_slice %arg3[%dma_wait3A_68, %add3A, %dma_wait3A_69] : memref<200x32x128xi32, #tpu.memory_space<hbm>> -> memref<200x1x128xi32, #tpu.memory_space<hbm>>
      %dma_wait3A_71 = tpu.memref_squeeze %dma_wait3A_70 : memref<200x1x128xi32, #tpu.memory_space<hbm>> -> memref<200x128xi32, #tpu.memory_space<hbm>>
      %dma_wait3A_72 = arith.constant 0 : i32
      %dma_wait3A_73 = arith.constant 0 : i32
      %dma_wait3A_74 = tpu.memref_slice %arg3[%dma_wait3A_72, %add3A, %dma_wait3A_73] : memref<200x32x128xi32, #tpu.memory_space<hbm>> -> memref<200x1x128xi32, #tpu.memory_space<hbm>>
      %dma_wait3A_75 = tpu.memref_squeeze %dma_wait3A_74 : memref<200x1x128xi32, #tpu.memory_space<hbm>> -> memref<200x128xi32, #tpu.memory_space<hbm>>
      tpu.wait_dma2 semaphore(%run_scoped3A : memref<!tpu.dma_semaphore, #tpu.memory_space<semaphore_mem>>) src(%dma_wait3A_75 : memref<200x128xi32, #tpu.memory_space<hbm>>) dst(%arg8 : memref<200x128xi32, #tpu.memory_space<vmem>>)
      tpu.yield
    }) : () -> ()
    %iota3A = tpu.iota {dimensions = array<i32: 0>} : vector<16xi32>
    %add3A_1 = arith.constant 0 : i32
    %add3A_2 = vector.broadcast %add3A_1 : i32 to vector<16xi32>
    %add3A_3 = arith.addi %add3A_2, %iota3A : vector<16xi32>
    %mul3A_4 = arith.constant 129 : i32
    %mul3A_5 = vector.broadcast %mul3A_4 : i32 to vector<16xi32>
    %mul3A_6 = arith.muli %add3A_3, %mul3A_5 : vector<16xi32>
    %add3A_7 = arith.constant 16 : i32
    %add3A_8 = vector.broadcast %add3A_7 : i32 to vector<16xi32>
    %add3A_9 = arith.addi %add3A_8, %iota3A : vector<16xi32>
    %mul3A_10 = arith.constant 129 : i32
    %mul3A_11 = vector.broadcast %mul3A_10 : i32 to vector<16xi32>
    %mul3A_12 = arith.muli %add3A_9, %mul3A_11 : vector<16xi32>
    %add3A_13 = arith.constant 32 : i32
    %add3A_14 = vector.broadcast %add3A_13 : i32 to vector<16xi32>
    %add3A_15 = arith.addi %add3A_14, %iota3A : vector<16xi32>
    %mul3A_16 = arith.constant 129 : i32
    %mul3A_17 = vector.broadcast %mul3A_16 : i32 to vector<16xi32>
    %mul3A_18 = arith.muli %add3A_15, %mul3A_17 : vector<16xi32>
    %add3A_19 = arith.constant 48 : i32
    %add3A_20 = vector.broadcast %add3A_19 : i32 to vector<16xi32>
    %add3A_21 = arith.addi %add3A_20, %iota3A : vector<16xi32>
    %mul3A_22 = arith.constant 129 : i32
    %mul3A_23 = vector.broadcast %mul3A_22 : i32 to vector<16xi32>
    %mul3A_24 = arith.muli %add3A_21, %mul3A_23 : vector<16xi32>
    %scan3A = arith.constant 0 : i32
    %scan3A_25 = arith.constant 70 : i32
    %scan3A_26 = arith.addi %scan3A, %scan3A_25 : i32
    %scan3A_27 = arith.constant 1 : i32
    scf.for %scan3A_61 = %scan3A to %scan3A_26 step %scan3A_27  : i32 {
      %mul3A_62 = arith.constant 3 : i32
      %mul3A_63 = arith.muli %scan3A_61, %mul3A_62 : i32
      %add3A_64 = arith.constant 0 : i32
      %add3A_65 = arith.addi %add3A_64, %mul3A_63 : i32
      %add3A_66 = arith.constant 0 : i32
      %add3A_67 = arith.addi %add3A_65, %add3A_66 : i32
      %lt3A = arith.constant 200 : i32
      %lt3A_68 = arith.cmpi slt, %add3A_67, %lt3A : i32
      %convert_element_type3A = arith.extui %lt3A_68 : i1 to i32
      %cond3A = arith.constant 0 : i32
      %cond3A_69 = arith.cmpi ne, %convert_element_type3A, %cond3A : i32
      scf.if %cond3A_69 {
        %dma_start3A = arith.constant 0 : i32
        %dma_start3A_141 = tpu.memref_slice %arg7[%add3A_67, %dma_start3A] : memref<200x128xi32, #tpu.memory_space<vmem>> -> memref<1x128xi32, #tpu.memory_space<vmem>>
        %dma_start3A_142 = tpu.memref_squeeze %dma_start3A_141 : memref<1x128xi32, #tpu.memory_space<vmem>> -> memref<128xi32, #tpu.memory_space<vmem>>
        %dma_start3A_143 = arith.constant 0 : i32
        %dma_start3A_144 = arith.constant 0 : i32
        %dma_start3A_145 = tpu.memref_slice %arg4[%dma_start3A_143, %dma_start3A_144] : memref<100000x64xf32, #tpu.memory_space<hbm>> -> memref<100000x64xf32, #tpu.memory_space<hbm>>
        tpu.enqueue_indirect_dma source(%dma_start3A_145 : memref<100000x64xf32, #tpu.memory_space<hbm>>) target(%arg9 : memref<128x64xf32, #tpu.memory_space<vmem>>) offsets(%dma_start3A_142 : memref<128xi32, #tpu.memory_space<vmem>>) semaphore(%arg18 : memref<!tpu.dma_semaphore, #tpu.memory_space<semaphore_mem>>)
      } else {
      }
      %sub3A = arith.constant 1 : i32
      %sub3A_70 = arith.subi %add3A_67, %sub3A : i32
      %ge3A = arith.constant 0 : i32
      %ge3A_71 = arith.cmpi sge, %sub3A_70, %ge3A : i32
      %lt3A_72 = arith.constant 200 : i32
      %lt3A_73 = arith.cmpi slt, %sub3A_70, %lt3A_72 : i32
      %and3A = arith.andi %ge3A_71, %lt3A_73 : i1
      %convert_element_type3A_74 = arith.extui %and3A : i1 to i32
      %cond3A_75 = arith.constant 0 : i32
      %cond3A_76 = arith.cmpi ne, %convert_element_type3A_74, %cond3A_75 : i32
      scf.if %cond3A_76 {
        %dma_wait3A_141 = arith.constant 0 : i32
        %dma_wait3A_142 = tpu.memref_slice %arg7[%sub3A_70, %dma_wait3A_141] : memref<200x128xi32, #tpu.memory_space<vmem>> -> memref<1x128xi32, #tpu.memory_space<vmem>>
        %dma_wait3A_143 = tpu.memref_squeeze %dma_wait3A_142 : memref<1x128xi32, #tpu.memory_space<vmem>> -> memref<128xi32, #tpu.memory_space<vmem>>
        %dma_wait3A_144 = arith.constant 0 : i32
        %dma_wait3A_145 = arith.constant 0 : i32
        %dma_wait3A_146 = tpu.memref_slice %arg4[%dma_wait3A_144, %dma_wait3A_145] : memref<100000x64xf32, #tpu.memory_space<hbm>> -> memref<100000x64xf32, #tpu.memory_space<hbm>>
        tpu.wait_indirect_dma semaphore(%arg20 : memref<!tpu.dma_semaphore, #tpu.memory_space<semaphore_mem>>) src(%dma_wait3A_146 : memref<100000x64xf32, #tpu.memory_space<hbm>>) dst(%arg11 : memref<128x64xf32, #tpu.memory_space<vmem>>)
        %dma_start3A = arith.constant 0 : i32
        %dma_start3A_147 = tpu.memref_slice %arg8[%sub3A_70, %dma_start3A] : memref<200x128xi32, #tpu.memory_space<vmem>> -> memref<1x128xi32, #tpu.memory_space<vmem>>
        %dma_start3A_148 = tpu.memref_squeeze %dma_start3A_147 : memref<1x128xi32, #tpu.memory_space<vmem>> -> memref<128xi32, #tpu.memory_space<vmem>>
        %dma_start3A_149 = arith.constant 0 : i32
        %dma_start3A_150 = arith.constant 0 : i32
        %dma_start3A_151 = tpu.memref_slice %arg5[%dma_start3A_149, %dma_start3A_150] : memref<10000x64xf32, #tpu.memory_space<hbm>> -> memref<10000x64xf32, #tpu.memory_space<hbm>>
        tpu.enqueue_indirect_dma source(%dma_start3A_151 : memref<10000x64xf32, #tpu.memory_space<hbm>>) target(%arg11 : memref<128x64xf32, #tpu.memory_space<vmem>>) offsets(%dma_start3A_148 : memref<128xi32, #tpu.memory_space<vmem>>) semaphore(%arg23 : memref<!tpu.dma_semaphore, #tpu.memory_space<semaphore_mem>>) {add = true}
      } else {
      }
      %sub3A_77 = arith.constant 2 : i32
      %sub3A_78 = arith.subi %add3A_67, %sub3A_77 : i32
      %ge3A_79 = arith.constant 0 : i32
      %ge3A_80 = arith.cmpi sge, %sub3A_78, %ge3A_79 : i32
      %lt3A_81 = arith.constant 200 : i32
      %lt3A_82 = arith.cmpi slt, %sub3A_78, %lt3A_81 : i32
      %and3A_83 = arith.andi %ge3A_80, %lt3A_82 : i1
      %convert_element_type3A_84 = arith.extui %and3A_83 : i1 to i32
      %cond3A_85 = arith.constant 0 : i32
      %cond3A_86 = arith.cmpi ne, %convert_element_type3A_84, %cond3A_85 : i32
      scf.if %cond3A_86 {
        %dma_wait3A_141 = arith.constant 0 : i32
        %dma_wait3A_142 = tpu.memref_slice %arg8[%sub3A_78, %dma_wait3A_141] : memref<200x128xi32, #tpu.memory_space<vmem>> -> memref<1x128xi32, #tpu.memory_space<vmem>>
        %dma_wait3A_143 = tpu.memref_squeeze %dma_wait3A_142 : memref<1x128xi32, #tpu.memory_space<vmem>> -> memref<128xi32, #tpu.memory_space<vmem>>
        %dma_wait3A_144 = arith.constant 0 : i32
        %dma_wait3A_145 = arith.constant 0 : i32
        %dma_wait3A_146 = tpu.memref_slice %arg5[%dma_wait3A_144, %dma_wait3A_145] : memref<10000x64xf32, #tpu.memory_space<hbm>> -> memref<10000x64xf32, #tpu.memory_space<hbm>>
        tpu.wait_indirect_dma semaphore(%arg22 : memref<!tpu.dma_semaphore, #tpu.memory_space<semaphore_mem>>) src(%dma_wait3A_146 : memref<10000x64xf32, #tpu.memory_space<hbm>>) dst(%arg10 : memref<128x64xf32, #tpu.memory_space<vmem>>)
        %ge3A_147 = arith.constant 3 : i32
        %ge3A_148 = arith.cmpi sge, %sub3A_78, %ge3A_147 : i32
        %convert_element_type3A_149 = arith.extui %ge3A_148 : i1 to i32
        %cond3A_150 = arith.constant 0 : i32
        %cond3A_151 = arith.cmpi ne, %convert_element_type3A_149, %cond3A_150 : i32
        scf.if %cond3A_151 {
          %dma_wait3A_173 = arith.constant 0 : i32
          %dma_wait3A_174 = arith.constant 0 : i32
          %dma_wait3A_175 = arith.constant 0 : i32
          %dma_wait3A_176 = arith.constant 0 : i32
          %dma_wait3A_177 = tpu.memref_slice %arg6[%dma_wait3A_173, %dma_wait3A_174, %add3A, %dma_wait3A_175, %dma_wait3A_176] : memref<200x8x32x8x128xf32, #tpu.memory_space<hbm>> -> memref<1x8x1x8x128xf32, #tpu.memory_space<hbm>>
          %dma_wait3A_178 = tpu.memref_squeeze %dma_wait3A_177 : memref<1x8x1x8x128xf32, #tpu.memory_space<hbm>> -> memref<8x8x128xf32, #tpu.memory_space<hbm>>
          %dma_wait3A_179 = arith.constant 0 : i32
          %dma_wait3A_180 = arith.constant 0 : i32
          %dma_wait3A_181 = arith.constant 0 : i32
          %dma_wait3A_182 = tpu.memref_slice %arg6[%dma_wait3A_173, %dma_wait3A_179, %add3A, %dma_wait3A_180, %dma_wait3A_181] : memref<200x8x32x8x128xf32, #tpu.memory_space<hbm>> -> memref<1x8x1x8x128xf32, #tpu.memory_space<hbm>>
          %dma_wait3A_183 = tpu.memref_squeeze %dma_wait3A_182 : memref<1x8x1x8x128xf32, #tpu.memory_space<hbm>> -> memref<8x8x128xf32, #tpu.memory_space<hbm>>
          tpu.wait_dma2 semaphore(%arg25 : memref<!tpu.dma_semaphore, #tpu.memory_space<semaphore_mem>>) src(%arg13 : memref<8x8x128xf32, #tpu.memory_space<vmem>>) dst(%dma_wait3A_183 : memref<8x8x128xf32, #tpu.memory_space<hbm>>)
        } else {
        }
        %scan3A_152 = arith.constant 0 : i32
        %scan3A_153 = arith.constant 0 : i32
        %scan3A_154 = arith.constant 32 : i32
        %scan3A_155 = arith.addi %scan3A_153, %scan3A_154 : i32
        %scan3A_156 = arith.constant 1 : i32
        scf.for %scan3A_173 = %scan3A_153 to %scan3A_155 step %scan3A_156  : i32 {
          %mul3A_174 = arith.constant 4 : i32
          %mul3A_175 = arith.muli %scan3A_173, %mul3A_174 : i32
          %add3A_176 = arith.constant 0 : i32
          %add3A_177 = arith.addi %mul3A_175, %add3A_176 : i32
          %get3A = arith.index_cast %add3A_177 : i32 to index
          %get3A_178 = arith.constant 0 : index
          %get3A_179 = tpu.vector_load %arg10[%get3A, %get3A_178] {strides = array<i32>} : memref<128x64xf32, #tpu.memory_space<vmem>>, vector<16xf32>,
          %add3A_180 = vector.broadcast %add3A_177 : i32 to vector<16xi32>
          %add3A_181 = arith.addi %mul3A_6, %add3A_180 : vector<16xi32>
          tpu.vector_store_idx %arg16[%add3A_181], %get3A_179 : memref<8256xf32, #tpu.memory_space<vmem>>[vector<16xi32>], vector<16xf32>,
          %get3A_182 = arith.index_cast %add3A_177 : i32 to index
          %get3A_183 = arith.constant 16 : index
          %get3A_184 = tpu.vector_load %arg10[%get3A_182, %get3A_183] {strides = array<i32>} : memref<128x64xf32, #tpu.memory_space<vmem>>, vector<16xf32>,
          %add3A_185 = vector.broadcast %add3A_177 : i32 to vector<16xi32>
          %add3A_186 = arith.addi %mul3A_12, %add3A_185 : vector<16xi32>
          tpu.vector_store_idx %arg16[%add3A_186], %get3A_184 : memref<8256xf32, #tpu.memory_space<vmem>>[vector<16xi32>], vector<16xf32>,
          %get3A_187 = arith.index_cast %add3A_177 : i32 to index
          %get3A_188 = arith.constant 32 : index
          %get3A_189 = tpu.vector_load %arg10[%get3A_187, %get3A_188] {strides = array<i32>} : memref<128x64xf32, #tpu.memory_space<vmem>>, vector<16xf32>,
          %add3A_190 = vector.broadcast %add3A_177 : i32 to vector<16xi32>
          %add3A_191 = arith.addi %mul3A_18, %add3A_190 : vector<16xi32>
          tpu.vector_store_idx %arg16[%add3A_191], %get3A_189 : memref<8256xf32, #tpu.memory_space<vmem>>[vector<16xi32>], vector<16xf32>,
          %get3A_192 = arith.index_cast %add3A_177 : i32 to index
          %get3A_193 = arith.constant 48 : index
          %get3A_194 = tpu.vector_load %arg10[%get3A_192, %get3A_193] {strides = array<i32>} : memref<128x64xf32, #tpu.memory_space<vmem>>, vector<16xf32>,
          %add3A_195 = vector.broadcast %add3A_177 : i32 to vector<16xi32>
          %add3A_196 = arith.addi %mul3A_24, %add3A_195 : vector<16xi32>
          tpu.vector_store_idx %arg16[%add3A_196], %get3A_194 : memref<8256xf32, #tpu.memory_space<vmem>>[vector<16xi32>], vector<16xf32>,
          %mul3A_197 = arith.constant 4 : i32
          %mul3A_198 = arith.muli %scan3A_173, %mul3A_197 : i32
          %add3A_199 = arith.constant 1 : i32
          %add3A_200 = arith.addi %mul3A_198, %add3A_199 : i32
          %get3A_201 = arith.index_cast %add3A_200 : i32 to index
          %get3A_202 = arith.constant 0 : index
          %get3A_203 = tpu.vector_load %arg10[%get3A_201, %get3A_202] {strides = array<i32>} : memref<128x64xf32, #tpu.memory_space<vmem>>, vector<16xf32>,
          %add3A_204 = vector.broadcast %add3A_200 : i32 to vector<16xi32>
          %add3A_205 = arith.addi %mul3A_6, %add3A_204 : vector<16xi32>
          tpu.vector_store_idx %arg16[%add3A_205], %get3A_203 : memref<8256xf32, #tpu.memory_space<vmem>>[vector<16xi32>], vector<16xf32>,
          %get3A_206 = arith.index_cast %add3A_200 : i32 to index
          %get3A_207 = arith.constant 16 : index
          %get3A_208 = tpu.vector_load %arg10[%get3A_206, %get3A_207] {strides = array<i32>} : memref<128x64xf32, #tpu.memory_space<vmem>>, vector<16xf32>,
          %add3A_209 = vector.broadcast %add3A_200 : i32 to vector<16xi32>
          %add3A_210 = arith.addi %mul3A_12, %add3A_209 : vector<16xi32>
          tpu.vector_store_idx %arg16[%add3A_210], %get3A_208 : memref<8256xf32, #tpu.memory_space<vmem>>[vector<16xi32>], vector<16xf32>,
          %get3A_211 = arith.index_cast %add3A_200 : i32 to index
          %get3A_212 = arith.constant 32 : index
          %get3A_213 = tpu.vector_load %arg10[%get3A_211, %get3A_212] {strides = array<i32>} : memref<128x64xf32, #tpu.memory_space<vmem>>, vector<16xf32>,
          %add3A_214 = vector.broadcast %add3A_200 : i32 to vector<16xi32>
          %add3A_215 = arith.addi %mul3A_18, %add3A_214 : vector<16xi32>
          tpu.vector_store_idx %arg16[%add3A_215], %get3A_213 : memref<8256xf32, #tpu.memory_space<vmem>>[vector<16xi32>], vector<16xf32>,
          %get3A_216 = arith.index_cast %add3A_200 : i32 to index
          %get3A_217 = arith.constant 48 : index
          %get3A_218 = tpu.vector_load %arg10[%get3A_216, %get3A_217] {strides = array<i32>} : memref<128x64xf32, #tpu.memory_space<vmem>>, vector<16xf32>,
          %add3A_219 = vector.broadcast %add3A_200 : i32 to vector<16xi32>
          %add3A_220 = arith.addi %mul3A_24, %add3A_219 : vector<16xi32>
          tpu.vector_store_idx %arg16[%add3A_220], %get3A_218 : memref<8256xf32, #tpu.memory_space<vmem>>[vector<16xi32>], vector<16xf32>,
          %mul3A_221 = arith.constant 4 : i32
          %mul3A_222 = arith.muli %scan3A_173, %mul3A_221 : i32
          %add3A_223 = arith.constant 2 : i32
          %add3A_224 = arith.addi %mul3A_222, %add3A_223 : i32
          %get3A_225 = arith.index_cast %add3A_224 : i32 to index
          %get3A_226 = arith.constant 0 : index
          %get3A_227 = tpu.vector_load %arg10[%get3A_225, %get3A_226] {strides = array<i32>} : memref<128x64xf32, #tpu.memory_space<vmem>>, vector<16xf32>,
          %add3A_228 = vector.broadcast %add3A_224 : i32 to vector<16xi32>
          %add3A_229 = arith.addi %mul3A_6, %add3A_228 : vector<16xi32>
          tpu.vector_store_idx %arg16[%add3A_229], %get3A_227 : memref<8256xf32, #tpu.memory_space<vmem>>[vector<16xi32>], vector<16xf32>,
          %get3A_230 = arith.index_cast %add3A_224 : i32 to index
          %get3A_231 = arith.constant 16 : index
          %get3A_232 = tpu.vector_load %arg10[%get3A_230, %get3A_231] {strides = array<i32>} : memref<128x64xf32, #tpu.memory_space<vmem>>, vector<16xf32>,
          %add3A_233 = vector.broadcast %add3A_224 : i32 to vector<16xi32>
          %add3A_234 = arith.addi %mul3A_12, %add3A_233 : vector<16xi32>
          tpu.vector_store_idx %arg16[%add3A_234], %get3A_232 : memref<8256xf32, #tpu.memory_space<vmem>>[vector<16xi32>], vector<16xf32>,
          %get3A_235 = arith.index_cast %add3A_224 : i32 to index
          %get3A_236 = arith.constant 32 : index
          %get3A_237 = tpu.vector_load %arg10[%get3A_235, %get3A_236] {strides = array<i32>} : memref<128x64xf32, #tpu.memory_space<vmem>>, vector<16xf32>,
          %add3A_238 = vector.broadcast %add3A_224 : i32 to vector<16xi32>
          %add3A_239 = arith.addi %mul3A_18, %add3A_238 : vector<16xi32>
          tpu.vector_store_idx %arg16[%add3A_239], %get3A_237 : memref<8256xf32, #tpu.memory_space<vmem>>[vector<16xi32>], vector<16xf32>,
          %get3A_240 = arith.index_cast %add3A_224 : i32 to index
          %get3A_241 = arith.constant 48 : index
          %get3A_242 = tpu.vector_load %arg10[%get3A_240, %get3A_241] {strides = array<i32>} : memref<128x64xf32, #tpu.memory_space<vmem>>, vector<16xf32>,
          %add3A_243 = vector.broadcast %add3A_224 : i32 to vector<16xi32>
          %add3A_244 = arith.addi %mul3A_24, %add3A_243 : vector<16xi32>
          tpu.vector_store_idx %arg16[%add3A_244], %get3A_242 : memref<8256xf32, #tpu.memory_space<vmem>>[vector<16xi32>], vector<16xf32>,
          %mul3A_245 = arith.constant 4 : i32
          %mul3A_246 = arith.muli %scan3A_173, %mul3A_245 : i32
          %add3A_247 = arith.constant 3 : i32
          %add3A_248 = arith.addi %mul3A_246, %add3A_247 : i32
          %get3A_249 = arith.index_cast %add3A_248 : i32 to index
          %get3A_250 = arith.constant 0 : index
          %get3A_251 = tpu.vector_load %arg10[%get3A_249, %get3A_250] {strides = array<i32>} : memref<128x64xf32, #tpu.memory_space<vmem>>, vector<16xf32>,
          %add3A_252 = vector.broadcast %add3A_248 : i32 to vector<16xi32>
          %add3A_253 = arith.addi %mul3A_6, %add3A_252 : vector<16xi32>
          tpu.vector_store_idx %arg16[%add3A_253], %get3A_251 : memref<8256xf32, #tpu.memory_space<vmem>>[vector<16xi32>], vector<16xf32>,
          %get3A_254 = arith.index_cast %add3A_248 : i32 to index
          %get3A_255 = arith.constant 16 : index
          %get3A_256 = tpu.vector_load %arg10[%get3A_254, %get3A_255] {strides = array<i32>} : memref<128x64xf32, #tpu.memory_space<vmem>>, vector<16xf32>,
          %add3A_257 = vector.broadcast %add3A_248 : i32 to vector<16xi32>
          %add3A_258 = arith.addi %mul3A_12, %add3A_257 : vector<16xi32>
          tpu.vector_store_idx %arg16[%add3A_258], %get3A_256 : memref<8256xf32, #tpu.memory_space<vmem>>[vector<16xi32>], vector<16xf32>,
          %get3A_259 = arith.index_cast %add3A_248 : i32 to index
          %get3A_260 = arith.constant 32 : index
          %get3A_261 = tpu.vector_load %arg10[%get3A_259, %get3A_260] {strides = array<i32>} : memref<128x64xf32, #tpu.memory_space<vmem>>, vector<16xf32>,
          %add3A_262 = vector.broadcast %add3A_248 : i32 to vector<16xi32>
          %add3A_263 = arith.addi %mul3A_18, %add3A_262 : vector<16xi32>
          tpu.vector_store_idx %arg16[%add3A_263], %get3A_261 : memref<8256xf32, #tpu.memory_space<vmem>>[vector<16xi32>], vector<16xf32>,
          %get3A_264 = arith.index_cast %add3A_248 : i32 to index
          %get3A_265 = arith.constant 48 : index
          %get3A_266 = tpu.vector_load %arg10[%get3A_264, %get3A_265] {strides = array<i32>} : memref<128x64xf32, #tpu.memory_space<vmem>>, vector<16xf32>,
          %add3A_267 = vector.broadcast %add3A_248 : i32 to vector<16xi32>
          %add3A_268 = arith.addi %mul3A_24, %add3A_267 : vector<16xi32>
          tpu.vector_store_idx %arg16[%add3A_268], %get3A_266 : memref<8256xf32, #tpu.memory_space<vmem>>[vector<16xi32>], vector<16xf32>,
        }
        %scan3A_157 = arith.constant 32 : i32
        %scan3A_158 = arith.constant 0 : i32
        %scan3A_159 = arith.constant 0 : i32
        %scan3A_160 = arith.constant 8 : i32
        %scan3A_161 = arith.addi %scan3A_159, %scan3A_160 : i32
        %scan3A_162 = arith.constant 1 : i32
        scf.for %scan3A_173 = %scan3A_159 to %scan3A_161 step %scan3A_162  : i32 {
          %mul3A_174 = arith.constant 8 : i32
          %mul3A_175 = arith.muli %scan3A_173, %mul3A_174 : i32
          %add3A_176 = arith.constant 0 : i32
          %add3A_177 = arith.addi %mul3A_175, %add3A_176 : i32
          %mul3A_178 = arith.constant 129 : i32
          %mul3A_179 = arith.muli %add3A_177, %mul3A_178 : i32
          %add3A_180 = arith.constant 0 : i32
          %add3A_181 = arith.addi %mul3A_179, %add3A_180 : i32
          %get3A = arith.index_cast %add3A_181 : i32 to index
          %get3A_182 = tpu.vector_load %arg16[%get3A] {strides = array<i32>} : memref<8256xf32, #tpu.memory_space<vmem>>, vector<16xf32>,
          %swap3A = arith.constant 0 : i32
          %swap3A_183 = arith.index_cast %scan3A_173 : i32 to index
          %swap3A_184 = arith.index_cast %swap3A : i32 to index
          %swap3A_185 = arith.constant 0 : index
          %swap3A_186 = tpu.vector_load %arg13[%swap3A_183, %swap3A_184, %swap3A_185] {strides = array<i32>} : memref<8x8x128xf32, #tpu.memory_space<vmem>>, vector<16xf32>,
          tpu.vector_store %arg13[%swap3A_183, %swap3A_184, %swap3A_185], %get3A_182 {strides = array<i32>} : memref<8x8x128xf32, #tpu.memory_space<vmem>>, vector<16xf32>,
          %mul3A_187 = arith.constant 129 : i32
          %mul3A_188 = arith.muli %add3A_177, %mul3A_187 : i32
          %add3A_189 = arith.constant 16 : i32
          %add3A_190 = arith.addi %mul3A_188, %add3A_189 : i32
          %get3A_191 = arith.index_cast %add3A_190 : i32 to index
          %get3A_192 = tpu.vector_load %arg16[%get3A_191] {strides = array<i32>} : memref<8256xf32, #tpu.memory_space<vmem>>, vector<16xf32>,
          %swap3A_193 = arith.constant 0 : i32
          %swap3A_194 = arith.index_cast %scan3A_173 : i32 to index
          %swap3A_195 = arith.index_cast %swap3A_193 : i32 to index
          %swap3A_196 = arith.constant 16 : index
          %swap3A_197 = tpu.vector_load %arg13[%swap3A_194, %swap3A_195, %swap3A_196] {strides = array<i32>} : memref<8x8x128xf32, #tpu.memory_space<vmem>>, vector<16xf32>,
          tpu.vector_store %arg13[%swap3A_194, %swap3A_195, %swap3A_196], %get3A_192 {strides = array<i32>} : memref<8x8x128xf32, #tpu.memory_space<vmem>>, vector<16xf32>,
          %mul3A_198 = arith.constant 129 : i32
          %mul3A_199 = arith.muli %add3A_177, %mul3A_198 : i32
          %add3A_200 = arith.constant 32 : i32
          %add3A_201 = arith.addi %mul3A_199, %add3A_200 : i32
          %get3A_202 = arith.index_cast %add3A_201 : i32 to index
          %get3A_203 = tpu.vector_load %arg16[%get3A_202] {strides = array<i32>} : memref<8256xf32, #tpu.memory_space<vmem>>, vector<16xf32>,
          %swap3A_204 = arith.constant 0 : i32
          %swap3A_205 = arith.index_cast %scan3A_173 : i32 to index
          %swap3A_206 = arith.index_cast %swap3A_204 : i32 to index
          %swap3A_207 = arith.constant 32 : index
          %swap3A_208 = tpu.vector_load %arg13[%swap3A_205, %swap3A_206, %swap3A_207] {strides = array<i32>} : memref<8x8x128xf32, #tpu.memory_space<vmem>>, vector<16xf32>,
          tpu.vector_store %arg13[%swap3A_205, %swap3A_206, %swap3A_207], %get3A_203 {strides = array<i32>} : memref<8x8x128xf32, #tpu.memory_space<vmem>>, vector<16xf32>,
          %mul3A_209 = arith.constant 129 : i32
          %mul3A_210 = arith.muli %add3A_177, %mul3A_209 : i32
          %add3A_211 = arith.constant 48 : i32
          %add3A_212 = arith.addi %mul3A_210, %add3A_211 : i32
          %get3A_213 = arith.index_cast %add3A_212 : i32 to index
          %get3A_214 = tpu.vector_load %arg16[%get3A_213] {strides = array<i32>} : memref<8256xf32, #tpu.memory_space<vmem>>, vector<16xf32>,
          %swap3A_215 = arith.constant 0 : i32
          %swap3A_216 = arith.index_cast %scan3A_173 : i32 to index
          %swap3A_217 = arith.index_cast %swap3A_215 : i32 to index
          %swap3A_218 = arith.constant 48 : index
          %swap3A_219 = tpu.vector_load %arg13[%swap3A_216, %swap3A_217, %swap3A_218] {strides = array<i32>} : memref<8x8x128xf32, #tpu.memory_space<vmem>>, vector<16xf32>,
          tpu.vector_store %arg13[%swap3A_216, %swap3A_217, %swap3A_218], %get3A_214 {strides = array<i32>} : memref<8x8x128xf32, #tpu.memory_space<vmem>>, vector<16xf32>,
          %mul3A_220 = arith.constant 129 : i32
          %mul3A_221 = arith.muli %add3A_177, %mul3A_220 : i32
          %add3A_222 = arith.constant 64 : i32
          %add3A_223 = arith.addi %mul3A_221, %add3A_222 : i32
          %get3A_224 = arith.index_cast %add3A_223 : i32 to index
          %get3A_225 = tpu.vector_load %arg16[%get3A_224] {strides = array<i32>} : memref<8256xf32, #tpu.memory_space<vmem>>, vector<16xf32>,
          %swap3A_226 = arith.constant 0 : i32
          %swap3A_227 = arith.index_cast %scan3A_173 : i32 to index
          %swap3A_228 = arith.index_cast %swap3A_226 : i32 to index
          %swap3A_229 = arith.constant 64 : index
          %swap3A_230 = tpu.vector_load %arg13[%swap3A_227, %swap3A_228, %swap3A_229] {strides = array<i32>} : memref<8x8x128xf32, #tpu.memory_space<vmem>>, vector<16xf32>,
          tpu.vector_store %arg13[%swap3A_227, %swap3A_228, %swap3A_229], %get3A_225 {strides = array<i32>} : memref<8x8x128xf32, #tpu.memory_space<vmem>>, vector<16xf32>,
          %mul3A_231 = arith.constant 129 : i32
          %mul3A_232 = arith.muli %add3A_177, %mul3A_231 : i32
          %add3A_233 = arith.constant 80 : i32
          %add3A_234 = arith.addi %mul3A_232, %add3A_233 : i32
          %get3A_235 = arith.index_cast %add3A_234 : i32 to index
          %get3A_236 = tpu.vector_load %arg16[%get3A_235] {strides = array<i32>} : memref<8256xf32, #tpu.memory_space<vmem>>, vector<16xf32>,
          %swap3A_237 = arith.constant 0 : i32
          %swap3A_238 = arith.index_cast %scan3A_173 : i32 to index
          %swap3A_239 = arith.index_cast %swap3A_237 : i32 to index
          %swap3A_240 = arith.constant 80 : index
          %swap3A_241 = tpu.vector_load %arg13[%swap3A_238, %swap3A_239, %swap3A_240] {strides = array<i32>} : memref<8x8x128xf32, #tpu.memory_space<vmem>>, vector<16xf32>,
          tpu.vector_store %arg13[%swap3A_238, %swap3A_239, %swap3A_240], %get3A_236 {strides = array<i32>} : memref<8x8x128xf32, #tpu.memory_space<vmem>>, vector<16xf32>,
          %mul3A_242 = arith.constant 129 : i32
          %mul3A_243 = arith.muli %add3A_177, %mul3A_242 : i32
          %add3A_244 = arith.constant 96 : i32
          %add3A_245 = arith.addi %mul3A_243, %add3A_244 : i32
          %get3A_246 = arith.index_cast %add3A_245 : i32 to index
          %get3A_247 = tpu.vector_load %arg16[%get3A_246] {strides = array<i32>} : memref<8256xf32, #tpu.memory_space<vmem>>, vector<16xf32>,
          %swap3A_248 = arith.constant 0 : i32
          %swap3A_249 = arith.index_cast %scan3A_173 : i32 to index
          %swap3A_250 = arith.index_cast %swap3A_248 : i32 to index
          %swap3A_251 = arith.constant 96 : index
          %swap3A_252 = tpu.vector_load %arg13[%swap3A_249, %swap3A_250, %swap3A_251] {strides = array<i32>} : memref<8x8x128xf32, #tpu.memory_space<vmem>>, vector<16xf32>,
          tpu.vector_store %arg13[%swap3A_249, %swap3A_250, %swap3A_251], %get3A_247 {strides = array<i32>} : memref<8x8x128xf32, #tpu.memory_space<vmem>>, vector<16xf32>,
          %mul3A_253 = arith.constant 129 : i32
          %mul3A_254 = arith.muli %add3A_177, %mul3A_253 : i32
          %add3A_255 = arith.constant 112 : i32
          %add3A_256 = arith.addi %mul3A_254, %add3A_255 : i32
          %get3A_257 = arith.index_cast %add3A_256 : i32 to index
          %get3A_258 = tpu.vector_load %arg16[%get3A_257] {strides = array<i32>} : memref<8256xf32, #tpu.memory_space<vmem>>, vector<16xf32>,
          %swap3A_259 = arith.constant 0 : i32
          %swap3A_260 = arith.index_cast %scan3A_173 : i32 to index
          %swap3A_261 = arith.index_cast %swap3A_259 : i32 to index
          %swap3A_262 = arith.constant 112 : index
          %swap3A_263 = tpu.vector_load %arg13[%swap3A_260, %swap3A_261, %swap3A_262] {strides = array<i32>} : memref<8x8x128xf32, #tpu.memory_space<vmem>>, vector<16xf32>,
          tpu.vector_store %arg13[%swap3A_260, %swap3A_261, %swap3A_262], %get3A_258 {strides = array<i32>} : memref<8x8x128xf32, #tpu.memory_space<vmem>>, vector<16xf32>,
          %mul3A_264 = arith.constant 8 : i32
          %mul3A_265 = arith.muli %scan3A_173, %mul3A_264 : i32
          %add3A_266 = arith.constant 1 : i32
          %add3A_267 = arith.addi %mul3A_265, %add3A_266 : i32
          %mul3A_268 = arith.constant 129 : i32
          %mul3A_269 = arith.muli %add3A_267, %mul3A_268 : i32
          %add3A_270 = arith.constant 0 : i32
          %add3A_271 = arith.addi %mul3A_269, %add3A_270 : i32
          %get3A_272 = arith.index_cast %add3A_271 : i32 to index
          %get3A_273 = tpu.vector_load %arg16[%get3A_272] {strides = array<i32>} : memref<8256xf32, #tpu.memory_space<vmem>>, vector<16xf32>,
          %swap3A_274 = arith.constant 1 : i32
          %swap3A_275 = arith.index_cast %scan3A_173 : i32 to index
          %swap3A_276 = arith.index_cast %swap3A_274 : i32 to index
          %swap3A_277 = arith.constant 0 : index
          %swap3A_278 = tpu.vector_load %arg13[%swap3A_275, %swap3A_276, %swap3A_277] {strides = array<i32>} : memref<8x8x128xf32, #tpu.memory_space<vmem>>, vector<16xf32>,
          tpu.vector_store %arg13[%swap3A_275, %swap3A_276, %swap3A_277], %get3A_273 {strides = array<i32>} : memref<8x8x128xf32, #tpu.memory_space<vmem>>, vector<16xf32>,
          %mul3A_279 = arith.constant 129 : i32
          %mul3A_280 = arith.muli %add3A_267, %mul3A_279 : i32
          %add3A_281 = arith.constant 16 : i32
          %add3A_282 = arith.addi %mul3A_280, %add3A_281 : i32
          %get3A_283 = arith.index_cast %add3A_282 : i32 to index
          %get3A_284 = tpu.vector_load %arg16[%get3A_283] {strides = array<i32>} : memref<8256xf32, #tpu.memory_space<vmem>>, vector<16xf32>,
          %swap3A_285 = arith.constant 1 : i32
          %swap3A_286 = arith.index_cast %scan3A_173 : i32 to index
          %swap3A_287 = arith.index_cast %swap3A_285 : i32 to index
          %swap3A_288 = arith.constant 16 : index
          %swap3A_289 = tpu.vector_load %arg13[%swap3A_286, %swap3A_287, %swap3A_288] {strides = array<i32>} : memref<8x8x128xf32, #tpu.memory_space<vmem>>, vector<16xf32>,
          tpu.vector_store %arg13[%swap3A_286, %swap3A_287, %swap3A_288], %get3A_284 {strides = array<i32>} : memref<8x8x128xf32, #tpu.memory_space<vmem>>, vector<16xf32>,
          %mul3A_290 = arith.constant 129 : i32
          %mul3A_291 = arith.muli %add3A_267, %mul3A_290 : i32
          %add3A_292 = arith.constant 32 : i32
          %add3A_293 = arith.addi %mul3A_291, %add3A_292 : i32
          %get3A_294 = arith.index_cast %add3A_293 : i32 to index
          %get3A_295 = tpu.vector_load %arg16[%get3A_294] {strides = array<i32>} : memref<8256xf32, #tpu.memory_space<vmem>>, vector<16xf32>,
          %swap3A_296 = arith.constant 1 : i32
          %swap3A_297 = arith.index_cast %scan3A_173 : i32 to index
          %swap3A_298 = arith.index_cast %swap3A_296 : i32 to index
          %swap3A_299 = arith.constant 32 : index
          %swap3A_300 = tpu.vector_load %arg13[%swap3A_297, %swap3A_298, %swap3A_299] {strides = array<i32>} : memref<8x8x128xf32, #tpu.memory_space<vmem>>, vector<16xf32>,
          tpu.vector_store %arg13[%swap3A_297, %swap3A_298, %swap3A_299], %get3A_295 {strides = array<i32>} : memref<8x8x128xf32, #tpu.memory_space<vmem>>, vector<16xf32>,
          %mul3A_301 = arith.constant 129 : i32
          %mul3A_302 = arith.muli %add3A_267, %mul3A_301 : i32
          %add3A_303 = arith.constant 48 : i32
          %add3A_304 = arith.addi %mul3A_302, %add3A_303 : i32
          %get3A_305 = arith.index_cast %add3A_304 : i32 to index
          %get3A_306 = tpu.vector_load %arg16[%get3A_305] {strides = array<i32>} : memref<8256xf32, #tpu.memory_space<vmem>>, vector<16xf32>,
          %swap3A_307 = arith.constant 1 : i32
          %swap3A_308 = arith.index_cast %scan3A_173 : i32 to index
          %swap3A_309 = arith.index_cast %swap3A_307 : i32 to index
          %swap3A_310 = arith.constant 48 : index
          %swap3A_311 = tpu.vector_load %arg13[%swap3A_308, %swap3A_309, %swap3A_310] {strides = array<i32>} : memref<8x8x128xf32, #tpu.memory_space<vmem>>, vector<16xf32>,
          tpu.vector_store %arg13[%swap3A_308, %swap3A_309, %swap3A_310], %get3A_306 {strides = array<i32>} : memref<8x8x128xf32, #tpu.memory_space<vmem>>, vector<16xf32>,
          %mul3A_312 = arith.constant 129 : i32
          %mul3A_313 = arith.muli %add3A_267, %mul3A_312 : i32
          %add3A_314 = arith.constant 64 : i32
          %add3A_315 = arith.addi %mul3A_313, %add3A_314 : i32
          %get3A_316 = arith.index_cast %add3A_315 : i32 to index
          %get3A_317 = tpu.vector_load %arg16[%get3A_316] {strides = array<i32>} : memref<8256xf32, #tpu.memory_space<vmem>>, vector<16xf32>,
          %swap3A_318 = arith.constant 1 : i32
          %swap3A_319 = arith.index_cast %scan3A_173 : i32 to index
          %swap3A_320 = arith.index_cast %swap3A_318 : i32 to index
          %swap3A_321 = arith.constant 64 : index
          %swap3A_322 = tpu.vector_load %arg13[%swap3A_319, %swap3A_320, %swap3A_321] {strides = array<i32>} : memref<8x8x128xf32, #tpu.memory_space<vmem>>, vector<16xf32>,
          tpu.vector_store %arg13[%swap3A_319, %swap3A_320, %swap3A_321], %get3A_317 {strides = array<i32>} : memref<8x8x128xf32, #tpu.memory_space<vmem>>, vector<16xf32>,
          %mul3A_323 = arith.constant 129 : i32
          %mul3A_324 = arith.muli %add3A_267, %mul3A_323 : i32
          %add3A_325 = arith.constant 80 : i32
          %add3A_326 = arith.addi %mul3A_324, %add3A_325 : i32
          %get3A_327 = arith.index_cast %add3A_326 : i32 to index
          %get3A_328 = tpu.vector_load %arg16[%get3A_327] {strides = array<i32>} : memref<8256xf32, #tpu.memory_space<vmem>>, vector<16xf32>,
          %swap3A_329 = arith.constant 1 : i32
          %swap3A_330 = arith.index_cast %scan3A_173 : i32 to index
          %swap3A_331 = arith.index_cast %swap3A_329 : i32 to index
          %swap3A_332 = arith.constant 80 : index
          %swap3A_333 = tpu.vector_load %arg13[%swap3A_330, %swap3A_331, %swap3A_332] {strides = array<i32>} : memref<8x8x128xf32, #tpu.memory_space<vmem>>, vector<16xf32>,
          tpu.vector_store %arg13[%swap3A_330, %swap3A_331, %swap3A_332], %get3A_328 {strides = array<i32>} : memref<8x8x128xf32, #tpu.memory_space<vmem>>, vector<16xf32>,
          %mul3A_334 = arith.constant 129 : i32
          %mul3A_335 = arith.muli %add3A_267, %mul3A_334 : i32
          %add3A_336 = arith.constant 96 : i32
          %add3A_337 = arith.addi %mul3A_335, %add3A_336 : i32
          %get3A_338 = arith.index_cast %add3A_337 : i32 to index
          %get3A_339 = tpu.vector_load %arg16[%get3A_338] {strides = array<i32>} : memref<8256xf32, #tpu.memory_space<vmem>>, vector<16xf32>,
          %swap3A_340 = arith.constant 1 : i32
          %swap3A_341 = arith.index_cast %scan3A_173 : i32 to index
          %swap3A_342 = arith.index_cast %swap3A_340 : i32 to index
          %swap3A_343 = arith.constant 96 : index
          %swap3A_344 = tpu.vector_load %arg13[%swap3A_341, %swap3A_342, %swap3A_343] {strides = array<i32>} : memref<8x8x128xf32, #tpu.memory_space<vmem>>, vector<16xf32>,
          tpu.vector_store %arg13[%swap3A_341, %swap3A_342, %swap3A_343], %get3A_339 {strides = array<i32>} : memref<8x8x128xf32, #tpu.memory_space<vmem>>, vector<16xf32>,
          %mul3A_345 = arith.constant 129 : i32
          %mul3A_346 = arith.muli %add3A_267, %mul3A_345 : i32
          %add3A_347 = arith.constant 112 : i32
          %add3A_348 = arith.addi %mul3A_346, %add3A_347 : i32
          %get3A_349 = arith.index_cast %add3A_348 : i32 to index
          %get3A_350 = tpu.vector_load %arg16[%get3A_349] {strides = array<i32>} : memref<8256xf32, #tpu.memory_space<vmem>>, vector<16xf32>,
          %swap3A_351 = arith.constant 1 : i32
          %swap3A_352 = arith.index_cast %scan3A_173 : i32 to index
          %swap3A_353 = arith.index_cast %swap3A_351 : i32 to index
          %swap3A_354 = arith.constant 112 : index
          %swap3A_355 = tpu.vector_load %arg13[%swap3A_352, %swap3A_353, %swap3A_354] {strides = array<i32>} : memref<8x8x128xf32, #tpu.memory_space<vmem>>, vector<16xf32>,
          tpu.vector_store %arg13[%swap3A_352, %swap3A_353, %swap3A_354], %get3A_350 {strides = array<i32>} : memref<8x8x128xf32, #tpu.memory_space<vmem>>, vector<16xf32>,
          %mul3A_356 = arith.constant 8 : i32
          %mul3A_357 = arith.muli %scan3A_173, %mul3A_356 : i32
          %add3A_358 = arith.constant 2 : i32
          %add3A_359 = arith.addi %mul3A_357, %add3A_358 : i32
          %mul3A_360 = arith.constant 129 : i32
          %mul3A_361 = arith.muli %add3A_359, %mul3A_360 : i32
          %add3A_362 = arith.constant 0 : i32
          %add3A_363 = arith.addi %mul3A_361, %add3A_362 : i32
          %get3A_364 = arith.index_cast %add3A_363 : i32 to index
          %get3A_365 = tpu.vector_load %arg16[%get3A_364] {strides = array<i32>} : memref<8256xf32, #tpu.memory_space<vmem>>, vector<16xf32>,
          %swap3A_366 = arith.constant 2 : i32
          %swap3A_367 = arith.index_cast %scan3A_173 : i32 to index
          %swap3A_368 = arith.index_cast %swap3A_366 : i32 to index
          %swap3A_369 = arith.constant 0 : index
          %swap3A_370 = tpu.vector_load %arg13[%swap3A_367, %swap3A_368, %swap3A_369] {strides = array<i32>} : memref<8x8x128xf32, #tpu.memory_space<vmem>>, vector<16xf32>,
          tpu.vector_store %arg13[%swap3A_367, %swap3A_368, %swap3A_369], %get3A_365 {strides = array<i32>} : memref<8x8x128xf32, #tpu.memory_space<vmem>>, vector<16xf32>,
          %mul3A_371 = arith.constant 129 : i32
          %mul3A_372 = arith.muli %add3A_359, %mul3A_371 : i32
          %add3A_373 = arith.constant 16 : i32
          %add3A_374 = arith.addi %mul3A_372, %add3A_373 : i32
          %get3A_375 = arith.index_cast %add3A_374 : i32 to index
          %get3A_376 = tpu.vector_load %arg16[%get3A_375] {strides = array<i32>} : memref<8256xf32, #tpu.memory_space<vmem>>, vector<16xf32>,
          %swap3A_377 = arith.constant 2 : i32
          %swap3A_378 = arith.index_cast %scan3A_173 : i32 to index
          %swap3A_379 = arith.index_cast %swap3A_377 : i32 to index
          %swap3A_380 = arith.constant 16 : index
          %swap3A_381 = tpu.vector_load %arg13[%swap3A_378, %swap3A_379, %swap3A_380] {strides = array<i32>} : memref<8x8x128xf32, #tpu.memory_space<vmem>>, vector<16xf32>,
          tpu.vector_store %arg13[%swap3A_378, %swap3A_379, %swap3A_380], %get3A_376 {strides = array<i32>} : memref<8x8x128xf32, #tpu.memory_space<vmem>>, vector<16xf32>,
          %mul3A_382 = arith.constant 129 : i32
          %mul3A_383 = arith.muli %add3A_359, %mul3A_382 : i32
          %add3A_384 = arith.constant 32 : i32
          %add3A_385 = arith.addi %mul3A_383, %add3A_384 : i32
          %get3A_386 = arith.index_cast %add3A_385 : i32 to index
          %get3A_387 = tpu.vector_load %arg16[%get3A_386] {strides = array<i32>} : memref<8256xf32, #tpu.memory_space<vmem>>, vector<16xf32>,
          %swap3A_388 = arith.constant 2 : i32
          %swap3A_389 = arith.index_cast %scan3A_173 : i32 to index
          %swap3A_390 = arith.index_cast %swap3A_388 : i32 to index
          %swap3A_391 = arith.constant 32 : index
          %swap3A_392 = tpu.vector_load %arg13[%swap3A_389, %swap3A_390, %swap3A_391] {strides = array<i32>} : memref<8x8x128xf32, #tpu.memory_space<vmem>>, vector<16xf32>,
          tpu.vector_store %arg13[%swap3A_389, %swap3A_390, %swap3A_391], %get3A_387 {strides = array<i32>} : memref<8x8x128xf32, #tpu.memory_space<vmem>>, vector<16xf32>,
          %mul3A_393 = arith.constant 129 : i32
          %mul3A_394 = arith.muli %add3A_359, %mul3A_393 : i32
          %add3A_395 = arith.constant 48 : i32
          %add3A_396 = arith.addi %mul3A_394, %add3A_395 : i32
          %get3A_397 = arith.index_cast %add3A_396 : i32 to index
          %get3A_398 = tpu.vector_load %arg16[%get3A_397] {strides = array<i32>} : memref<8256xf32, #tpu.memory_space<vmem>>, vector<16xf32>,
          %swap3A_399 = arith.constant 2 : i32
          %swap3A_400 = arith.index_cast %scan3A_173 : i32 to index
          %swap3A_401 = arith.index_cast %swap3A_399 : i32 to index
          %swap3A_402 = arith.constant 48 : index
          %swap3A_403 = tpu.vector_load %arg13[%swap3A_400, %swap3A_401, %swap3A_402] {strides = array<i32>} : memref<8x8x128xf32, #tpu.memory_space<vmem>>, vector<16xf32>,
          tpu.vector_store %arg13[%swap3A_400, %swap3A_401, %swap3A_402], %get3A_398 {strides = array<i32>} : memref<8x8x128xf32, #tpu.memory_space<vmem>>, vector<16xf32>,
          %mul3A_404 = arith.constant 129 : i32
          %mul3A_405 = arith.muli %add3A_359, %mul3A_404 : i32
          %add3A_406 = arith.constant 64 : i32
          %add3A_407 = arith.addi %mul3A_405, %add3A_406 : i32
          %get3A_408 = arith.index_cast %add3A_407 : i32 to index
          %get3A_409 = tpu.vector_load %arg16[%get3A_408] {strides = array<i32>} : memref<8256xf32, #tpu.memory_space<vmem>>, vector<16xf32>,
          %swap3A_410 = arith.constant 2 : i32
          %swap3A_411 = arith.index_cast %scan3A_173 : i32 to index
          %swap3A_412 = arith.index_cast %swap3A_410 : i32 to index
          %swap3A_413 = arith.constant 64 : index
          %swap3A_414 = tpu.vector_load %arg13[%swap3A_411, %swap3A_412, %swap3A_413] {strides = array<i32>} : memref<8x8x128xf32, #tpu.memory_space<vmem>>, vector<16xf32>,
          tpu.vector_store %arg13[%swap3A_411, %swap3A_412, %swap3A_413], %get3A_409 {strides = array<i32>} : memref<8x8x128xf32, #tpu.memory_space<vmem>>, vector<16xf32>,
          %mul3A_415 = arith.constant 129 : i32
          %mul3A_416 = arith.muli %add3A_359, %mul3A_415 : i32
          %add3A_417 = arith.constant 80 : i32
          %add3A_418 = arith.addi %mul3A_416, %add3A_417 : i32
          %get3A_419 = arith.index_cast %add3A_418 : i32 to index
          %get3A_420 = tpu.vector_load %arg16[%get3A_419] {strides = array<i32>} : memref<8256xf32, #tpu.memory_space<vmem>>, vector<16xf32>,
          %swap3A_421 = arith.constant 2 : i32
          %swap3A_422 = arith.index_cast %scan3A_173 : i32 to index
          %swap3A_423 = arith.index_cast %swap3A_421 : i32 to index
          %swap3A_424 = arith.constant 80 : index
          %swap3A_425 = tpu.vector_load %arg13[%swap3A_422, %swap3A_423, %swap3A_424] {strides = array<i32>} : memref<8x8x128xf32, #tpu.memory_space<vmem>>, vector<16xf32>,
          tpu.vector_store %arg13[%swap3A_422, %swap3A_423, %swap3A_424], %get3A_420 {strides = array<i32>} : memref<8x8x128xf32, #tpu.memory_space<vmem>>, vector<16xf32>,
          %mul3A_426 = arith.constant 129 : i32
          %mul3A_427 = arith.muli %add3A_359, %mul3A_426 : i32
          %add3A_428 = arith.constant 96 : i32
          %add3A_429 = arith.addi %mul3A_427, %add3A_428 : i32
          %get3A_430 = arith.index_cast %add3A_429 : i32 to index
          %get3A_431 = tpu.vector_load %arg16[%get3A_430] {strides = array<i32>} : memref<8256xf32, #tpu.memory_space<vmem>>, vector<16xf32>,
          %swap3A_432 = arith.constant 2 : i32
          %swap3A_433 = arith.index_cast %scan3A_173 : i32 to index
          %swap3A_434 = arith.index_cast %swap3A_432 : i32 to index
          %swap3A_435 = arith.constant 96 : index
          %swap3A_436 = tpu.vector_load %arg13[%swap3A_433, %swap3A_434, %swap3A_435] {strides = array<i32>} : memref<8x8x128xf32, #tpu.memory_space<vmem>>, vector<16xf32>,
          tpu.vector_store %arg13[%swap3A_433, %swap3A_434, %swap3A_435], %get3A_431 {strides = array<i32>} : memref<8x8x128xf32, #tpu.memory_space<vmem>>, vector<16xf32>,
          %mul3A_437 = arith.constant 129 : i32
          %mul3A_438 = arith.muli %add3A_359, %mul3A_437 : i32
          %add3A_439 = arith.constant 112 : i32
          %add3A_440 = arith.addi %mul3A_438, %add3A_439 : i32
          %get3A_441 = arith.index_cast %add3A_440 : i32 to index
          %get3A_442 = tpu.vector_load %arg16[%get3A_441] {strides = array<i32>} : memref<8256xf32, #tpu.memory_space<vmem>>, vector<16xf32>,
          %swap3A_443 = arith.constant 2 : i32
          %swap3A_444 = arith.index_cast %scan3A_173 : i32 to index
          %swap3A_445 = arith.index_cast %swap3A_443 : i32 to index
          %swap3A_446 = arith.constant 112 : index
          %swap3A_447 = tpu.vector_load %arg13[%swap3A_444, %swap3A_445, %swap3A_446] {strides = array<i32>} : memref<8x8x128xf32, #tpu.memory_space<vmem>>, vector<16xf32>,
          tpu.vector_store %arg13[%swap3A_444, %swap3A_445, %swap3A_446], %get3A_442 {strides = array<i32>} : memref<8x8x128xf32, #tpu.memory_space<vmem>>, vector<16xf32>,
          %mul3A_448 = arith.constant 8 : i32
          %mul3A_449 = arith.muli %scan3A_173, %mul3A_448 : i32
          %add3A_450 = arith.constant 3 : i32
          %add3A_451 = arith.addi %mul3A_449, %add3A_450 : i32
          %mul3A_452 = arith.constant 129 : i32
          %mul3A_453 = arith.muli %add3A_451, %mul3A_452 : i32
          %add3A_454 = arith.constant 0 : i32
          %add3A_455 = arith.addi %mul3A_453, %add3A_454 : i32
          %get3A_456 = arith.index_cast %add3A_455 : i32 to index
          %get3A_457 = tpu.vector_load %arg16[%get3A_456] {strides = array<i32>} : memref<8256xf32, #tpu.memory_space<vmem>>, vector<16xf32>,
          %swap3A_458 = arith.constant 3 : i32
          %swap3A_459 = arith.index_cast %scan3A_173 : i32 to index
          %swap3A_460 = arith.index_cast %swap3A_458 : i32 to index
          %swap3A_461 = arith.constant 0 : index
          %swap3A_462 = tpu.vector_load %arg13[%swap3A_459, %swap3A_460, %swap3A_461] {strides = array<i32>} : memref<8x8x128xf32, #tpu.memory_space<vmem>>, vector<16xf32>,
          tpu.vector_store %arg13[%swap3A_459, %swap3A_460, %swap3A_461], %get3A_457 {strides = array<i32>} : memref<8x8x128xf32, #tpu.memory_space<vmem>>, vector<16xf32>,
          %mul3A_463 = arith.constant 129 : i32
          %mul3A_464 = arith.muli %add3A_451, %mul3A_463 : i32
          %add3A_465 = arith.constant 16 : i32
          %add3A_466 = arith.addi %mul3A_464, %add3A_465 : i32
          %get3A_467 = arith.index_cast %add3A_466 : i32 to index
          %get3A_468 = tpu.vector_load %arg16[%get3A_467] {strides = array<i32>} : memref<8256xf32, #tpu.memory_space<vmem>>, vector<16xf32>,
          %swap3A_469 = arith.constant 3 : i32
          %swap3A_470 = arith.index_cast %scan3A_173 : i32 to index
          %swap3A_471 = arith.index_cast %swap3A_469 : i32 to index
          %swap3A_472 = arith.constant 16 : index
          %swap3A_473 = tpu.vector_load %arg13[%swap3A_470, %swap3A_471, %swap3A_472] {strides = array<i32>} : memref<8x8x128xf32, #tpu.memory_space<vmem>>, vector<16xf32>,
          tpu.vector_store %arg13[%swap3A_470, %swap3A_471, %swap3A_472], %get3A_468 {strides = array<i32>} : memref<8x8x128xf32, #tpu.memory_space<vmem>>, vector<16xf32>,
          %mul3A_474 = arith.constant 129 : i32
          %mul3A_475 = arith.muli %add3A_451, %mul3A_474 : i32
          %add3A_476 = arith.constant 32 : i32
          %add3A_477 = arith.addi %mul3A_475, %add3A_476 : i32
          %get3A_478 = arith.index_cast %add3A_477 : i32 to index
          %get3A_479 = tpu.vector_load %arg16[%get3A_478] {strides = array<i32>} : memref<8256xf32, #tpu.memory_space<vmem>>, vector<16xf32>,
          %swap3A_480 = arith.constant 3 : i32
          %swap3A_481 = arith.index_cast %scan3A_173 : i32 to index
          %swap3A_482 = arith.index_cast %swap3A_480 : i32 to index
          %swap3A_483 = arith.constant 32 : index
          %swap3A_484 = tpu.vector_load %arg13[%swap3A_481, %swap3A_482, %swap3A_483] {strides = array<i32>} : memref<8x8x128xf32, #tpu.memory_space<vmem>>, vector<16xf32>,
          tpu.vector_store %arg13[%swap3A_481, %swap3A_482, %swap3A_483], %get3A_479 {strides = array<i32>} : memref<8x8x128xf32, #tpu.memory_space<vmem>>, vector<16xf32>,
          %mul3A_485 = arith.constant 129 : i32
          %mul3A_486 = arith.muli %add3A_451, %mul3A_485 : i32
          %add3A_487 = arith.constant 48 : i32
          %add3A_488 = arith.addi %mul3A_486, %add3A_487 : i32
          %get3A_489 = arith.index_cast %add3A_488 : i32 to index
          %get3A_490 = tpu.vector_load %arg16[%get3A_489] {strides = array<i32>} : memref<8256xf32, #tpu.memory_space<vmem>>, vector<16xf32>,
          %swap3A_491 = arith.constant 3 : i32
          %swap3A_492 = arith.index_cast %scan3A_173 : i32 to index
          %swap3A_493 = arith.index_cast %swap3A_491 : i32 to index
          %swap3A_494 = arith.constant 48 : index
          %swap3A_495 = tpu.vector_load %arg13[%swap3A_492, %swap3A_493, %swap3A_494] {strides = array<i32>} : memref<8x8x128xf32, #tpu.memory_space<vmem>>, vector<16xf32>,
          tpu.vector_store %arg13[%swap3A_492, %swap3A_493, %swap3A_494], %get3A_490 {strides = array<i32>} : memref<8x8x128xf32, #tpu.memory_space<vmem>>, vector<16xf32>,
          %mul3A_496 = arith.constant 129 : i32
          %mul3A_497 = arith.muli %add3A_451, %mul3A_496 : i32
          %add3A_498 = arith.constant 64 : i32
          %add3A_499 = arith.addi %mul3A_497, %add3A_498 : i32
          %get3A_500 = arith.index_cast %add3A_499 : i32 to index
          %get3A_501 = tpu.vector_load %arg16[%get3A_500] {strides = array<i32>} : memref<8256xf32, #tpu.memory_space<vmem>>, vector<16xf32>,
          %swap3A_502 = arith.constant 3 : i32
          %swap3A_503 = arith.index_cast %scan3A_173 : i32 to index
          %swap3A_504 = arith.index_cast %swap3A_502 : i32 to index
          %swap3A_505 = arith.constant 64 : index
          %swap3A_506 = tpu.vector_load %arg13[%swap3A_503, %swap3A_504, %swap3A_505] {strides = array<i32>} : memref<8x8x128xf32, #tpu.memory_space<vmem>>, vector<16xf32>,
          tpu.vector_store %arg13[%swap3A_503, %swap3A_504, %swap3A_505], %get3A_501 {strides = array<i32>} : memref<8x8x128xf32, #tpu.memory_space<vmem>>, vector<16xf32>,
          %mul3A_507 = arith.constant 129 : i32
          %mul3A_508 = arith.muli %add3A_451, %mul3A_507 : i32
          %add3A_509 = arith.constant 80 : i32
          %add3A_510 = arith.addi %mul3A_508, %add3A_509 : i32
          %get3A_511 = arith.index_cast %add3A_510 : i32 to index
          %get3A_512 = tpu.vector_load %arg16[%get3A_511] {strides = array<i32>} : memref<8256xf32, #tpu.memory_space<vmem>>, vector<16xf32>,
          %swap3A_513 = arith.constant 3 : i32
          %swap3A_514 = arith.index_cast %scan3A_173 : i32 to index
          %swap3A_515 = arith.index_cast %swap3A_513 : i32 to index
          %swap3A_516 = arith.constant 80 : index
          %swap3A_517 = tpu.vector_load %arg13[%swap3A_514, %swap3A_515, %swap3A_516] {strides = array<i32>} : memref<8x8x128xf32, #tpu.memory_space<vmem>>, vector<16xf32>,
          tpu.vector_store %arg13[%swap3A_514, %swap3A_515, %swap3A_516], %get3A_512 {strides = array<i32>} : memref<8x8x128xf32, #tpu.memory_space<vmem>>, vector<16xf32>,
          %mul3A_518 = arith.constant 129 : i32
          %mul3A_519 = arith.muli %add3A_451, %mul3A_518 : i32
          %add3A_520 = arith.constant 96 : i32
          %add3A_521 = arith.addi %mul3A_519, %add3A_520 : i32
          %get3A_522 = arith.index_cast %add3A_521 : i32 to index
          %get3A_523 = tpu.vector_load %arg16[%get3A_522] {strides = array<i32>} : memref<8256xf32, #tpu.memory_space<vmem>>, vector<16xf32>,
          %swap3A_524 = arith.constant 3 : i32
          %swap3A_525 = arith.index_cast %scan3A_173 : i32 to index
          %swap3A_526 = arith.index_cast %swap3A_524 : i32 to index
          %swap3A_527 = arith.constant 96 : index
          %swap3A_528 = tpu.vector_load %arg13[%swap3A_525, %swap3A_526, %swap3A_527] {strides = array<i32>} : memref<8x8x128xf32, #tpu.memory_space<vmem>>, vector<16xf32>,
          tpu.vector_store %arg13[%swap3A_525, %swap3A_526, %swap3A_527], %get3A_523 {strides = array<i32>} : memref<8x8x128xf32, #tpu.memory_space<vmem>>, vector<16xf32>,
          %mul3A_529 = arith.constant 129 : i32
          %mul3A_530 = arith.muli %add3A_451, %mul3A_529 : i32
          %add3A_531 = arith.constant 112 : i32
          %add3A_532 = arith.addi %mul3A_530, %add3A_531 : i32
          %get3A_533 = arith.index_cast %add3A_532 : i32 to index
          %get3A_534 = tpu.vector_load %arg16[%get3A_533] {strides = array<i32>} : memref<8256xf32, #tpu.memory_space<vmem>>, vector<16xf32>,
          %swap3A_535 = arith.constant 3 : i32
          %swap3A_536 = arith.index_cast %scan3A_173 : i32 to index
          %swap3A_537 = arith.index_cast %swap3A_535 : i32 to index
          %swap3A_538 = arith.constant 112 : index
          %swap3A_539 = tpu.vector_load %arg13[%swap3A_536, %swap3A_537, %swap3A_538] {strides = array<i32>} : memref<8x8x128xf32, #tpu.memory_space<vmem>>, vector<16xf32>,
          tpu.vector_store %arg13[%swap3A_536, %swap3A_537, %swap3A_538], %get3A_534 {strides = array<i32>} : memref<8x8x128xf32, #tpu.memory_space<vmem>>, vector<16xf32>,
          %mul3A_540 = arith.constant 8 : i32
          %mul3A_541 = arith.muli %scan3A_173, %mul3A_540 : i32
          %add3A_542 = arith.constant 4 : i32
          %add3A_543 = arith.addi %mul3A_541, %add3A_542 : i32
          %mul3A_544 = arith.constant 129 : i32
          %mul3A_545 = arith.muli %add3A_543, %mul3A_544 : i32
          %add3A_546 = arith.constant 0 : i32
          %add3A_547 = arith.addi %mul3A_545, %add3A_546 : i32
          %get3A_548 = arith.index_cast %add3A_547 : i32 to index
          %get3A_549 = tpu.vector_load %arg16[%get3A_548] {strides = array<i32>} : memref<8256xf32, #tpu.memory_space<vmem>>, vector<16xf32>,
          %swap3A_550 = arith.constant 4 : i32
          %swap3A_551 = arith.index_cast %scan3A_173 : i32 to index
          %swap3A_552 = arith.index_cast %swap3A_550 : i32 to index
          %swap3A_553 = arith.constant 0 : index
          %swap3A_554 = tpu.vector_load %arg13[%swap3A_551, %swap3A_552, %swap3A_553] {strides = array<i32>} : memref<8x8x128xf32, #tpu.memory_space<vmem>>, vector<16xf32>,
          tpu.vector_store %arg13[%swap3A_551, %swap3A_552, %swap3A_553], %get3A_549 {strides = array<i32>} : memref<8x8x128xf32, #tpu.memory_space<vmem>>, vector<16xf32>,
          %mul3A_555 = arith.constant 129 : i32
          %mul3A_556 = arith.muli %add3A_543, %mul3A_555 : i32
          %add3A_557 = arith.constant 16 : i32
          %add3A_558 = arith.addi %mul3A_556, %add3A_557 : i32
          %get3A_559 = arith.index_cast %add3A_558 : i32 to index
          %get3A_560 = tpu.vector_load %arg16[%get3A_559] {strides = array<i32>} : memref<8256xf32, #tpu.memory_space<vmem>>, vector<16xf32>,
          %swap3A_561 = arith.constant 4 : i32
          %swap3A_562 = arith.index_cast %scan3A_173 : i32 to index
          %swap3A_563 = arith.index_cast %swap3A_561 : i32 to index
          %swap3A_564 = arith.constant 16 : index
          %swap3A_565 = tpu.vector_load %arg13[%swap3A_562, %swap3A_563, %swap3A_564] {strides = array<i32>} : memref<8x8x128xf32, #tpu.memory_space<vmem>>, vector<16xf32>,
          tpu.vector_store %arg13[%swap3A_562, %swap3A_563, %swap3A_564], %get3A_560 {strides = array<i32>} : memref<8x8x128xf32, #tpu.memory_space<vmem>>, vector<16xf32>,
          %mul3A_566 = arith.constant 129 : i32
          %mul3A_567 = arith.muli %add3A_543, %mul3A_566 : i32
          %add3A_568 = arith.constant 32 : i32
          %add3A_569 = arith.addi %mul3A_567, %add3A_568 : i32
          %get3A_570 = arith.index_cast %add3A_569 : i32 to index
          %get3A_571 = tpu.vector_load %arg16[%get3A_570] {strides = array<i32>} : memref<8256xf32, #tpu.memory_space<vmem>>, vector<16xf32>,
          %swap3A_572 = arith.constant 4 : i32
          %swap3A_573 = arith.index_cast %scan3A_173 : i32 to index
          %swap3A_574 = arith.index_cast %swap3A_572 : i32 to index
          %swap3A_575 = arith.constant 32 : index
          %swap3A_576 = tpu.vector_load %arg13[%swap3A_573, %swap3A_574, %swap3A_575] {strides = array<i32>} : memref<8x8x128xf32, #tpu.memory_space<vmem>>, vector<16xf32>,
          tpu.vector_store %arg13[%swap3A_573, %swap3A_574, %swap3A_575], %get3A_571 {strides = array<i32>} : memref<8x8x128xf32, #tpu.memory_space<vmem>>, vector<16xf32>,
          %mul3A_577 = arith.constant 129 : i32
          %mul3A_578 = arith.muli %add3A_543, %mul3A_577 : i32
          %add3A_579 = arith.constant 48 : i32
          %add3A_580 = arith.addi %mul3A_578, %add3A_579 : i32
          %get3A_581 = arith.index_cast %add3A_580 : i32 to index
          %get3A_582 = tpu.vector_load %arg16[%get3A_581] {strides = array<i32>} : memref<8256xf32, #tpu.memory_space<vmem>>, vector<16xf32>,
          %swap3A_583 = arith.constant 4 : i32
          %swap3A_584 = arith.index_cast %scan3A_173 : i32 to index
          %swap3A_585 = arith.index_cast %swap3A_583 : i32 to index
          %swap3A_586 = arith.constant 48 : index
          %swap3A_587 = tpu.vector_load %arg13[%swap3A_584, %swap3A_585, %swap3A_586] {strides = array<i32>} : memref<8x8x128xf32, #tpu.memory_space<vmem>>, vector<16xf32>,
          tpu.vector_store %arg13[%swap3A_584, %swap3A_585, %swap3A_586], %get3A_582 {strides = array<i32>} : memref<8x8x128xf32, #tpu.memory_space<vmem>>, vector<16xf32>,
          %mul3A_588 = arith.constant 129 : i32
          %mul3A_589 = arith.muli %add3A_543, %mul3A_588 : i32
          %add3A_590 = arith.constant 64 : i32
          %add3A_591 = arith.addi %mul3A_589, %add3A_590 : i32
          %get3A_592 = arith.index_cast %add3A_591 : i32 to index
          %get3A_593 = tpu.vector_load %arg16[%get3A_592] {strides = array<i32>} : memref<8256xf32, #tpu.memory_space<vmem>>, vector<16xf32>,
          %swap3A_594 = arith.constant 4 : i32
          %swap3A_595 = arith.index_cast %scan3A_173 : i32 to index
          %swap3A_596 = arith.index_cast %swap3A_594 : i32 to index
          %swap3A_597 = arith.constant 64 : index
          %swap3A_598 = tpu.vector_load %arg13[%swap3A_595, %swap3A_596, %swap3A_597] {strides = array<i32>} : memref<8x8x128xf32, #tpu.memory_space<vmem>>, vector<16xf32>,
          tpu.vector_store %arg13[%swap3A_595, %swap3A_596, %swap3A_597], %get3A_593 {strides = array<i32>} : memref<8x8x128xf32, #tpu.memory_space<vmem>>, vector<16xf32>,
          %mul3A_599 = arith.constant 129 : i32
          %mul3A_600 = arith.muli %add3A_543, %mul3A_599 : i32
          %add3A_601 = arith.constant 80 : i32
          %add3A_602 = arith.addi %mul3A_600, %add3A_601 : i32
          %get3A_603 = arith.index_cast %add3A_602 : i32 to index
          %get3A_604 = tpu.vector_load %arg16[%get3A_603] {strides = array<i32>} : memref<8256xf32, #tpu.memory_space<vmem>>, vector<16xf32>,
          %swap3A_605 = arith.constant 4 : i32
          %swap3A_606 = arith.index_cast %scan3A_173 : i32 to index
          %swap3A_607 = arith.index_cast %swap3A_605 : i32 to index
          %swap3A_608 = arith.constant 80 : index
          %swap3A_609 = tpu.vector_load %arg13[%swap3A_606, %swap3A_607, %swap3A_608] {strides = array<i32>} : memref<8x8x128xf32, #tpu.memory_space<vmem>>, vector<16xf32>,
          tpu.vector_store %arg13[%swap3A_606, %swap3A_607, %swap3A_608], %get3A_604 {strides = array<i32>} : memref<8x8x128xf32, #tpu.memory_space<vmem>>, vector<16xf32>,
          %mul3A_610 = arith.constant 129 : i32
          %mul3A_611 = arith.muli %add3A_543, %mul3A_610 : i32
          %add3A_612 = arith.constant 96 : i32
          %add3A_613 = arith.addi %mul3A_611, %add3A_612 : i32
          %get3A_614 = arith.index_cast %add3A_613 : i32 to index
          %get3A_615 = tpu.vector_load %arg16[%get3A_614] {strides = array<i32>} : memref<8256xf32, #tpu.memory_space<vmem>>, vector<16xf32>,
          %swap3A_616 = arith.constant 4 : i32
          %swap3A_617 = arith.index_cast %scan3A_173 : i32 to index
          %swap3A_618 = arith.index_cast %swap3A_616 : i32 to index
          %swap3A_619 = arith.constant 96 : index
          %swap3A_620 = tpu.vector_load %arg13[%swap3A_617, %swap3A_618, %swap3A_619] {strides = array<i32>} : memref<8x8x128xf32, #tpu.memory_space<vmem>>, vector<16xf32>,
          tpu.vector_store %arg13[%swap3A_617, %swap3A_618, %swap3A_619], %get3A_615 {strides = array<i32>} : memref<8x8x128xf32, #tpu.memory_space<vmem>>, vector<16xf32>,
          %mul3A_621 = arith.constant 129 : i32
          %mul3A_622 = arith.muli %add3A_543, %mul3A_621 : i32
          %add3A_623 = arith.constant 112 : i32
          %add3A_624 = arith.addi %mul3A_622, %add3A_623 : i32
          %get3A_625 = arith.index_cast %add3A_624 : i32 to index
          %get3A_626 = tpu.vector_load %arg16[%get3A_625] {strides = array<i32>} : memref<8256xf32, #tpu.memory_space<vmem>>, vector<16xf32>,
          %swap3A_627 = arith.constant 4 : i32
          %swap3A_628 = arith.index_cast %scan3A_173 : i32 to index
          %swap3A_629 = arith.index_cast %swap3A_627 : i32 to index
          %swap3A_630 = arith.constant 112 : index
          %swap3A_631 = tpu.vector_load %arg13[%swap3A_628, %swap3A_629, %swap3A_630] {strides = array<i32>} : memref<8x8x128xf32, #tpu.memory_space<vmem>>, vector<16xf32>,
          tpu.vector_store %arg13[%swap3A_628, %swap3A_629, %swap3A_630], %get3A_626 {strides = array<i32>} : memref<8x8x128xf32, #tpu.memory_space<vmem>>, vector<16xf32>,
          %mul3A_632 = arith.constant 8 : i32
          %mul3A_633 = arith.muli %scan3A_173, %mul3A_632 : i32
          %add3A_634 = arith.constant 5 : i32
          %add3A_635 = arith.addi %mul3A_633, %add3A_634 : i32
          %mul3A_636 = arith.constant 129 : i32
          %mul3A_637 = arith.muli %add3A_635, %mul3A_636 : i32
          %add3A_638 = arith.constant 0 : i32
          %add3A_639 = arith.addi %mul3A_637, %add3A_638 : i32
          %get3A_640 = arith.index_cast %add3A_639 : i32 to index
          %get3A_641 = tpu.vector_load %arg16[%get3A_640] {strides = array<i32>} : memref<8256xf32, #tpu.memory_space<vmem>>, vector<16xf32>,
          %swap3A_642 = arith.constant 5 : i32
          %swap3A_643 = arith.index_cast %scan3A_173 : i32 to index
          %swap3A_644 = arith.index_cast %swap3A_642 : i32 to index
          %swap3A_645 = arith.constant 0 : index
          %swap3A_646 = tpu.vector_load %arg13[%swap3A_643, %swap3A_644, %swap3A_645] {strides = array<i32>} : memref<8x8x128xf32, #tpu.memory_space<vmem>>, vector<16xf32>,
          tpu.vector_store %arg13[%swap3A_643, %swap3A_644, %swap3A_645], %get3A_641 {strides = array<i32>} : memref<8x8x128xf32, #tpu.memory_space<vmem>>, vector<16xf32>,
          %mul3A_647 = arith.constant 129 : i32
          %mul3A_648 = arith.muli %add3A_635, %mul3A_647 : i32
          %add3A_649 = arith.constant 16 : i32
          %add3A_650 = arith.addi %mul3A_648, %add3A_649 : i32
          %get3A_651 = arith.index_cast %add3A_650 : i32 to index
          %get3A_652 = tpu.vector_load %arg16[%get3A_651] {strides = array<i32>} : memref<8256xf32, #tpu.memory_space<vmem>>, vector<16xf32>,
          %swap3A_653 = arith.constant 5 : i32
          %swap3A_654 = arith.index_cast %scan3A_173 : i32 to index
          %swap3A_655 = arith.index_cast %swap3A_653 : i32 to index
          %swap3A_656 = arith.constant 16 : index
          %swap3A_657 = tpu.vector_load %arg13[%swap3A_654, %swap3A_655, %swap3A_656] {strides = array<i32>} : memref<8x8x128xf32, #tpu.memory_space<vmem>>, vector<16xf32>,
          tpu.vector_store %arg13[%swap3A_654, %swap3A_655, %swap3A_656], %get3A_652 {strides = array<i32>} : memref<8x8x128xf32, #tpu.memory_space<vmem>>, vector<16xf32>,
          %mul3A_658 = arith.constant 129 : i32
          %mul3A_659 = arith.muli %add3A_635, %mul3A_658 : i32
          %add3A_660 = arith.constant 32 : i32
          %add3A_661 = arith.addi %mul3A_659, %add3A_660 : i32
          %get3A_662 = arith.index_cast %add3A_661 : i32 to index
          %get3A_663 = tpu.vector_load %arg16[%get3A_662] {strides = array<i32>} : memref<8256xf32, #tpu.memory_space<vmem>>, vector<16xf32>,
          %swap3A_664 = arith.constant 5 : i32
          %swap3A_665 = arith.index_cast %scan3A_173 : i32 to index
          %swap3A_666 = arith.index_cast %swap3A_664 : i32 to index
          %swap3A_667 = arith.constant 32 : index
          %swap3A_668 = tpu.vector_load %arg13[%swap3A_665, %swap3A_666, %swap3A_667] {strides = array<i32>} : memref<8x8x128xf32, #tpu.memory_space<vmem>>, vector<16xf32>,
          tpu.vector_store %arg13[%swap3A_665, %swap3A_666, %swap3A_667], %get3A_663 {strides = array<i32>} : memref<8x8x128xf32, #tpu.memory_space<vmem>>, vector<16xf32>,
          %mul3A_669 = arith.constant 129 : i32
          %mul3A_670 = arith.muli %add3A_635, %mul3A_669 : i32
          %add3A_671 = arith.constant 48 : i32
          %add3A_672 = arith.addi %mul3A_670, %add3A_671 : i32
          %get3A_673 = arith.index_cast %add3A_672 : i32 to index
          %get3A_674 = tpu.vector_load %arg16[%get3A_673] {strides = array<i32>} : memref<8256xf32, #tpu.memory_space<vmem>>, vector<16xf32>,
          %swap3A_675 = arith.constant 5 : i32
          %swap3A_676 = arith.index_cast %scan3A_173 : i32 to index
          %swap3A_677 = arith.index_cast %swap3A_675 : i32 to index
          %swap3A_678 = arith.constant 48 : index
          %swap3A_679 = tpu.vector_load %arg13[%swap3A_676, %swap3A_677, %swap3A_678] {strides = array<i32>} : memref<8x8x128xf32, #tpu.memory_space<vmem>>, vector<16xf32>,
          tpu.vector_store %arg13[%swap3A_676, %swap3A_677, %swap3A_678], %get3A_674 {strides = array<i32>} : memref<8x8x128xf32, #tpu.memory_space<vmem>>, vector<16xf32>,
          %mul3A_680 = arith.constant 129 : i32
          %mul3A_681 = arith.muli %add3A_635, %mul3A_680 : i32
          %add3A_682 = arith.constant 64 : i32
          %add3A_683 = arith.addi %mul3A_681, %add3A_682 : i32
          %get3A_684 = arith.index_cast %add3A_683 : i32 to index
          %get3A_685 = tpu.vector_load %arg16[%get3A_684] {strides = array<i32>} : memref<8256xf32, #tpu.memory_space<vmem>>, vector<16xf32>,
          %swap3A_686 = arith.constant 5 : i32
          %swap3A_687 = arith.index_cast %scan3A_173 : i32 to index
          %swap3A_688 = arith.index_cast %swap3A_686 : i32 to index
          %swap3A_689 = arith.constant 64 : index
          %swap3A_690 = tpu.vector_load %arg13[%swap3A_687, %swap3A_688, %swap3A_689] {strides = array<i32>} : memref<8x8x128xf32, #tpu.memory_space<vmem>>, vector<16xf32>,
          tpu.vector_store %arg13[%swap3A_687, %swap3A_688, %swap3A_689], %get3A_685 {strides = array<i32>} : memref<8x8x128xf32, #tpu.memory_space<vmem>>, vector<16xf32>,
          %mul3A_691 = arith.constant 129 : i32
          %mul3A_692 = arith.muli %add3A_635, %mul3A_691 : i32
          %add3A_693 = arith.constant 80 : i32
          %add3A_694 = arith.addi %mul3A_692, %add3A_693 : i32
          %get3A_695 = arith.index_cast %add3A_694 : i32 to index
          %get3A_696 = tpu.vector_load %arg16[%get3A_695] {strides = array<i32>} : memref<8256xf32, #tpu.memory_space<vmem>>, vector<16xf32>,
          %swap3A_697 = arith.constant 5 : i32
          %swap3A_698 = arith.index_cast %scan3A_173 : i32 to index
          %swap3A_699 = arith.index_cast %swap3A_697 : i32 to index
          %swap3A_700 = arith.constant 80 : index
          %swap3A_701 = tpu.vector_load %arg13[%swap3A_698, %swap3A_699, %swap3A_700] {strides = array<i32>} : memref<8x8x128xf32, #tpu.memory_space<vmem>>, vector<16xf32>,
          tpu.vector_store %arg13[%swap3A_698, %swap3A_699, %swap3A_700], %get3A_696 {strides = array<i32>} : memref<8x8x128xf32, #tpu.memory_space<vmem>>, vector<16xf32>,
          %mul3A_702 = arith.constant 129 : i32
          %mul3A_703 = arith.muli %add3A_635, %mul3A_702 : i32
          %add3A_704 = arith.constant 96 : i32
          %add3A_705 = arith.addi %mul3A_703, %add3A_704 : i32
          %get3A_706 = arith.index_cast %add3A_705 : i32 to index
          %get3A_707 = tpu.vector_load %arg16[%get3A_706] {strides = array<i32>} : memref<8256xf32, #tpu.memory_space<vmem>>, vector<16xf32>,
          %swap3A_708 = arith.constant 5 : i32
          %swap3A_709 = arith.index_cast %scan3A_173 : i32 to index
          %swap3A_710 = arith.index_cast %swap3A_708 : i32 to index
          %swap3A_711 = arith.constant 96 : index
          %swap3A_712 = tpu.vector_load %arg13[%swap3A_709, %swap3A_710, %swap3A_711] {strides = array<i32>} : memref<8x8x128xf32, #tpu.memory_space<vmem>>, vector<16xf32>,
          tpu.vector_store %arg13[%swap3A_709, %swap3A_710, %swap3A_711], %get3A_707 {strides = array<i32>} : memref<8x8x128xf32, #tpu.memory_space<vmem>>, vector<16xf32>,
          %mul3A_713 = arith.constant 129 : i32
          %mul3A_714 = arith.muli %add3A_635, %mul3A_713 : i32
          %add3A_715 = arith.constant 112 : i32
          %add3A_716 = arith.addi %mul3A_714, %add3A_715 : i32
          %get3A_717 = arith.index_cast %add3A_716 : i32 to index
          %get3A_718 = tpu.vector_load %arg16[%get3A_717] {strides = array<i32>} : memref<8256xf32, #tpu.memory_space<vmem>>, vector<16xf32>,
          %swap3A_719 = arith.constant 5 : i32
          %swap3A_720 = arith.index_cast %scan3A_173 : i32 to index
          %swap3A_721 = arith.index_cast %swap3A_719 : i32 to index
          %swap3A_722 = arith.constant 112 : index
          %swap3A_723 = tpu.vector_load %arg13[%swap3A_720, %swap3A_721, %swap3A_722] {strides = array<i32>} : memref<8x8x128xf32, #tpu.memory_space<vmem>>, vector<16xf32>,
          tpu.vector_store %arg13[%swap3A_720, %swap3A_721, %swap3A_722], %get3A_718 {strides = array<i32>} : memref<8x8x128xf32, #tpu.memory_space<vmem>>, vector<16xf32>,
          %mul3A_724 = arith.constant 8 : i32
          %mul3A_725 = arith.muli %scan3A_173, %mul3A_724 : i32
          %add3A_726 = arith.constant 6 : i32
          %add3A_727 = arith.addi %mul3A_725, %add3A_726 : i32
          %mul3A_728 = arith.constant 129 : i32
          %mul3A_729 = arith.muli %add3A_727, %mul3A_728 : i32
          %add3A_730 = arith.constant 0 : i32
          %add3A_731 = arith.addi %mul3A_729, %add3A_730 : i32
          %get3A_732 = arith.index_cast %add3A_731 : i32 to index
          %get3A_733 = tpu.vector_load %arg16[%get3A_732] {strides = array<i32>} : memref<8256xf32, #tpu.memory_space<vmem>>, vector<16xf32>,
          %swap3A_734 = arith.constant 6 : i32
          %swap3A_735 = arith.index_cast %scan3A_173 : i32 to index
          %swap3A_736 = arith.index_cast %swap3A_734 : i32 to index
          %swap3A_737 = arith.constant 0 : index
          %swap3A_738 = tpu.vector_load %arg13[%swap3A_735, %swap3A_736, %swap3A_737] {strides = array<i32>} : memref<8x8x128xf32, #tpu.memory_space<vmem>>, vector<16xf32>,
          tpu.vector_store %arg13[%swap3A_735, %swap3A_736, %swap3A_737], %get3A_733 {strides = array<i32>} : memref<8x8x128xf32, #tpu.memory_space<vmem>>, vector<16xf32>,
          %mul3A_739 = arith.constant 129 : i32
          %mul3A_740 = arith.muli %add3A_727, %mul3A_739 : i32
          %add3A_741 = arith.constant 16 : i32
          %add3A_742 = arith.addi %mul3A_740, %add3A_741 : i32
          %get3A_743 = arith.index_cast %add3A_742 : i32 to index
          %get3A_744 = tpu.vector_load %arg16[%get3A_743] {strides = array<i32>} : memref<8256xf32, #tpu.memory_space<vmem>>, vector<16xf32>,
          %swap3A_745 = arith.constant 6 : i32
          %swap3A_746 = arith.index_cast %scan3A_173 : i32 to index
          %swap3A_747 = arith.index_cast %swap3A_745 : i32 to index
          %swap3A_748 = arith.constant 16 : index
          %swap3A_749 = tpu.vector_load %arg13[%swap3A_746, %swap3A_747, %swap3A_748] {strides = array<i32>} : memref<8x8x128xf32, #tpu.memory_space<vmem>>, vector<16xf32>,
          tpu.vector_store %arg13[%swap3A_746, %swap3A_747, %swap3A_748], %get3A_744 {strides = array<i32>} : memref<8x8x128xf32, #tpu.memory_space<vmem>>, vector<16xf32>,
          %mul3A_750 = arith.constant 129 : i32
          %mul3A_751 = arith.muli %add3A_727, %mul3A_750 : i32
          %add3A_752 = arith.constant 32 : i32
          %add3A_753 = arith.addi %mul3A_751, %add3A_752 : i32
          %get3A_754 = arith.index_cast %add3A_753 : i32 to index
          %get3A_755 = tpu.vector_load %arg16[%get3A_754] {strides = array<i32>} : memref<8256xf32, #tpu.memory_space<vmem>>, vector<16xf32>,
          %swap3A_756 = arith.constant 6 : i32
          %swap3A_757 = arith.index_cast %scan3A_173 : i32 to index
          %swap3A_758 = arith.index_cast %swap3A_756 : i32 to index
          %swap3A_759 = arith.constant 32 : index
          %swap3A_760 = tpu.vector_load %arg13[%swap3A_757, %swap3A_758, %swap3A_759] {strides = array<i32>} : memref<8x8x128xf32, #tpu.memory_space<vmem>>, vector<16xf32>,
          tpu.vector_store %arg13[%swap3A_757, %swap3A_758, %swap3A_759], %get3A_755 {strides = array<i32>} : memref<8x8x128xf32, #tpu.memory_space<vmem>>, vector<16xf32>,
          %mul3A_761 = arith.constant 129 : i32
          %mul3A_762 = arith.muli %add3A_727, %mul3A_761 : i32
          %add3A_763 = arith.constant 48 : i32
          %add3A_764 = arith.addi %mul3A_762, %add3A_763 : i32
          %get3A_765 = arith.index_cast %add3A_764 : i32 to index
          %get3A_766 = tpu.vector_load %arg16[%get3A_765] {strides = array<i32>} : memref<8256xf32, #tpu.memory_space<vmem>>, vector<16xf32>,
          %swap3A_767 = arith.constant 6 : i32
          %swap3A_768 = arith.index_cast %scan3A_173 : i32 to index
          %swap3A_769 = arith.index_cast %swap3A_767 : i32 to index
          %swap3A_770 = arith.constant 48 : index
          %swap3A_771 = tpu.vector_load %arg13[%swap3A_768, %swap3A_769, %swap3A_770] {strides = array<i32>} : memref<8x8x128xf32, #tpu.memory_space<vmem>>, vector<16xf32>,
          tpu.vector_store %arg13[%swap3A_768, %swap3A_769, %swap3A_770], %get3A_766 {strides = array<i32>} : memref<8x8x128xf32, #tpu.memory_space<vmem>>, vector<16xf32>,
          %mul3A_772 = arith.constant 129 : i32
          %mul3A_773 = arith.muli %add3A_727, %mul3A_772 : i32
          %add3A_774 = arith.constant 64 : i32
          %add3A_775 = arith.addi %mul3A_773, %add3A_774 : i32
          %get3A_776 = arith.index_cast %add3A_775 : i32 to index
          %get3A_777 = tpu.vector_load %arg16[%get3A_776] {strides = array<i32>} : memref<8256xf32, #tpu.memory_space<vmem>>, vector<16xf32>,
          %swap3A_778 = arith.constant 6 : i32
          %swap3A_779 = arith.index_cast %scan3A_173 : i32 to index
          %swap3A_780 = arith.index_cast %swap3A_778 : i32 to index
          %swap3A_781 = arith.constant 64 : index
          %swap3A_782 = tpu.vector_load %arg13[%swap3A_779, %swap3A_780, %swap3A_781] {strides = array<i32>} : memref<8x8x128xf32, #tpu.memory_space<vmem>>, vector<16xf32>,
          tpu.vector_store %arg13[%swap3A_779, %swap3A_780, %swap3A_781], %get3A_777 {strides = array<i32>} : memref<8x8x128xf32, #tpu.memory_space<vmem>>, vector<16xf32>,
          %mul3A_783 = arith.constant 129 : i32
          %mul3A_784 = arith.muli %add3A_727, %mul3A_783 : i32
          %add3A_785 = arith.constant 80 : i32
          %add3A_786 = arith.addi %mul3A_784, %add3A_785 : i32
          %get3A_787 = arith.index_cast %add3A_786 : i32 to index
          %get3A_788 = tpu.vector_load %arg16[%get3A_787] {strides = array<i32>} : memref<8256xf32, #tpu.memory_space<vmem>>, vector<16xf32>,
          %swap3A_789 = arith.constant 6 : i32
          %swap3A_790 = arith.index_cast %scan3A_173 : i32 to index
          %swap3A_791 = arith.index_cast %swap3A_789 : i32 to index
          %swap3A_792 = arith.constant 80 : index
          %swap3A_793 = tpu.vector_load %arg13[%swap3A_790, %swap3A_791, %swap3A_792] {strides = array<i32>} : memref<8x8x128xf32, #tpu.memory_space<vmem>>, vector<16xf32>,
          tpu.vector_store %arg13[%swap3A_790, %swap3A_791, %swap3A_792], %get3A_788 {strides = array<i32>} : memref<8x8x128xf32, #tpu.memory_space<vmem>>, vector<16xf32>,
          %mul3A_794 = arith.constant 129 : i32
          %mul3A_795 = arith.muli %add3A_727, %mul3A_794 : i32
          %add3A_796 = arith.constant 96 : i32
          %add3A_797 = arith.addi %mul3A_795, %add3A_796 : i32
          %get3A_798 = arith.index_cast %add3A_797 : i32 to index
          %get3A_799 = tpu.vector_load %arg16[%get3A_798] {strides = array<i32>} : memref<8256xf32, #tpu.memory_space<vmem>>, vector<16xf32>,
          %swap3A_800 = arith.constant 6 : i32
          %swap3A_801 = arith.index_cast %scan3A_173 : i32 to index
          %swap3A_802 = arith.index_cast %swap3A_800 : i32 to index
          %swap3A_803 = arith.constant 96 : index
          %swap3A_804 = tpu.vector_load %arg13[%swap3A_801, %swap3A_802, %swap3A_803] {strides = array<i32>} : memref<8x8x128xf32, #tpu.memory_space<vmem>>, vector<16xf32>,
          tpu.vector_store %arg13[%swap3A_801, %swap3A_802, %swap3A_803], %get3A_799 {strides = array<i32>} : memref<8x8x128xf32, #tpu.memory_space<vmem>>, vector<16xf32>,
          %mul3A_805 = arith.constant 129 : i32
          %mul3A_806 = arith.muli %add3A_727, %mul3A_805 : i32
          %add3A_807 = arith.constant 112 : i32
          %add3A_808 = arith.addi %mul3A_806, %add3A_807 : i32
          %get3A_809 = arith.index_cast %add3A_808 : i32 to index
          %get3A_810 = tpu.vector_load %arg16[%get3A_809] {strides = array<i32>} : memref<8256xf32, #tpu.memory_space<vmem>>, vector<16xf32>,
          %swap3A_811 = arith.constant 6 : i32
          %swap3A_812 = arith.index_cast %scan3A_173 : i32 to index
          %swap3A_813 = arith.index_cast %swap3A_811 : i32 to index
          %swap3A_814 = arith.constant 112 : index
          %swap3A_815 = tpu.vector_load %arg13[%swap3A_812, %swap3A_813, %swap3A_814] {strides = array<i32>} : memref<8x8x128xf32, #tpu.memory_space<vmem>>, vector<16xf32>,
          tpu.vector_store %arg13[%swap3A_812, %swap3A_813, %swap3A_814], %get3A_810 {strides = array<i32>} : memref<8x8x128xf32, #tpu.memory_space<vmem>>, vector<16xf32>,
          %mul3A_816 = arith.constant 8 : i32
          %mul3A_817 = arith.muli %scan3A_173, %mul3A_816 : i32
          %add3A_818 = arith.constant 7 : i32
          %add3A_819 = arith.addi %mul3A_817, %add3A_818 : i32
          %mul3A_820 = arith.constant 129 : i32
          %mul3A_821 = arith.muli %add3A_819, %mul3A_820 : i32
          %add3A_822 = arith.constant 0 : i32
          %add3A_823 = arith.addi %mul3A_821, %add3A_822 : i32
          %get3A_824 = arith.index_cast %add3A_823 : i32 to index
          %get3A_825 = tpu.vector_load %arg16[%get3A_824] {strides = array<i32>} : memref<8256xf32, #tpu.memory_space<vmem>>, vector<16xf32>,
          %swap3A_826 = arith.constant 7 : i32
          %swap3A_827 = arith.index_cast %scan3A_173 : i32 to index
          %swap3A_828 = arith.index_cast %swap3A_826 : i32 to index
          %swap3A_829 = arith.constant 0 : index
          %swap3A_830 = tpu.vector_load %arg13[%swap3A_827, %swap3A_828, %swap3A_829] {strides = array<i32>} : memref<8x8x128xf32, #tpu.memory_space<vmem>>, vector<16xf32>,
          tpu.vector_store %arg13[%swap3A_827, %swap3A_828, %swap3A_829], %get3A_825 {strides = array<i32>} : memref<8x8x128xf32, #tpu.memory_space<vmem>>, vector<16xf32>,
          %mul3A_831 = arith.constant 129 : i32
          %mul3A_832 = arith.muli %add3A_819, %mul3A_831 : i32
          %add3A_833 = arith.constant 16 : i32
          %add3A_834 = arith.addi %mul3A_832, %add3A_833 : i32
          %get3A_835 = arith.index_cast %add3A_834 : i32 to index
          %get3A_836 = tpu.vector_load %arg16[%get3A_835] {strides = array<i32>} : memref<8256xf32, #tpu.memory_space<vmem>>, vector<16xf32>,
          %swap3A_837 = arith.constant 7 : i32
          %swap3A_838 = arith.index_cast %scan3A_173 : i32 to index
          %swap3A_839 = arith.index_cast %swap3A_837 : i32 to index
          %swap3A_840 = arith.constant 16 : index
          %swap3A_841 = tpu.vector_load %arg13[%swap3A_838, %swap3A_839, %swap3A_840] {strides = array<i32>} : memref<8x8x128xf32, #tpu.memory_space<vmem>>, vector<16xf32>,
          tpu.vector_store %arg13[%swap3A_838, %swap3A_839, %swap3A_840], %get3A_836 {strides = array<i32>} : memref<8x8x128xf32, #tpu.memory_space<vmem>>, vector<16xf32>,
          %mul3A_842 = arith.constant 129 : i32
          %mul3A_843 = arith.muli %add3A_819, %mul3A_842 : i32
          %add3A_844 = arith.constant 32 : i32
          %add3A_845 = arith.addi %mul3A_843, %add3A_844 : i32
          %get3A_846 = arith.index_cast %add3A_845 : i32 to index
          %get3A_847 = tpu.vector_load %arg16[%get3A_846] {strides = array<i32>} : memref<8256xf32, #tpu.memory_space<vmem>>, vector<16xf32>,
          %swap3A_848 = arith.constant 7 : i32
          %swap3A_849 = arith.index_cast %scan3A_173 : i32 to index
          %swap3A_850 = arith.index_cast %swap3A_848 : i32 to index
          %swap3A_851 = arith.constant 32 : index
          %swap3A_852 = tpu.vector_load %arg13[%swap3A_849, %swap3A_850, %swap3A_851] {strides = array<i32>} : memref<8x8x128xf32, #tpu.memory_space<vmem>>, vector<16xf32>,
          tpu.vector_store %arg13[%swap3A_849, %swap3A_850, %swap3A_851], %get3A_847 {strides = array<i32>} : memref<8x8x128xf32, #tpu.memory_space<vmem>>, vector<16xf32>,
          %mul3A_853 = arith.constant 129 : i32
          %mul3A_854 = arith.muli %add3A_819, %mul3A_853 : i32
          %add3A_855 = arith.constant 48 : i32
          %add3A_856 = arith.addi %mul3A_854, %add3A_855 : i32
          %get3A_857 = arith.index_cast %add3A_856 : i32 to index
          %get3A_858 = tpu.vector_load %arg16[%get3A_857] {strides = array<i32>} : memref<8256xf32, #tpu.memory_space<vmem>>, vector<16xf32>,
          %swap3A_859 = arith.constant 7 : i32
          %swap3A_860 = arith.index_cast %scan3A_173 : i32 to index
          %swap3A_861 = arith.index_cast %swap3A_859 : i32 to index
          %swap3A_862 = arith.constant 48 : index
          %swap3A_863 = tpu.vector_load %arg13[%swap3A_860, %swap3A_861, %swap3A_862] {strides = array<i32>} : memref<8x8x128xf32, #tpu.memory_space<vmem>>, vector<16xf32>,
          tpu.vector_store %arg13[%swap3A_860, %swap3A_861, %swap3A_862], %get3A_858 {strides = array<i32>} : memref<8x8x128xf32, #tpu.memory_space<vmem>>, vector<16xf32>,
          %mul3A_864 = arith.constant 129 : i32
          %mul3A_865 = arith.muli %add3A_819, %mul3A_864 : i32
          %add3A_866 = arith.constant 64 : i32
          %add3A_867 = arith.addi %mul3A_865, %add3A_866 : i32
          %get3A_868 = arith.index_cast %add3A_867 : i32 to index
          %get3A_869 = tpu.vector_load %arg16[%get3A_868] {strides = array<i32>} : memref<8256xf32, #tpu.memory_space<vmem>>, vector<16xf32>,
          %swap3A_870 = arith.constant 7 : i32
          %swap3A_871 = arith.index_cast %scan3A_173 : i32 to index
          %swap3A_872 = arith.index_cast %swap3A_870 : i32 to index
          %swap3A_873 = arith.constant 64 : index
          %swap3A_874 = tpu.vector_load %arg13[%swap3A_871, %swap3A_872, %swap3A_873] {strides = array<i32>} : memref<8x8x128xf32, #tpu.memory_space<vmem>>, vector<16xf32>,
          tpu.vector_store %arg13[%swap3A_871, %swap3A_872, %swap3A_873], %get3A_869 {strides = array<i32>} : memref<8x8x128xf32, #tpu.memory_space<vmem>>, vector<16xf32>,
          %mul3A_875 = arith.constant 129 : i32
          %mul3A_876 = arith.muli %add3A_819, %mul3A_875 : i32
          %add3A_877 = arith.constant 80 : i32
          %add3A_878 = arith.addi %mul3A_876, %add3A_877 : i32
          %get3A_879 = arith.index_cast %add3A_878 : i32 to index
          %get3A_880 = tpu.vector_load %arg16[%get3A_879] {strides = array<i32>} : memref<8256xf32, #tpu.memory_space<vmem>>, vector<16xf32>,
          %swap3A_881 = arith.constant 7 : i32
          %swap3A_882 = arith.index_cast %scan3A_173 : i32 to index
          %swap3A_883 = arith.index_cast %swap3A_881 : i32 to index
          %swap3A_884 = arith.constant 80 : index
          %swap3A_885 = tpu.vector_load %arg13[%swap3A_882, %swap3A_883, %swap3A_884] {strides = array<i32>} : memref<8x8x128xf32, #tpu.memory_space<vmem>>, vector<16xf32>,
          tpu.vector_store %arg13[%swap3A_882, %swap3A_883, %swap3A_884], %get3A_880 {strides = array<i32>} : memref<8x8x128xf32, #tpu.memory_space<vmem>>, vector<16xf32>,
          %mul3A_886 = arith.constant 129 : i32
          %mul3A_887 = arith.muli %add3A_819, %mul3A_886 : i32
          %add3A_888 = arith.constant 96 : i32
          %add3A_889 = arith.addi %mul3A_887, %add3A_888 : i32
          %get3A_890 = arith.index_cast %add3A_889 : i32 to index
          %get3A_891 = tpu.vector_load %arg16[%get3A_890] {strides = array<i32>} : memref<8256xf32, #tpu.memory_space<vmem>>, vector<16xf32>,
          %swap3A_892 = arith.constant 7 : i32
          %swap3A_893 = arith.index_cast %scan3A_173 : i32 to index
          %swap3A_894 = arith.index_cast %swap3A_892 : i32 to index
          %swap3A_895 = arith.constant 96 : index
          %swap3A_896 = tpu.vector_load %arg13[%swap3A_893, %swap3A_894, %swap3A_895] {strides = array<i32>} : memref<8x8x128xf32, #tpu.memory_space<vmem>>, vector<16xf32>,
          tpu.vector_store %arg13[%swap3A_893, %swap3A_894, %swap3A_895], %get3A_891 {strides = array<i32>} : memref<8x8x128xf32, #tpu.memory_space<vmem>>, vector<16xf32>,
          %mul3A_897 = arith.constant 129 : i32
          %mul3A_898 = arith.muli %add3A_819, %mul3A_897 : i32
          %add3A_899 = arith.constant 112 : i32
          %add3A_900 = arith.addi %mul3A_898, %add3A_899 : i32
          %get3A_901 = arith.index_cast %add3A_900 : i32 to index
          %get3A_902 = tpu.vector_load %arg16[%get3A_901] {strides = array<i32>} : memref<8256xf32, #tpu.memory_space<vmem>>, vector<16xf32>,
          %swap3A_903 = arith.constant 7 : i32
          %swap3A_904 = arith.index_cast %scan3A_173 : i32 to index
          %swap3A_905 = arith.index_cast %swap3A_903 : i32 to index
          %swap3A_906 = arith.constant 112 : index
          %swap3A_907 = tpu.vector_load %arg13[%swap3A_904, %swap3A_905, %swap3A_906] {strides = array<i32>} : memref<8x8x128xf32, #tpu.memory_space<vmem>>, vector<16xf32>,
          tpu.vector_store %arg13[%swap3A_904, %swap3A_905, %swap3A_906], %get3A_902 {strides = array<i32>} : memref<8x8x128xf32, #tpu.memory_space<vmem>>, vector<16xf32>,
        }
        %scan3A_163 = arith.constant 8 : i32
        %dma_start3A = arith.constant 0 : i32
        %dma_start3A_164 = arith.constant 0 : i32
        %dma_start3A_165 = arith.constant 0 : i32
        %dma_start3A_166 = tpu.memref_slice %arg6[%sub3A_78, %dma_start3A, %add3A, %dma_start3A_164, %dma_start3A_165] : memref<200x8x32x8x128xf32, #tpu.memory_space<hbm>> -> memref<1x8x1x8x128xf32, #tpu.memory_space<hbm>>
        %dma_start3A_167 = tpu.memref_squeeze %dma_start3A_166 : memref<1x8x1x8x128xf32, #tpu.memory_space<hbm>> -> memref<8x8x128xf32, #tpu.memory_space<hbm>>
        %dma_start3A_168 = arith.constant 0 : i32
        %dma_start3A_169 = arith.constant 0 : i32
        %dma_start3A_170 = arith.constant 0 : i32
        %dma_start3A_171 = tpu.memref_slice %arg6[%sub3A_78, %dma_start3A_168, %add3A, %dma_start3A_169, %dma_start3A_170] : memref<200x8x32x8x128xf32, #tpu.memory_space<hbm>> -> memref<1x8x1x8x128xf32, #tpu.memory_space<hbm>>
        %dma_start3A_172 = tpu.memref_squeeze %dma_start3A_171 : memref<1x8x1x8x128xf32, #tpu.memory_space<hbm>> -> memref<8x8x128xf32, #tpu.memory_space<hbm>>
        tpu.enqueue_dma source(%arg13 : memref<8x8x128xf32, #tpu.memory_space<vmem>>) target(%dma_start3A_172 : memref<8x8x128xf32, #tpu.memory_space<hbm>>) target_semaphore(%arg25 : memref<!tpu.dma_semaphore, #tpu.memory_space<semaphore_mem>>)
      } else {
      }
      %add3A_87 = arith.constant 1 : i32
      %add3A_88 = arith.addi %add3A_65, %add3A_87 : i32
      %lt3A_89 = arith.constant 200 : i32
      %lt3A_90 = arith.cmpi slt, %add3A_88, %lt3A_89 : i32
      %convert_element_type3A_91 = arith.extui %lt3A_90 : i1 to i32
      %cond3A_92 = arith.constant 0 : i32
      %cond3A_93 = arith.cmpi ne, %convert_element_type3A_91, %cond3A_92 : i32
      scf.if %cond3A_93 {
        %dma_start3A = arith.constant 0 : i32
        %dma_start3A_141 = tpu.memref_slice %arg7[%add3A_88, %dma_start3A] : memref<200x128xi32, #tpu.memory_space<vmem>> -> memref<1x128xi32, #tpu.memory_space<vmem>>
        %dma_start3A_142 = tpu.memref_squeeze %dma_start3A_141 : memref<1x128xi32, #tpu.memory_space<vmem>> -> memref<128xi32, #tpu.memory_space<vmem>>
        %dma_start3A_143 = arith.constant 0 : i32
        %dma_start3A_144 = arith.constant 0 : i32
        %dma_start3A_145 = tpu.memref_slice %arg4[%dma_start3A_143, %dma_start3A_144] : memref<100000x64xf32, #tpu.memory_space<hbm>> -> memref<100000x64xf32, #tpu.memory_space<hbm>>
        tpu.enqueue_indirect_dma source(%dma_start3A_145 : memref<100000x64xf32, #tpu.memory_space<hbm>>) target(%arg10 : memref<128x64xf32, #tpu.memory_space<vmem>>) offsets(%dma_start3A_142 : memref<128xi32, #tpu.memory_space<vmem>>) semaphore(%arg19 : memref<!tpu.dma_semaphore, #tpu.memory_space<semaphore_mem>>)
      } else {
      }
      %sub3A_94 = arith.constant 1 : i32
      %sub3A_95 = arith.subi %add3A_88, %sub3A_94 : i32
      %ge3A_96 = arith.constant 0 : i32
      %ge3A_97 = arith.cmpi sge, %sub3A_95, %ge3A_96 : i32
      %lt3A_98 = arith.constant 200 : i32
      %lt3A_99 = arith.cmpi slt, %sub3A_95, %lt3A_98 : i32
      %and3A_100 = arith.andi %ge3A_97, %lt3A_99 : i1
      %convert_element_type3A_101 = arith.extui %and3A_100 : i1 to i32
      %cond3A_102 = arith.constant 0 : i32
      %cond3A_103 = arith.cmpi ne, %convert_element_type3A_101, %cond3A_102 : i32
      scf.if %cond3A_103 {
        %dma_wait3A_141 = arith.constant 0 : i32
        %dma_wait3A_142 = tpu.memref_slice %arg7[%sub3A_95, %dma_wait3A_141] : memref<200x128xi32, #tpu.memory_space<vmem>> -> memref<1x128xi32, #tpu.memory_space<vmem>>
        %dma_wait3A_143 = tpu.memref_squeeze %dma_wait3A_142 : memref<1x128xi32, #tpu.memory_space<vmem>> -> memref<128xi32, #tpu.memory_space<vmem>>
        %dma_wait3A_144 = arith.constant 0 : i32
        %dma_wait3A_145 = arith.constant 0 : i32
        %dma_wait3A_146 = tpu.memref_slice %arg4[%dma_wait3A_144, %dma_wait3A_145] : memref<100000x64xf32, #tpu.memory_space<hbm>> -> memref<100000x64xf32, #tpu.memory_space<hbm>>
        tpu.wait_indirect_dma semaphore(%arg18 : memref<!tpu.dma_semaphore, #tpu.memory_space<semaphore_mem>>) src(%dma_wait3A_146 : memref<100000x64xf32, #tpu.memory_space<hbm>>) dst(%arg9 : memref<128x64xf32, #tpu.memory_space<vmem>>)
        %dma_start3A = arith.constant 0 : i32
        %dma_start3A_147 = tpu.memref_slice %arg8[%sub3A_95, %dma_start3A] : memref<200x128xi32, #tpu.memory_space<vmem>> -> memref<1x128xi32, #tpu.memory_space<vmem>>
        %dma_start3A_148 = tpu.memref_squeeze %dma_start3A_147 : memref<1x128xi32, #tpu.memory_space<vmem>> -> memref<128xi32, #tpu.memory_space<vmem>>
        %dma_start3A_149 = arith.constant 0 : i32
        %dma_start3A_150 = arith.constant 0 : i32
        %dma_start3A_151 = tpu.memref_slice %arg5[%dma_start3A_149, %dma_start3A_150] : memref<10000x64xf32, #tpu.memory_space<hbm>> -> memref<10000x64xf32, #tpu.memory_space<hbm>>
        tpu.enqueue_indirect_dma source(%dma_start3A_151 : memref<10000x64xf32, #tpu.memory_space<hbm>>) target(%arg9 : memref<128x64xf32, #tpu.memory_space<vmem>>) offsets(%dma_start3A_148 : memref<128xi32, #tpu.memory_space<vmem>>) semaphore(%arg21 : memref<!tpu.dma_semaphore, #tpu.memory_space<semaphore_mem>>) {add = true}
      } else {
      }
      %sub3A_104 = arith.constant 2 : i32
      %sub3A_105 = arith.subi %add3A_88, %sub3A_104 : i32
      %ge3A_106 = arith.constant 0 : i32
      %ge3A_107 = arith.cmpi sge, %sub3A_105, %ge3A_106 : i32
      %lt3A_108 = arith.constant 200 : i32
      %lt3A_109 = arith.cmpi slt, %sub3A_105, %lt3A_108 : i32
      %and3A_110 = arith.andi %ge3A_107, %lt3A_109 : i1
      %convert_element_type3A_111 = arith.extui %and3A_110 : i1 to i32
      %cond3A_112 = arith.constant 0 : i32
      %cond3A_113 = arith.cmpi ne, %convert_element_type3A_111, %cond3A_112 : i32
      scf.if %cond3A_113 {
        %dma_wait3A_141 = arith.constant 0 : i32
        %dma_wait3A_142 = tpu.memref_slice %arg8[%sub3A_105, %dma_wait3A_141] : memref<200x128xi32, #tpu.memory_space<vmem>> -> memref<1x128xi32, #tpu.memory_space<vmem>>
        %dma_wait3A_143 = tpu.memref_squeeze %dma_wait3A_142 : memref<1x128xi32, #tpu.memory_space<vmem>> -> memref<128xi32, #tpu.memory_space<vmem>>
        %dma_wait3A_144 = arith.constant 0 : i32
        %dma_wait3A_145 = arith.constant 0 : i32
        %dma_wait3A_146 = tpu.memref_slice %arg5[%dma_wait3A_144, %dma_wait3A_145] : memref<10000x64xf32, #tpu.memory_space<hbm>> -> memref<10000x64xf32, #tpu.memory_space<hbm>>
        tpu.wait_indirect_dma semaphore(%arg23 : memref<!tpu.dma_semaphore, #tpu.memory_space<semaphore_mem>>) src(%dma_wait3A_146 : memref<10000x64xf32, #tpu.memory_space<hbm>>) dst(%arg11 : memref<128x64xf32, #tpu.memory_space<vmem>>)
        %ge3A_147 = arith.constant 3 : i32
        %ge3A_148 = arith.cmpi sge, %sub3A_105, %ge3A_147 : i32
        %convert_element_type3A_149 = arith.extui %ge3A_148 : i1 to i32
        %cond3A_150 = arith.constant 0 : i32
        %cond3A_151 = arith.cmpi ne, %convert_element_type3A_149, %cond3A_150 : i32
        scf.if %cond3A_151 {
          %dma_wait3A_173 = arith.constant 0 : i32
          %dma_wait3A_174 = arith.constant 0 : i32
          %dma_wait3A_175 = arith.constant 0 : i32
          %dma_wait3A_176 = arith.constant 0 : i32
          %dma_wait3A_177 = tpu.memref_slice %arg6[%dma_wait3A_173, %dma_wait3A_174, %add3A, %dma_wait3A_175, %dma_wait3A_176] : memref<200x8x32x8x128xf32, #tpu.memory_space<hbm>> -> memref<1x8x1x8x128xf32, #tpu.memory_space<hbm>>
          %dma_wait3A_178 = tpu.memref_squeeze %dma_wait3A_177 : memref<1x8x1x8x128xf32, #tpu.memory_space<hbm>> -> memref<8x8x128xf32, #tpu.memory_space<hbm>>
          %dma_wait3A_179 = arith.constant 0 : i32
          %dma_wait3A_180 = arith.constant 0 : i32
          %dma_wait3A_181 = arith.constant 0 : i32
          %dma_wait3A_182 = tpu.memref_slice %arg6[%dma_wait3A_173, %dma_wait3A_179, %add3A, %dma_wait3A_180, %dma_wait3A_181] : memref<200x8x32x8x128xf32, #tpu.memory_space<hbm>> -> memref<1x8x1x8x128xf32, #tpu.memory_space<hbm>>
          %dma_wait3A_183 = tpu.memref_squeeze %dma_wait3A_182 : memref<1x8x1x8x128xf32, #tpu.memory_space<hbm>> -> memref<8x8x128xf32, #tpu.memory_space<hbm>>
          tpu.wait_dma2 semaphore(%arg26 : memref<!tpu.dma_semaphore, #tpu.memory_space<semaphore_mem>>) src(%arg14 : memref<8x8x128xf32, #tpu.memory_space<vmem>>) dst(%dma_wait3A_183 : memref<8x8x128xf32, #tpu.memory_space<hbm>>)
        } else {
        }
        %scan3A_152 = arith.constant 0 : i32
        %scan3A_153 = arith.constant 0 : i32
        %scan3A_154 = arith.constant 32 : i32
        %scan3A_155 = arith.addi %scan3A_153, %scan3A_154 : i32
        %scan3A_156 = arith.constant 1 : i32
        scf.for %scan3A_173 = %scan3A_153 to %scan3A_155 step %scan3A_156  : i32 {
          %mul3A_174 = arith.constant 4 : i32
          %mul3A_175 = arith.muli %scan3A_173, %mul3A_174 : i32
          %add3A_176 = arith.constant 0 : i32
          %add3A_177 = arith.addi %mul3A_175, %add3A_176 : i32
          %get3A = arith.index_cast %add3A_177 : i32 to index
          %get3A_178 = arith.constant 0 : index
          %get3A_179 = tpu.vector_load %arg11[%get3A, %get3A_178] {strides = array<i32>} : memref<128x64xf32, #tpu.memory_space<vmem>>, vector<16xf32>,
          %add3A_180 = vector.broadcast %add3A_177 : i32 to vector<16xi32>
          %add3A_181 = arith.addi %mul3A_6, %add3A_180 : vector<16xi32>
          tpu.vector_store_idx %arg17[%add3A_181], %get3A_179 : memref<8256xf32, #tpu.memory_space<vmem>>[vector<16xi32>], vector<16xf32>,
          %get3A_182 = arith.index_cast %add3A_177 : i32 to index
          %get3A_183 = arith.constant 16 : index
          %get3A_184 = tpu.vector_load %arg11[%get3A_182, %get3A_183] {strides = array<i32>} : memref<128x64xf32, #tpu.memory_space<vmem>>, vector<16xf32>,
          %add3A_185 = vector.broadcast %add3A_177 : i32 to vector<16xi32>
          %add3A_186 = arith.addi %mul3A_12, %add3A_185 : vector<16xi32>
          tpu.vector_store_idx %arg17[%add3A_186], %get3A_184 : memref<8256xf32, #tpu.memory_space<vmem>>[vector<16xi32>], vector<16xf32>,
          %get3A_187 = arith.index_cast %add3A_177 : i32 to index
          %get3A_188 = arith.constant 32 : index
          %get3A_189 = tpu.vector_load %arg11[%get3A_187, %get3A_188] {strides = array<i32>} : memref<128x64xf32, #tpu.memory_space<vmem>>, vector<16xf32>,
          %add3A_190 = vector.broadcast %add3A_177 : i32 to vector<16xi32>
          %add3A_191 = arith.addi %mul3A_18, %add3A_190 : vector<16xi32>
          tpu.vector_store_idx %arg17[%add3A_191], %get3A_189 : memref<8256xf32, #tpu.memory_space<vmem>>[vector<16xi32>], vector<16xf32>,
          %get3A_192 = arith.index_cast %add3A_177 : i32 to index
          %get3A_193 = arith.constant 48 : index
          %get3A_194 = tpu.vector_load %arg11[%get3A_192, %get3A_193] {strides = array<i32>} : memref<128x64xf32, #tpu.memory_space<vmem>>, vector<16xf32>,
          %add3A_195 = vector.broadcast %add3A_177 : i32 to vector<16xi32>
          %add3A_196 = arith.addi %mul3A_24, %add3A_195 : vector<16xi32>
          tpu.vector_store_idx %arg17[%add3A_196], %get3A_194 : memref<8256xf32, #tpu.memory_space<vmem>>[vector<16xi32>], vector<16xf32>,
          %mul3A_197 = arith.constant 4 : i32
          %mul3A_198 = arith.muli %scan3A_173, %mul3A_197 : i32
          %add3A_199 = arith.constant 1 : i32
          %add3A_200 = arith.addi %mul3A_198, %add3A_199 : i32
          %get3A_201 = arith.index_cast %add3A_200 : i32 to index
          %get3A_202 = arith.constant 0 : index
          %get3A_203 = tpu.vector_load %arg11[%get3A_201, %get3A_202] {strides = array<i32>} : memref<128x64xf32, #tpu.memory_space<vmem>>, vector<16xf32>,
          %add3A_204 = vector.broadcast %add3A_200 : i32 to vector<16xi32>
          %add3A_205 = arith.addi %mul3A_6, %add3A_204 : vector<16xi32>
          tpu.vector_store_idx %arg17[%add3A_205], %get3A_203 : memref<8256xf32, #tpu.memory_space<vmem>>[vector<16xi32>], vector<16xf32>,
          %get3A_206 = arith.index_cast %add3A_200 : i32 to index
          %get3A_207 = arith.constant 16 : index
          %get3A_208 = tpu.vector_load %arg11[%get3A_206, %get3A_207] {strides = array<i32>} : memref<128x64xf32, #tpu.memory_space<vmem>>, vector<16xf32>,
          %add3A_209 = vector.broadcast %add3A_200 : i32 to vector<16xi32>
          %add3A_210 = arith.addi %mul3A_12, %add3A_209 : vector<16xi32>
          tpu.vector_store_idx %arg17[%add3A_210], %get3A_208 : memref<8256xf32, #tpu.memory_space<vmem>>[vector<16xi32>], vector<16xf32>,
          %get3A_211 = arith.index_cast %add3A_200 : i32 to index
          %get3A_212 = arith.constant 32 : index
          %get3A_213 = tpu.vector_load %arg11[%get3A_211, %get3A_212] {strides = array<i32>} : memref<128x64xf32, #tpu.memory_space<vmem>>, vector<16xf32>,
          %add3A_214 = vector.broadcast %add3A_200 : i32 to vector<16xi32>
          %add3A_215 = arith.addi %mul3A_18, %add3A_214 : vector<16xi32>
          tpu.vector_store_idx %arg17[%add3A_215], %get3A_213 : memref<8256xf32, #tpu.memory_space<vmem>>[vector<16xi32>], vector<16xf32>,
          %get3A_216 = arith.index_cast %add3A_200 : i32 to index
          %get3A_217 = arith.constant 48 : index
          %get3A_218 = tpu.vector_load %arg11[%get3A_216, %get3A_217] {strides = array<i32>} : memref<128x64xf32, #tpu.memory_space<vmem>>, vector<16xf32>,
          %add3A_219 = vector.broadcast %add3A_200 : i32 to vector<16xi32>
          %add3A_220 = arith.addi %mul3A_24, %add3A_219 : vector<16xi32>
          tpu.vector_store_idx %arg17[%add3A_220], %get3A_218 : memref<8256xf32, #tpu.memory_space<vmem>>[vector<16xi32>], vector<16xf32>,
          %mul3A_221 = arith.constant 4 : i32
          %mul3A_222 = arith.muli %scan3A_173, %mul3A_221 : i32
          %add3A_223 = arith.constant 2 : i32
          %add3A_224 = arith.addi %mul3A_222, %add3A_223 : i32
          %get3A_225 = arith.index_cast %add3A_224 : i32 to index
          %get3A_226 = arith.constant 0 : index
          %get3A_227 = tpu.vector_load %arg11[%get3A_225, %get3A_226] {strides = array<i32>} : memref<128x64xf32, #tpu.memory_space<vmem>>, vector<16xf32>,
          %add3A_228 = vector.broadcast %add3A_224 : i32 to vector<16xi32>
          %add3A_229 = arith.addi %mul3A_6, %add3A_228 : vector<16xi32>
          tpu.vector_store_idx %arg17[%add3A_229], %get3A_227 : memref<8256xf32, #tpu.memory_space<vmem>>[vector<16xi32>], vector<16xf32>,
          %get3A_230 = arith.index_cast %add3A_224 : i32 to index
          %get3A_231 = arith.constant 16 : index
          %get3A_232 = tpu.vector_load %arg11[%get3A_230, %get3A_231] {strides = array<i32>} : memref<128x64xf32, #tpu.memory_space<vmem>>, vector<16xf32>,
          %add3A_233 = vector.broadcast %add3A_224 : i32 to vector<16xi32>
          %add3A_234 = arith.addi %mul3A_12, %add3A_233 : vector<16xi32>
          tpu.vector_store_idx %arg17[%add3A_234], %get3A_232 : memref<8256xf32, #tpu.memory_space<vmem>>[vector<16xi32>], vector<16xf32>,
          %get3A_235 = arith.index_cast %add3A_224 : i32 to index
          %get3A_236 = arith.constant 32 : index
          %get3A_237 = tpu.vector_load %arg11[%get3A_235, %get3A_236] {strides = array<i32>} : memref<128x64xf32, #tpu.memory_space<vmem>>, vector<16xf32>,
          %add3A_238 = vector.broadcast %add3A_224 : i32 to vector<16xi32>
          %add3A_239 = arith.addi %mul3A_18, %add3A_238 : vector<16xi32>
          tpu.vector_store_idx %arg17[%add3A_239], %get3A_237 : memref<8256xf32, #tpu.memory_space<vmem>>[vector<16xi32>], vector<16xf32>,
          %get3A_240 = arith.index_cast %add3A_224 : i32 to index
          %get3A_241 = arith.constant 48 : index
          %get3A_242 = tpu.vector_load %arg11[%get3A_240, %get3A_241] {strides = array<i32>} : memref<128x64xf32, #tpu.memory_space<vmem>>, vector<16xf32>,
          %add3A_243 = vector.broadcast %add3A_224 : i32 to vector<16xi32>
          %add3A_244 = arith.addi %mul3A_24, %add3A_243 : vector<16xi32>
          tpu.vector_store_idx %arg17[%add3A_244], %get3A_242 : memref<8256xf32, #tpu.memory_space<vmem>>[vector<16xi32>], vector<16xf32>,
          %mul3A_245 = arith.constant 4 : i32
          %mul3A_246 = arith.muli %scan3A_173, %mul3A_245 : i32
          %add3A_247 = arith.constant 3 : i32
          %add3A_248 = arith.addi %mul3A_246, %add3A_247 : i32
          %get3A_249 = arith.index_cast %add3A_248 : i32 to index
          %get3A_250 = arith.constant 0 : index
          %get3A_251 = tpu.vector_load %arg11[%get3A_249, %get3A_250] {strides = array<i32>} : memref<128x64xf32, #tpu.memory_space<vmem>>, vector<16xf32>,
          %add3A_252 = vector.broadcast %add3A_248 : i32 to vector<16xi32>
          %add3A_253 = arith.addi %mul3A_6, %add3A_252 : vector<16xi32>
          tpu.vector_store_idx %arg17[%add3A_253], %get3A_251 : memref<8256xf32, #tpu.memory_space<vmem>>[vector<16xi32>], vector<16xf32>,
          %get3A_254 = arith.index_cast %add3A_248 : i32 to index
          %get3A_255 = arith.constant 16 : index
          %get3A_256 = tpu.vector_load %arg11[%get3A_254, %get3A_255] {strides = array<i32>} : memref<128x64xf32, #tpu.memory_space<vmem>>, vector<16xf32>,
          %add3A_257 = vector.broadcast %add3A_248 : i32 to vector<16xi32>
          %add3A_258 = arith.addi %mul3A_12, %add3A_257 : vector<16xi32>
          tpu.vector_store_idx %arg17[%add3A_258], %get3A_256 : memref<8256xf32, #tpu.memory_space<vmem>>[vector<16xi32>], vector<16xf32>,
          %get3A_259 = arith.index_cast %add3A_248 : i32 to index
          %get3A_260 = arith.constant 32 : index
          %get3A_261 = tpu.vector_load %arg11[%get3A_259, %get3A_260] {strides = array<i32>} : memref<128x64xf32, #tpu.memory_space<vmem>>, vector<16xf32>,
          %add3A_262 = vector.broadcast %add3A_248 : i32 to vector<16xi32>
          %add3A_263 = arith.addi %mul3A_18, %add3A_262 : vector<16xi32>
          tpu.vector_store_idx %arg17[%add3A_263], %get3A_261 : memref<8256xf32, #tpu.memory_space<vmem>>[vector<16xi32>], vector<16xf32>,
          %get3A_264 = arith.index_cast %add3A_248 : i32 to index
          %get3A_265 = arith.constant 48 : index
          %get3A_266 = tpu.vector_load %arg11[%get3A_264, %get3A_265] {strides = array<i32>} : memref<128x64xf32, #tpu.memory_space<vmem>>, vector<16xf32>,
          %add3A_267 = vector.broadcast %add3A_248 : i32 to vector<16xi32>
          %add3A_268 = arith.addi %mul3A_24, %add3A_267 : vector<16xi32>
          tpu.vector_store_idx %arg17[%add3A_268], %get3A_266 : memref<8256xf32, #tpu.memory_space<vmem>>[vector<16xi32>], vector<16xf32>,
        }
        %scan3A_157 = arith.constant 32 : i32
        %scan3A_158 = arith.constant 0 : i32
        %scan3A_159 = arith.constant 0 : i32
        %scan3A_160 = arith.constant 8 : i32
        %scan3A_161 = arith.addi %scan3A_159, %scan3A_160 : i32
        %scan3A_162 = arith.constant 1 : i32
        scf.for %scan3A_173 = %scan3A_159 to %scan3A_161 step %scan3A_162  : i32 {
          %mul3A_174 = arith.constant 8 : i32
          %mul3A_175 = arith.muli %scan3A_173, %mul3A_174 : i32
          %add3A_176 = arith.constant 0 : i32
          %add3A_177 = arith.addi %mul3A_175, %add3A_176 : i32
          %mul3A_178 = arith.constant 129 : i32
          %mul3A_179 = arith.muli %add3A_177, %mul3A_178 : i32
          %add3A_180 = arith.constant 0 : i32
          %add3A_181 = arith.addi %mul3A_179, %add3A_180 : i32
          %get3A = arith.index_cast %add3A_181 : i32 to index
          %get3A_182 = tpu.vector_load %arg17[%get3A] {strides = array<i32>} : memref<8256xf32, #tpu.memory_space<vmem>>, vector<16xf32>,
          %swap3A = arith.constant 0 : i32
          %swap3A_183 = arith.index_cast %scan3A_173 : i32 to index
          %swap3A_184 = arith.index_cast %swap3A : i32 to index
          %swap3A_185 = arith.constant 0 : index
          %swap3A_186 = tpu.vector_load %arg14[%swap3A_183, %swap3A_184, %swap3A_185] {strides = array<i32>} : memref<8x8x128xf32, #tpu.memory_space<vmem>>, vector<16xf32>,
          tpu.vector_store %arg14[%swap3A_183, %swap3A_184, %swap3A_185], %get3A_182 {strides = array<i32>} : memref<8x8x128xf32, #tpu.memory_space<vmem>>, vector<16xf32>,
          %mul3A_187 = arith.constant 129 : i32
          %mul3A_188 = arith.muli %add3A_177, %mul3A_187 : i32
          %add3A_189 = arith.constant 16 : i32
          %add3A_190 = arith.addi %mul3A_188, %add3A_189 : i32
          %get3A_191 = arith.index_cast %add3A_190 : i32 to index
          %get3A_192 = tpu.vector_load %arg17[%get3A_191] {strides = array<i32>} : memref<8256xf32, #tpu.memory_space<vmem>>, vector<16xf32>,
          %swap3A_193 = arith.constant 0 : i32
          %swap3A_194 = arith.index_cast %scan3A_173 : i32 to index
          %swap3A_195 = arith.index_cast %swap3A_193 : i32 to index
          %swap3A_196 = arith.constant 16 : index
          %swap3A_197 = tpu.vector_load %arg14[%swap3A_194, %swap3A_195, %swap3A_196] {strides = array<i32>} : memref<8x8x128xf32, #tpu.memory_space<vmem>>, vector<16xf32>,
          tpu.vector_store %arg14[%swap3A_194, %swap3A_195, %swap3A_196], %get3A_192 {strides = array<i32>} : memref<8x8x128xf32, #tpu.memory_space<vmem>>, vector<16xf32>,
          %mul3A_198 = arith.constant 129 : i32
          %mul3A_199 = arith.muli %add3A_177, %mul3A_198 : i32
          %add3A_200 = arith.constant 32 : i32
          %add3A_201 = arith.addi %mul3A_199, %add3A_200 : i32
          %get3A_202 = arith.index_cast %add3A_201 : i32 to index
          %get3A_203 = tpu.vector_load %arg17[%get3A_202] {strides = array<i32>} : memref<8256xf32, #tpu.memory_space<vmem>>, vector<16xf32>,
          %swap3A_204 = arith.constant 0 : i32
          %swap3A_205 = arith.index_cast %scan3A_173 : i32 to index
          %swap3A_206 = arith.index_cast %swap3A_204 : i32 to index
          %swap3A_207 = arith.constant 32 : index
          %swap3A_208 = tpu.vector_load %arg14[%swap3A_205, %swap3A_206, %swap3A_207] {strides = array<i32>} : memref<8x8x128xf32, #tpu.memory_space<vmem>>, vector<16xf32>,
          tpu.vector_store %arg14[%swap3A_205, %swap3A_206, %swap3A_207], %get3A_203 {strides = array<i32>} : memref<8x8x128xf32, #tpu.memory_space<vmem>>, vector<16xf32>,
          %mul3A_209 = arith.constant 129 : i32
          %mul3A_210 = arith.muli %add3A_177, %mul3A_209 : i32
          %add3A_211 = arith.constant 48 : i32
          %add3A_212 = arith.addi %mul3A_210, %add3A_211 : i32
          %get3A_213 = arith.index_cast %add3A_212 : i32 to index
          %get3A_214 = tpu.vector_load %arg17[%get3A_213] {strides = array<i32>} : memref<8256xf32, #tpu.memory_space<vmem>>, vector<16xf32>,
          %swap3A_215 = arith.constant 0 : i32
          %swap3A_216 = arith.index_cast %scan3A_173 : i32 to index
          %swap3A_217 = arith.index_cast %swap3A_215 : i32 to index
          %swap3A_218 = arith.constant 48 : index
          %swap3A_219 = tpu.vector_load %arg14[%swap3A_216, %swap3A_217, %swap3A_218] {strides = array<i32>} : memref<8x8x128xf32, #tpu.memory_space<vmem>>, vector<16xf32>,
          tpu.vector_store %arg14[%swap3A_216, %swap3A_217, %swap3A_218], %get3A_214 {strides = array<i32>} : memref<8x8x128xf32, #tpu.memory_space<vmem>>, vector<16xf32>,
          %mul3A_220 = arith.constant 129 : i32
          %mul3A_221 = arith.muli %add3A_177, %mul3A_220 : i32
          %add3A_222 = arith.constant 64 : i32
          %add3A_223 = arith.addi %mul3A_221, %add3A_222 : i32
          %get3A_224 = arith.index_cast %add3A_223 : i32 to index
          %get3A_225 = tpu.vector_load %arg17[%get3A_224] {strides = array<i32>} : memref<8256xf32, #tpu.memory_space<vmem>>, vector<16xf32>,
          %swap3A_226 = arith.constant 0 : i32
          %swap3A_227 = arith.index_cast %scan3A_173 : i32 to index
          %swap3A_228 = arith.index_cast %swap3A_226 : i32 to index
          %swap3A_229 = arith.constant 64 : index
          %swap3A_230 = tpu.vector_load %arg14[%swap3A_227, %swap3A_228, %swap3A_229] {strides = array<i32>} : memref<8x8x128xf32, #tpu.memory_space<vmem>>, vector<16xf32>,
          tpu.vector_store %arg14[%swap3A_227, %swap3A_228, %swap3A_229], %get3A_225 {strides = array<i32>} : memref<8x8x128xf32, #tpu.memory_space<vmem>>, vector<16xf32>,
          %mul3A_231 = arith.constant 129 : i32
          %mul3A_232 = arith.muli %add3A_177, %mul3A_231 : i32
          %add3A_233 = arith.constant 80 : i32
          %add3A_234 = arith.addi %mul3A_232, %add3A_233 : i32
          %get3A_235 = arith.index_cast %add3A_234 : i32 to index
          %get3A_236 = tpu.vector_load %arg17[%get3A_235] {strides = array<i32>} : memref<8256xf32, #tpu.memory_space<vmem>>, vector<16xf32>,
          %swap3A_237 = arith.constant 0 : i32
          %swap3A_238 = arith.index_cast %scan3A_173 : i32 to index
          %swap3A_239 = arith.index_cast %swap3A_237 : i32 to index
          %swap3A_240 = arith.constant 80 : index
          %swap3A_241 = tpu.vector_load %arg14[%swap3A_238, %swap3A_239, %swap3A_240] {strides = array<i32>} : memref<8x8x128xf32, #tpu.memory_space<vmem>>, vector<16xf32>,
          tpu.vector_store %arg14[%swap3A_238, %swap3A_239, %swap3A_240], %get3A_236 {strides = array<i32>} : memref<8x8x128xf32, #tpu.memory_space<vmem>>, vector<16xf32>,
          %mul3A_242 = arith.constant 129 : i32
          %mul3A_243 = arith.muli %add3A_177, %mul3A_242 : i32
          %add3A_244 = arith.constant 96 : i32
          %add3A_245 = arith.addi %mul3A_243, %add3A_244 : i32
          %get3A_246 = arith.index_cast %add3A_245 : i32 to index
          %get3A_247 = tpu.vector_load %arg17[%get3A_246] {strides = array<i32>} : memref<8256xf32, #tpu.memory_space<vmem>>, vector<16xf32>,
          %swap3A_248 = arith.constant 0 : i32
          %swap3A_249 = arith.index_cast %scan3A_173 : i32 to index
          %swap3A_250 = arith.index_cast %swap3A_248 : i32 to index
          %swap3A_251 = arith.constant 96 : index
          %swap3A_252 = tpu.vector_load %arg14[%swap3A_249, %swap3A_250, %swap3A_251] {strides = array<i32>} : memref<8x8x128xf32, #tpu.memory_space<vmem>>, vector<16xf32>,
          tpu.vector_store %arg14[%swap3A_249, %swap3A_250, %swap3A_251], %get3A_247 {strides = array<i32>} : memref<8x8x128xf32, #tpu.memory_space<vmem>>, vector<16xf32>,
          %mul3A_253 = arith.constant 129 : i32
          %mul3A_254 = arith.muli %add3A_177, %mul3A_253 : i32
          %add3A_255 = arith.constant 112 : i32
          %add3A_256 = arith.addi %mul3A_254, %add3A_255 : i32
          %get3A_257 = arith.index_cast %add3A_256 : i32 to index
          %get3A_258 = tpu.vector_load %arg17[%get3A_257] {strides = array<i32>} : memref<8256xf32, #tpu.memory_space<vmem>>, vector<16xf32>,
          %swap3A_259 = arith.constant 0 : i32
          %swap3A_260 = arith.index_cast %scan3A_173 : i32 to index
          %swap3A_261 = arith.index_cast %swap3A_259 : i32 to index
          %swap3A_262 = arith.constant 112 : index
          %swap3A_263 = tpu.vector_load %arg14[%swap3A_260, %swap3A_261, %swap3A_262] {strides = array<i32>} : memref<8x8x128xf32, #tpu.memory_space<vmem>>, vector<16xf32>,
          tpu.vector_store %arg14[%swap3A_260, %swap3A_261, %swap3A_262], %get3A_258 {strides = array<i32>} : memref<8x8x128xf32, #tpu.memory_space<vmem>>, vector<16xf32>,
          %mul3A_264 = arith.constant 8 : i32
          %mul3A_265 = arith.muli %scan3A_173, %mul3A_264 : i32
          %add3A_266 = arith.constant 1 : i32
          %add3A_267 = arith.addi %mul3A_265, %add3A_266 : i32
          %mul3A_268 = arith.constant 129 : i32
          %mul3A_269 = arith.muli %add3A_267, %mul3A_268 : i32
          %add3A_270 = arith.constant 0 : i32
          %add3A_271 = arith.addi %mul3A_269, %add3A_270 : i32
          %get3A_272 = arith.index_cast %add3A_271 : i32 to index
          %get3A_273 = tpu.vector_load %arg17[%get3A_272] {strides = array<i32>} : memref<8256xf32, #tpu.memory_space<vmem>>, vector<16xf32>,
          %swap3A_274 = arith.constant 1 : i32
          %swap3A_275 = arith.index_cast %scan3A_173 : i32 to index
          %swap3A_276 = arith.index_cast %swap3A_274 : i32 to index
          %swap3A_277 = arith.constant 0 : index
          %swap3A_278 = tpu.vector_load %arg14[%swap3A_275, %swap3A_276, %swap3A_277] {strides = array<i32>} : memref<8x8x128xf32, #tpu.memory_space<vmem>>, vector<16xf32>,
          tpu.vector_store %arg14[%swap3A_275, %swap3A_276, %swap3A_277], %get3A_273 {strides = array<i32>} : memref<8x8x128xf32, #tpu.memory_space<vmem>>, vector<16xf32>,
          %mul3A_279 = arith.constant 129 : i32
          %mul3A_280 = arith.muli %add3A_267, %mul3A_279 : i32
          %add3A_281 = arith.constant 16 : i32
          %add3A_282 = arith.addi %mul3A_280, %add3A_281 : i32
          %get3A_283 = arith.index_cast %add3A_282 : i32 to index
          %get3A_284 = tpu.vector_load %arg17[%get3A_283] {strides = array<i32>} : memref<8256xf32, #tpu.memory_space<vmem>>, vector<16xf32>,
          %swap3A_285 = arith.constant 1 : i32
          %swap3A_286 = arith.index_cast %scan3A_173 : i32 to index
          %swap3A_287 = arith.index_cast %swap3A_285 : i32 to index
          %swap3A_288 = arith.constant 16 : index
          %swap3A_289 = tpu.vector_load %arg14[%swap3A_286, %swap3A_287, %swap3A_288] {strides = array<i32>} : memref<8x8x128xf32, #tpu.memory_space<vmem>>, vector<16xf32>,
          tpu.vector_store %arg14[%swap3A_286, %swap3A_287, %swap3A_288], %get3A_284 {strides = array<i32>} : memref<8x8x128xf32, #tpu.memory_space<vmem>>, vector<16xf32>,
          %mul3A_290 = arith.constant 129 : i32
          %mul3A_291 = arith.muli %add3A_267, %mul3A_290 : i32
          %add3A_292 = arith.constant 32 : i32
          %add3A_293 = arith.addi %mul3A_291, %add3A_292 : i32
          %get3A_294 = arith.index_cast %add3A_293 : i32 to index
          %get3A_295 = tpu.vector_load %arg17[%get3A_294] {strides = array<i32>} : memref<8256xf32, #tpu.memory_space<vmem>>, vector<16xf32>,
          %swap3A_296 = arith.constant 1 : i32
          %swap3A_297 = arith.index_cast %scan3A_173 : i32 to index
          %swap3A_298 = arith.index_cast %swap3A_296 : i32 to index
          %swap3A_299 = arith.constant 32 : index
          %swap3A_300 = tpu.vector_load %arg14[%swap3A_297, %swap3A_298, %swap3A_299] {strides = array<i32>} : memref<8x8x128xf32, #tpu.memory_space<vmem>>, vector<16xf32>,
          tpu.vector_store %arg14[%swap3A_297, %swap3A_298, %swap3A_299], %get3A_295 {strides = array<i32>} : memref<8x8x128xf32, #tpu.memory_space<vmem>>, vector<16xf32>,
          %mul3A_301 = arith.constant 129 : i32
          %mul3A_302 = arith.muli %add3A_267, %mul3A_301 : i32
          %add3A_303 = arith.constant 48 : i32
          %add3A_304 = arith.addi %mul3A_302, %add3A_303 : i32
          %get3A_305 = arith.index_cast %add3A_304 : i32 to index
          %get3A_306 = tpu.vector_load %arg17[%get3A_305] {strides = array<i32>} : memref<8256xf32, #tpu.memory_space<vmem>>, vector<16xf32>,
          %swap3A_307 = arith.constant 1 : i32
          %swap3A_308 = arith.index_cast %scan3A_173 : i32 to index
          %swap3A_309 = arith.index_cast %swap3A_307 : i32 to index
          %swap3A_310 = arith.constant 48 : index
          %swap3A_311 = tpu.vector_load %arg14[%swap3A_308, %swap3A_309, %swap3A_310] {strides = array<i32>} : memref<8x8x128xf32, #tpu.memory_space<vmem>>, vector<16xf32>,
          tpu.vector_store %arg14[%swap3A_308, %swap3A_309, %swap3A_310], %get3A_306 {strides = array<i32>} : memref<8x8x128xf32, #tpu.memory_space<vmem>>, vector<16xf32>,
          %mul3A_312 = arith.constant 129 : i32
          %mul3A_313 = arith.muli %add3A_267, %mul3A_312 : i32
          %add3A_314 = arith.constant 64 : i32
          %add3A_315 = arith.addi %mul3A_313, %add3A_314 : i32
          %get3A_316 = arith.index_cast %add3A_315 : i32 to index
          %get3A_317 = tpu.vector_load %arg17[%get3A_316] {strides = array<i32>} : memref<8256xf32, #tpu.memory_space<vmem>>, vector<16xf32>,
          %swap3A_318 = arith.constant 1 : i32
          %swap3A_319 = arith.index_cast %scan3A_173 : i32 to index
          %swap3A_320 = arith.index_cast %swap3A_318 : i32 to index
          %swap3A_321 = arith.constant 64 : index
          %swap3A_322 = tpu.vector_load %arg14[%swap3A_319, %swap3A_320, %swap3A_321] {strides = array<i32>} : memref<8x8x128xf32, #tpu.memory_space<vmem>>, vector<16xf32>,
          tpu.vector_store %arg14[%swap3A_319, %swap3A_320, %swap3A_321], %get3A_317 {strides = array<i32>} : memref<8x8x128xf32, #tpu.memory_space<vmem>>, vector<16xf32>,
          %mul3A_323 = arith.constant 129 : i32
          %mul3A_324 = arith.muli %add3A_267, %mul3A_323 : i32
          %add3A_325 = arith.constant 80 : i32
          %add3A_326 = arith.addi %mul3A_324, %add3A_325 : i32
          %get3A_327 = arith.index_cast %add3A_326 : i32 to index
          %get3A_328 = tpu.vector_load %arg17[%get3A_327] {strides = array<i32>} : memref<8256xf32, #tpu.memory_space<vmem>>, vector<16xf32>,
          %swap3A_329 = arith.constant 1 : i32
          %swap3A_330 = arith.index_cast %scan3A_173 : i32 to index
          %swap3A_331 = arith.index_cast %swap3A_329 : i32 to index
          %swap3A_332 = arith.constant 80 : index
          %swap3A_333 = tpu.vector_load %arg14[%swap3A_330, %swap3A_331, %swap3A_332] {strides = array<i32>} : memref<8x8x128xf32, #tpu.memory_space<vmem>>, vector<16xf32>,
          tpu.vector_store %arg14[%swap3A_330, %swap3A_331, %swap3A_332], %get3A_328 {strides = array<i32>} : memref<8x8x128xf32, #tpu.memory_space<vmem>>, vector<16xf32>,
          %mul3A_334 = arith.constant 129 : i32
          %mul3A_335 = arith.muli %add3A_267, %mul3A_334 : i32
          %add3A_336 = arith.constant 96 : i32
          %add3A_337 = arith.addi %mul3A_335, %add3A_336 : i32
          %get3A_338 = arith.index_cast %add3A_337 : i32 to index
          %get3A_339 = tpu.vector_load %arg17[%get3A_338] {strides = array<i32>} : memref<8256xf32, #tpu.memory_space<vmem>>, vector<16xf32>,
          %swap3A_340 = arith.constant 1 : i32
          %swap3A_341 = arith.index_cast %scan3A_173 : i32 to index
          %swap3A_342 = arith.index_cast %swap3A_340 : i32 to index
          %swap3A_343 = arith.constant 96 : index
          %swap3A_344 = tpu.vector_load %arg14[%swap3A_341, %swap3A_342, %swap3A_343] {strides = array<i32>} : memref<8x8x128xf32, #tpu.memory_space<vmem>>, vector<16xf32>,
          tpu.vector_store %arg14[%swap3A_341, %swap3A_342, %swap3A_343], %get3A_339 {strides = array<i32>} : memref<8x8x128xf32, #tpu.memory_space<vmem>>, vector<16xf32>,
          %mul3A_345 = arith.constant 129 : i32
          %mul3A_346 = arith.muli %add3A_267, %mul3A_345 : i32
          %add3A_347 = arith.constant 112 : i32
          %add3A_348 = arith.addi %mul3A_346, %add3A_347 : i32
          %get3A_349 = arith.index_cast %add3A_348 : i32 to index
          %get3A_350 = tpu.vector_load %arg17[%get3A_349] {strides = array<i32>} : memref<8256xf32, #tpu.memory_space<vmem>>, vector<16xf32>,
          %swap3A_351 = arith.constant 1 : i32
          %swap3A_352 = arith.index_cast %scan3A_173 : i32 to index
          %swap3A_353 = arith.index_cast %swap3A_351 : i32 to index
          %swap3A_354 = arith.constant 112 : index
          %swap3A_355 = tpu.vector_load %arg14[%swap3A_352, %swap3A_353, %swap3A_354] {strides = array<i32>} : memref<8x8x128xf32, #tpu.memory_space<vmem>>, vector<16xf32>,
          tpu.vector_store %arg14[%swap3A_352, %swap3A_353, %swap3A_354], %get3A_350 {strides = array<i32>} : memref<8x8x128xf32, #tpu.memory_space<vmem>>, vector<16xf32>,
          %mul3A_356 = arith.constant 8 : i32
          %mul3A_357 = arith.muli %scan3A_173, %mul3A_356 : i32
          %add3A_358 = arith.constant 2 : i32
          %add3A_359 = arith.addi %mul3A_357, %add3A_358 : i32
          %mul3A_360 = arith.constant 129 : i32
          %mul3A_361 = arith.muli %add3A_359, %mul3A_360 : i32
          %add3A_362 = arith.constant 0 : i32
          %add3A_363 = arith.addi %mul3A_361, %add3A_362 : i32
          %get3A_364 = arith.index_cast %add3A_363 : i32 to index
          %get3A_365 = tpu.vector_load %arg17[%get3A_364] {strides = array<i32>} : memref<8256xf32, #tpu.memory_space<vmem>>, vector<16xf32>,
          %swap3A_366 = arith.constant 2 : i32
          %swap3A_367 = arith.index_cast %scan3A_173 : i32 to index
          %swap3A_368 = arith.index_cast %swap3A_366 : i32 to index
          %swap3A_369 = arith.constant 0 : index
          %swap3A_370 = tpu.vector_load %arg14[%swap3A_367, %swap3A_368, %swap3A_369] {strides = array<i32>} : memref<8x8x128xf32, #tpu.memory_space<vmem>>, vector<16xf32>,
          tpu.vector_store %arg14[%swap3A_367, %swap3A_368, %swap3A_369], %get3A_365 {strides = array<i32>} : memref<8x8x128xf32, #tpu.memory_space<vmem>>, vector<16xf32>,
          %mul3A_371 = arith.constant 129 : i32
          %mul3A_372 = arith.muli %add3A_359, %mul3A_371 : i32
          %add3A_373 = arith.constant 16 : i32
          %add3A_374 = arith.addi %mul3A_372, %add3A_373 : i32
          %get3A_375 = arith.index_cast %add3A_374 : i32 to index
          %get3A_376 = tpu.vector_load %arg17[%get3A_375] {strides = array<i32>} : memref<8256xf32, #tpu.memory_space<vmem>>, vector<16xf32>,
          %swap3A_377 = arith.constant 2 : i32
          %swap3A_378 = arith.index_cast %scan3A_173 : i32 to index
          %swap3A_379 = arith.index_cast %swap3A_377 : i32 to index
          %swap3A_380 = arith.constant 16 : index
          %swap3A_381 = tpu.vector_load %arg14[%swap3A_378, %swap3A_379, %swap3A_380] {strides = array<i32>} : memref<8x8x128xf32, #tpu.memory_space<vmem>>, vector<16xf32>,
          tpu.vector_store %arg14[%swap3A_378, %swap3A_379, %swap3A_380], %get3A_376 {strides = array<i32>} : memref<8x8x128xf32, #tpu.memory_space<vmem>>, vector<16xf32>,
          %mul3A_382 = arith.constant 129 : i32
          %mul3A_383 = arith.muli %add3A_359, %mul3A_382 : i32
          %add3A_384 = arith.constant 32 : i32
          %add3A_385 = arith.addi %mul3A_383, %add3A_384 : i32
          %get3A_386 = arith.index_cast %add3A_385 : i32 to index
          %get3A_387 = tpu.vector_load %arg17[%get3A_386] {strides = array<i32>} : memref<8256xf32, #tpu.memory_space<vmem>>, vector<16xf32>,
          %swap3A_388 = arith.constant 2 : i32
          %swap3A_389 = arith.index_cast %scan3A_173 : i32 to index
          %swap3A_390 = arith.index_cast %swap3A_388 : i32 to index
          %swap3A_391 = arith.constant 32 : index
          %swap3A_392 = tpu.vector_load %arg14[%swap3A_389, %swap3A_390, %swap3A_391] {strides = array<i32>} : memref<8x8x128xf32, #tpu.memory_space<vmem>>, vector<16xf32>,
          tpu.vector_store %arg14[%swap3A_389, %swap3A_390, %swap3A_391], %get3A_387 {strides = array<i32>} : memref<8x8x128xf32, #tpu.memory_space<vmem>>, vector<16xf32>,
          %mul3A_393 = arith.constant 129 : i32
          %mul3A_394 = arith.muli %add3A_359, %mul3A_393 : i32
          %add3A_395 = arith.constant 48 : i32
          %add3A_396 = arith.addi %mul3A_394, %add3A_395 : i32
          %get3A_397 = arith.index_cast %add3A_396 : i32 to index
          %get3A_398 = tpu.vector_load %arg17[%get3A_397] {strides = array<i32>} : memref<8256xf32, #tpu.memory_space<vmem>>, vector<16xf32>,
          %swap3A_399 = arith.constant 2 : i32
          %swap3A_400 = arith.index_cast %scan3A_173 : i32 to index
          %swap3A_401 = arith.index_cast %swap3A_399 : i32 to index
          %swap3A_402 = arith.constant 48 : index
          %swap3A_403 = tpu.vector_load %arg14[%swap3A_400, %swap3A_401, %swap3A_402] {strides = array<i32>} : memref<8x8x128xf32, #tpu.memory_space<vmem>>, vector<16xf32>,
          tpu.vector_store %arg14[%swap3A_400, %swap3A_401, %swap3A_402], %get3A_398 {strides = array<i32>} : memref<8x8x128xf32, #tpu.memory_space<vmem>>, vector<16xf32>,
          %mul3A_404 = arith.constant 129 : i32
          %mul3A_405 = arith.muli %add3A_359, %mul3A_404 : i32
          %add3A_406 = arith.constant 64 : i32
          %add3A_407 = arith.addi %mul3A_405, %add3A_406 : i32
          %get3A_408 = arith.index_cast %add3A_407 : i32 to index
          %get3A_409 = tpu.vector_load %arg17[%get3A_408] {strides = array<i32>} : memref<8256xf32, #tpu.memory_space<vmem>>, vector<16xf32>,
          %swap3A_410 = arith.constant 2 : i32
          %swap3A_411 = arith.index_cast %scan3A_173 : i32 to index
          %swap3A_412 = arith.index_cast %swap3A_410 : i32 to index
          %swap3A_413 = arith.constant 64 : index
          %swap3A_414 = tpu.vector_load %arg14[%swap3A_411, %swap3A_412, %swap3A_413] {strides = array<i32>} : memref<8x8x128xf32, #tpu.memory_space<vmem>>, vector<16xf32>,
          tpu.vector_store %arg14[%swap3A_411, %swap3A_412, %swap3A_413], %get3A_409 {strides = array<i32>} : memref<8x8x128xf32, #tpu.memory_space<vmem>>, vector<16xf32>,
          %mul3A_415 = arith.constant 129 : i32
          %mul3A_416 = arith.muli %add3A_359, %mul3A_415 : i32
          %add3A_417 = arith.constant 80 : i32
          %add3A_418 = arith.addi %mul3A_416, %add3A_417 : i32
          %get3A_419 = arith.index_cast %add3A_418 : i32 to index
          %get3A_420 = tpu.vector_load %arg17[%get3A_419] {strides = array<i32>} : memref<8256xf32, #tpu.memory_space<vmem>>, vector<16xf32>,
          %swap3A_421 = arith.constant 2 : i32
          %swap3A_422 = arith.index_cast %scan3A_173 : i32 to index
          %swap3A_423 = arith.index_cast %swap3A_421 : i32 to index
          %swap3A_424 = arith.constant 80 : index
          %swap3A_425 = tpu.vector_load %arg14[%swap3A_422, %swap3A_423, %swap3A_424] {strides = array<i32>} : memref<8x8x128xf32, #tpu.memory_space<vmem>>, vector<16xf32>,
          tpu.vector_store %arg14[%swap3A_422, %swap3A_423, %swap3A_424], %get3A_420 {strides = array<i32>} : memref<8x8x128xf32, #tpu.memory_space<vmem>>, vector<16xf32>,
          %mul3A_426 = arith.constant 129 : i32
          %mul3A_427 = arith.muli %add3A_359, %mul3A_426 : i32
          %add3A_428 = arith.constant 96 : i32
          %add3A_429 = arith.addi %mul3A_427, %add3A_428 : i32
          %get3A_430 = arith.index_cast %add3A_429 : i32 to index
          %get3A_431 = tpu.vector_load %arg17[%get3A_430] {strides = array<i32>} : memref<8256xf32, #tpu.memory_space<vmem>>, vector<16xf32>,
          %swap3A_432 = arith.constant 2 : i32
          %swap3A_433 = arith.index_cast %scan3A_173 : i32 to index
          %swap3A_434 = arith.index_cast %swap3A_432 : i32 to index
          %swap3A_435 = arith.constant 96 : index
          %swap3A_436 = tpu.vector_load %arg14[%swap3A_433, %swap3A_434, %swap3A_435] {strides = array<i32>} : memref<8x8x128xf32, #tpu.memory_space<vmem>>, vector<16xf32>,
          tpu.vector_store %arg14[%swap3A_433, %swap3A_434, %swap3A_435], %get3A_431 {strides = array<i32>} : memref<8x8x128xf32, #tpu.memory_space<vmem>>, vector<16xf32>,
          %mul3A_437 = arith.constant 129 : i32
          %mul3A_438 = arith.muli %add3A_359, %mul3A_437 : i32
          %add3A_439 = arith.constant 112 : i32
          %add3A_440 = arith.addi %mul3A_438, %add3A_439 : i32
          %get3A_441 = arith.index_cast %add3A_440 : i32 to index
          %get3A_442 = tpu.vector_load %arg17[%get3A_441] {strides = array<i32>} : memref<8256xf32, #tpu.memory_space<vmem>>, vector<16xf32>,
          %swap3A_443 = arith.constant 2 : i32
          %swap3A_444 = arith.index_cast %scan3A_173 : i32 to index
          %swap3A_445 = arith.index_cast %swap3A_443 : i32 to index
          %swap3A_446 = arith.constant 112 : index
          %swap3A_447 = tpu.vector_load %arg14[%swap3A_444, %swap3A_445, %swap3A_446] {strides = array<i32>} : memref<8x8x128xf32, #tpu.memory_space<vmem>>, vector<16xf32>,
          tpu.vector_store %arg14[%swap3A_444, %swap3A_445, %swap3A_446], %get3A_442 {strides = array<i32>} : memref<8x8x128xf32, #tpu.memory_space<vmem>>, vector<16xf32>,
          %mul3A_448 = arith.constant 8 : i32
          %mul3A_449 = arith.muli %scan3A_173, %mul3A_448 : i32
          %add3A_450 = arith.constant 3 : i32
          %add3A_451 = arith.addi %mul3A_449, %add3A_450 : i32
          %mul3A_452 = arith.constant 129 : i32
          %mul3A_453 = arith.muli %add3A_451, %mul3A_452 : i32
          %add3A_454 = arith.constant 0 : i32
          %add3A_455 = arith.addi %mul3A_453, %add3A_454 : i32
          %get3A_456 = arith.index_cast %add3A_455 : i32 to index
          %get3A_457 = tpu.vector_load %arg17[%get3A_456] {strides = array<i32>} : memref<8256xf32, #tpu.memory_space<vmem>>, vector<16xf32>,
          %swap3A_458 = arith.constant 3 : i32
          %swap3A_459 = arith.index_cast %scan3A_173 : i32 to index
          %swap3A_460 = arith.index_cast %swap3A_458 : i32 to index
          %swap3A_461 = arith.constant 0 : index
          %swap3A_462 = tpu.vector_load %arg14[%swap3A_459, %swap3A_460, %swap3A_461] {strides = array<i32>} : memref<8x8x128xf32, #tpu.memory_space<vmem>>, vector<16xf32>,
          tpu.vector_store %arg14[%swap3A_459, %swap3A_460, %swap3A_461], %get3A_457 {strides = array<i32>} : memref<8x8x128xf32, #tpu.memory_space<vmem>>, vector<16xf32>,
          %mul3A_463 = arith.constant 129 : i32
          %mul3A_464 = arith.muli %add3A_451, %mul3A_463 : i32
          %add3A_465 = arith.constant 16 : i32
          %add3A_466 = arith.addi %mul3A_464, %add3A_465 : i32
          %get3A_467 = arith.index_cast %add3A_466 : i32 to index
          %get3A_468 = tpu.vector_load %arg17[%get3A_467] {strides = array<i32>} : memref<8256xf32, #tpu.memory_space<vmem>>, vector<16xf32>,
          %swap3A_469 = arith.constant 3 : i32
          %swap3A_470 = arith.index_cast %scan3A_173 : i32 to index
          %swap3A_471 = arith.index_cast %swap3A_469 : i32 to index
          %swap3A_472 = arith.constant 16 : index
          %swap3A_473 = tpu.vector_load %arg14[%swap3A_470, %swap3A_471, %swap3A_472] {strides = array<i32>} : memref<8x8x128xf32, #tpu.memory_space<vmem>>, vector<16xf32>,
          tpu.vector_store %arg14[%swap3A_470, %swap3A_471, %swap3A_472], %get3A_468 {strides = array<i32>} : memref<8x8x128xf32, #tpu.memory_space<vmem>>, vector<16xf32>,
          %mul3A_474 = arith.constant 129 : i32
          %mul3A_475 = arith.muli %add3A_451, %mul3A_474 : i32
          %add3A_476 = arith.constant 32 : i32
          %add3A_477 = arith.addi %mul3A_475, %add3A_476 : i32
          %get3A_478 = arith.index_cast %add3A_477 : i32 to index
          %get3A_479 = tpu.vector_load %arg17[%get3A_478] {strides = array<i32>} : memref<8256xf32, #tpu.memory_space<vmem>>, vector<16xf32>,
          %swap3A_480 = arith.constant 3 : i32
          %swap3A_481 = arith.index_cast %scan3A_173 : i32 to index
          %swap3A_482 = arith.index_cast %swap3A_480 : i32 to index
          %swap3A_483 = arith.constant 32 : index
          %swap3A_484 = tpu.vector_load %arg14[%swap3A_481, %swap3A_482, %swap3A_483] {strides = array<i32>} : memref<8x8x128xf32, #tpu.memory_space<vmem>>, vector<16xf32>,
          tpu.vector_store %arg14[%swap3A_481, %swap3A_482, %swap3A_483], %get3A_479 {strides = array<i32>} : memref<8x8x128xf32, #tpu.memory_space<vmem>>, vector<16xf32>,
          %mul3A_485 = arith.constant 129 : i32
          %mul3A_486 = arith.muli %add3A_451, %mul3A_485 : i32
          %add3A_487 = arith.constant 48 : i32
          %add3A_488 = arith.addi %mul3A_486, %add3A_487 : i32
          %get3A_489 = arith.index_cast %add3A_488 : i32 to index
          %get3A_490 = tpu.vector_load %arg17[%get3A_489] {strides = array<i32>} : memref<8256xf32, #tpu.memory_space<vmem>>, vector<16xf32>,
          %swap3A_491 = arith.constant 3 : i32
          %swap3A_492 = arith.index_cast %scan3A_173 : i32 to index
          %swap3A_493 = arith.index_cast %swap3A_491 : i32 to index
          %swap3A_494 = arith.constant 48 : index
          %swap3A_495 = tpu.vector_load %arg14[%swap3A_492, %swap3A_493, %swap3A_494] {strides = array<i32>} : memref<8x8x128xf32, #tpu.memory_space<vmem>>, vector<16xf32>,
          tpu.vector_store %arg14[%swap3A_492, %swap3A_493, %swap3A_494], %get3A_490 {strides = array<i32>} : memref<8x8x128xf32, #tpu.memory_space<vmem>>, vector<16xf32>,
          %mul3A_496 = arith.constant 129 : i32
          %mul3A_497 = arith.muli %add3A_451, %mul3A_496 : i32
          %add3A_498 = arith.constant 64 : i32
          %add3A_499 = arith.addi %mul3A_497, %add3A_498 : i32
          %get3A_500 = arith.index_cast %add3A_499 : i32 to index
          %get3A_501 = tpu.vector_load %arg17[%get3A_500] {strides = array<i32>} : memref<8256xf32, #tpu.memory_space<vmem>>, vector<16xf32>,
          %swap3A_502 = arith.constant 3 : i32
          %swap3A_503 = arith.index_cast %scan3A_173 : i32 to index
          %swap3A_504 = arith.index_cast %swap3A_502 : i32 to index
          %swap3A_505 = arith.constant 64 : index
          %swap3A_506 = tpu.vector_load %arg14[%swap3A_503, %swap3A_504, %swap3A_505] {strides = array<i32>} : memref<8x8x128xf32, #tpu.memory_space<vmem>>, vector<16xf32>,
          tpu.vector_store %arg14[%swap3A_503, %swap3A_504, %swap3A_505], %get3A_501 {strides = array<i32>} : memref<8x8x128xf32, #tpu.memory_space<vmem>>, vector<16xf32>,
          %mul3A_507 = arith.constant 129 : i32
          %mul3A_508 = arith.muli %add3A_451, %mul3A_507 : i32
          %add3A_509 = arith.constant 80 : i32
          %add3A_510 = arith.addi %mul3A_508, %add3A_509 : i32
          %get3A_511 = arith.index_cast %add3A_510 : i32 to index
          %get3A_512 = tpu.vector_load %arg17[%get3A_511] {strides = array<i32>} : memref<8256xf32, #tpu.memory_space<vmem>>, vector<16xf32>,
          %swap3A_513 = arith.constant 3 : i32
          %swap3A_514 = arith.index_cast %scan3A_173 : i32 to index
          %swap3A_515 = arith.index_cast %swap3A_513 : i32 to index
          %swap3A_516 = arith.constant 80 : index
          %swap3A_517 = tpu.vector_load %arg14[%swap3A_514, %swap3A_515, %swap3A_516] {strides = array<i32>} : memref<8x8x128xf32, #tpu.memory_space<vmem>>, vector<16xf32>,
          tpu.vector_store %arg14[%swap3A_514, %swap3A_515, %swap3A_516], %get3A_512 {strides = array<i32>} : memref<8x8x128xf32, #tpu.memory_space<vmem>>, vector<16xf32>,
          %mul3A_518 = arith.constant 129 : i32
          %mul3A_519 = arith.muli %add3A_451, %mul3A_518 : i32
          %add3A_520 = arith.constant 96 : i32
          %add3A_521 = arith.addi %mul3A_519, %add3A_520 : i32
          %get3A_522 = arith.index_cast %add3A_521 : i32 to index
          %get3A_523 = tpu.vector_load %arg17[%get3A_522] {strides = array<i32>} : memref<8256xf32, #tpu.memory_space<vmem>>, vector<16xf32>,
          %swap3A_524 = arith.constant 3 : i32
          %swap3A_525 = arith.index_cast %scan3A_173 : i32 to index
          %swap3A_526 = arith.index_cast %swap3A_524 : i32 to index
          %swap3A_527 = arith.constant 96 : index
          %swap3A_528 = tpu.vector_load %arg14[%swap3A_525, %swap3A_526, %swap3A_527] {strides = array<i32>} : memref<8x8x128xf32, #tpu.memory_space<vmem>>, vector<16xf32>,
          tpu.vector_store %arg14[%swap3A_525, %swap3A_526, %swap3A_527], %get3A_523 {strides = array<i32>} : memref<8x8x128xf32, #tpu.memory_space<vmem>>, vector<16xf32>,
          %mul3A_529 = arith.constant 129 : i32
          %mul3A_530 = arith.muli %add3A_451, %mul3A_529 : i32
          %add3A_531 = arith.constant 112 : i32
          %add3A_532 = arith.addi %mul3A_530, %add3A_531 : i32
          %get3A_533 = arith.index_cast %add3A_532 : i32 to index
          %get3A_534 = tpu.vector_load %arg17[%get3A_533] {strides = array<i32>} : memref<8256xf32, #tpu.memory_space<vmem>>, vector<16xf32>,
          %swap3A_535 = arith.constant 3 : i32
          %swap3A_536 = arith.index_cast %scan3A_173 : i32 to index
          %swap3A_537 = arith.index_cast %swap3A_535 : i32 to index
          %swap3A_538 = arith.constant 112 : index
          %swap3A_539 = tpu.vector_load %arg14[%swap3A_536, %swap3A_537, %swap3A_538] {strides = array<i32>} : memref<8x8x128xf32, #tpu.memory_space<vmem>>, vector<16xf32>,
          tpu.vector_store %arg14[%swap3A_536, %swap3A_537, %swap3A_538], %get3A_534 {strides = array<i32>} : memref<8x8x128xf32, #tpu.memory_space<vmem>>, vector<16xf32>,
          %mul3A_540 = arith.constant 8 : i32
          %mul3A_541 = arith.muli %scan3A_173, %mul3A_540 : i32
          %add3A_542 = arith.constant 4 : i32
          %add3A_543 = arith.addi %mul3A_541, %add3A_542 : i32
          %mul3A_544 = arith.constant 129 : i32
          %mul3A_545 = arith.muli %add3A_543, %mul3A_544 : i32
          %add3A_546 = arith.constant 0 : i32
          %add3A_547 = arith.addi %mul3A_545, %add3A_546 : i32
          %get3A_548 = arith.index_cast %add3A_547 : i32 to index
          %get3A_549 = tpu.vector_load %arg17[%get3A_548] {strides = array<i32>} : memref<8256xf32, #tpu.memory_space<vmem>>, vector<16xf32>,
          %swap3A_550 = arith.constant 4 : i32
          %swap3A_551 = arith.index_cast %scan3A_173 : i32 to index
          %swap3A_552 = arith.index_cast %swap3A_550 : i32 to index
          %swap3A_553 = arith.constant 0 : index
          %swap3A_554 = tpu.vector_load %arg14[%swap3A_551, %swap3A_552, %swap3A_553] {strides = array<i32>} : memref<8x8x128xf32, #tpu.memory_space<vmem>>, vector<16xf32>,
          tpu.vector_store %arg14[%swap3A_551, %swap3A_552, %swap3A_553], %get3A_549 {strides = array<i32>} : memref<8x8x128xf32, #tpu.memory_space<vmem>>, vector<16xf32>,
          %mul3A_555 = arith.constant 129 : i32
          %mul3A_556 = arith.muli %add3A_543, %mul3A_555 : i32
          %add3A_557 = arith.constant 16 : i32
          %add3A_558 = arith.addi %mul3A_556, %add3A_557 : i32
          %get3A_559 = arith.index_cast %add3A_558 : i32 to index
          %get3A_560 = tpu.vector_load %arg17[%get3A_559] {strides = array<i32>} : memref<8256xf32, #tpu.memory_space<vmem>>, vector<16xf32>,
          %swap3A_561 = arith.constant 4 : i32
          %swap3A_562 = arith.index_cast %scan3A_173 : i32 to index
          %swap3A_563 = arith.index_cast %swap3A_561 : i32 to index
          %swap3A_564 = arith.constant 16 : index
          %swap3A_565 = tpu.vector_load %arg14[%swap3A_562, %swap3A_563, %swap3A_564] {strides = array<i32>} : memref<8x8x128xf32, #tpu.memory_space<vmem>>, vector<16xf32>,
          tpu.vector_store %arg14[%swap3A_562, %swap3A_563, %swap3A_564], %get3A_560 {strides = array<i32>} : memref<8x8x128xf32, #tpu.memory_space<vmem>>, vector<16xf32>,
          %mul3A_566 = arith.constant 129 : i32
          %mul3A_567 = arith.muli %add3A_543, %mul3A_566 : i32
          %add3A_568 = arith.constant 32 : i32
          %add3A_569 = arith.addi %mul3A_567, %add3A_568 : i32
          %get3A_570 = arith.index_cast %add3A_569 : i32 to index
          %get3A_571 = tpu.vector_load %arg17[%get3A_570] {strides = array<i32>} : memref<8256xf32, #tpu.memory_space<vmem>>, vector<16xf32>,
          %swap3A_572 = arith.constant 4 : i32
          %swap3A_573 = arith.index_cast %scan3A_173 : i32 to index
          %swap3A_574 = arith.index_cast %swap3A_572 : i32 to index
          %swap3A_575 = arith.constant 32 : index
          %swap3A_576 = tpu.vector_load %arg14[%swap3A_573, %swap3A_574, %swap3A_575] {strides = array<i32>} : memref<8x8x128xf32, #tpu.memory_space<vmem>>, vector<16xf32>,
          tpu.vector_store %arg14[%swap3A_573, %swap3A_574, %swap3A_575], %get3A_571 {strides = array<i32>} : memref<8x8x128xf32, #tpu.memory_space<vmem>>, vector<16xf32>,
          %mul3A_577 = arith.constant 129 : i32
          %mul3A_578 = arith.muli %add3A_543, %mul3A_577 : i32
          %add3A_579 = arith.constant 48 : i32
          %add3A_580 = arith.addi %mul3A_578, %add3A_579 : i32
          %get3A_581 = arith.index_cast %add3A_580 : i32 to index
          %get3A_582 = tpu.vector_load %arg17[%get3A_581] {strides = array<i32>} : memref<8256xf32, #tpu.memory_space<vmem>>, vector<16xf32>,
          %swap3A_583 = arith.constant 4 : i32
          %swap3A_584 = arith.index_cast %scan3A_173 : i32 to index
          %swap3A_585 = arith.index_cast %swap3A_583 : i32 to index
          %swap3A_586 = arith.constant 48 : index
          %swap3A_587 = tpu.vector_load %arg14[%swap3A_584, %swap3A_585, %swap3A_586] {strides = array<i32>} : memref<8x8x128xf32, #tpu.memory_space<vmem>>, vector<16xf32>,
          tpu.vector_store %arg14[%swap3A_584, %swap3A_585, %swap3A_586], %get3A_582 {strides = array<i32>} : memref<8x8x128xf32, #tpu.memory_space<vmem>>, vector<16xf32>,
          %mul3A_588 = arith.constant 129 : i32
          %mul3A_589 = arith.muli %add3A_543, %mul3A_588 : i32
          %add3A_590 = arith.constant 64 : i32
          %add3A_591 = arith.addi %mul3A_589, %add3A_590 : i32
          %get3A_592 = arith.index_cast %add3A_591 : i32 to index
          %get3A_593 = tpu.vector_load %arg17[%get3A_592] {strides = array<i32>} : memref<8256xf32, #tpu.memory_space<vmem>>, vector<16xf32>,
          %swap3A_594 = arith.constant 4 : i32
          %swap3A_595 = arith.index_cast %scan3A_173 : i32 to index
          %swap3A_596 = arith.index_cast %swap3A_594 : i32 to index
          %swap3A_597 = arith.constant 64 : index
          %swap3A_598 = tpu.vector_load %arg14[%swap3A_595, %swap3A_596, %swap3A_597] {strides = array<i32>} : memref<8x8x128xf32, #tpu.memory_space<vmem>>, vector<16xf32>,
          tpu.vector_store %arg14[%swap3A_595, %swap3A_596, %swap3A_597], %get3A_593 {strides = array<i32>} : memref<8x8x128xf32, #tpu.memory_space<vmem>>, vector<16xf32>,
          %mul3A_599 = arith.constant 129 : i32
          %mul3A_600 = arith.muli %add3A_543, %mul3A_599 : i32
          %add3A_601 = arith.constant 80 : i32
          %add3A_602 = arith.addi %mul3A_600, %add3A_601 : i32
          %get3A_603 = arith.index_cast %add3A_602 : i32 to index
          %get3A_604 = tpu.vector_load %arg17[%get3A_603] {strides = array<i32>} : memref<8256xf32, #tpu.memory_space<vmem>>, vector<16xf32>,
          %swap3A_605 = arith.constant 4 : i32
          %swap3A_606 = arith.index_cast %scan3A_173 : i32 to index
          %swap3A_607 = arith.index_cast %swap3A_605 : i32 to index
          %swap3A_608 = arith.constant 80 : index
          %swap3A_609 = tpu.vector_load %arg14[%swap3A_606, %swap3A_607, %swap3A_608] {strides = array<i32>} : memref<8x8x128xf32, #tpu.memory_space<vmem>>, vector<16xf32>,
          tpu.vector_store %arg14[%swap3A_606, %swap3A_607, %swap3A_608], %get3A_604 {strides = array<i32>} : memref<8x8x128xf32, #tpu.memory_space<vmem>>, vector<16xf32>,
          %mul3A_610 = arith.constant 129 : i32
          %mul3A_611 = arith.muli %add3A_543, %mul3A_610 : i32
          %add3A_612 = arith.constant 96 : i32
          %add3A_613 = arith.addi %mul3A_611, %add3A_612 : i32
          %get3A_614 = arith.index_cast %add3A_613 : i32 to index
          %get3A_615 = tpu.vector_load %arg17[%get3A_614] {strides = array<i32>} : memref<8256xf32, #tpu.memory_space<vmem>>, vector<16xf32>,
          %swap3A_616 = arith.constant 4 : i32
          %swap3A_617 = arith.index_cast %scan3A_173 : i32 to index
          %swap3A_618 = arith.index_cast %swap3A_616 : i32 to index
          %swap3A_619 = arith.constant 96 : index
          %swap3A_620 = tpu.vector_load %arg14[%swap3A_617, %swap3A_618, %swap3A_619] {strides = array<i32>} : memref<8x8x128xf32, #tpu.memory_space<vmem>>, vector<16xf32>,
          tpu.vector_store %arg14[%swap3A_617, %swap3A_618, %swap3A_619], %get3A_615 {strides = array<i32>} : memref<8x8x128xf32, #tpu.memory_space<vmem>>, vector<16xf32>,
          %mul3A_621 = arith.constant 129 : i32
          %mul3A_622 = arith.muli %add3A_543, %mul3A_621 : i32
          %add3A_623 = arith.constant 112 : i32
          %add3A_624 = arith.addi %mul3A_622, %add3A_623 : i32
          %get3A_625 = arith.index_cast %add3A_624 : i32 to index
          %get3A_626 = tpu.vector_load %arg17[%get3A_625] {strides = array<i32>} : memref<8256xf32, #tpu.memory_space<vmem>>, vector<16xf32>,
          %swap3A_627 = arith.constant 4 : i32
          %swap3A_628 = arith.index_cast %scan3A_173 : i32 to index
          %swap3A_629 = arith.index_cast %swap3A_627 : i32 to index
          %swap3A_630 = arith.constant 112 : index
          %swap3A_631 = tpu.vector_load %arg14[%swap3A_628, %swap3A_629, %swap3A_630] {strides = array<i32>} : memref<8x8x128xf32, #tpu.memory_space<vmem>>, vector<16xf32>,
          tpu.vector_store %arg14[%swap3A_628, %swap3A_629, %swap3A_630], %get3A_626 {strides = array<i32>} : memref<8x8x128xf32, #tpu.memory_space<vmem>>, vector<16xf32>,
          %mul3A_632 = arith.constant 8 : i32
          %mul3A_633 = arith.muli %scan3A_173, %mul3A_632 : i32
          %add3A_634 = arith.constant 5 : i32
          %add3A_635 = arith.addi %mul3A_633, %add3A_634 : i32
          %mul3A_636 = arith.constant 129 : i32
          %mul3A_637 = arith.muli %add3A_635, %mul3A_636 : i32
          %add3A_638 = arith.constant 0 : i32
          %add3A_639 = arith.addi %mul3A_637, %add3A_638 : i32
          %get3A_640 = arith.index_cast %add3A_639 : i32 to index
          %get3A_641 = tpu.vector_load %arg17[%get3A_640] {strides = array<i32>} : memref<8256xf32, #tpu.memory_space<vmem>>, vector<16xf32>,
          %swap3A_642 = arith.constant 5 : i32
          %swap3A_643 = arith.index_cast %scan3A_173 : i32 to index
          %swap3A_644 = arith.index_cast %swap3A_642 : i32 to index
          %swap3A_645 = arith.constant 0 : index
          %swap3A_646 = tpu.vector_load %arg14[%swap3A_643, %swap3A_644, %swap3A_645] {strides = array<i32>} : memref<8x8x128xf32, #tpu.memory_space<vmem>>, vector<16xf32>,
          tpu.vector_store %arg14[%swap3A_643, %swap3A_644, %swap3A_645], %get3A_641 {strides = array<i32>} : memref<8x8x128xf32, #tpu.memory_space<vmem>>, vector<16xf32>,
          %mul3A_647 = arith.constant 129 : i32
          %mul3A_648 = arith.muli %add3A_635, %mul3A_647 : i32
          %add3A_649 = arith.constant 16 : i32
          %add3A_650 = arith.addi %mul3A_648, %add3A_649 : i32
          %get3A_651 = arith.index_cast %add3A_650 : i32 to index
          %get3A_652 = tpu.vector_load %arg17[%get3A_651] {strides = array<i32>} : memref<8256xf32, #tpu.memory_space<vmem>>, vector<16xf32>,
          %swap3A_653 = arith.constant 5 : i32
          %swap3A_654 = arith.index_cast %scan3A_173 : i32 to index
          %swap3A_655 = arith.index_cast %swap3A_653 : i32 to index
          %swap3A_656 = arith.constant 16 : index
          %swap3A_657 = tpu.vector_load %arg14[%swap3A_654, %swap3A_655, %swap3A_656] {strides = array<i32>} : memref<8x8x128xf32, #tpu.memory_space<vmem>>, vector<16xf32>,
          tpu.vector_store %arg14[%swap3A_654, %swap3A_655, %swap3A_656], %get3A_652 {strides = array<i32>} : memref<8x8x128xf32, #tpu.memory_space<vmem>>, vector<16xf32>,
          %mul3A_658 = arith.constant 129 : i32
          %mul3A_659 = arith.muli %add3A_635, %mul3A_658 : i32
          %add3A_660 = arith.constant 32 : i32
          %add3A_661 = arith.addi %mul3A_659, %add3A_660 : i32
          %get3A_662 = arith.index_cast %add3A_661 : i32 to index
          %get3A_663 = tpu.vector_load %arg17[%get3A_662] {strides = array<i32>} : memref<8256xf32, #tpu.memory_space<vmem>>, vector<16xf32>,
          %swap3A_664 = arith.constant 5 : i32
          %swap3A_665 = arith.index_cast %scan3A_173 : i32 to index
          %swap3A_666 = arith.index_cast %swap3A_664 : i32 to index
          %swap3A_667 = arith.constant 32 : index
          %swap3A_668 = tpu.vector_load %arg14[%swap3A_665, %swap3A_666, %swap3A_667] {strides = array<i32>} : memref<8x8x128xf32, #tpu.memory_space<vmem>>, vector<16xf32>,
          tpu.vector_store %arg14[%swap3A_665, %swap3A_666, %swap3A_667], %get3A_663 {strides = array<i32>} : memref<8x8x128xf32, #tpu.memory_space<vmem>>, vector<16xf32>,
          %mul3A_669 = arith.constant 129 : i32
          %mul3A_670 = arith.muli %add3A_635, %mul3A_669 : i32
          %add3A_671 = arith.constant 48 : i32
          %add3A_672 = arith.addi %mul3A_670, %add3A_671 : i32
          %get3A_673 = arith.index_cast %add3A_672 : i32 to index
          %get3A_674 = tpu.vector_load %arg17[%get3A_673] {strides = array<i32>} : memref<8256xf32, #tpu.memory_space<vmem>>, vector<16xf32>,
          %swap3A_675 = arith.constant 5 : i32
          %swap3A_676 = arith.index_cast %scan3A_173 : i32 to index
          %swap3A_677 = arith.index_cast %swap3A_675 : i32 to index
          %swap3A_678 = arith.constant 48 : index
          %swap3A_679 = tpu.vector_load %arg14[%swap3A_676, %swap3A_677, %swap3A_678] {strides = array<i32>} : memref<8x8x128xf32, #tpu.memory_space<vmem>>, vector<16xf32>,
          tpu.vector_store %arg14[%swap3A_676, %swap3A_677, %swap3A_678], %get3A_674 {strides = array<i32>} : memref<8x8x128xf32, #tpu.memory_space<vmem>>, vector<16xf32>,
          %mul3A_680 = arith.constant 129 : i32
          %mul3A_681 = arith.muli %add3A_635, %mul3A_680 : i32
          %add3A_682 = arith.constant 64 : i32
          %add3A_683 = arith.addi %mul3A_681, %add3A_682 : i32
          %get3A_684 = arith.index_cast %add3A_683 : i32 to index
          %get3A_685 = tpu.vector_load %arg17[%get3A_684] {strides = array<i32>} : memref<8256xf32, #tpu.memory_space<vmem>>, vector<16xf32>,
          %swap3A_686 = arith.constant 5 : i32
          %swap3A_687 = arith.index_cast %scan3A_173 : i32 to index
          %swap3A_688 = arith.index_cast %swap3A_686 : i32 to index
          %swap3A_689 = arith.constant 64 : index
          %swap3A_690 = tpu.vector_load %arg14[%swap3A_687, %swap3A_688, %swap3A_689] {strides = array<i32>} : memref<8x8x128xf32, #tpu.memory_space<vmem>>, vector<16xf32>,
          tpu.vector_store %arg14[%swap3A_687, %swap3A_688, %swap3A_689], %get3A_685 {strides = array<i32>} : memref<8x8x128xf32, #tpu.memory_space<vmem>>, vector<16xf32>,
          %mul3A_691 = arith.constant 129 : i32
          %mul3A_692 = arith.muli %add3A_635, %mul3A_691 : i32
          %add3A_693 = arith.constant 80 : i32
          %add3A_694 = arith.addi %mul3A_692, %add3A_693 : i32
          %get3A_695 = arith.index_cast %add3A_694 : i32 to index
          %get3A_696 = tpu.vector_load %arg17[%get3A_695] {strides = array<i32>} : memref<8256xf32, #tpu.memory_space<vmem>>, vector<16xf32>,
          %swap3A_697 = arith.constant 5 : i32
          %swap3A_698 = arith.index_cast %scan3A_173 : i32 to index
          %swap3A_699 = arith.index_cast %swap3A_697 : i32 to index
          %swap3A_700 = arith.constant 80 : index
          %swap3A_701 = tpu.vector_load %arg14[%swap3A_698, %swap3A_699, %swap3A_700] {strides = array<i32>} : memref<8x8x128xf32, #tpu.memory_space<vmem>>, vector<16xf32>,
          tpu.vector_store %arg14[%swap3A_698, %swap3A_699, %swap3A_700], %get3A_696 {strides = array<i32>} : memref<8x8x128xf32, #tpu.memory_space<vmem>>, vector<16xf32>,
          %mul3A_702 = arith.constant 129 : i32
          %mul3A_703 = arith.muli %add3A_635, %mul3A_702 : i32
          %add3A_704 = arith.constant 96 : i32
          %add3A_705 = arith.addi %mul3A_703, %add3A_704 : i32
          %get3A_706 = arith.index_cast %add3A_705 : i32 to index
          %get3A_707 = tpu.vector_load %arg17[%get3A_706] {strides = array<i32>} : memref<8256xf32, #tpu.memory_space<vmem>>, vector<16xf32>,
          %swap3A_708 = arith.constant 5 : i32
          %swap3A_709 = arith.index_cast %scan3A_173 : i32 to index
          %swap3A_710 = arith.index_cast %swap3A_708 : i32 to index
          %swap3A_711 = arith.constant 96 : index
          %swap3A_712 = tpu.vector_load %arg14[%swap3A_709, %swap3A_710, %swap3A_711] {strides = array<i32>} : memref<8x8x128xf32, #tpu.memory_space<vmem>>, vector<16xf32>,
          tpu.vector_store %arg14[%swap3A_709, %swap3A_710, %swap3A_711], %get3A_707 {strides = array<i32>} : memref<8x8x128xf32, #tpu.memory_space<vmem>>, vector<16xf32>,
          %mul3A_713 = arith.constant 129 : i32
          %mul3A_714 = arith.muli %add3A_635, %mul3A_713 : i32
          %add3A_715 = arith.constant 112 : i32
          %add3A_716 = arith.addi %mul3A_714, %add3A_715 : i32
          %get3A_717 = arith.index_cast %add3A_716 : i32 to index
          %get3A_718 = tpu.vector_load %arg17[%get3A_717] {strides = array<i32>} : memref<8256xf32, #tpu.memory_space<vmem>>, vector<16xf32>,
          %swap3A_719 = arith.constant 5 : i32
          %swap3A_720 = arith.index_cast %scan3A_173 : i32 to index
          %swap3A_721 = arith.index_cast %swap3A_719 : i32 to index
          %swap3A_722 = arith.constant 112 : index
          %swap3A_723 = tpu.vector_load %arg14[%swap3A_720, %swap3A_721, %swap3A_722] {strides = array<i32>} : memref<8x8x128xf32, #tpu.memory_space<vmem>>, vector<16xf32>,
          tpu.vector_store %arg14[%swap3A_720, %swap3A_721, %swap3A_722], %get3A_718 {strides = array<i32>} : memref<8x8x128xf32, #tpu.memory_space<vmem>>, vector<16xf32>,
          %mul3A_724 = arith.constant 8 : i32
          %mul3A_725 = arith.muli %scan3A_173, %mul3A_724 : i32
          %add3A_726 = arith.constant 6 : i32
          %add3A_727 = arith.addi %mul3A_725, %add3A_726 : i32
          %mul3A_728 = arith.constant 129 : i32
          %mul3A_729 = arith.muli %add3A_727, %mul3A_728 : i32
          %add3A_730 = arith.constant 0 : i32
          %add3A_731 = arith.addi %mul3A_729, %add3A_730 : i32
          %get3A_732 = arith.index_cast %add3A_731 : i32 to index
          %get3A_733 = tpu.vector_load %arg17[%get3A_732] {strides = array<i32>} : memref<8256xf32, #tpu.memory_space<vmem>>, vector<16xf32>,
          %swap3A_734 = arith.constant 6 : i32
          %swap3A_735 = arith.index_cast %scan3A_173 : i32 to index
          %swap3A_736 = arith.index_cast %swap3A_734 : i32 to index
          %swap3A_737 = arith.constant 0 : index
          %swap3A_738 = tpu.vector_load %arg14[%swap3A_735, %swap3A_736, %swap3A_737] {strides = array<i32>} : memref<8x8x128xf32, #tpu.memory_space<vmem>>, vector<16xf32>,
          tpu.vector_store %arg14[%swap3A_735, %swap3A_736, %swap3A_737], %get3A_733 {strides = array<i32>} : memref<8x8x128xf32, #tpu.memory_space<vmem>>, vector<16xf32>,
          %mul3A_739 = arith.constant 129 : i32
          %mul3A_740 = arith.muli %add3A_727, %mul3A_739 : i32
          %add3A_741 = arith.constant 16 : i32
          %add3A_742 = arith.addi %mul3A_740, %add3A_741 : i32
          %get3A_743 = arith.index_cast %add3A_742 : i32 to index
          %get3A_744 = tpu.vector_load %arg17[%get3A_743] {strides = array<i32>} : memref<8256xf32, #tpu.memory_space<vmem>>, vector<16xf32>,
          %swap3A_745 = arith.constant 6 : i32
          %swap3A_746 = arith.index_cast %scan3A_173 : i32 to index
          %swap3A_747 = arith.index_cast %swap3A_745 : i32 to index
          %swap3A_748 = arith.constant 16 : index
          %swap3A_749 = tpu.vector_load %arg14[%swap3A_746, %swap3A_747, %swap3A_748] {strides = array<i32>} : memref<8x8x128xf32, #tpu.memory_space<vmem>>, vector<16xf32>,
          tpu.vector_store %arg14[%swap3A_746, %swap3A_747, %swap3A_748], %get3A_744 {strides = array<i32>} : memref<8x8x128xf32, #tpu.memory_space<vmem>>, vector<16xf32>,
          %mul3A_750 = arith.constant 129 : i32
          %mul3A_751 = arith.muli %add3A_727, %mul3A_750 : i32
          %add3A_752 = arith.constant 32 : i32
          %add3A_753 = arith.addi %mul3A_751, %add3A_752 : i32
          %get3A_754 = arith.index_cast %add3A_753 : i32 to index
          %get3A_755 = tpu.vector_load %arg17[%get3A_754] {strides = array<i32>} : memref<8256xf32, #tpu.memory_space<vmem>>, vector<16xf32>,
          %swap3A_756 = arith.constant 6 : i32
          %swap3A_757 = arith.index_cast %scan3A_173 : i32 to index
          %swap3A_758 = arith.index_cast %swap3A_756 : i32 to index
          %swap3A_759 = arith.constant 32 : index
          %swap3A_760 = tpu.vector_load %arg14[%swap3A_757, %swap3A_758, %swap3A_759] {strides = array<i32>} : memref<8x8x128xf32, #tpu.memory_space<vmem>>, vector<16xf32>,
          tpu.vector_store %arg14[%swap3A_757, %swap3A_758, %swap3A_759], %get3A_755 {strides = array<i32>} : memref<8x8x128xf32, #tpu.memory_space<vmem>>, vector<16xf32>,
          %mul3A_761 = arith.constant 129 : i32
          %mul3A_762 = arith.muli %add3A_727, %mul3A_761 : i32
          %add3A_763 = arith.constant 48 : i32
          %add3A_764 = arith.addi %mul3A_762, %add3A_763 : i32
          %get3A_765 = arith.index_cast %add3A_764 : i32 to index
          %get3A_766 = tpu.vector_load %arg17[%get3A_765] {strides = array<i32>} : memref<8256xf32, #tpu.memory_space<vmem>>, vector<16xf32>,
          %swap3A_767 = arith.constant 6 : i32
          %swap3A_768 = arith.index_cast %scan3A_173 : i32 to index
          %swap3A_769 = arith.index_cast %swap3A_767 : i32 to index
          %swap3A_770 = arith.constant 48 : index
          %swap3A_771 = tpu.vector_load %arg14[%swap3A_768, %swap3A_769, %swap3A_770] {strides = array<i32>} : memref<8x8x128xf32, #tpu.memory_space<vmem>>, vector<16xf32>,
          tpu.vector_store %arg14[%swap3A_768, %swap3A_769, %swap3A_770], %get3A_766 {strides = array<i32>} : memref<8x8x128xf32, #tpu.memory_space<vmem>>, vector<16xf32>,
          %mul3A_772 = arith.constant 129 : i32
          %mul3A_773 = arith.muli %add3A_727, %mul3A_772 : i32
          %add3A_774 = arith.constant 64 : i32
          %add3A_775 = arith.addi %mul3A_773, %add3A_774 : i32
          %get3A_776 = arith.index_cast %add3A_775 : i32 to index
          %get3A_777 = tpu.vector_load %arg17[%get3A_776] {strides = array<i32>} : memref<8256xf32, #tpu.memory_space<vmem>>, vector<16xf32>,
          %swap3A_778 = arith.constant 6 : i32
          %swap3A_779 = arith.index_cast %scan3A_173 : i32 to index
          %swap3A_780 = arith.index_cast %swap3A_778 : i32 to index
          %swap3A_781 = arith.constant 64 : index
          %swap3A_782 = tpu.vector_load %arg14[%swap3A_779, %swap3A_780, %swap3A_781] {strides = array<i32>} : memref<8x8x128xf32, #tpu.memory_space<vmem>>, vector<16xf32>,
          tpu.vector_store %arg14[%swap3A_779, %swap3A_780, %swap3A_781], %get3A_777 {strides = array<i32>} : memref<8x8x128xf32, #tpu.memory_space<vmem>>, vector<16xf32>,
          %mul3A_783 = arith.constant 129 : i32
          %mul3A_784 = arith.muli %add3A_727, %mul3A_783 : i32
          %add3A_785 = arith.constant 80 : i32
          %add3A_786 = arith.addi %mul3A_784, %add3A_785 : i32
          %get3A_787 = arith.index_cast %add3A_786 : i32 to index
          %get3A_788 = tpu.vector_load %arg17[%get3A_787] {strides = array<i32>} : memref<8256xf32, #tpu.memory_space<vmem>>, vector<16xf32>,
          %swap3A_789 = arith.constant 6 : i32
          %swap3A_790 = arith.index_cast %scan3A_173 : i32 to index
          %swap3A_791 = arith.index_cast %swap3A_789 : i32 to index
          %swap3A_792 = arith.constant 80 : index
          %swap3A_793 = tpu.vector_load %arg14[%swap3A_790, %swap3A_791, %swap3A_792] {strides = array<i32>} : memref<8x8x128xf32, #tpu.memory_space<vmem>>, vector<16xf32>,
          tpu.vector_store %arg14[%swap3A_790, %swap3A_791, %swap3A_792], %get3A_788 {strides = array<i32>} : memref<8x8x128xf32, #tpu.memory_space<vmem>>, vector<16xf32>,
          %mul3A_794 = arith.constant 129 : i32
          %mul3A_795 = arith.muli %add3A_727, %mul3A_794 : i32
          %add3A_796 = arith.constant 96 : i32
          %add3A_797 = arith.addi %mul3A_795, %add3A_796 : i32
          %get3A_798 = arith.index_cast %add3A_797 : i32 to index
          %get3A_799 = tpu.vector_load %arg17[%get3A_798] {strides = array<i32>} : memref<8256xf32, #tpu.memory_space<vmem>>, vector<16xf32>,
          %swap3A_800 = arith.constant 6 : i32
          %swap3A_801 = arith.index_cast %scan3A_173 : i32 to index
          %swap3A_802 = arith.index_cast %swap3A_800 : i32 to index
          %swap3A_803 = arith.constant 96 : index
          %swap3A_804 = tpu.vector_load %arg14[%swap3A_801, %swap3A_802, %swap3A_803] {strides = array<i32>} : memref<8x8x128xf32, #tpu.memory_space<vmem>>, vector<16xf32>,
          tpu.vector_store %arg14[%swap3A_801, %swap3A_802, %swap3A_803], %get3A_799 {strides = array<i32>} : memref<8x8x128xf32, #tpu.memory_space<vmem>>, vector<16xf32>,
          %mul3A_805 = arith.constant 129 : i32
          %mul3A_806 = arith.muli %add3A_727, %mul3A_805 : i32
          %add3A_807 = arith.constant 112 : i32
          %add3A_808 = arith.addi %mul3A_806, %add3A_807 : i32
          %get3A_809 = arith.index_cast %add3A_808 : i32 to index
          %get3A_810 = tpu.vector_load %arg17[%get3A_809] {strides = array<i32>} : memref<8256xf32, #tpu.memory_space<vmem>>, vector<16xf32>,
          %swap3A_811 = arith.constant 6 : i32
          %swap3A_812 = arith.index_cast %scan3A_173 : i32 to index
          %swap3A_813 = arith.index_cast %swap3A_811 : i32 to index
          %swap3A_814 = arith.constant 112 : index
          %swap3A_815 = tpu.vector_load %arg14[%swap3A_812, %swap3A_813, %swap3A_814] {strides = array<i32>} : memref<8x8x128xf32, #tpu.memory_space<vmem>>, vector<16xf32>,
          tpu.vector_store %arg14[%swap3A_812, %swap3A_813, %swap3A_814], %get3A_810 {strides = array<i32>} : memref<8x8x128xf32, #tpu.memory_space<vmem>>, vector<16xf32>,
          %mul3A_816 = arith.constant 8 : i32
          %mul3A_817 = arith.muli %scan3A_173, %mul3A_816 : i32
          %add3A_818 = arith.constant 7 : i32
          %add3A_819 = arith.addi %mul3A_817, %add3A_818 : i32
          %mul3A_820 = arith.constant 129 : i32
          %mul3A_821 = arith.muli %add3A_819, %mul3A_820 : i32
          %add3A_822 = arith.constant 0 : i32
          %add3A_823 = arith.addi %mul3A_821, %add3A_822 : i32
          %get3A_824 = arith.index_cast %add3A_823 : i32 to index
          %get3A_825 = tpu.vector_load %arg17[%get3A_824] {strides = array<i32>} : memref<8256xf32, #tpu.memory_space<vmem>>, vector<16xf32>,
          %swap3A_826 = arith.constant 7 : i32
          %swap3A_827 = arith.index_cast %scan3A_173 : i32 to index
          %swap3A_828 = arith.index_cast %swap3A_826 : i32 to index
          %swap3A_829 = arith.constant 0 : index
          %swap3A_830 = tpu.vector_load %arg14[%swap3A_827, %swap3A_828, %swap3A_829] {strides = array<i32>} : memref<8x8x128xf32, #tpu.memory_space<vmem>>, vector<16xf32>,
          tpu.vector_store %arg14[%swap3A_827, %swap3A_828, %swap3A_829], %get3A_825 {strides = array<i32>} : memref<8x8x128xf32, #tpu.memory_space<vmem>>, vector<16xf32>,
          %mul3A_831 = arith.constant 129 : i32
          %mul3A_832 = arith.muli %add3A_819, %mul3A_831 : i32
          %add3A_833 = arith.constant 16 : i32
          %add3A_834 = arith.addi %mul3A_832, %add3A_833 : i32
          %get3A_835 = arith.index_cast %add3A_834 : i32 to index
          %get3A_836 = tpu.vector_load %arg17[%get3A_835] {strides = array<i32>} : memref<8256xf32, #tpu.memory_space<vmem>>, vector<16xf32>,
          %swap3A_837 = arith.constant 7 : i32
          %swap3A_838 = arith.index_cast %scan3A_173 : i32 to index
          %swap3A_839 = arith.index_cast %swap3A_837 : i32 to index
          %swap3A_840 = arith.constant 16 : index
          %swap3A_841 = tpu.vector_load %arg14[%swap3A_838, %swap3A_839, %swap3A_840] {strides = array<i32>} : memref<8x8x128xf32, #tpu.memory_space<vmem>>, vector<16xf32>,
          tpu.vector_store %arg14[%swap3A_838, %swap3A_839, %swap3A_840], %get3A_836 {strides = array<i32>} : memref<8x8x128xf32, #tpu.memory_space<vmem>>, vector<16xf32>,
          %mul3A_842 = arith.constant 129 : i32
          %mul3A_843 = arith.muli %add3A_819, %mul3A_842 : i32
          %add3A_844 = arith.constant 32 : i32
          %add3A_845 = arith.addi %mul3A_843, %add3A_844 : i32
          %get3A_846 = arith.index_cast %add3A_845 : i32 to index
          %get3A_847 = tpu.vector_load %arg17[%get3A_846] {strides = array<i32>} : memref<8256xf32, #tpu.memory_space<vmem>>, vector<16xf32>,
          %swap3A_848 = arith.constant 7 : i32
          %swap3A_849 = arith.index_cast %scan3A_173 : i32 to index
          %swap3A_850 = arith.index_cast %swap3A_848 : i32 to index
          %swap3A_851 = arith.constant 32 : index
          %swap3A_852 = tpu.vector_load %arg14[%swap3A_849, %swap3A_850, %swap3A_851] {strides = array<i32>} : memref<8x8x128xf32, #tpu.memory_space<vmem>>, vector<16xf32>,
          tpu.vector_store %arg14[%swap3A_849, %swap3A_850, %swap3A_851], %get3A_847 {strides = array<i32>} : memref<8x8x128xf32, #tpu.memory_space<vmem>>, vector<16xf32>,
          %mul3A_853 = arith.constant 129 : i32
          %mul3A_854 = arith.muli %add3A_819, %mul3A_853 : i32
          %add3A_855 = arith.constant 48 : i32
          %add3A_856 = arith.addi %mul3A_854, %add3A_855 : i32
          %get3A_857 = arith.index_cast %add3A_856 : i32 to index
          %get3A_858 = tpu.vector_load %arg17[%get3A_857] {strides = array<i32>} : memref<8256xf32, #tpu.memory_space<vmem>>, vector<16xf32>,
          %swap3A_859 = arith.constant 7 : i32
          %swap3A_860 = arith.index_cast %scan3A_173 : i32 to index
          %swap3A_861 = arith.index_cast %swap3A_859 : i32 to index
          %swap3A_862 = arith.constant 48 : index
          %swap3A_863 = tpu.vector_load %arg14[%swap3A_860, %swap3A_861, %swap3A_862] {strides = array<i32>} : memref<8x8x128xf32, #tpu.memory_space<vmem>>, vector<16xf32>,
          tpu.vector_store %arg14[%swap3A_860, %swap3A_861, %swap3A_862], %get3A_858 {strides = array<i32>} : memref<8x8x128xf32, #tpu.memory_space<vmem>>, vector<16xf32>,
          %mul3A_864 = arith.constant 129 : i32
          %mul3A_865 = arith.muli %add3A_819, %mul3A_864 : i32
          %add3A_866 = arith.constant 64 : i32
          %add3A_867 = arith.addi %mul3A_865, %add3A_866 : i32
          %get3A_868 = arith.index_cast %add3A_867 : i32 to index
          %get3A_869 = tpu.vector_load %arg17[%get3A_868] {strides = array<i32>} : memref<8256xf32, #tpu.memory_space<vmem>>, vector<16xf32>,
          %swap3A_870 = arith.constant 7 : i32
          %swap3A_871 = arith.index_cast %scan3A_173 : i32 to index
          %swap3A_872 = arith.index_cast %swap3A_870 : i32 to index
          %swap3A_873 = arith.constant 64 : index
          %swap3A_874 = tpu.vector_load %arg14[%swap3A_871, %swap3A_872, %swap3A_873] {strides = array<i32>} : memref<8x8x128xf32, #tpu.memory_space<vmem>>, vector<16xf32>,
          tpu.vector_store %arg14[%swap3A_871, %swap3A_872, %swap3A_873], %get3A_869 {strides = array<i32>} : memref<8x8x128xf32, #tpu.memory_space<vmem>>, vector<16xf32>,
          %mul3A_875 = arith.constant 129 : i32
          %mul3A_876 = arith.muli %add3A_819, %mul3A_875 : i32
          %add3A_877 = arith.constant 80 : i32
          %add3A_878 = arith.addi %mul3A_876, %add3A_877 : i32
          %get3A_879 = arith.index_cast %add3A_878 : i32 to index
          %get3A_880 = tpu.vector_load %arg17[%get3A_879] {strides = array<i32>} : memref<8256xf32, #tpu.memory_space<vmem>>, vector<16xf32>,
          %swap3A_881 = arith.constant 7 : i32
          %swap3A_882 = arith.index_cast %scan3A_173 : i32 to index
          %swap3A_883 = arith.index_cast %swap3A_881 : i32 to index
          %swap3A_884 = arith.constant 80 : index
          %swap3A_885 = tpu.vector_load %arg14[%swap3A_882, %swap3A_883, %swap3A_884] {strides = array<i32>} : memref<8x8x128xf32, #tpu.memory_space<vmem>>, vector<16xf32>,
          tpu.vector_store %arg14[%swap3A_882, %swap3A_883, %swap3A_884], %get3A_880 {strides = array<i32>} : memref<8x8x128xf32, #tpu.memory_space<vmem>>, vector<16xf32>,
          %mul3A_886 = arith.constant 129 : i32
          %mul3A_887 = arith.muli %add3A_819, %mul3A_886 : i32
          %add3A_888 = arith.constant 96 : i32
          %add3A_889 = arith.addi %mul3A_887, %add3A_888 : i32
          %get3A_890 = arith.index_cast %add3A_889 : i32 to index
          %get3A_891 = tpu.vector_load %arg17[%get3A_890] {strides = array<i32>} : memref<8256xf32, #tpu.memory_space<vmem>>, vector<16xf32>,
          %swap3A_892 = arith.constant 7 : i32
          %swap3A_893 = arith.index_cast %scan3A_173 : i32 to index
          %swap3A_894 = arith.index_cast %swap3A_892 : i32 to index
          %swap3A_895 = arith.constant 96 : index
          %swap3A_896 = tpu.vector_load %arg14[%swap3A_893, %swap3A_894, %swap3A_895] {strides = array<i32>} : memref<8x8x128xf32, #tpu.memory_space<vmem>>, vector<16xf32>,
          tpu.vector_store %arg14[%swap3A_893, %swap3A_894, %swap3A_895], %get3A_891 {strides = array<i32>} : memref<8x8x128xf32, #tpu.memory_space<vmem>>, vector<16xf32>,
          %mul3A_897 = arith.constant 129 : i32
          %mul3A_898 = arith.muli %add3A_819, %mul3A_897 : i32
          %add3A_899 = arith.constant 112 : i32
          %add3A_900 = arith.addi %mul3A_898, %add3A_899 : i32
          %get3A_901 = arith.index_cast %add3A_900 : i32 to index
          %get3A_902 = tpu.vector_load %arg17[%get3A_901] {strides = array<i32>} : memref<8256xf32, #tpu.memory_space<vmem>>, vector<16xf32>,
          %swap3A_903 = arith.constant 7 : i32
          %swap3A_904 = arith.index_cast %scan3A_173 : i32 to index
          %swap3A_905 = arith.index_cast %swap3A_903 : i32 to index
          %swap3A_906 = arith.constant 112 : index
          %swap3A_907 = tpu.vector_load %arg14[%swap3A_904, %swap3A_905, %swap3A_906] {strides = array<i32>} : memref<8x8x128xf32, #tpu.memory_space<vmem>>, vector<16xf32>,
          tpu.vector_store %arg14[%swap3A_904, %swap3A_905, %swap3A_906], %get3A_902 {strides = array<i32>} : memref<8x8x128xf32, #tpu.memory_space<vmem>>, vector<16xf32>,
        }
        %scan3A_163 = arith.constant 8 : i32
        %dma_start3A = arith.constant 0 : i32
        %dma_start3A_164 = arith.constant 0 : i32
        %dma_start3A_165 = arith.constant 0 : i32
        %dma_start3A_166 = tpu.memref_slice %arg6[%sub3A_105, %dma_start3A, %add3A, %dma_start3A_164, %dma_start3A_165] : memref<200x8x32x8x128xf32, #tpu.memory_space<hbm>> -> memref<1x8x1x8x128xf32, #tpu.memory_space<hbm>>
        %dma_start3A_167 = tpu.memref_squeeze %dma_start3A_166 : memref<1x8x1x8x128xf32, #tpu.memory_space<hbm>> -> memref<8x8x128xf32, #tpu.memory_space<hbm>>
        %dma_start3A_168 = arith.constant 0 : i32
        %dma_start3A_169 = arith.constant 0 : i32
        %dma_start3A_170 = arith.constant 0 : i32
        %dma_start3A_171 = tpu.memref_slice %arg6[%sub3A_105, %dma_start3A_168, %add3A, %dma_start3A_169, %dma_start3A_170] : memref<200x8x32x8x128xf32, #tpu.memory_space<hbm>> -> memref<1x8x1x8x128xf32, #tpu.memory_space<hbm>>
        %dma_start3A_172 = tpu.memref_squeeze %dma_start3A_171 : memref<1x8x1x8x128xf32, #tpu.memory_space<hbm>> -> memref<8x8x128xf32, #tpu.memory_space<hbm>>
        tpu.enqueue_dma source(%arg14 : memref<8x8x128xf32, #tpu.memory_space<vmem>>) target(%dma_start3A_172 : memref<8x8x128xf32, #tpu.memory_space<hbm>>) target_semaphore(%arg26 : memref<!tpu.dma_semaphore, #tpu.memory_space<semaphore_mem>>)
      } else {
      }
      %add3A_114 = arith.constant 2 : i32
      %add3A_115 = arith.addi %add3A_65, %add3A_114 : i32
      %lt3A_116 = arith.constant 200 : i32
      %lt3A_117 = arith.cmpi slt, %add3A_115, %lt3A_116 : i32
      %convert_element_type3A_118 = arith.extui %lt3A_117 : i1 to i32
      %cond3A_119 = arith.constant 0 : i32
      %cond3A_120 = arith.cmpi ne, %convert_element_type3A_118, %cond3A_119 : i32
      scf.if %cond3A_120 {
        %dma_start3A = arith.constant 0 : i32
        %dma_start3A_141 = tpu.memref_slice %arg7[%add3A_115, %dma_start3A] : memref<200x128xi32, #tpu.memory_space<vmem>> -> memref<1x128xi32, #tpu.memory_space<vmem>>
        %dma_start3A_142 = tpu.memref_squeeze %dma_start3A_141 : memref<1x128xi32, #tpu.memory_space<vmem>> -> memref<128xi32, #tpu.memory_space<vmem>>
        %dma_start3A_143 = arith.constant 0 : i32
        %dma_start3A_144 = arith.constant 0 : i32
        %dma_start3A_145 = tpu.memref_slice %arg4[%dma_start3A_143, %dma_start3A_144] : memref<100000x64xf32, #tpu.memory_space<hbm>> -> memref<100000x64xf32, #tpu.memory_space<hbm>>
        tpu.enqueue_indirect_dma source(%dma_start3A_145 : memref<100000x64xf32, #tpu.memory_space<hbm>>) target(%arg11 : memref<128x64xf32, #tpu.memory_space<vmem>>) offsets(%dma_start3A_142 : memref<128xi32, #tpu.memory_space<vmem>>) semaphore(%arg20 : memref<!tpu.dma_semaphore, #tpu.memory_space<semaphore_mem>>)
      } else {
      }
      %sub3A_121 = arith.constant 1 : i32
      %sub3A_122 = arith.subi %add3A_115, %sub3A_121 : i32
      %ge3A_123 = arith.constant 0 : i32
      %ge3A_124 = arith.cmpi sge, %sub3A_122, %ge3A_123 : i32
      %lt3A_125 = arith.constant 200 : i32
      %lt3A_126 = arith.cmpi slt, %sub3A_122, %lt3A_125 : i32
      %and3A_127 = arith.andi %ge3A_124, %lt3A_126 : i1
      %convert_element_type3A_128 = arith.extui %and3A_127 : i1 to i32
      %cond3A_129 = arith.constant 0 : i32
      %cond3A_130 = arith.cmpi ne, %convert_element_type3A_128, %cond3A_129 : i32
      scf.if %cond3A_130 {
        %dma_wait3A_141 = arith.constant 0 : i32
        %dma_wait3A_142 = tpu.memref_slice %arg7[%sub3A_122, %dma_wait3A_141] : memref<200x128xi32, #tpu.memory_space<vmem>> -> memref<1x128xi32, #tpu.memory_space<vmem>>
        %dma_wait3A_143 = tpu.memref_squeeze %dma_wait3A_142 : memref<1x128xi32, #tpu.memory_space<vmem>> -> memref<128xi32, #tpu.memory_space<vmem>>
        %dma_wait3A_144 = arith.constant 0 : i32
        %dma_wait3A_145 = arith.constant 0 : i32
        %dma_wait3A_146 = tpu.memref_slice %arg4[%dma_wait3A_144, %dma_wait3A_145] : memref<100000x64xf32, #tpu.memory_space<hbm>> -> memref<100000x64xf32, #tpu.memory_space<hbm>>
        tpu.wait_indirect_dma semaphore(%arg19 : memref<!tpu.dma_semaphore, #tpu.memory_space<semaphore_mem>>) src(%dma_wait3A_146 : memref<100000x64xf32, #tpu.memory_space<hbm>>) dst(%arg10 : memref<128x64xf32, #tpu.memory_space<vmem>>)
        %dma_start3A = arith.constant 0 : i32
        %dma_start3A_147 = tpu.memref_slice %arg8[%sub3A_122, %dma_start3A] : memref<200x128xi32, #tpu.memory_space<vmem>> -> memref<1x128xi32, #tpu.memory_space<vmem>>
        %dma_start3A_148 = tpu.memref_squeeze %dma_start3A_147 : memref<1x128xi32, #tpu.memory_space<vmem>> -> memref<128xi32, #tpu.memory_space<vmem>>
        %dma_start3A_149 = arith.constant 0 : i32
        %dma_start3A_150 = arith.constant 0 : i32
        %dma_start3A_151 = tpu.memref_slice %arg5[%dma_start3A_149, %dma_start3A_150] : memref<10000x64xf32, #tpu.memory_space<hbm>> -> memref<10000x64xf32, #tpu.memory_space<hbm>>
        tpu.enqueue_indirect_dma source(%dma_start3A_151 : memref<10000x64xf32, #tpu.memory_space<hbm>>) target(%arg10 : memref<128x64xf32, #tpu.memory_space<vmem>>) offsets(%dma_start3A_148 : memref<128xi32, #tpu.memory_space<vmem>>) semaphore(%arg22 : memref<!tpu.dma_semaphore, #tpu.memory_space<semaphore_mem>>) {add = true}
      } else {
      }
      %sub3A_131 = arith.constant 2 : i32
      %sub3A_132 = arith.subi %add3A_115, %sub3A_131 : i32
      %ge3A_133 = arith.constant 0 : i32
      %ge3A_134 = arith.cmpi sge, %sub3A_132, %ge3A_133 : i32
      %lt3A_135 = arith.constant 200 : i32
      %lt3A_136 = arith.cmpi slt, %sub3A_132, %lt3A_135 : i32
      %and3A_137 = arith.andi %ge3A_134, %lt3A_136 : i1
      %convert_element_type3A_138 = arith.extui %and3A_137 : i1 to i32
      %cond3A_139 = arith.constant 0 : i32
      %cond3A_140 = arith.cmpi ne, %convert_element_type3A_138, %cond3A_139 : i32
      scf.if %cond3A_140 {
        %dma_wait3A_141 = arith.constant 0 : i32
        %dma_wait3A_142 = tpu.memref_slice %arg8[%sub3A_132, %dma_wait3A_141] : memref<200x128xi32, #tpu.memory_space<vmem>> -> memref<1x128xi32, #tpu.memory_space<vmem>>
        %dma_wait3A_143 = tpu.memref_squeeze %dma_wait3A_142 : memref<1x128xi32, #tpu.memory_space<vmem>> -> memref<128xi32, #tpu.memory_space<vmem>>
        %dma_wait3A_144 = arith.constant 0 : i32
        %dma_wait3A_145 = arith.constant 0 : i32
        %dma_wait3A_146 = tpu.memref_slice %arg5[%dma_wait3A_144, %dma_wait3A_145] : memref<10000x64xf32, #tpu.memory_space<hbm>> -> memref<10000x64xf32, #tpu.memory_space<hbm>>
        tpu.wait_indirect_dma semaphore(%arg21 : memref<!tpu.dma_semaphore, #tpu.memory_space<semaphore_mem>>) src(%dma_wait3A_146 : memref<10000x64xf32, #tpu.memory_space<hbm>>) dst(%arg9 : memref<128x64xf32, #tpu.memory_space<vmem>>)
        %ge3A_147 = arith.constant 3 : i32
        %ge3A_148 = arith.cmpi sge, %sub3A_132, %ge3A_147 : i32
        %convert_element_type3A_149 = arith.extui %ge3A_148 : i1 to i32
        %cond3A_150 = arith.constant 0 : i32
        %cond3A_151 = arith.cmpi ne, %convert_element_type3A_149, %cond3A_150 : i32
        scf.if %cond3A_151 {
          %dma_wait3A_173 = arith.constant 0 : i32
          %dma_wait3A_174 = arith.constant 0 : i32
          %dma_wait3A_175 = arith.constant 0 : i32
          %dma_wait3A_176 = arith.constant 0 : i32
          %dma_wait3A_177 = tpu.memref_slice %arg6[%dma_wait3A_173, %dma_wait3A_174, %add3A, %dma_wait3A_175, %dma_wait3A_176] : memref<200x8x32x8x128xf32, #tpu.memory_space<hbm>> -> memref<1x8x1x8x128xf32, #tpu.memory_space<hbm>>
          %dma_wait3A_178 = tpu.memref_squeeze %dma_wait3A_177 : memref<1x8x1x8x128xf32, #tpu.memory_space<hbm>> -> memref<8x8x128xf32, #tpu.memory_space<hbm>>
          %dma_wait3A_179 = arith.constant 0 : i32
          %dma_wait3A_180 = arith.constant 0 : i32
          %dma_wait3A_181 = arith.constant 0 : i32
          %dma_wait3A_182 = tpu.memref_slice %arg6[%dma_wait3A_173, %dma_wait3A_179, %add3A, %dma_wait3A_180, %dma_wait3A_181] : memref<200x8x32x8x128xf32, #tpu.memory_space<hbm>> -> memref<1x8x1x8x128xf32, #tpu.memory_space<hbm>>
          %dma_wait3A_183 = tpu.memref_squeeze %dma_wait3A_182 : memref<1x8x1x8x128xf32, #tpu.memory_space<hbm>> -> memref<8x8x128xf32, #tpu.memory_space<hbm>>
          tpu.wait_dma2 semaphore(%arg24 : memref<!tpu.dma_semaphore, #tpu.memory_space<semaphore_mem>>) src(%arg12 : memref<8x8x128xf32, #tpu.memory_space<vmem>>) dst(%dma_wait3A_183 : memref<8x8x128xf32, #tpu.memory_space<hbm>>)
        } else {
        }
        %scan3A_152 = arith.constant 0 : i32
        %scan3A_153 = arith.constant 0 : i32
        %scan3A_154 = arith.constant 32 : i32
        %scan3A_155 = arith.addi %scan3A_153, %scan3A_154 : i32
        %scan3A_156 = arith.constant 1 : i32
        scf.for %scan3A_173 = %scan3A_153 to %scan3A_155 step %scan3A_156  : i32 {
          %mul3A_174 = arith.constant 4 : i32
          %mul3A_175 = arith.muli %scan3A_173, %mul3A_174 : i32
          %add3A_176 = arith.constant 0 : i32
          %add3A_177 = arith.addi %mul3A_175, %add3A_176 : i32
          %get3A = arith.index_cast %add3A_177 : i32 to index
          %get3A_178 = arith.constant 0 : index
          %get3A_179 = tpu.vector_load %arg9[%get3A, %get3A_178] {strides = array<i32>} : memref<128x64xf32, #tpu.memory_space<vmem>>, vector<16xf32>,
          %add3A_180 = vector.broadcast %add3A_177 : i32 to vector<16xi32>
          %add3A_181 = arith.addi %mul3A_6, %add3A_180 : vector<16xi32>
          tpu.vector_store_idx %arg15[%add3A_181], %get3A_179 : memref<8256xf32, #tpu.memory_space<vmem>>[vector<16xi32>], vector<16xf32>,
          %get3A_182 = arith.index_cast %add3A_177 : i32 to index
          %get3A_183 = arith.constant 16 : index
          %get3A_184 = tpu.vector_load %arg9[%get3A_182, %get3A_183] {strides = array<i32>} : memref<128x64xf32, #tpu.memory_space<vmem>>, vector<16xf32>,
          %add3A_185 = vector.broadcast %add3A_177 : i32 to vector<16xi32>
          %add3A_186 = arith.addi %mul3A_12, %add3A_185 : vector<16xi32>
          tpu.vector_store_idx %arg15[%add3A_186], %get3A_184 : memref<8256xf32, #tpu.memory_space<vmem>>[vector<16xi32>], vector<16xf32>,
          %get3A_187 = arith.index_cast %add3A_177 : i32 to index
          %get3A_188 = arith.constant 32 : index
          %get3A_189 = tpu.vector_load %arg9[%get3A_187, %get3A_188] {strides = array<i32>} : memref<128x64xf32, #tpu.memory_space<vmem>>, vector<16xf32>,
          %add3A_190 = vector.broadcast %add3A_177 : i32 to vector<16xi32>
          %add3A_191 = arith.addi %mul3A_18, %add3A_190 : vector<16xi32>
          tpu.vector_store_idx %arg15[%add3A_191], %get3A_189 : memref<8256xf32, #tpu.memory_space<vmem>>[vector<16xi32>], vector<16xf32>,
          %get3A_192 = arith.index_cast %add3A_177 : i32 to index
          %get3A_193 = arith.constant 48 : index
          %get3A_194 = tpu.vector_load %arg9[%get3A_192, %get3A_193] {strides = array<i32>} : memref<128x64xf32, #tpu.memory_space<vmem>>, vector<16xf32>,
          %add3A_195 = vector.broadcast %add3A_177 : i32 to vector<16xi32>
          %add3A_196 = arith.addi %mul3A_24, %add3A_195 : vector<16xi32>
          tpu.vector_store_idx %arg15[%add3A_196], %get3A_194 : memref<8256xf32, #tpu.memory_space<vmem>>[vector<16xi32>], vector<16xf32>,
          %mul3A_197 = arith.constant 4 : i32
          %mul3A_198 = arith.muli %scan3A_173, %mul3A_197 : i32
          %add3A_199 = arith.constant 1 : i32
          %add3A_200 = arith.addi %mul3A_198, %add3A_199 : i32
          %get3A_201 = arith.index_cast %add3A_200 : i32 to index
          %get3A_202 = arith.constant 0 : index
          %get3A_203 = tpu.vector_load %arg9[%get3A_201, %get3A_202] {strides = array<i32>} : memref<128x64xf32, #tpu.memory_space<vmem>>, vector<16xf32>,
          %add3A_204 = vector.broadcast %add3A_200 : i32 to vector<16xi32>
          %add3A_205 = arith.addi %mul3A_6, %add3A_204 : vector<16xi32>
          tpu.vector_store_idx %arg15[%add3A_205], %get3A_203 : memref<8256xf32, #tpu.memory_space<vmem>>[vector<16xi32>], vector<16xf32>,
          %get3A_206 = arith.index_cast %add3A_200 : i32 to index
          %get3A_207 = arith.constant 16 : index
          %get3A_208 = tpu.vector_load %arg9[%get3A_206, %get3A_207] {strides = array<i32>} : memref<128x64xf32, #tpu.memory_space<vmem>>, vector<16xf32>,
          %add3A_209 = vector.broadcast %add3A_200 : i32 to vector<16xi32>
          %add3A_210 = arith.addi %mul3A_12, %add3A_209 : vector<16xi32>
          tpu.vector_store_idx %arg15[%add3A_210], %get3A_208 : memref<8256xf32, #tpu.memory_space<vmem>>[vector<16xi32>], vector<16xf32>,
          %get3A_211 = arith.index_cast %add3A_200 : i32 to index
          %get3A_212 = arith.constant 32 : index
          %get3A_213 = tpu.vector_load %arg9[%get3A_211, %get3A_212] {strides = array<i32>} : memref<128x64xf32, #tpu.memory_space<vmem>>, vector<16xf32>,
          %add3A_214 = vector.broadcast %add3A_200 : i32 to vector<16xi32>
          %add3A_215 = arith.addi %mul3A_18, %add3A_214 : vector<16xi32>
          tpu.vector_store_idx %arg15[%add3A_215], %get3A_213 : memref<8256xf32, #tpu.memory_space<vmem>>[vector<16xi32>], vector<16xf32>,
          %get3A_216 = arith.index_cast %add3A_200 : i32 to index
          %get3A_217 = arith.constant 48 : index
          %get3A_218 = tpu.vector_load %arg9[%get3A_216, %get3A_217] {strides = array<i32>} : memref<128x64xf32, #tpu.memory_space<vmem>>, vector<16xf32>,
          %add3A_219 = vector.broadcast %add3A_200 : i32 to vector<16xi32>
          %add3A_220 = arith.addi %mul3A_24, %add3A_219 : vector<16xi32>
          tpu.vector_store_idx %arg15[%add3A_220], %get3A_218 : memref<8256xf32, #tpu.memory_space<vmem>>[vector<16xi32>], vector<16xf32>,
          %mul3A_221 = arith.constant 4 : i32
          %mul3A_222 = arith.muli %scan3A_173, %mul3A_221 : i32
          %add3A_223 = arith.constant 2 : i32
          %add3A_224 = arith.addi %mul3A_222, %add3A_223 : i32
          %get3A_225 = arith.index_cast %add3A_224 : i32 to index
          %get3A_226 = arith.constant 0 : index
          %get3A_227 = tpu.vector_load %arg9[%get3A_225, %get3A_226] {strides = array<i32>} : memref<128x64xf32, #tpu.memory_space<vmem>>, vector<16xf32>,
          %add3A_228 = vector.broadcast %add3A_224 : i32 to vector<16xi32>
          %add3A_229 = arith.addi %mul3A_6, %add3A_228 : vector<16xi32>
          tpu.vector_store_idx %arg15[%add3A_229], %get3A_227 : memref<8256xf32, #tpu.memory_space<vmem>>[vector<16xi32>], vector<16xf32>,
          %get3A_230 = arith.index_cast %add3A_224 : i32 to index
          %get3A_231 = arith.constant 16 : index
          %get3A_232 = tpu.vector_load %arg9[%get3A_230, %get3A_231] {strides = array<i32>} : memref<128x64xf32, #tpu.memory_space<vmem>>, vector<16xf32>,
          %add3A_233 = vector.broadcast %add3A_224 : i32 to vector<16xi32>
          %add3A_234 = arith.addi %mul3A_12, %add3A_233 : vector<16xi32>
          tpu.vector_store_idx %arg15[%add3A_234], %get3A_232 : memref<8256xf32, #tpu.memory_space<vmem>>[vector<16xi32>], vector<16xf32>,
          %get3A_235 = arith.index_cast %add3A_224 : i32 to index
          %get3A_236 = arith.constant 32 : index
          %get3A_237 = tpu.vector_load %arg9[%get3A_235, %get3A_236] {strides = array<i32>} : memref<128x64xf32, #tpu.memory_space<vmem>>, vector<16xf32>,
          %add3A_238 = vector.broadcast %add3A_224 : i32 to vector<16xi32>
          %add3A_239 = arith.addi %mul3A_18, %add3A_238 : vector<16xi32>
          tpu.vector_store_idx %arg15[%add3A_239], %get3A_237 : memref<8256xf32, #tpu.memory_space<vmem>>[vector<16xi32>], vector<16xf32>,
          %get3A_240 = arith.index_cast %add3A_224 : i32 to index
          %get3A_241 = arith.constant 48 : index
          %get3A_242 = tpu.vector_load %arg9[%get3A_240, %get3A_241] {strides = array<i32>} : memref<128x64xf32, #tpu.memory_space<vmem>>, vector<16xf32>,
          %add3A_243 = vector.broadcast %add3A_224 : i32 to vector<16xi32>
          %add3A_244 = arith.addi %mul3A_24, %add3A_243 : vector<16xi32>
          tpu.vector_store_idx %arg15[%add3A_244], %get3A_242 : memref<8256xf32, #tpu.memory_space<vmem>>[vector<16xi32>], vector<16xf32>,
          %mul3A_245 = arith.constant 4 : i32
          %mul3A_246 = arith.muli %scan3A_173, %mul3A_245 : i32
          %add3A_247 = arith.constant 3 : i32
          %add3A_248 = arith.addi %mul3A_246, %add3A_247 : i32
          %get3A_249 = arith.index_cast %add3A_248 : i32 to index
          %get3A_250 = arith.constant 0 : index
          %get3A_251 = tpu.vector_load %arg9[%get3A_249, %get3A_250] {strides = array<i32>} : memref<128x64xf32, #tpu.memory_space<vmem>>, vector<16xf32>,
          %add3A_252 = vector.broadcast %add3A_248 : i32 to vector<16xi32>
          %add3A_253 = arith.addi %mul3A_6, %add3A_252 : vector<16xi32>
          tpu.vector_store_idx %arg15[%add3A_253], %get3A_251 : memref<8256xf32, #tpu.memory_space<vmem>>[vector<16xi32>], vector<16xf32>,
          %get3A_254 = arith.index_cast %add3A_248 : i32 to index
          %get3A_255 = arith.constant 16 : index
          %get3A_256 = tpu.vector_load %arg9[%get3A_254, %get3A_255] {strides = array<i32>} : memref<128x64xf32, #tpu.memory_space<vmem>>, vector<16xf32>,
          %add3A_257 = vector.broadcast %add3A_248 : i32 to vector<16xi32>
          %add3A_258 = arith.addi %mul3A_12, %add3A_257 : vector<16xi32>
          tpu.vector_store_idx %arg15[%add3A_258], %get3A_256 : memref<8256xf32, #tpu.memory_space<vmem>>[vector<16xi32>], vector<16xf32>,
          %get3A_259 = arith.index_cast %add3A_248 : i32 to index
          %get3A_260 = arith.constant 32 : index
          %get3A_261 = tpu.vector_load %arg9[%get3A_259, %get3A_260] {strides = array<i32>} : memref<128x64xf32, #tpu.memory_space<vmem>>, vector<16xf32>,
          %add3A_262 = vector.broadcast %add3A_248 : i32 to vector<16xi32>
          %add3A_263 = arith.addi %mul3A_18, %add3A_262 : vector<16xi32>
          tpu.vector_store_idx %arg15[%add3A_263], %get3A_261 : memref<8256xf32, #tpu.memory_space<vmem>>[vector<16xi32>], vector<16xf32>,
          %get3A_264 = arith.index_cast %add3A_248 : i32 to index
          %get3A_265 = arith.constant 48 : index
          %get3A_266 = tpu.vector_load %arg9[%get3A_264, %get3A_265] {strides = array<i32>} : memref<128x64xf32, #tpu.memory_space<vmem>>, vector<16xf32>,
          %add3A_267 = vector.broadcast %add3A_248 : i32 to vector<16xi32>
          %add3A_268 = arith.addi %mul3A_24, %add3A_267 : vector<16xi32>
          tpu.vector_store_idx %arg15[%add3A_268], %get3A_266 : memref<8256xf32, #tpu.memory_space<vmem>>[vector<16xi32>], vector<16xf32>,
        }
        %scan3A_157 = arith.constant 32 : i32
        %scan3A_158 = arith.constant 0 : i32
        %scan3A_159 = arith.constant 0 : i32
        %scan3A_160 = arith.constant 8 : i32
        %scan3A_161 = arith.addi %scan3A_159, %scan3A_160 : i32
        %scan3A_162 = arith.constant 1 : i32
        scf.for %scan3A_173 = %scan3A_159 to %scan3A_161 step %scan3A_162  : i32 {
          %mul3A_174 = arith.constant 8 : i32
          %mul3A_175 = arith.muli %scan3A_173, %mul3A_174 : i32
          %add3A_176 = arith.constant 0 : i32
          %add3A_177 = arith.addi %mul3A_175, %add3A_176 : i32
          %mul3A_178 = arith.constant 129 : i32
          %mul3A_179 = arith.muli %add3A_177, %mul3A_178 : i32
          %add3A_180 = arith.constant 0 : i32
          %add3A_181 = arith.addi %mul3A_179, %add3A_180 : i32
          %get3A = arith.index_cast %add3A_181 : i32 to index
          %get3A_182 = tpu.vector_load %arg15[%get3A] {strides = array<i32>} : memref<8256xf32, #tpu.memory_space<vmem>>, vector<16xf32>,
          %swap3A = arith.constant 0 : i32
          %swap3A_183 = arith.index_cast %scan3A_173 : i32 to index
          %swap3A_184 = arith.index_cast %swap3A : i32 to index
          %swap3A_185 = arith.constant 0 : index
          %swap3A_186 = tpu.vector_load %arg12[%swap3A_183, %swap3A_184, %swap3A_185] {strides = array<i32>} : memref<8x8x128xf32, #tpu.memory_space<vmem>>, vector<16xf32>,
          tpu.vector_store %arg12[%swap3A_183, %swap3A_184, %swap3A_185], %get3A_182 {strides = array<i32>} : memref<8x8x128xf32, #tpu.memory_space<vmem>>, vector<16xf32>,
          %mul3A_187 = arith.constant 129 : i32
          %mul3A_188 = arith.muli %add3A_177, %mul3A_187 : i32
          %add3A_189 = arith.constant 16 : i32
          %add3A_190 = arith.addi %mul3A_188, %add3A_189 : i32
          %get3A_191 = arith.index_cast %add3A_190 : i32 to index
          %get3A_192 = tpu.vector_load %arg15[%get3A_191] {strides = array<i32>} : memref<8256xf32, #tpu.memory_space<vmem>>, vector<16xf32>,
          %swap3A_193 = arith.constant 0 : i32
          %swap3A_194 = arith.index_cast %scan3A_173 : i32 to index
          %swap3A_195 = arith.index_cast %swap3A_193 : i32 to index
          %swap3A_196 = arith.constant 16 : index
          %swap3A_197 = tpu.vector_load %arg12[%swap3A_194, %swap3A_195, %swap3A_196] {strides = array<i32>} : memref<8x8x128xf32, #tpu.memory_space<vmem>>, vector<16xf32>,
          tpu.vector_store %arg12[%swap3A_194, %swap3A_195, %swap3A_196], %get3A_192 {strides = array<i32>} : memref<8x8x128xf32, #tpu.memory_space<vmem>>, vector<16xf32>,
          %mul3A_198 = arith.constant 129 : i32
          %mul3A_199 = arith.muli %add3A_177, %mul3A_198 : i32
          %add3A_200 = arith.constant 32 : i32
          %add3A_201 = arith.addi %mul3A_199, %add3A_200 : i32
          %get3A_202 = arith.index_cast %add3A_201 : i32 to index
          %get3A_203 = tpu.vector_load %arg15[%get3A_202] {strides = array<i32>} : memref<8256xf32, #tpu.memory_space<vmem>>, vector<16xf32>,
          %swap3A_204 = arith.constant 0 : i32
          %swap3A_205 = arith.index_cast %scan3A_173 : i32 to index
          %swap3A_206 = arith.index_cast %swap3A_204 : i32 to index
          %swap3A_207 = arith.constant 32 : index
          %swap3A_208 = tpu.vector_load %arg12[%swap3A_205, %swap3A_206, %swap3A_207] {strides = array<i32>} : memref<8x8x128xf32, #tpu.memory_space<vmem>>, vector<16xf32>,
          tpu.vector_store %arg12[%swap3A_205, %swap3A_206, %swap3A_207], %get3A_203 {strides = array<i32>} : memref<8x8x128xf32, #tpu.memory_space<vmem>>, vector<16xf32>,
          %mul3A_209 = arith.constant 129 : i32
          %mul3A_210 = arith.muli %add3A_177, %mul3A_209 : i32
          %add3A_211 = arith.constant 48 : i32
          %add3A_212 = arith.addi %mul3A_210, %add3A_211 : i32
          %get3A_213 = arith.index_cast %add3A_212 : i32 to index
          %get3A_214 = tpu.vector_load %arg15[%get3A_213] {strides = array<i32>} : memref<8256xf32, #tpu.memory_space<vmem>>, vector<16xf32>,
          %swap3A_215 = arith.constant 0 : i32
          %swap3A_216 = arith.index_cast %scan3A_173 : i32 to index
          %swap3A_217 = arith.index_cast %swap3A_215 : i32 to index
          %swap3A_218 = arith.constant 48 : index
          %swap3A_219 = tpu.vector_load %arg12[%swap3A_216, %swap3A_217, %swap3A_218] {strides = array<i32>} : memref<8x8x128xf32, #tpu.memory_space<vmem>>, vector<16xf32>,
          tpu.vector_store %arg12[%swap3A_216, %swap3A_217, %swap3A_218], %get3A_214 {strides = array<i32>} : memref<8x8x128xf32, #tpu.memory_space<vmem>>, vector<16xf32>,
          %mul3A_220 = arith.constant 129 : i32
          %mul3A_221 = arith.muli %add3A_177, %mul3A_220 : i32
          %add3A_222 = arith.constant 64 : i32
          %add3A_223 = arith.addi %mul3A_221, %add3A_222 : i32
          %get3A_224 = arith.index_cast %add3A_223 : i32 to index
          %get3A_225 = tpu.vector_load %arg15[%get3A_224] {strides = array<i32>} : memref<8256xf32, #tpu.memory_space<vmem>>, vector<16xf32>,
          %swap3A_226 = arith.constant 0 : i32
          %swap3A_227 = arith.index_cast %scan3A_173 : i32 to index
          %swap3A_228 = arith.index_cast %swap3A_226 : i32 to index
          %swap3A_229 = arith.constant 64 : index
          %swap3A_230 = tpu.vector_load %arg12[%swap3A_227, %swap3A_228, %swap3A_229] {strides = array<i32>} : memref<8x8x128xf32, #tpu.memory_space<vmem>>, vector<16xf32>,
          tpu.vector_store %arg12[%swap3A_227, %swap3A_228, %swap3A_229], %get3A_225 {strides = array<i32>} : memref<8x8x128xf32, #tpu.memory_space<vmem>>, vector<16xf32>,
          %mul3A_231 = arith.constant 129 : i32
          %mul3A_232 = arith.muli %add3A_177, %mul3A_231 : i32
          %add3A_233 = arith.constant 80 : i32
          %add3A_234 = arith.addi %mul3A_232, %add3A_233 : i32
          %get3A_235 = arith.index_cast %add3A_234 : i32 to index
          %get3A_236 = tpu.vector_load %arg15[%get3A_235] {strides = array<i32>} : memref<8256xf32, #tpu.memory_space<vmem>>, vector<16xf32>,
          %swap3A_237 = arith.constant 0 : i32
          %swap3A_238 = arith.index_cast %scan3A_173 : i32 to index
          %swap3A_239 = arith.index_cast %swap3A_237 : i32 to index
          %swap3A_240 = arith.constant 80 : index
          %swap3A_241 = tpu.vector_load %arg12[%swap3A_238, %swap3A_239, %swap3A_240] {strides = array<i32>} : memref<8x8x128xf32, #tpu.memory_space<vmem>>, vector<16xf32>,
          tpu.vector_store %arg12[%swap3A_238, %swap3A_239, %swap3A_240], %get3A_236 {strides = array<i32>} : memref<8x8x128xf32, #tpu.memory_space<vmem>>, vector<16xf32>,
          %mul3A_242 = arith.constant 129 : i32
          %mul3A_243 = arith.muli %add3A_177, %mul3A_242 : i32
          %add3A_244 = arith.constant 96 : i32
          %add3A_245 = arith.addi %mul3A_243, %add3A_244 : i32
          %get3A_246 = arith.index_cast %add3A_245 : i32 to index
          %get3A_247 = tpu.vector_load %arg15[%get3A_246] {strides = array<i32>} : memref<8256xf32, #tpu.memory_space<vmem>>, vector<16xf32>,
          %swap3A_248 = arith.constant 0 : i32
          %swap3A_249 = arith.index_cast %scan3A_173 : i32 to index
          %swap3A_250 = arith.index_cast %swap3A_248 : i32 to index
          %swap3A_251 = arith.constant 96 : index
          %swap3A_252 = tpu.vector_load %arg12[%swap3A_249, %swap3A_250, %swap3A_251] {strides = array<i32>} : memref<8x8x128xf32, #tpu.memory_space<vmem>>, vector<16xf32>,
          tpu.vector_store %arg12[%swap3A_249, %swap3A_250, %swap3A_251], %get3A_247 {strides = array<i32>} : memref<8x8x128xf32, #tpu.memory_space<vmem>>, vector<16xf32>,
          %mul3A_253 = arith.constant 129 : i32
          %mul3A_254 = arith.muli %add3A_177, %mul3A_253 : i32
          %add3A_255 = arith.constant 112 : i32
          %add3A_256 = arith.addi %mul3A_254, %add3A_255 : i32
          %get3A_257 = arith.index_cast %add3A_256 : i32 to index
          %get3A_258 = tpu.vector_load %arg15[%get3A_257] {strides = array<i32>} : memref<8256xf32, #tpu.memory_space<vmem>>, vector<16xf32>,
          %swap3A_259 = arith.constant 0 : i32
          %swap3A_260 = arith.index_cast %scan3A_173 : i32 to index
          %swap3A_261 = arith.index_cast %swap3A_259 : i32 to index
          %swap3A_262 = arith.constant 112 : index
          %swap3A_263 = tpu.vector_load %arg12[%swap3A_260, %swap3A_261, %swap3A_262] {strides = array<i32>} : memref<8x8x128xf32, #tpu.memory_space<vmem>>, vector<16xf32>,
          tpu.vector_store %arg12[%swap3A_260, %swap3A_261, %swap3A_262], %get3A_258 {strides = array<i32>} : memref<8x8x128xf32, #tpu.memory_space<vmem>>, vector<16xf32>,
          %mul3A_264 = arith.constant 8 : i32
          %mul3A_265 = arith.muli %scan3A_173, %mul3A_264 : i32
          %add3A_266 = arith.constant 1 : i32
          %add3A_267 = arith.addi %mul3A_265, %add3A_266 : i32
          %mul3A_268 = arith.constant 129 : i32
          %mul3A_269 = arith.muli %add3A_267, %mul3A_268 : i32
          %add3A_270 = arith.constant 0 : i32
          %add3A_271 = arith.addi %mul3A_269, %add3A_270 : i32
          %get3A_272 = arith.index_cast %add3A_271 : i32 to index
          %get3A_273 = tpu.vector_load %arg15[%get3A_272] {strides = array<i32>} : memref<8256xf32, #tpu.memory_space<vmem>>, vector<16xf32>,
          %swap3A_274 = arith.constant 1 : i32
          %swap3A_275 = arith.index_cast %scan3A_173 : i32 to index
          %swap3A_276 = arith.index_cast %swap3A_274 : i32 to index
          %swap3A_277 = arith.constant 0 : index
          %swap3A_278 = tpu.vector_load %arg12[%swap3A_275, %swap3A_276, %swap3A_277] {strides = array<i32>} : memref<8x8x128xf32, #tpu.memory_space<vmem>>, vector<16xf32>,
          tpu.vector_store %arg12[%swap3A_275, %swap3A_276, %swap3A_277], %get3A_273 {strides = array<i32>} : memref<8x8x128xf32, #tpu.memory_space<vmem>>, vector<16xf32>,
          %mul3A_279 = arith.constant 129 : i32
          %mul3A_280 = arith.muli %add3A_267, %mul3A_279 : i32
          %add3A_281 = arith.constant 16 : i32
          %add3A_282 = arith.addi %mul3A_280, %add3A_281 : i32
          %get3A_283 = arith.index_cast %add3A_282 : i32 to index
          %get3A_284 = tpu.vector_load %arg15[%get3A_283] {strides = array<i32>} : memref<8256xf32, #tpu.memory_space<vmem>>, vector<16xf32>,
          %swap3A_285 = arith.constant 1 : i32
          %swap3A_286 = arith.index_cast %scan3A_173 : i32 to index
          %swap3A_287 = arith.index_cast %swap3A_285 : i32 to index
          %swap3A_288 = arith.constant 16 : index
          %swap3A_289 = tpu.vector_load %arg12[%swap3A_286, %swap3A_287, %swap3A_288] {strides = array<i32>} : memref<8x8x128xf32, #tpu.memory_space<vmem>>, vector<16xf32>,
          tpu.vector_store %arg12[%swap3A_286, %swap3A_287, %swap3A_288], %get3A_284 {strides = array<i32>} : memref<8x8x128xf32, #tpu.memory_space<vmem>>, vector<16xf32>,
          %mul3A_290 = arith.constant 129 : i32
          %mul3A_291 = arith.muli %add3A_267, %mul3A_290 : i32
          %add3A_292 = arith.constant 32 : i32
          %add3A_293 = arith.addi %mul3A_291, %add3A_292 : i32
          %get3A_294 = arith.index_cast %add3A_293 : i32 to index
          %get3A_295 = tpu.vector_load %arg15[%get3A_294] {strides = array<i32>} : memref<8256xf32, #tpu.memory_space<vmem>>, vector<16xf32>,
          %swap3A_296 = arith.constant 1 : i32
          %swap3A_297 = arith.index_cast %scan3A_173 : i32 to index
          %swap3A_298 = arith.index_cast %swap3A_296 : i32 to index
          %swap3A_299 = arith.constant 32 : index
          %swap3A_300 = tpu.vector_load %arg12[%swap3A_297, %swap3A_298, %swap3A_299] {strides = array<i32>} : memref<8x8x128xf32, #tpu.memory_space<vmem>>, vector<16xf32>,
          tpu.vector_store %arg12[%swap3A_297, %swap3A_298, %swap3A_299], %get3A_295 {strides = array<i32>} : memref<8x8x128xf32, #tpu.memory_space<vmem>>, vector<16xf32>,
          %mul3A_301 = arith.constant 129 : i32
          %mul3A_302 = arith.muli %add3A_267, %mul3A_301 : i32
          %add3A_303 = arith.constant 48 : i32
          %add3A_304 = arith.addi %mul3A_302, %add3A_303 : i32
          %get3A_305 = arith.index_cast %add3A_304 : i32 to index
          %get3A_306 = tpu.vector_load %arg15[%get3A_305] {strides = array<i32>} : memref<8256xf32, #tpu.memory_space<vmem>>, vector<16xf32>,
          %swap3A_307 = arith.constant 1 : i32
          %swap3A_308 = arith.index_cast %scan3A_173 : i32 to index
          %swap3A_309 = arith.index_cast %swap3A_307 : i32 to index
          %swap3A_310 = arith.constant 48 : index
          %swap3A_311 = tpu.vector_load %arg12[%swap3A_308, %swap3A_309, %swap3A_310] {strides = array<i32>} : memref<8x8x128xf32, #tpu.memory_space<vmem>>, vector<16xf32>,
          tpu.vector_store %arg12[%swap3A_308, %swap3A_309, %swap3A_310], %get3A_306 {strides = array<i32>} : memref<8x8x128xf32, #tpu.memory_space<vmem>>, vector<16xf32>,
          %mul3A_312 = arith.constant 129 : i32
          %mul3A_313 = arith.muli %add3A_267, %mul3A_312 : i32
          %add3A_314 = arith.constant 64 : i32
          %add3A_315 = arith.addi %mul3A_313, %add3A_314 : i32
          %get3A_316 = arith.index_cast %add3A_315 : i32 to index
          %get3A_317 = tpu.vector_load %arg15[%get3A_316] {strides = array<i32>} : memref<8256xf32, #tpu.memory_space<vmem>>, vector<16xf32>,
          %swap3A_318 = arith.constant 1 : i32
          %swap3A_319 = arith.index_cast %scan3A_173 : i32 to index
          %swap3A_320 = arith.index_cast %swap3A_318 : i32 to index
          %swap3A_321 = arith.constant 64 : index
          %swap3A_322 = tpu.vector_load %arg12[%swap3A_319, %swap3A_320, %swap3A_321] {strides = array<i32>} : memref<8x8x128xf32, #tpu.memory_space<vmem>>, vector<16xf32>,
          tpu.vector_store %arg12[%swap3A_319, %swap3A_320, %swap3A_321], %get3A_317 {strides = array<i32>} : memref<8x8x128xf32, #tpu.memory_space<vmem>>, vector<16xf32>,
          %mul3A_323 = arith.constant 129 : i32
          %mul3A_324 = arith.muli %add3A_267, %mul3A_323 : i32
          %add3A_325 = arith.constant 80 : i32
          %add3A_326 = arith.addi %mul3A_324, %add3A_325 : i32
          %get3A_327 = arith.index_cast %add3A_326 : i32 to index
          %get3A_328 = tpu.vector_load %arg15[%get3A_327] {strides = array<i32>} : memref<8256xf32, #tpu.memory_space<vmem>>, vector<16xf32>,
          %swap3A_329 = arith.constant 1 : i32
          %swap3A_330 = arith.index_cast %scan3A_173 : i32 to index
          %swap3A_331 = arith.index_cast %swap3A_329 : i32 to index
          %swap3A_332 = arith.constant 80 : index
          %swap3A_333 = tpu.vector_load %arg12[%swap3A_330, %swap3A_331, %swap3A_332] {strides = array<i32>} : memref<8x8x128xf32, #tpu.memory_space<vmem>>, vector<16xf32>,
          tpu.vector_store %arg12[%swap3A_330, %swap3A_331, %swap3A_332], %get3A_328 {strides = array<i32>} : memref<8x8x128xf32, #tpu.memory_space<vmem>>, vector<16xf32>,
          %mul3A_334 = arith.constant 129 : i32
          %mul3A_335 = arith.muli %add3A_267, %mul3A_334 : i32
          %add3A_336 = arith.constant 96 : i32
          %add3A_337 = arith.addi %mul3A_335, %add3A_336 : i32
          %get3A_338 = arith.index_cast %add3A_337 : i32 to index
          %get3A_339 = tpu.vector_load %arg15[%get3A_338] {strides = array<i32>} : memref<8256xf32, #tpu.memory_space<vmem>>, vector<16xf32>,
          %swap3A_340 = arith.constant 1 : i32
          %swap3A_341 = arith.index_cast %scan3A_173 : i32 to index
          %swap3A_342 = arith.index_cast %swap3A_340 : i32 to index
          %swap3A_343 = arith.constant 96 : index
          %swap3A_344 = tpu.vector_load %arg12[%swap3A_341, %swap3A_342, %swap3A_343] {strides = array<i32>} : memref<8x8x128xf32, #tpu.memory_space<vmem>>, vector<16xf32>,
          tpu.vector_store %arg12[%swap3A_341, %swap3A_342, %swap3A_343], %get3A_339 {strides = array<i32>} : memref<8x8x128xf32, #tpu.memory_space<vmem>>, vector<16xf32>,
          %mul3A_345 = arith.constant 129 : i32
          %mul3A_346 = arith.muli %add3A_267, %mul3A_345 : i32
          %add3A_347 = arith.constant 112 : i32
          %add3A_348 = arith.addi %mul3A_346, %add3A_347 : i32
          %get3A_349 = arith.index_cast %add3A_348 : i32 to index
          %get3A_350 = tpu.vector_load %arg15[%get3A_349] {strides = array<i32>} : memref<8256xf32, #tpu.memory_space<vmem>>, vector<16xf32>,
          %swap3A_351 = arith.constant 1 : i32
          %swap3A_352 = arith.index_cast %scan3A_173 : i32 to index
          %swap3A_353 = arith.index_cast %swap3A_351 : i32 to index
          %swap3A_354 = arith.constant 112 : index
          %swap3A_355 = tpu.vector_load %arg12[%swap3A_352, %swap3A_353, %swap3A_354] {strides = array<i32>} : memref<8x8x128xf32, #tpu.memory_space<vmem>>, vector<16xf32>,
          tpu.vector_store %arg12[%swap3A_352, %swap3A_353, %swap3A_354], %get3A_350 {strides = array<i32>} : memref<8x8x128xf32, #tpu.memory_space<vmem>>, vector<16xf32>,
          %mul3A_356 = arith.constant 8 : i32
          %mul3A_357 = arith.muli %scan3A_173, %mul3A_356 : i32
          %add3A_358 = arith.constant 2 : i32
          %add3A_359 = arith.addi %mul3A_357, %add3A_358 : i32
          %mul3A_360 = arith.constant 129 : i32
          %mul3A_361 = arith.muli %add3A_359, %mul3A_360 : i32
          %add3A_362 = arith.constant 0 : i32
          %add3A_363 = arith.addi %mul3A_361, %add3A_362 : i32
          %get3A_364 = arith.index_cast %add3A_363 : i32 to index
          %get3A_365 = tpu.vector_load %arg15[%get3A_364] {strides = array<i32>} : memref<8256xf32, #tpu.memory_space<vmem>>, vector<16xf32>,
          %swap3A_366 = arith.constant 2 : i32
          %swap3A_367 = arith.index_cast %scan3A_173 : i32 to index
          %swap3A_368 = arith.index_cast %swap3A_366 : i32 to index
          %swap3A_369 = arith.constant 0 : index
          %swap3A_370 = tpu.vector_load %arg12[%swap3A_367, %swap3A_368, %swap3A_369] {strides = array<i32>} : memref<8x8x128xf32, #tpu.memory_space<vmem>>, vector<16xf32>,
          tpu.vector_store %arg12[%swap3A_367, %swap3A_368, %swap3A_369], %get3A_365 {strides = array<i32>} : memref<8x8x128xf32, #tpu.memory_space<vmem>>, vector<16xf32>,
          %mul3A_371 = arith.constant 129 : i32
          %mul3A_372 = arith.muli %add3A_359, %mul3A_371 : i32
          %add3A_373 = arith.constant 16 : i32
          %add3A_374 = arith.addi %mul3A_372, %add3A_373 : i32
          %get3A_375 = arith.index_cast %add3A_374 : i32 to index
          %get3A_376 = tpu.vector_load %arg15[%get3A_375] {strides = array<i32>} : memref<8256xf32, #tpu.memory_space<vmem>>, vector<16xf32>,
          %swap3A_377 = arith.constant 2 : i32
          %swap3A_378 = arith.index_cast %scan3A_173 : i32 to index
          %swap3A_379 = arith.index_cast %swap3A_377 : i32 to index
          %swap3A_380 = arith.constant 16 : index
          %swap3A_381 = tpu.vector_load %arg12[%swap3A_378, %swap3A_379, %swap3A_380] {strides = array<i32>} : memref<8x8x128xf32, #tpu.memory_space<vmem>>, vector<16xf32>,
          tpu.vector_store %arg12[%swap3A_378, %swap3A_379, %swap3A_380], %get3A_376 {strides = array<i32>} : memref<8x8x128xf32, #tpu.memory_space<vmem>>, vector<16xf32>,
          %mul3A_382 = arith.constant 129 : i32
          %mul3A_383 = arith.muli %add3A_359, %mul3A_382 : i32
          %add3A_384 = arith.constant 32 : i32
          %add3A_385 = arith.addi %mul3A_383, %add3A_384 : i32
          %get3A_386 = arith.index_cast %add3A_385 : i32 to index
          %get3A_387 = tpu.vector_load %arg15[%get3A_386] {strides = array<i32>} : memref<8256xf32, #tpu.memory_space<vmem>>, vector<16xf32>,
          %swap3A_388 = arith.constant 2 : i32
          %swap3A_389 = arith.index_cast %scan3A_173 : i32 to index
          %swap3A_390 = arith.index_cast %swap3A_388 : i32 to index
          %swap3A_391 = arith.constant 32 : index
          %swap3A_392 = tpu.vector_load %arg12[%swap3A_389, %swap3A_390, %swap3A_391] {strides = array<i32>} : memref<8x8x128xf32, #tpu.memory_space<vmem>>, vector<16xf32>,
          tpu.vector_store %arg12[%swap3A_389, %swap3A_390, %swap3A_391], %get3A_387 {strides = array<i32>} : memref<8x8x128xf32, #tpu.memory_space<vmem>>, vector<16xf32>,
          %mul3A_393 = arith.constant 129 : i32
          %mul3A_394 = arith.muli %add3A_359, %mul3A_393 : i32
          %add3A_395 = arith.constant 48 : i32
          %add3A_396 = arith.addi %mul3A_394, %add3A_395 : i32
          %get3A_397 = arith.index_cast %add3A_396 : i32 to index
          %get3A_398 = tpu.vector_load %arg15[%get3A_397] {strides = array<i32>} : memref<8256xf32, #tpu.memory_space<vmem>>, vector<16xf32>,
          %swap3A_399 = arith.constant 2 : i32
          %swap3A_400 = arith.index_cast %scan3A_173 : i32 to index
          %swap3A_401 = arith.index_cast %swap3A_399 : i32 to index
          %swap3A_402 = arith.constant 48 : index
          %swap3A_403 = tpu.vector_load %arg12[%swap3A_400, %swap3A_401, %swap3A_402] {strides = array<i32>} : memref<8x8x128xf32, #tpu.memory_space<vmem>>, vector<16xf32>,
          tpu.vector_store %arg12[%swap3A_400, %swap3A_401, %swap3A_402], %get3A_398 {strides = array<i32>} : memref<8x8x128xf32, #tpu.memory_space<vmem>>, vector<16xf32>,
          %mul3A_404 = arith.constant 129 : i32
          %mul3A_405 = arith.muli %add3A_359, %mul3A_404 : i32
          %add3A_406 = arith.constant 64 : i32
          %add3A_407 = arith.addi %mul3A_405, %add3A_406 : i32
          %get3A_408 = arith.index_cast %add3A_407 : i32 to index
          %get3A_409 = tpu.vector_load %arg15[%get3A_408] {strides = array<i32>} : memref<8256xf32, #tpu.memory_space<vmem>>, vector<16xf32>,
          %swap3A_410 = arith.constant 2 : i32
          %swap3A_411 = arith.index_cast %scan3A_173 : i32 to index
          %swap3A_412 = arith.index_cast %swap3A_410 : i32 to index
          %swap3A_413 = arith.constant 64 : index
          %swap3A_414 = tpu.vector_load %arg12[%swap3A_411, %swap3A_412, %swap3A_413] {strides = array<i32>} : memref<8x8x128xf32, #tpu.memory_space<vmem>>, vector<16xf32>,
          tpu.vector_store %arg12[%swap3A_411, %swap3A_412, %swap3A_413], %get3A_409 {strides = array<i32>} : memref<8x8x128xf32, #tpu.memory_space<vmem>>, vector<16xf32>,
          %mul3A_415 = arith.constant 129 : i32
          %mul3A_416 = arith.muli %add3A_359, %mul3A_415 : i32
          %add3A_417 = arith.constant 80 : i32
          %add3A_418 = arith.addi %mul3A_416, %add3A_417 : i32
          %get3A_419 = arith.index_cast %add3A_418 : i32 to index
          %get3A_420 = tpu.vector_load %arg15[%get3A_419] {strides = array<i32>} : memref<8256xf32, #tpu.memory_space<vmem>>, vector<16xf32>,
          %swap3A_421 = arith.constant 2 : i32
          %swap3A_422 = arith.index_cast %scan3A_173 : i32 to index
          %swap3A_423 = arith.index_cast %swap3A_421 : i32 to index
          %swap3A_424 = arith.constant 80 : index
          %swap3A_425 = tpu.vector_load %arg12[%swap3A_422, %swap3A_423, %swap3A_424] {strides = array<i32>} : memref<8x8x128xf32, #tpu.memory_space<vmem>>, vector<16xf32>,
          tpu.vector_store %arg12[%swap3A_422, %swap3A_423, %swap3A_424], %get3A_420 {strides = array<i32>} : memref<8x8x128xf32, #tpu.memory_space<vmem>>, vector<16xf32>,
          %mul3A_426 = arith.constant 129 : i32
          %mul3A_427 = arith.muli %add3A_359, %mul3A_426 : i32
          %add3A_428 = arith.constant 96 : i32
          %add3A_429 = arith.addi %mul3A_427, %add3A_428 : i32
          %get3A_430 = arith.index_cast %add3A_429 : i32 to index
          %get3A_431 = tpu.vector_load %arg15[%get3A_430] {strides = array<i32>} : memref<8256xf32, #tpu.memory_space<vmem>>, vector<16xf32>,
          %swap3A_432 = arith.constant 2 : i32
          %swap3A_433 = arith.index_cast %scan3A_173 : i32 to index
          %swap3A_434 = arith.index_cast %swap3A_432 : i32 to index
          %swap3A_435 = arith.constant 96 : index
          %swap3A_436 = tpu.vector_load %arg12[%swap3A_433, %swap3A_434, %swap3A_435] {strides = array<i32>} : memref<8x8x128xf32, #tpu.memory_space<vmem>>, vector<16xf32>,
          tpu.vector_store %arg12[%swap3A_433, %swap3A_434, %swap3A_435], %get3A_431 {strides = array<i32>} : memref<8x8x128xf32, #tpu.memory_space<vmem>>, vector<16xf32>,
          %mul3A_437 = arith.constant 129 : i32
          %mul3A_438 = arith.muli %add3A_359, %mul3A_437 : i32
          %add3A_439 = arith.constant 112 : i32
          %add3A_440 = arith.addi %mul3A_438, %add3A_439 : i32
          %get3A_441 = arith.index_cast %add3A_440 : i32 to index
          %get3A_442 = tpu.vector_load %arg15[%get3A_441] {strides = array<i32>} : memref<8256xf32, #tpu.memory_space<vmem>>, vector<16xf32>,
          %swap3A_443 = arith.constant 2 : i32
          %swap3A_444 = arith.index_cast %scan3A_173 : i32 to index
          %swap3A_445 = arith.index_cast %swap3A_443 : i32 to index
          %swap3A_446 = arith.constant 112 : index
          %swap3A_447 = tpu.vector_load %arg12[%swap3A_444, %swap3A_445, %swap3A_446] {strides = array<i32>} : memref<8x8x128xf32, #tpu.memory_space<vmem>>, vector<16xf32>,
          tpu.vector_store %arg12[%swap3A_444, %swap3A_445, %swap3A_446], %get3A_442 {strides = array<i32>} : memref<8x8x128xf32, #tpu.memory_space<vmem>>, vector<16xf32>,
          %mul3A_448 = arith.constant 8 : i32
          %mul3A_449 = arith.muli %scan3A_173, %mul3A_448 : i32
          %add3A_450 = arith.constant 3 : i32
          %add3A_451 = arith.addi %mul3A_449, %add3A_450 : i32
          %mul3A_452 = arith.constant 129 : i32
          %mul3A_453 = arith.muli %add3A_451, %mul3A_452 : i32
          %add3A_454 = arith.constant 0 : i32
          %add3A_455 = arith.addi %mul3A_453, %add3A_454 : i32
          %get3A_456 = arith.index_cast %add3A_455 : i32 to index
          %get3A_457 = tpu.vector_load %arg15[%get3A_456] {strides = array<i32>} : memref<8256xf32, #tpu.memory_space<vmem>>, vector<16xf32>,
          %swap3A_458 = arith.constant 3 : i32
          %swap3A_459 = arith.index_cast %scan3A_173 : i32 to index
          %swap3A_460 = arith.index_cast %swap3A_458 : i32 to index
          %swap3A_461 = arith.constant 0 : index
          %swap3A_462 = tpu.vector_load %arg12[%swap3A_459, %swap3A_460, %swap3A_461] {strides = array<i32>} : memref<8x8x128xf32, #tpu.memory_space<vmem>>, vector<16xf32>,
          tpu.vector_store %arg12[%swap3A_459, %swap3A_460, %swap3A_461], %get3A_457 {strides = array<i32>} : memref<8x8x128xf32, #tpu.memory_space<vmem>>, vector<16xf32>,
          %mul3A_463 = arith.constant 129 : i32
          %mul3A_464 = arith.muli %add3A_451, %mul3A_463 : i32
          %add3A_465 = arith.constant 16 : i32
          %add3A_466 = arith.addi %mul3A_464, %add3A_465 : i32
          %get3A_467 = arith.index_cast %add3A_466 : i32 to index
          %get3A_468 = tpu.vector_load %arg15[%get3A_467] {strides = array<i32>} : memref<8256xf32, #tpu.memory_space<vmem>>, vector<16xf32>,
          %swap3A_469 = arith.constant 3 : i32
          %swap3A_470 = arith.index_cast %scan3A_173 : i32 to index
          %swap3A_471 = arith.index_cast %swap3A_469 : i32 to index
          %swap3A_472 = arith.constant 16 : index
          %swap3A_473 = tpu.vector_load %arg12[%swap3A_470, %swap3A_471, %swap3A_472] {strides = array<i32>} : memref<8x8x128xf32, #tpu.memory_space<vmem>>, vector<16xf32>,
          tpu.vector_store %arg12[%swap3A_470, %swap3A_471, %swap3A_472], %get3A_468 {strides = array<i32>} : memref<8x8x128xf32, #tpu.memory_space<vmem>>, vector<16xf32>,
          %mul3A_474 = arith.constant 129 : i32
          %mul3A_475 = arith.muli %add3A_451, %mul3A_474 : i32
          %add3A_476 = arith.constant 32 : i32
          %add3A_477 = arith.addi %mul3A_475, %add3A_476 : i32
          %get3A_478 = arith.index_cast %add3A_477 : i32 to index
          %get3A_479 = tpu.vector_load %arg15[%get3A_478] {strides = array<i32>} : memref<8256xf32, #tpu.memory_space<vmem>>, vector<16xf32>,
          %swap3A_480 = arith.constant 3 : i32
          %swap3A_481 = arith.index_cast %scan3A_173 : i32 to index
          %swap3A_482 = arith.index_cast %swap3A_480 : i32 to index
          %swap3A_483 = arith.constant 32 : index
          %swap3A_484 = tpu.vector_load %arg12[%swap3A_481, %swap3A_482, %swap3A_483] {strides = array<i32>} : memref<8x8x128xf32, #tpu.memory_space<vmem>>, vector<16xf32>,
          tpu.vector_store %arg12[%swap3A_481, %swap3A_482, %swap3A_483], %get3A_479 {strides = array<i32>} : memref<8x8x128xf32, #tpu.memory_space<vmem>>, vector<16xf32>,
          %mul3A_485 = arith.constant 129 : i32
          %mul3A_486 = arith.muli %add3A_451, %mul3A_485 : i32
          %add3A_487 = arith.constant 48 : i32
          %add3A_488 = arith.addi %mul3A_486, %add3A_487 : i32
          %get3A_489 = arith.index_cast %add3A_488 : i32 to index
          %get3A_490 = tpu.vector_load %arg15[%get3A_489] {strides = array<i32>} : memref<8256xf32, #tpu.memory_space<vmem>>, vector<16xf32>,
          %swap3A_491 = arith.constant 3 : i32
          %swap3A_492 = arith.index_cast %scan3A_173 : i32 to index
          %swap3A_493 = arith.index_cast %swap3A_491 : i32 to index
          %swap3A_494 = arith.constant 48 : index
          %swap3A_495 = tpu.vector_load %arg12[%swap3A_492, %swap3A_493, %swap3A_494] {strides = array<i32>} : memref<8x8x128xf32, #tpu.memory_space<vmem>>, vector<16xf32>,
          tpu.vector_store %arg12[%swap3A_492, %swap3A_493, %swap3A_494], %get3A_490 {strides = array<i32>} : memref<8x8x128xf32, #tpu.memory_space<vmem>>, vector<16xf32>,
          %mul3A_496 = arith.constant 129 : i32
          %mul3A_497 = arith.muli %add3A_451, %mul3A_496 : i32
          %add3A_498 = arith.constant 64 : i32
          %add3A_499 = arith.addi %mul3A_497, %add3A_498 : i32
          %get3A_500 = arith.index_cast %add3A_499 : i32 to index
          %get3A_501 = tpu.vector_load %arg15[%get3A_500] {strides = array<i32>} : memref<8256xf32, #tpu.memory_space<vmem>>, vector<16xf32>,
          %swap3A_502 = arith.constant 3 : i32
          %swap3A_503 = arith.index_cast %scan3A_173 : i32 to index
          %swap3A_504 = arith.index_cast %swap3A_502 : i32 to index
          %swap3A_505 = arith.constant 64 : index
          %swap3A_506 = tpu.vector_load %arg12[%swap3A_503, %swap3A_504, %swap3A_505] {strides = array<i32>} : memref<8x8x128xf32, #tpu.memory_space<vmem>>, vector<16xf32>,
          tpu.vector_store %arg12[%swap3A_503, %swap3A_504, %swap3A_505], %get3A_501 {strides = array<i32>} : memref<8x8x128xf32, #tpu.memory_space<vmem>>, vector<16xf32>,
          %mul3A_507 = arith.constant 129 : i32
          %mul3A_508 = arith.muli %add3A_451, %mul3A_507 : i32
          %add3A_509 = arith.constant 80 : i32
          %add3A_510 = arith.addi %mul3A_508, %add3A_509 : i32
          %get3A_511 = arith.index_cast %add3A_510 : i32 to index
          %get3A_512 = tpu.vector_load %arg15[%get3A_511] {strides = array<i32>} : memref<8256xf32, #tpu.memory_space<vmem>>, vector<16xf32>,
          %swap3A_513 = arith.constant 3 : i32
          %swap3A_514 = arith.index_cast %scan3A_173 : i32 to index
          %swap3A_515 = arith.index_cast %swap3A_513 : i32 to index
          %swap3A_516 = arith.constant 80 : index
          %swap3A_517 = tpu.vector_load %arg12[%swap3A_514, %swap3A_515, %swap3A_516] {strides = array<i32>} : memref<8x8x128xf32, #tpu.memory_space<vmem>>, vector<16xf32>,
          tpu.vector_store %arg12[%swap3A_514, %swap3A_515, %swap3A_516], %get3A_512 {strides = array<i32>} : memref<8x8x128xf32, #tpu.memory_space<vmem>>, vector<16xf32>,
          %mul3A_518 = arith.constant 129 : i32
          %mul3A_519 = arith.muli %add3A_451, %mul3A_518 : i32
          %add3A_520 = arith.constant 96 : i32
          %add3A_521 = arith.addi %mul3A_519, %add3A_520 : i32
          %get3A_522 = arith.index_cast %add3A_521 : i32 to index
          %get3A_523 = tpu.vector_load %arg15[%get3A_522] {strides = array<i32>} : memref<8256xf32, #tpu.memory_space<vmem>>, vector<16xf32>,
          %swap3A_524 = arith.constant 3 : i32
          %swap3A_525 = arith.index_cast %scan3A_173 : i32 to index
          %swap3A_526 = arith.index_cast %swap3A_524 : i32 to index
          %swap3A_527 = arith.constant 96 : index
          %swap3A_528 = tpu.vector_load %arg12[%swap3A_525, %swap3A_526, %swap3A_527] {strides = array<i32>} : memref<8x8x128xf32, #tpu.memory_space<vmem>>, vector<16xf32>,
          tpu.vector_store %arg12[%swap3A_525, %swap3A_526, %swap3A_527], %get3A_523 {strides = array<i32>} : memref<8x8x128xf32, #tpu.memory_space<vmem>>, vector<16xf32>,
          %mul3A_529 = arith.constant 129 : i32
          %mul3A_530 = arith.muli %add3A_451, %mul3A_529 : i32
          %add3A_531 = arith.constant 112 : i32
          %add3A_532 = arith.addi %mul3A_530, %add3A_531 : i32
          %get3A_533 = arith.index_cast %add3A_532 : i32 to index
          %get3A_534 = tpu.vector_load %arg15[%get3A_533] {strides = array<i32>} : memref<8256xf32, #tpu.memory_space<vmem>>, vector<16xf32>,
          %swap3A_535 = arith.constant 3 : i32
          %swap3A_536 = arith.index_cast %scan3A_173 : i32 to index
          %swap3A_537 = arith.index_cast %swap3A_535 : i32 to index
          %swap3A_538 = arith.constant 112 : index
          %swap3A_539 = tpu.vector_load %arg12[%swap3A_536, %swap3A_537, %swap3A_538] {strides = array<i32>} : memref<8x8x128xf32, #tpu.memory_space<vmem>>, vector<16xf32>,
          tpu.vector_store %arg12[%swap3A_536, %swap3A_537, %swap3A_538], %get3A_534 {strides = array<i32>} : memref<8x8x128xf32, #tpu.memory_space<vmem>>, vector<16xf32>,
          %mul3A_540 = arith.constant 8 : i32
          %mul3A_541 = arith.muli %scan3A_173, %mul3A_540 : i32
          %add3A_542 = arith.constant 4 : i32
          %add3A_543 = arith.addi %mul3A_541, %add3A_542 : i32
          %mul3A_544 = arith.constant 129 : i32
          %mul3A_545 = arith.muli %add3A_543, %mul3A_544 : i32
          %add3A_546 = arith.constant 0 : i32
          %add3A_547 = arith.addi %mul3A_545, %add3A_546 : i32
          %get3A_548 = arith.index_cast %add3A_547 : i32 to index
          %get3A_549 = tpu.vector_load %arg15[%get3A_548] {strides = array<i32>} : memref<8256xf32, #tpu.memory_space<vmem>>, vector<16xf32>,
          %swap3A_550 = arith.constant 4 : i32
          %swap3A_551 = arith.index_cast %scan3A_173 : i32 to index
          %swap3A_552 = arith.index_cast %swap3A_550 : i32 to index
          %swap3A_553 = arith.constant 0 : index
          %swap3A_554 = tpu.vector_load %arg12[%swap3A_551, %swap3A_552, %swap3A_553] {strides = array<i32>} : memref<8x8x128xf32, #tpu.memory_space<vmem>>, vector<16xf32>,
          tpu.vector_store %arg12[%swap3A_551, %swap3A_552, %swap3A_553], %get3A_549 {strides = array<i32>} : memref<8x8x128xf32, #tpu.memory_space<vmem>>, vector<16xf32>,
          %mul3A_555 = arith.constant 129 : i32
          %mul3A_556 = arith.muli %add3A_543, %mul3A_555 : i32
          %add3A_557 = arith.constant 16 : i32
          %add3A_558 = arith.addi %mul3A_556, %add3A_557 : i32
          %get3A_559 = arith.index_cast %add3A_558 : i32 to index
          %get3A_560 = tpu.vector_load %arg15[%get3A_559] {strides = array<i32>} : memref<8256xf32, #tpu.memory_space<vmem>>, vector<16xf32>,
          %swap3A_561 = arith.constant 4 : i32
          %swap3A_562 = arith.index_cast %scan3A_173 : i32 to index
          %swap3A_563 = arith.index_cast %swap3A_561 : i32 to index
          %swap3A_564 = arith.constant 16 : index
          %swap3A_565 = tpu.vector_load %arg12[%swap3A_562, %swap3A_563, %swap3A_564] {strides = array<i32>} : memref<8x8x128xf32, #tpu.memory_space<vmem>>, vector<16xf32>,
          tpu.vector_store %arg12[%swap3A_562, %swap3A_563, %swap3A_564], %get3A_560 {strides = array<i32>} : memref<8x8x128xf32, #tpu.memory_space<vmem>>, vector<16xf32>,
          %mul3A_566 = arith.constant 129 : i32
          %mul3A_567 = arith.muli %add3A_543, %mul3A_566 : i32
          %add3A_568 = arith.constant 32 : i32
          %add3A_569 = arith.addi %mul3A_567, %add3A_568 : i32
          %get3A_570 = arith.index_cast %add3A_569 : i32 to index
          %get3A_571 = tpu.vector_load %arg15[%get3A_570] {strides = array<i32>} : memref<8256xf32, #tpu.memory_space<vmem>>, vector<16xf32>,
          %swap3A_572 = arith.constant 4 : i32
          %swap3A_573 = arith.index_cast %scan3A_173 : i32 to index
          %swap3A_574 = arith.index_cast %swap3A_572 : i32 to index
          %swap3A_575 = arith.constant 32 : index
          %swap3A_576 = tpu.vector_load %arg12[%swap3A_573, %swap3A_574, %swap3A_575] {strides = array<i32>} : memref<8x8x128xf32, #tpu.memory_space<vmem>>, vector<16xf32>,
          tpu.vector_store %arg12[%swap3A_573, %swap3A_574, %swap3A_575], %get3A_571 {strides = array<i32>} : memref<8x8x128xf32, #tpu.memory_space<vmem>>, vector<16xf32>,
          %mul3A_577 = arith.constant 129 : i32
          %mul3A_578 = arith.muli %add3A_543, %mul3A_577 : i32
          %add3A_579 = arith.constant 48 : i32
          %add3A_580 = arith.addi %mul3A_578, %add3A_579 : i32
          %get3A_581 = arith.index_cast %add3A_580 : i32 to index
          %get3A_582 = tpu.vector_load %arg15[%get3A_581] {strides = array<i32>} : memref<8256xf32, #tpu.memory_space<vmem>>, vector<16xf32>,
          %swap3A_583 = arith.constant 4 : i32
          %swap3A_584 = arith.index_cast %scan3A_173 : i32 to index
          %swap3A_585 = arith.index_cast %swap3A_583 : i32 to index
          %swap3A_586 = arith.constant 48 : index
          %swap3A_587 = tpu.vector_load %arg12[%swap3A_584, %swap3A_585, %swap3A_586] {strides = array<i32>} : memref<8x8x128xf32, #tpu.memory_space<vmem>>, vector<16xf32>,
          tpu.vector_store %arg12[%swap3A_584, %swap3A_585, %swap3A_586], %get3A_582 {strides = array<i32>} : memref<8x8x128xf32, #tpu.memory_space<vmem>>, vector<16xf32>,
          %mul3A_588 = arith.constant 129 : i32
          %mul3A_589 = arith.muli %add3A_543, %mul3A_588 : i32
          %add3A_590 = arith.constant 64 : i32
          %add3A_591 = arith.addi %mul3A_589, %add3A_590 : i32
          %get3A_592 = arith.index_cast %add3A_591 : i32 to index
          %get3A_593 = tpu.vector_load %arg15[%get3A_592] {strides = array<i32>} : memref<8256xf32, #tpu.memory_space<vmem>>, vector<16xf32>,
          %swap3A_594 = arith.constant 4 : i32
          %swap3A_595 = arith.index_cast %scan3A_173 : i32 to index
          %swap3A_596 = arith.index_cast %swap3A_594 : i32 to index
          %swap3A_597 = arith.constant 64 : index
          %swap3A_598 = tpu.vector_load %arg12[%swap3A_595, %swap3A_596, %swap3A_597] {strides = array<i32>} : memref<8x8x128xf32, #tpu.memory_space<vmem>>, vector<16xf32>,
          tpu.vector_store %arg12[%swap3A_595, %swap3A_596, %swap3A_597], %get3A_593 {strides = array<i32>} : memref<8x8x128xf32, #tpu.memory_space<vmem>>, vector<16xf32>,
          %mul3A_599 = arith.constant 129 : i32
          %mul3A_600 = arith.muli %add3A_543, %mul3A_599 : i32
          %add3A_601 = arith.constant 80 : i32
          %add3A_602 = arith.addi %mul3A_600, %add3A_601 : i32
          %get3A_603 = arith.index_cast %add3A_602 : i32 to index
          %get3A_604 = tpu.vector_load %arg15[%get3A_603] {strides = array<i32>} : memref<8256xf32, #tpu.memory_space<vmem>>, vector<16xf32>,
          %swap3A_605 = arith.constant 4 : i32
          %swap3A_606 = arith.index_cast %scan3A_173 : i32 to index
          %swap3A_607 = arith.index_cast %swap3A_605 : i32 to index
          %swap3A_608 = arith.constant 80 : index
          %swap3A_609 = tpu.vector_load %arg12[%swap3A_606, %swap3A_607, %swap3A_608] {strides = array<i32>} : memref<8x8x128xf32, #tpu.memory_space<vmem>>, vector<16xf32>,
          tpu.vector_store %arg12[%swap3A_606, %swap3A_607, %swap3A_608], %get3A_604 {strides = array<i32>} : memref<8x8x128xf32, #tpu.memory_space<vmem>>, vector<16xf32>,
          %mul3A_610 = arith.constant 129 : i32
          %mul3A_611 = arith.muli %add3A_543, %mul3A_610 : i32
          %add3A_612 = arith.constant 96 : i32
          %add3A_613 = arith.addi %mul3A_611, %add3A_612 : i32
          %get3A_614 = arith.index_cast %add3A_613 : i32 to index
          %get3A_615 = tpu.vector_load %arg15[%get3A_614] {strides = array<i32>} : memref<8256xf32, #tpu.memory_space<vmem>>, vector<16xf32>,
          %swap3A_616 = arith.constant 4 : i32
          %swap3A_617 = arith.index_cast %scan3A_173 : i32 to index
          %swap3A_618 = arith.index_cast %swap3A_616 : i32 to index
          %swap3A_619 = arith.constant 96 : index
          %swap3A_620 = tpu.vector_load %arg12[%swap3A_617, %swap3A_618, %swap3A_619] {strides = array<i32>} : memref<8x8x128xf32, #tpu.memory_space<vmem>>, vector<16xf32>,
          tpu.vector_store %arg12[%swap3A_617, %swap3A_618, %swap3A_619], %get3A_615 {strides = array<i32>} : memref<8x8x128xf32, #tpu.memory_space<vmem>>, vector<16xf32>,
          %mul3A_621 = arith.constant 129 : i32
          %mul3A_622 = arith.muli %add3A_543, %mul3A_621 : i32
          %add3A_623 = arith.constant 112 : i32
          %add3A_624 = arith.addi %mul3A_622, %add3A_623 : i32
          %get3A_625 = arith.index_cast %add3A_624 : i32 to index
          %get3A_626 = tpu.vector_load %arg15[%get3A_625] {strides = array<i32>} : memref<8256xf32, #tpu.memory_space<vmem>>, vector<16xf32>,
          %swap3A_627 = arith.constant 4 : i32
          %swap3A_628 = arith.index_cast %scan3A_173 : i32 to index
          %swap3A_629 = arith.index_cast %swap3A_627 : i32 to index
          %swap3A_630 = arith.constant 112 : index
          %swap3A_631 = tpu.vector_load %arg12[%swap3A_628, %swap3A_629, %swap3A_630] {strides = array<i32>} : memref<8x8x128xf32, #tpu.memory_space<vmem>>, vector<16xf32>,
          tpu.vector_store %arg12[%swap3A_628, %swap3A_629, %swap3A_630], %get3A_626 {strides = array<i32>} : memref<8x8x128xf32, #tpu.memory_space<vmem>>, vector<16xf32>,
          %mul3A_632 = arith.constant 8 : i32
          %mul3A_633 = arith.muli %scan3A_173, %mul3A_632 : i32
          %add3A_634 = arith.constant 5 : i32
          %add3A_635 = arith.addi %mul3A_633, %add3A_634 : i32
          %mul3A_636 = arith.constant 129 : i32
          %mul3A_637 = arith.muli %add3A_635, %mul3A_636 : i32
          %add3A_638 = arith.constant 0 : i32
          %add3A_639 = arith.addi %mul3A_637, %add3A_638 : i32
          %get3A_640 = arith.index_cast %add3A_639 : i32 to index
          %get3A_641 = tpu.vector_load %arg15[%get3A_640] {strides = array<i32>} : memref<8256xf32, #tpu.memory_space<vmem>>, vector<16xf32>,
          %swap3A_642 = arith.constant 5 : i32
          %swap3A_643 = arith.index_cast %scan3A_173 : i32 to index
          %swap3A_644 = arith.index_cast %swap3A_642 : i32 to index
          %swap3A_645 = arith.constant 0 : index
          %swap3A_646 = tpu.vector_load %arg12[%swap3A_643, %swap3A_644, %swap3A_645] {strides = array<i32>} : memref<8x8x128xf32, #tpu.memory_space<vmem>>, vector<16xf32>,
          tpu.vector_store %arg12[%swap3A_643, %swap3A_644, %swap3A_645], %get3A_641 {strides = array<i32>} : memref<8x8x128xf32, #tpu.memory_space<vmem>>, vector<16xf32>,
          %mul3A_647 = arith.constant 129 : i32
          %mul3A_648 = arith.muli %add3A_635, %mul3A_647 : i32
          %add3A_649 = arith.constant 16 : i32
          %add3A_650 = arith.addi %mul3A_648, %add3A_649 : i32
          %get3A_651 = arith.index_cast %add3A_650 : i32 to index
          %get3A_652 = tpu.vector_load %arg15[%get3A_651] {strides = array<i32>} : memref<8256xf32, #tpu.memory_space<vmem>>, vector<16xf32>,
          %swap3A_653 = arith.constant 5 : i32
          %swap3A_654 = arith.index_cast %scan3A_173 : i32 to index
          %swap3A_655 = arith.index_cast %swap3A_653 : i32 to index
          %swap3A_656 = arith.constant 16 : index
          %swap3A_657 = tpu.vector_load %arg12[%swap3A_654, %swap3A_655, %swap3A_656] {strides = array<i32>} : memref<8x8x128xf32, #tpu.memory_space<vmem>>, vector<16xf32>,
          tpu.vector_store %arg12[%swap3A_654, %swap3A_655, %swap3A_656], %get3A_652 {strides = array<i32>} : memref<8x8x128xf32, #tpu.memory_space<vmem>>, vector<16xf32>,
          %mul3A_658 = arith.constant 129 : i32
          %mul3A_659 = arith.muli %add3A_635, %mul3A_658 : i32
          %add3A_660 = arith.constant 32 : i32
          %add3A_661 = arith.addi %mul3A_659, %add3A_660 : i32
          %get3A_662 = arith.index_cast %add3A_661 : i32 to index
          %get3A_663 = tpu.vector_load %arg15[%get3A_662] {strides = array<i32>} : memref<8256xf32, #tpu.memory_space<vmem>>, vector<16xf32>,
          %swap3A_664 = arith.constant 5 : i32
          %swap3A_665 = arith.index_cast %scan3A_173 : i32 to index
          %swap3A_666 = arith.index_cast %swap3A_664 : i32 to index
          %swap3A_667 = arith.constant 32 : index
          %swap3A_668 = tpu.vector_load %arg12[%swap3A_665, %swap3A_666, %swap3A_667] {strides = array<i32>} : memref<8x8x128xf32, #tpu.memory_space<vmem>>, vector<16xf32>,
          tpu.vector_store %arg12[%swap3A_665, %swap3A_666, %swap3A_667], %get3A_663 {strides = array<i32>} : memref<8x8x128xf32, #tpu.memory_space<vmem>>, vector<16xf32>,
          %mul3A_669 = arith.constant 129 : i32
          %mul3A_670 = arith.muli %add3A_635, %mul3A_669 : i32
          %add3A_671 = arith.constant 48 : i32
          %add3A_672 = arith.addi %mul3A_670, %add3A_671 : i32
          %get3A_673 = arith.index_cast %add3A_672 : i32 to index
          %get3A_674 = tpu.vector_load %arg15[%get3A_673] {strides = array<i32>} : memref<8256xf32, #tpu.memory_space<vmem>>, vector<16xf32>,
          %swap3A_675 = arith.constant 5 : i32
          %swap3A_676 = arith.index_cast %scan3A_173 : i32 to index
          %swap3A_677 = arith.index_cast %swap3A_675 : i32 to index
          %swap3A_678 = arith.constant 48 : index
          %swap3A_679 = tpu.vector_load %arg12[%swap3A_676, %swap3A_677, %swap3A_678] {strides = array<i32>} : memref<8x8x128xf32, #tpu.memory_space<vmem>>, vector<16xf32>,
          tpu.vector_store %arg12[%swap3A_676, %swap3A_677, %swap3A_678], %get3A_674 {strides = array<i32>} : memref<8x8x128xf32, #tpu.memory_space<vmem>>, vector<16xf32>,
          %mul3A_680 = arith.constant 129 : i32
          %mul3A_681 = arith.muli %add3A_635, %mul3A_680 : i32
          %add3A_682 = arith.constant 64 : i32
          %add3A_683 = arith.addi %mul3A_681, %add3A_682 : i32
          %get3A_684 = arith.index_cast %add3A_683 : i32 to index
          %get3A_685 = tpu.vector_load %arg15[%get3A_684] {strides = array<i32>} : memref<8256xf32, #tpu.memory_space<vmem>>, vector<16xf32>,
          %swap3A_686 = arith.constant 5 : i32
          %swap3A_687 = arith.index_cast %scan3A_173 : i32 to index
          %swap3A_688 = arith.index_cast %swap3A_686 : i32 to index
          %swap3A_689 = arith.constant 64 : index
          %swap3A_690 = tpu.vector_load %arg12[%swap3A_687, %swap3A_688, %swap3A_689] {strides = array<i32>} : memref<8x8x128xf32, #tpu.memory_space<vmem>>, vector<16xf32>,
          tpu.vector_store %arg12[%swap3A_687, %swap3A_688, %swap3A_689], %get3A_685 {strides = array<i32>} : memref<8x8x128xf32, #tpu.memory_space<vmem>>, vector<16xf32>,
          %mul3A_691 = arith.constant 129 : i32
          %mul3A_692 = arith.muli %add3A_635, %mul3A_691 : i32
          %add3A_693 = arith.constant 80 : i32
          %add3A_694 = arith.addi %mul3A_692, %add3A_693 : i32
          %get3A_695 = arith.index_cast %add3A_694 : i32 to index
          %get3A_696 = tpu.vector_load %arg15[%get3A_695] {strides = array<i32>} : memref<8256xf32, #tpu.memory_space<vmem>>, vector<16xf32>,
          %swap3A_697 = arith.constant 5 : i32
          %swap3A_698 = arith.index_cast %scan3A_173 : i32 to index
          %swap3A_699 = arith.index_cast %swap3A_697 : i32 to index
          %swap3A_700 = arith.constant 80 : index
          %swap3A_701 = tpu.vector_load %arg12[%swap3A_698, %swap3A_699, %swap3A_700] {strides = array<i32>} : memref<8x8x128xf32, #tpu.memory_space<vmem>>, vector<16xf32>,
          tpu.vector_store %arg12[%swap3A_698, %swap3A_699, %swap3A_700], %get3A_696 {strides = array<i32>} : memref<8x8x128xf32, #tpu.memory_space<vmem>>, vector<16xf32>,
          %mul3A_702 = arith.constant 129 : i32
          %mul3A_703 = arith.muli %add3A_635, %mul3A_702 : i32
          %add3A_704 = arith.constant 96 : i32
          %add3A_705 = arith.addi %mul3A_703, %add3A_704 : i32
          %get3A_706 = arith.index_cast %add3A_705 : i32 to index
          %get3A_707 = tpu.vector_load %arg15[%get3A_706] {strides = array<i32>} : memref<8256xf32, #tpu.memory_space<vmem>>, vector<16xf32>,
          %swap3A_708 = arith.constant 5 : i32
          %swap3A_709 = arith.index_cast %scan3A_173 : i32 to index
          %swap3A_710 = arith.index_cast %swap3A_708 : i32 to index
          %swap3A_711 = arith.constant 96 : index
          %swap3A_712 = tpu.vector_load %arg12[%swap3A_709, %swap3A_710, %swap3A_711] {strides = array<i32>} : memref<8x8x128xf32, #tpu.memory_space<vmem>>, vector<16xf32>,
          tpu.vector_store %arg12[%swap3A_709, %swap3A_710, %swap3A_711], %get3A_707 {strides = array<i32>} : memref<8x8x128xf32, #tpu.memory_space<vmem>>, vector<16xf32>,
          %mul3A_713 = arith.constant 129 : i32
          %mul3A_714 = arith.muli %add3A_635, %mul3A_713 : i32
          %add3A_715 = arith.constant 112 : i32
          %add3A_716 = arith.addi %mul3A_714, %add3A_715 : i32
          %get3A_717 = arith.index_cast %add3A_716 : i32 to index
          %get3A_718 = tpu.vector_load %arg15[%get3A_717] {strides = array<i32>} : memref<8256xf32, #tpu.memory_space<vmem>>, vector<16xf32>,
          %swap3A_719 = arith.constant 5 : i32
          %swap3A_720 = arith.index_cast %scan3A_173 : i32 to index
          %swap3A_721 = arith.index_cast %swap3A_719 : i32 to index
          %swap3A_722 = arith.constant 112 : index
          %swap3A_723 = tpu.vector_load %arg12[%swap3A_720, %swap3A_721, %swap3A_722] {strides = array<i32>} : memref<8x8x128xf32, #tpu.memory_space<vmem>>, vector<16xf32>,
          tpu.vector_store %arg12[%swap3A_720, %swap3A_721, %swap3A_722], %get3A_718 {strides = array<i32>} : memref<8x8x128xf32, #tpu.memory_space<vmem>>, vector<16xf32>,
          %mul3A_724 = arith.constant 8 : i32
          %mul3A_725 = arith.muli %scan3A_173, %mul3A_724 : i32
          %add3A_726 = arith.constant 6 : i32
          %add3A_727 = arith.addi %mul3A_725, %add3A_726 : i32
          %mul3A_728 = arith.constant 129 : i32
          %mul3A_729 = arith.muli %add3A_727, %mul3A_728 : i32
          %add3A_730 = arith.constant 0 : i32
          %add3A_731 = arith.addi %mul3A_729, %add3A_730 : i32
          %get3A_732 = arith.index_cast %add3A_731 : i32 to index
          %get3A_733 = tpu.vector_load %arg15[%get3A_732] {strides = array<i32>} : memref<8256xf32, #tpu.memory_space<vmem>>, vector<16xf32>,
          %swap3A_734 = arith.constant 6 : i32
          %swap3A_735 = arith.index_cast %scan3A_173 : i32 to index
          %swap3A_736 = arith.index_cast %swap3A_734 : i32 to index
          %swap3A_737 = arith.constant 0 : index
          %swap3A_738 = tpu.vector_load %arg12[%swap3A_735, %swap3A_736, %swap3A_737] {strides = array<i32>} : memref<8x8x128xf32, #tpu.memory_space<vmem>>, vector<16xf32>,
          tpu.vector_store %arg12[%swap3A_735, %swap3A_736, %swap3A_737], %get3A_733 {strides = array<i32>} : memref<8x8x128xf32, #tpu.memory_space<vmem>>, vector<16xf32>,
          %mul3A_739 = arith.constant 129 : i32
          %mul3A_740 = arith.muli %add3A_727, %mul3A_739 : i32
          %add3A_741 = arith.constant 16 : i32
          %add3A_742 = arith.addi %mul3A_740, %add3A_741 : i32
          %get3A_743 = arith.index_cast %add3A_742 : i32 to index
          %get3A_744 = tpu.vector_load %arg15[%get3A_743] {strides = array<i32>} : memref<8256xf32, #tpu.memory_space<vmem>>, vector<16xf32>,
          %swap3A_745 = arith.constant 6 : i32
          %swap3A_746 = arith.index_cast %scan3A_173 : i32 to index
          %swap3A_747 = arith.index_cast %swap3A_745 : i32 to index
          %swap3A_748 = arith.constant 16 : index
          %swap3A_749 = tpu.vector_load %arg12[%swap3A_746, %swap3A_747, %swap3A_748] {strides = array<i32>} : memref<8x8x128xf32, #tpu.memory_space<vmem>>, vector<16xf32>,
          tpu.vector_store %arg12[%swap3A_746, %swap3A_747, %swap3A_748], %get3A_744 {strides = array<i32>} : memref<8x8x128xf32, #tpu.memory_space<vmem>>, vector<16xf32>,
          %mul3A_750 = arith.constant 129 : i32
          %mul3A_751 = arith.muli %add3A_727, %mul3A_750 : i32
          %add3A_752 = arith.constant 32 : i32
          %add3A_753 = arith.addi %mul3A_751, %add3A_752 : i32
          %get3A_754 = arith.index_cast %add3A_753 : i32 to index
          %get3A_755 = tpu.vector_load %arg15[%get3A_754] {strides = array<i32>} : memref<8256xf32, #tpu.memory_space<vmem>>, vector<16xf32>,
          %swap3A_756 = arith.constant 6 : i32
          %swap3A_757 = arith.index_cast %scan3A_173 : i32 to index
          %swap3A_758 = arith.index_cast %swap3A_756 : i32 to index
          %swap3A_759 = arith.constant 32 : index
          %swap3A_760 = tpu.vector_load %arg12[%swap3A_757, %swap3A_758, %swap3A_759] {strides = array<i32>} : memref<8x8x128xf32, #tpu.memory_space<vmem>>, vector<16xf32>,
          tpu.vector_store %arg12[%swap3A_757, %swap3A_758, %swap3A_759], %get3A_755 {strides = array<i32>} : memref<8x8x128xf32, #tpu.memory_space<vmem>>, vector<16xf32>,
          %mul3A_761 = arith.constant 129 : i32
          %mul3A_762 = arith.muli %add3A_727, %mul3A_761 : i32
          %add3A_763 = arith.constant 48 : i32
          %add3A_764 = arith.addi %mul3A_762, %add3A_763 : i32
          %get3A_765 = arith.index_cast %add3A_764 : i32 to index
          %get3A_766 = tpu.vector_load %arg15[%get3A_765] {strides = array<i32>} : memref<8256xf32, #tpu.memory_space<vmem>>, vector<16xf32>,
          %swap3A_767 = arith.constant 6 : i32
          %swap3A_768 = arith.index_cast %scan3A_173 : i32 to index
          %swap3A_769 = arith.index_cast %swap3A_767 : i32 to index
          %swap3A_770 = arith.constant 48 : index
          %swap3A_771 = tpu.vector_load %arg12[%swap3A_768, %swap3A_769, %swap3A_770] {strides = array<i32>} : memref<8x8x128xf32, #tpu.memory_space<vmem>>, vector<16xf32>,
          tpu.vector_store %arg12[%swap3A_768, %swap3A_769, %swap3A_770], %get3A_766 {strides = array<i32>} : memref<8x8x128xf32, #tpu.memory_space<vmem>>, vector<16xf32>,
          %mul3A_772 = arith.constant 129 : i32
          %mul3A_773 = arith.muli %add3A_727, %mul3A_772 : i32
          %add3A_774 = arith.constant 64 : i32
          %add3A_775 = arith.addi %mul3A_773, %add3A_774 : i32
          %get3A_776 = arith.index_cast %add3A_775 : i32 to index
          %get3A_777 = tpu.vector_load %arg15[%get3A_776] {strides = array<i32>} : memref<8256xf32, #tpu.memory_space<vmem>>, vector<16xf32>,
          %swap3A_778 = arith.constant 6 : i32
          %swap3A_779 = arith.index_cast %scan3A_173 : i32 to index
          %swap3A_780 = arith.index_cast %swap3A_778 : i32 to index
          %swap3A_781 = arith.constant 64 : index
          %swap3A_782 = tpu.vector_load %arg12[%swap3A_779, %swap3A_780, %swap3A_781] {strides = array<i32>} : memref<8x8x128xf32, #tpu.memory_space<vmem>>, vector<16xf32>,
          tpu.vector_store %arg12[%swap3A_779, %swap3A_780, %swap3A_781], %get3A_777 {strides = array<i32>} : memref<8x8x128xf32, #tpu.memory_space<vmem>>, vector<16xf32>,
          %mul3A_783 = arith.constant 129 : i32
          %mul3A_784 = arith.muli %add3A_727, %mul3A_783 : i32
          %add3A_785 = arith.constant 80 : i32
          %add3A_786 = arith.addi %mul3A_784, %add3A_785 : i32
          %get3A_787 = arith.index_cast %add3A_786 : i32 to index
          %get3A_788 = tpu.vector_load %arg15[%get3A_787] {strides = array<i32>} : memref<8256xf32, #tpu.memory_space<vmem>>, vector<16xf32>,
          %swap3A_789 = arith.constant 6 : i32
          %swap3A_790 = arith.index_cast %scan3A_173 : i32 to index
          %swap3A_791 = arith.index_cast %swap3A_789 : i32 to index
          %swap3A_792 = arith.constant 80 : index
          %swap3A_793 = tpu.vector_load %arg12[%swap3A_790, %swap3A_791, %swap3A_792] {strides = array<i32>} : memref<8x8x128xf32, #tpu.memory_space<vmem>>, vector<16xf32>,
          tpu.vector_store %arg12[%swap3A_790, %swap3A_791, %swap3A_792], %get3A_788 {strides = array<i32>} : memref<8x8x128xf32, #tpu.memory_space<vmem>>, vector<16xf32>,
          %mul3A_794 = arith.constant 129 : i32
          %mul3A_795 = arith.muli %add3A_727, %mul3A_794 : i32
          %add3A_796 = arith.constant 96 : i32
          %add3A_797 = arith.addi %mul3A_795, %add3A_796 : i32
          %get3A_798 = arith.index_cast %add3A_797 : i32 to index
          %get3A_799 = tpu.vector_load %arg15[%get3A_798] {strides = array<i32>} : memref<8256xf32, #tpu.memory_space<vmem>>, vector<16xf32>,
          %swap3A_800 = arith.constant 6 : i32
          %swap3A_801 = arith.index_cast %scan3A_173 : i32 to index
          %swap3A_802 = arith.index_cast %swap3A_800 : i32 to index
          %swap3A_803 = arith.constant 96 : index
          %swap3A_804 = tpu.vector_load %arg12[%swap3A_801, %swap3A_802, %swap3A_803] {strides = array<i32>} : memref<8x8x128xf32, #tpu.memory_space<vmem>>, vector<16xf32>,
          tpu.vector_store %arg12[%swap3A_801, %swap3A_802, %swap3A_803], %get3A_799 {strides = array<i32>} : memref<8x8x128xf32, #tpu.memory_space<vmem>>, vector<16xf32>,
          %mul3A_805 = arith.constant 129 : i32
          %mul3A_806 = arith.muli %add3A_727, %mul3A_805 : i32
          %add3A_807 = arith.constant 112 : i32
          %add3A_808 = arith.addi %mul3A_806, %add3A_807 : i32
          %get3A_809 = arith.index_cast %add3A_808 : i32 to index
          %get3A_810 = tpu.vector_load %arg15[%get3A_809] {strides = array<i32>} : memref<8256xf32, #tpu.memory_space<vmem>>, vector<16xf32>,
          %swap3A_811 = arith.constant 6 : i32
          %swap3A_812 = arith.index_cast %scan3A_173 : i32 to index
          %swap3A_813 = arith.index_cast %swap3A_811 : i32 to index
          %swap3A_814 = arith.constant 112 : index
          %swap3A_815 = tpu.vector_load %arg12[%swap3A_812, %swap3A_813, %swap3A_814] {strides = array<i32>} : memref<8x8x128xf32, #tpu.memory_space<vmem>>, vector<16xf32>,
          tpu.vector_store %arg12[%swap3A_812, %swap3A_813, %swap3A_814], %get3A_810 {strides = array<i32>} : memref<8x8x128xf32, #tpu.memory_space<vmem>>, vector<16xf32>,
          %mul3A_816 = arith.constant 8 : i32
          %mul3A_817 = arith.muli %scan3A_173, %mul3A_816 : i32
          %add3A_818 = arith.constant 7 : i32
          %add3A_819 = arith.addi %mul3A_817, %add3A_818 : i32
          %mul3A_820 = arith.constant 129 : i32
          %mul3A_821 = arith.muli %add3A_819, %mul3A_820 : i32
          %add3A_822 = arith.constant 0 : i32
          %add3A_823 = arith.addi %mul3A_821, %add3A_822 : i32
          %get3A_824 = arith.index_cast %add3A_823 : i32 to index
          %get3A_825 = tpu.vector_load %arg15[%get3A_824] {strides = array<i32>} : memref<8256xf32, #tpu.memory_space<vmem>>, vector<16xf32>,
          %swap3A_826 = arith.constant 7 : i32
          %swap3A_827 = arith.index_cast %scan3A_173 : i32 to index
          %swap3A_828 = arith.index_cast %swap3A_826 : i32 to index
          %swap3A_829 = arith.constant 0 : index
          %swap3A_830 = tpu.vector_load %arg12[%swap3A_827, %swap3A_828, %swap3A_829] {strides = array<i32>} : memref<8x8x128xf32, #tpu.memory_space<vmem>>, vector<16xf32>,
          tpu.vector_store %arg12[%swap3A_827, %swap3A_828, %swap3A_829], %get3A_825 {strides = array<i32>} : memref<8x8x128xf32, #tpu.memory_space<vmem>>, vector<16xf32>,
          %mul3A_831 = arith.constant 129 : i32
          %mul3A_832 = arith.muli %add3A_819, %mul3A_831 : i32
          %add3A_833 = arith.constant 16 : i32
          %add3A_834 = arith.addi %mul3A_832, %add3A_833 : i32
          %get3A_835 = arith.index_cast %add3A_834 : i32 to index
          %get3A_836 = tpu.vector_load %arg15[%get3A_835] {strides = array<i32>} : memref<8256xf32, #tpu.memory_space<vmem>>, vector<16xf32>,
          %swap3A_837 = arith.constant 7 : i32
          %swap3A_838 = arith.index_cast %scan3A_173 : i32 to index
          %swap3A_839 = arith.index_cast %swap3A_837 : i32 to index
          %swap3A_840 = arith.constant 16 : index
          %swap3A_841 = tpu.vector_load %arg12[%swap3A_838, %swap3A_839, %swap3A_840] {strides = array<i32>} : memref<8x8x128xf32, #tpu.memory_space<vmem>>, vector<16xf32>,
          tpu.vector_store %arg12[%swap3A_838, %swap3A_839, %swap3A_840], %get3A_836 {strides = array<i32>} : memref<8x8x128xf32, #tpu.memory_space<vmem>>, vector<16xf32>,
          %mul3A_842 = arith.constant 129 : i32
          %mul3A_843 = arith.muli %add3A_819, %mul3A_842 : i32
          %add3A_844 = arith.constant 32 : i32
          %add3A_845 = arith.addi %mul3A_843, %add3A_844 : i32
          %get3A_846 = arith.index_cast %add3A_845 : i32 to index
          %get3A_847 = tpu.vector_load %arg15[%get3A_846] {strides = array<i32>} : memref<8256xf32, #tpu.memory_space<vmem>>, vector<16xf32>,
          %swap3A_848 = arith.constant 7 : i32
          %swap3A_849 = arith.index_cast %scan3A_173 : i32 to index
          %swap3A_850 = arith.index_cast %swap3A_848 : i32 to index
          %swap3A_851 = arith.constant 32 : index
          %swap3A_852 = tpu.vector_load %arg12[%swap3A_849, %swap3A_850, %swap3A_851] {strides = array<i32>} : memref<8x8x128xf32, #tpu.memory_space<vmem>>, vector<16xf32>,
          tpu.vector_store %arg12[%swap3A_849, %swap3A_850, %swap3A_851], %get3A_847 {strides = array<i32>} : memref<8x8x128xf32, #tpu.memory_space<vmem>>, vector<16xf32>,
          %mul3A_853 = arith.constant 129 : i32
          %mul3A_854 = arith.muli %add3A_819, %mul3A_853 : i32
          %add3A_855 = arith.constant 48 : i32
          %add3A_856 = arith.addi %mul3A_854, %add3A_855 : i32
          %get3A_857 = arith.index_cast %add3A_856 : i32 to index
          %get3A_858 = tpu.vector_load %arg15[%get3A_857] {strides = array<i32>} : memref<8256xf32, #tpu.memory_space<vmem>>, vector<16xf32>,
          %swap3A_859 = arith.constant 7 : i32
          %swap3A_860 = arith.index_cast %scan3A_173 : i32 to index
          %swap3A_861 = arith.index_cast %swap3A_859 : i32 to index
          %swap3A_862 = arith.constant 48 : index
          %swap3A_863 = tpu.vector_load %arg12[%swap3A_860, %swap3A_861, %swap3A_862] {strides = array<i32>} : memref<8x8x128xf32, #tpu.memory_space<vmem>>, vector<16xf32>,
          tpu.vector_store %arg12[%swap3A_860, %swap3A_861, %swap3A_862], %get3A_858 {strides = array<i32>} : memref<8x8x128xf32, #tpu.memory_space<vmem>>, vector<16xf32>,
          %mul3A_864 = arith.constant 129 : i32
          %mul3A_865 = arith.muli %add3A_819, %mul3A_864 : i32
          %add3A_866 = arith.constant 64 : i32
          %add3A_867 = arith.addi %mul3A_865, %add3A_866 : i32
          %get3A_868 = arith.index_cast %add3A_867 : i32 to index
          %get3A_869 = tpu.vector_load %arg15[%get3A_868] {strides = array<i32>} : memref<8256xf32, #tpu.memory_space<vmem>>, vector<16xf32>,
          %swap3A_870 = arith.constant 7 : i32
          %swap3A_871 = arith.index_cast %scan3A_173 : i32 to index
          %swap3A_872 = arith.index_cast %swap3A_870 : i32 to index
          %swap3A_873 = arith.constant 64 : index
          %swap3A_874 = tpu.vector_load %arg12[%swap3A_871, %swap3A_872, %swap3A_873] {strides = array<i32>} : memref<8x8x128xf32, #tpu.memory_space<vmem>>, vector<16xf32>,
          tpu.vector_store %arg12[%swap3A_871, %swap3A_872, %swap3A_873], %get3A_869 {strides = array<i32>} : memref<8x8x128xf32, #tpu.memory_space<vmem>>, vector<16xf32>,
          %mul3A_875 = arith.constant 129 : i32
          %mul3A_876 = arith.muli %add3A_819, %mul3A_875 : i32
          %add3A_877 = arith.constant 80 : i32
          %add3A_878 = arith.addi %mul3A_876, %add3A_877 : i32
          %get3A_879 = arith.index_cast %add3A_878 : i32 to index
          %get3A_880 = tpu.vector_load %arg15[%get3A_879] {strides = array<i32>} : memref<8256xf32, #tpu.memory_space<vmem>>, vector<16xf32>,
          %swap3A_881 = arith.constant 7 : i32
          %swap3A_882 = arith.index_cast %scan3A_173 : i32 to index
          %swap3A_883 = arith.index_cast %swap3A_881 : i32 to index
          %swap3A_884 = arith.constant 80 : index
          %swap3A_885 = tpu.vector_load %arg12[%swap3A_882, %swap3A_883, %swap3A_884] {strides = array<i32>} : memref<8x8x128xf32, #tpu.memory_space<vmem>>, vector<16xf32>,
          tpu.vector_store %arg12[%swap3A_882, %swap3A_883, %swap3A_884], %get3A_880 {strides = array<i32>} : memref<8x8x128xf32, #tpu.memory_space<vmem>>, vector<16xf32>,
          %mul3A_886 = arith.constant 129 : i32
          %mul3A_887 = arith.muli %add3A_819, %mul3A_886 : i32
          %add3A_888 = arith.constant 96 : i32
          %add3A_889 = arith.addi %mul3A_887, %add3A_888 : i32
          %get3A_890 = arith.index_cast %add3A_889 : i32 to index
          %get3A_891 = tpu.vector_load %arg15[%get3A_890] {strides = array<i32>} : memref<8256xf32, #tpu.memory_space<vmem>>, vector<16xf32>,
          %swap3A_892 = arith.constant 7 : i32
          %swap3A_893 = arith.index_cast %scan3A_173 : i32 to index
          %swap3A_894 = arith.index_cast %swap3A_892 : i32 to index
          %swap3A_895 = arith.constant 96 : index
          %swap3A_896 = tpu.vector_load %arg12[%swap3A_893, %swap3A_894, %swap3A_895] {strides = array<i32>} : memref<8x8x128xf32, #tpu.memory_space<vmem>>, vector<16xf32>,
          tpu.vector_store %arg12[%swap3A_893, %swap3A_894, %swap3A_895], %get3A_891 {strides = array<i32>} : memref<8x8x128xf32, #tpu.memory_space<vmem>>, vector<16xf32>,
          %mul3A_897 = arith.constant 129 : i32
          %mul3A_898 = arith.muli %add3A_819, %mul3A_897 : i32
          %add3A_899 = arith.constant 112 : i32
          %add3A_900 = arith.addi %mul3A_898, %add3A_899 : i32
          %get3A_901 = arith.index_cast %add3A_900 : i32 to index
          %get3A_902 = tpu.vector_load %arg15[%get3A_901] {strides = array<i32>} : memref<8256xf32, #tpu.memory_space<vmem>>, vector<16xf32>,
          %swap3A_903 = arith.constant 7 : i32
          %swap3A_904 = arith.index_cast %scan3A_173 : i32 to index
          %swap3A_905 = arith.index_cast %swap3A_903 : i32 to index
          %swap3A_906 = arith.constant 112 : index
          %swap3A_907 = tpu.vector_load %arg12[%swap3A_904, %swap3A_905, %swap3A_906] {strides = array<i32>} : memref<8x8x128xf32, #tpu.memory_space<vmem>>, vector<16xf32>,
          tpu.vector_store %arg12[%swap3A_904, %swap3A_905, %swap3A_906], %get3A_902 {strides = array<i32>} : memref<8x8x128xf32, #tpu.memory_space<vmem>>, vector<16xf32>,
        }
        %scan3A_163 = arith.constant 8 : i32
        %dma_start3A = arith.constant 0 : i32
        %dma_start3A_164 = arith.constant 0 : i32
        %dma_start3A_165 = arith.constant 0 : i32
        %dma_start3A_166 = tpu.memref_slice %arg6[%sub3A_132, %dma_start3A, %add3A, %dma_start3A_164, %dma_start3A_165] : memref<200x8x32x8x128xf32, #tpu.memory_space<hbm>> -> memref<1x8x1x8x128xf32, #tpu.memory_space<hbm>>
        %dma_start3A_167 = tpu.memref_squeeze %dma_start3A_166 : memref<1x8x1x8x128xf32, #tpu.memory_space<hbm>> -> memref<8x8x128xf32, #tpu.memory_space<hbm>>
        %dma_start3A_168 = arith.constant 0 : i32
        %dma_start3A_169 = arith.constant 0 : i32
        %dma_start3A_170 = arith.constant 0 : i32
        %dma_start3A_171 = tpu.memref_slice %arg6[%sub3A_132, %dma_start3A_168, %add3A, %dma_start3A_169, %dma_start3A_170] : memref<200x8x32x8x128xf32, #tpu.memory_space<hbm>> -> memref<1x8x1x8x128xf32, #tpu.memory_space<hbm>>
        %dma_start3A_172 = tpu.memref_squeeze %dma_start3A_171 : memref<1x8x1x8x128xf32, #tpu.memory_space<hbm>> -> memref<8x8x128xf32, #tpu.memory_space<hbm>>
        tpu.enqueue_dma source(%arg12 : memref<8x8x128xf32, #tpu.memory_space<vmem>>) target(%dma_start3A_172 : memref<8x8x128xf32, #tpu.memory_space<hbm>>) target_semaphore(%arg24 : memref<!tpu.dma_semaphore, #tpu.memory_space<semaphore_mem>>)
      } else {
      }
    }
    %scan3A_28 = arith.constant 70 : i32
    %dma_wait3A = arith.constant 0 : i32
    %dma_wait3A_29 = arith.constant 0 : i32
    %dma_wait3A_30 = arith.constant 0 : i32
    %dma_wait3A_31 = arith.constant 0 : i32
    %dma_wait3A_32 = tpu.memref_slice %arg6[%dma_wait3A, %dma_wait3A_29, %add3A, %dma_wait3A_30, %dma_wait3A_31] : memref<200x8x32x8x128xf32, #tpu.memory_space<hbm>> -> memref<1x8x1x8x128xf32, #tpu.memory_space<hbm>>
    %dma_wait3A_33 = tpu.memref_squeeze %dma_wait3A_32 : memref<1x8x1x8x128xf32, #tpu.memory_space<hbm>> -> memref<8x8x128xf32, #tpu.memory_space<hbm>>
    %dma_wait3A_34 = arith.constant 0 : i32
    %dma_wait3A_35 = arith.constant 0 : i32
    %dma_wait3A_36 = arith.constant 0 : i32
    %dma_wait3A_37 = tpu.memref_slice %arg6[%dma_wait3A, %dma_wait3A_34, %add3A, %dma_wait3A_35, %dma_wait3A_36] : memref<200x8x32x8x128xf32, #tpu.memory_space<hbm>> -> memref<1x8x1x8x128xf32, #tpu.memory_space<hbm>>
    %dma_wait3A_38 = tpu.memref_squeeze %dma_wait3A_37 : memref<1x8x1x8x128xf32, #tpu.memory_space<hbm>> -> memref<8x8x128xf32, #tpu.memory_space<hbm>>
    tpu.wait_dma2 semaphore(%arg26 : memref<!tpu.dma_semaphore, #tpu.memory_space<semaphore_mem>>) src(%arg12 : memref<8x8x128xf32, #tpu.memory_space<vmem>>) dst(%dma_wait3A_38 : memref<8x8x128xf32, #tpu.memory_space<hbm>>)
    %dma_wait3A_39 = arith.constant 0 : i32
    %dma_wait3A_40 = arith.constant 0 : i32
    %dma_wait3A_41 = arith.constant 0 : i32
    %dma_wait3A_42 = arith.constant 0 : i32
    %dma_wait3A_43 = tpu.memref_slice %arg6[%dma_wait3A_39, %dma_wait3A_40, %add3A, %dma_wait3A_41, %dma_wait3A_42] : memref<200x8x32x8x128xf32, #tpu.memory_space<hbm>> -> memref<1x8x1x8x128xf32, #tpu.memory_space<hbm>>
    %dma_wait3A_44 = tpu.memref_squeeze %dma_wait3A_43 : memref<1x8x1x8x128xf32, #tpu.memory_space<hbm>> -> memref<8x8x128xf32, #tpu.memory_space<hbm>>
    %dma_wait3A_45 = arith.constant 0 : i32
    %dma_wait3A_46 = arith.constant 0 : i32
    %dma_wait3A_47 = arith.constant 0 : i32
    %dma_wait3A_48 = tpu.memref_slice %arg6[%dma_wait3A_39, %dma_wait3A_45, %add3A, %dma_wait3A_46, %dma_wait3A_47] : memref<200x8x32x8x128xf32, #tpu.memory_space<hbm>> -> memref<1x8x1x8x128xf32, #tpu.memory_space<hbm>>
    %dma_wait3A_49 = tpu.memref_squeeze %dma_wait3A_48 : memref<1x8x1x8x128xf32, #tpu.memory_space<hbm>> -> memref<8x8x128xf32, #tpu.memory_space<hbm>>
    tpu.wait_dma2 semaphore(%arg24 : memref<!tpu.dma_semaphore, #tpu.memory_space<semaphore_mem>>) src(%arg13 : memref<8x8x128xf32, #tpu.memory_space<vmem>>) dst(%dma_wait3A_49 : memref<8x8x128xf32, #tpu.memory_space<hbm>>)
    %dma_wait3A_50 = arith.constant 0 : i32
    %dma_wait3A_51 = arith.constant 0 : i32
    %dma_wait3A_52 = arith.constant 0 : i32
    %dma_wait3A_53 = arith.constant 0 : i32
    %dma_wait3A_54 = tpu.memref_slice %arg6[%dma_wait3A_50, %dma_wait3A_51, %add3A, %dma_wait3A_52, %dma_wait3A_53] : memref<200x8x32x8x128xf32, #tpu.memory_space<hbm>> -> memref<1x8x1x8x128xf32, #tpu.memory_space<hbm>>
    %dma_wait3A_55 = tpu.memref_squeeze %dma_wait3A_54 : memref<1x8x1x8x128xf32, #tpu.memory_space<hbm>> -> memref<8x8x128xf32, #tpu.memory_space<hbm>>
    %dma_wait3A_56 = arith.constant 0 : i32
    %dma_wait3A_57 = arith.constant 0 : i32
    %dma_wait3A_58 = arith.constant 0 : i32
    %dma_wait3A_59 = tpu.memref_slice %arg6[%dma_wait3A_50, %dma_wait3A_56, %add3A, %dma_wait3A_57, %dma_wait3A_58] : memref<200x8x32x8x128xf32, #tpu.memory_space<hbm>> -> memref<1x8x1x8x128xf32, #tpu.memory_space<hbm>>
    %dma_wait3A_60 = tpu.memref_squeeze %dma_wait3A_59 : memref<1x8x1x8x128xf32, #tpu.memory_space<hbm>> -> memref<8x8x128xf32, #tpu.memory_space<hbm>>
    tpu.wait_dma2 semaphore(%arg25 : memref<!tpu.dma_semaphore, #tpu.memory_space<semaphore_mem>>) src(%arg14 : memref<8x8x128xf32, #tpu.memory_space<vmem>>) dst(%dma_wait3A_60 : memref<8x8x128xf32, #tpu.memory_space<hbm>>)
    return
  }
}

</mosaic_0001>

<sc_bundles>
// kernel: kernel.3.cloned.1.call-start
scs
__scs_entry_jumppad:
0x0: {  	(pc) =	sbr.rel $0x88, $3  }
0x1: {  	(tag) =	ssettag $0x0;
	lr =	simm.s32 $0x1  }
0x2: {  	[smem:$0x3F9E] =	sst lr;
	_ =	strace $0xD0000000  }
0x3: {  	_ = 	snop  }
0x4: {  	_ = 	snop  }
0x5: {  	_ = 	snop  }
0x6: {  	_ = 	snop  }
0x7: {  	_ = 	snop  }
__scs_overlays_trampoline_lowered:
0x8: {  	[smem:$0x3FAD] =	sst s0  }
0x9: {  	[smem:$0x3FAE] =	sst s1  }
0xa: {  	[smem:$0x3FAF] =	sst s2  }
0xb: {  	[smem:$0x3FB0] =	sst s3  }
0xc: {  	[smem:$0x3FB1] =	sst s4  }
0xd: {  	[smem:$0x3FB2] =	sst s5  }
0xe: {  	[smem:$0x3FB3] =	sst s6  }
0xf: {  	[smem:$0x3FB4] =	sst s7  }
0x10: {  	[smem:$0x3FB5] =	sst s8  }
0x11: {  	[smem:$0x3FB6] =	sst s9;
	s0 =	simm.s32 @!p0 $0x0  }
0x12: {  	s1 =	sld [smem:$0x3F9C];
	s0 =	simm.s32 @p0 $0x1  }
0x13: {  	[smem:$0x3FB7] =	sst s0;
	s0 =	simm.s32 @!p1 $0x0  }
0x14: {  	s2 =	sld [smem:$0x3F9B];
	s0 =	simm.s32 @p1 $0x1  }
0x15: {  	[smem:$0x3FB8] =	sst s0;
	s0 =	simm.s32 @!p2 $0x0  }
0x16: {  	s3 =	sld [smem:$0x3FDB];
	s0 =	simm.s32 @p2 $0x1  }
0x17: {  	s4 =	simm.s32 $0x1BF5;
	[smem:$0x3FBA] =	sst s0  }
0x18: {  	s0 =	sld [smem:$0x3F9D];
	_ =	swait.ge [sflag:s4], $0x0  }
0x19: {  	s7 =	sld [smem:$0x3F9E]  }
0x1a: {  	s8 =	sadd.s32 $0xFFFFE003, lr  }
0x1b: {  	s9 =	sadd.s32 $0xFFFFFEF7, lr;
	s5 =	simm.s32 $0xFFFFFFFF;
	p2 =	slt.u32 s8, $0xFFFFF086  }
0x1c: {  	p1 =	slt.u32 s9, $0xF7A;
	s5 =	simm.s32 @!p2 $0x0  }
0x1d: {  	s5 =	simm.s32 @p1 $0x1;
	p0 =	seq.s32 s7, s2  }
0x1e: {  	s7 =	smul.u32 @!p0 $0xF7A, s2;
	p2 =	seq.s32 @!p0 s5, $0x0  }
0x1f: {  	s9 =	smul.u32 $0xF7A, s1;
	s8 =	simm.s32 @!p0 $0x1BF5;
	p2 =	por !p2, p0  }
0x20: {  	[sflag:s8] =	ssyncset.s32 @!p0 $0xFFFFF086;
	s6 =	sadd.s32 @!p0 s3, s7;
	s7 =	simm.s32 @!p0 $0x108  }
0x21: {  	s3 =	sadd.s32 s3, s9;
	s6 =	sadd.s32 @!p0 $0x88, s6;
	s7 =	simm.s32 @p2 $0x1082  }
0x22: {  	[simem:s7], [sflag:s8] =	dma.local @!p0 [hbm:s6], $0xF7A  }
0x23: {  	s9 =	sor.u32 $0xD0000000, s2;
	s6 =	simm.s32 $0x108;
	_ =	swait.ge @!p0 [sflag:s8], $0x0  }
0x24: {  	s3 =	sadd.s32 $0x88, s3;
	s6 =	simm.s32 @!p1 $0x1082;
	[sflag:s4] =	ssyncset.s32 $0xFFFFF086  }
0x25: {  	[simem:s6], [sflag:s4] =	dma.local [hbm:s3], $0xF7A  }
0x26: {  	[smem:$0x3F9E] =	sst s1;
	(tag) =	ssettag s2;
	_ =	strace s9  }
0x27: {  	s1 =	sld [smem:$0x3FAE]  }
0x28: {  	s2 =	sld [smem:$0x3FAF]  }
0x29: {  	s4 =	sld [smem:$0x3FB1]  }
0x2a: {  	p0 =	seq.s32 s5, $0x0;
	s5 =	sld [smem:$0x3FB2]  }
0x2b: {  	s6 =	sld [smem:$0x3FB3]  }
0x2c: {  	s7 =	sld [smem:$0x3FB4]  }
0x2d: {  	s3 =	simm.s32 $0x108;
	s8 =	sld [smem:$0x3FB5]  }
0x2e: {  	s3 =	simm.s32 @!p0 $0x1082;
	s9 =	sld [smem:$0x3FB6]  }
0x2f: {  	lr =	sadd.s32 s0, s3;
	s0 =	sld [smem:$0x3FAD]  }
0x30: {  	s3 =	sld [smem:$0x3FB0]  }
0x31: {  	[smem:$0x3FB9] =	sst s10  }
0x32: {  	s10 =	sld [smem:$0x3FB7];
	_ =	sdelay $0x3  }
0x33: {  	p0 =	seq.s32 s10, $0x1;
	s10 =	sld [smem:$0x3FB9];
	_ =	sdelay $0x3  }
0x34: {  	[smem:$0x3FB9] =	sst s10  }
0x35: {  	s10 =	sld [smem:$0x3FB8];
	_ =	sdelay $0x3  }
0x36: {  	p1 =	seq.s32 s10, $0x1;
	s10 =	sld [smem:$0x3FB9];
	_ =	sdelay $0x3  }
0x37: {  	[smem:$0x3FB9] =	sst s10  }
0x38: {  	s10 =	sld [smem:$0x3FBA]  }
0x39: {  	_ = 	snop;
	(pc) =	sbr.ind lr, $3  }
0x3a: {  	_ = 	snop  }
0x3b: {  	_ = 	snop  }
0x3c: {  	p2 =	seq.s32 s10, $0x1;
	s10 =	sld [smem:$0x3FB9]  }
0x3d: {  	_ =	shalt  }
0x3e: {  	_ =	shalt  }
0x3f: {  	_ =	shalt  }
0x40: {  	_ =	shalt  }
0x41: {  	_ =	shalt  }
0x42: {  	_ =	shalt  }
0x43: {  	_ =	shalt  }
0x44: {  	_ =	shalt  }
0x45: {  	_ =	shalt  }
0x46: {  	_ =	shalt  }
0x47: {  	_ =	shalt  }
0x48: {  	_ =	shalt  }
0x49: {  	_ =	shalt  }
0x4a: {  	_ =	shalt  }
0x4b: {  	_ =	shalt  }
0x4c: {  	_ =	shalt  }
0x4d: {  	_ =	shalt  }
0x4e: {  	_ =	shalt  }
0x4f: {  	_ =	shalt  }
0x50: {  	_ =	shalt  }
0x51: {  	_ =	shalt  }
0x52: {  	_ =	shalt  }
0x53: {  	_ =	shalt  }
0x54: {  	_ =	shalt  }
0x55: {  	_ =	shalt  }
0x56: {  	_ =	shalt  }
0x57: {  	_ =	shalt  }
0x58: {  	_ =	shalt  }
0x59: {  	_ =	shalt  }
0x5a: {  	_ =	shalt  }
0x5b: {  	_ =	shalt  }
0x5c: {  	_ =	shalt  }
0x5d: {  	_ =	shalt  }
0x5e: {  	_ =	shalt  }
0x5f: {  	_ =	shalt  }
0x60: {  	_ =	shalt  }
0x61: {  	_ =	shalt  }
0x62: {  	_ =	shalt  }
0x63: {  	_ =	shalt  }
0x64: {  	_ =	shalt  }
0x65: {  	_ =	shalt  }
0x66: {  	_ =	shalt  }
0x67: {  	_ =	shalt  }
0x68: {  	_ =	shalt  }
0x69: {  	_ =	shalt  }
0x6a: {  	_ =	shalt  }
0x6b: {  	_ =	shalt  }
0x6c: {  	_ =	shalt  }
0x6d: {  	_ =	shalt  }
0x6e: {  	_ =	shalt  }
0x6f: {  	_ =	shalt  }
0x70: {  	_ =	shalt  }
0x71: {  	_ =	shalt  }
0x72: {  	_ =	shalt  }
0x73: {  	_ =	shalt  }
0x74: {  	_ =	shalt  }
0x75: {  	_ =	shalt  }
0x76: {  	_ =	shalt  }
0x77: {  	_ =	shalt  }
0x78: {  	_ =	shalt  }
0x79: {  	_ =	shalt  }
0x7a: {  	_ =	shalt  }
0x7b: {  	_ =	shalt  }
0x7c: {  	_ =	shalt  }
0x7d: {  	_ =	shalt  }
0x7e: {  	_ =	shalt  }
0x7f: {  	_ =	shalt  }
0x80: {  	_ =	shalt  }
0x81: {  	_ =	shalt  }
0x82: {  	_ =	shalt  }
0x83: {  	_ =	shalt  }
0x84: {  	_ =	shalt  }
0x85: {  	_ =	shalt  }
0x86: {  	_ =	shalt  }
0x87: {  	_ =	shalt  }
.Lfunc_end0:
.L_simem_size_0:
called_computation_lowered:
.L_overlay_start_0:
0x88: {  	s2 =	sld [smem:$0x3FD9]  }
0x89: {  	s3 =	sld [smem:$0x3FFE];
	_ =	sdelay $0x1  }
0x8a: {  	s1 =	srdreg.scid  }
0x8b: {  	s0 =	sand.u32 $0x1, s1  }
0x8c: {  	s17 =	sshll.u32 s0, $0xA;
	s2 =	sadd.s32 s3, s2  }
0x8d: {  	s2 =	sadd.s32 s2, s17  }
0x8e: {  	[smem:$0x3FC5] =	sst s2  }
0x8f: {  	_ = 	snop  }
0x90: {  	s2 =	sld [smem:$0x3FD0];
	(tm) =	ssettm $0x1  }
0x91: {  	s18 =	sld [smem:$0x3FFB];
	_ =	sdelay $0x3  }
0x92: {  	_ =	strace s18  }
0x93: {  	s3 =	sld [smem:$0x3FFC];
	_ =	sdelay $0x3  }
0x94: {  	_ =	strace s3  }
0x95: {  	s3 =	sld [smem:$0x3FFD];
	_ =	sdelay $0x3  }
0x96: {  	_ =	strace s3  }
0x97: {  	_ =	strace $0x8FFFFFFF  }
0x98: {  	s19 =	sld [smem:$0x3FDB];
	_ =	sdelay $0x1  }
0x99: {  	s4 =	simm.s32 $_scs_section_size  }
0x9a: {  	s5 =	simm.s32 $_size__tile_overlayer_lowered;
	s6 =	simm.s32 $_tile_overlayer_lowered  }
0x9b: {  	s22 =	simm.s32 $0x1BFF;
	s21 =	sshll.u32 s6, $0x1;
	s3 =	sadd.s32 s4, s19  }
0x9c: {  	s7 =	simm.s32 $0x0;
	s20 =	sshll.u32 s5, $0x1;
	s5 =	sadd.s32 s21, s3  }
0x9d: {  	[timem:s7], [sflag:s22] =	dma.local [hbm:s5], s20  }
0x9e: {  	_ =	swait.ge [sflag:s22], s20  }
0x9f: {  	s4 =	ssub.s32 $0x0, s20;
	[sflag:s22] =	ssyncset.done $0x0  }
0xa0: {  	[sflag:s22] =	ssyncadd.s32 s4;
	_ =	sdelay $0x1  }
0xa1: {  	s23 =	simm.s32 $0x1B8B  }
0xa2: {  	_ =	swait.ge [sflag:s23], $0x1  }
0xa3: {  	[sflag:s23] =	ssyncset.done $0x0  }
0xa4: {  	s25 =	simm.s32 $0x1B8E;
	s24 =	sld [smem:$0x3FFE];
	[sflag:s23] =	ssyncadd.s32 $0xFFFFFFFF  }
0xa5: {  	s26 =	simm.s32 $execute0_lowered;
	[smem:$0x3FD2] =	sst s25  }
0xa6: {  	s5 =	sshll.u32 s26, $0x1;
	_ =	strace $0x80000046;
	[dreg:$0x1] =	wrdreg $0xFFFFFFFF  }
0xa7: {  	s28 =	simm.s32 $_size_execute0_lowered;
	s3 =	sadd.s32 s3, s5;
	[dreg:$0x0] =	wrdreg $0x0  }
0xa8: {  	s5 =	sshll.u32 s28, $0x1;
	[dreg:$0x2] =	wrdreg s3  }
0xa9: {  	[dreg:$0x3] =	wrdreg s5  }
0xaa: {  	[dreg:$0x4] =	wrdreg $0xC0  }
0xab: {  	_ =	task [dreg:s7], $0x5FFFF  }
0xac: {  	[dreg:$0x1] =	wrdreg $0xFFFFFFFF  }
0xad: {  	[dreg:$0x0] =	wrdreg $0x60  }
0xae: {  	[dreg:$0x2] =	wrdreg s24  }
0xaf: {  	[dreg:$0x3] =	wrdreg s2  }
0xb0: {  	[dreg:$0x4] =	wrdreg $0x9  }
0xb1: {  	_ =	task.clear_ibuf [dreg:s7], $0x5FFFF;
	_ =	strace $0x90000046  }
0xb2: {  	s29 =	simm.s32 $0x9;
	_ =	strace $0x80000048  }
0xb3: {  	_ =	swait.ge [sflag:s29], $0x1  }
0xb4: {  	[sflag:s29] =	ssyncadd.s32 $0xFFFFFFFF  }
0xb5: {  	_ =	strace $0x90000048  }
0xb6: {  	_ =	sfence  }
0xb7: {  	s30 =	sld [smem:$0x0];
	_ =	sdelay $0x2  }
0xb8: {  	s31 =	sshll.u32 s1, $0xD;
	s1 =	sshrl.u32 s1, $0x2  }
0xb9: {  	s3 =	sand.u32 $0x4000, s31;
	s1 =	sadd.s32 s1, s30  }
0xba: {  	s0 =	sor.u32 s3, s0;
	s1 =	sshll.u32 s1, $0x11  }
0xbb: {  	s0 =	sor.u32 s1, s0  }
0xbc: {  	s0 =	sadd.s32 $0x8F2B, s0  }
0xbd: {  	[sflag:s0] =	ssyncadd.remote.s32 $0x1  }
0xbe: {  	_ =	sfence.sel $0xFFFF  }
0xbf: {  	[dreg:$0x0] =	wrdreg $0xFFFFFFFF;
	(pc) =	sbr.abs _section_cstart, $3  }
0xc0: {  	[dreg:$0x1] =	wrdreg $0xFFFFFFFF  }
0xc1: {  	_ =	task.clear_ibuf [dreg:s7], $0x2FFFF;
	_ =	strace $0x9FFFFFFF  }
0xc2: {  	(tm) =	ssettm $0x7FFFFFFF  }
0xc3: {  	_ =	shalt  }
tec
execute0_lowered:
.L_overlay_start_1:
0x0: {  	(tag) =	ssettag $0x1  }
0x1: {  	s0 =	rddreg [dreg:$0x0]  }
0x2: {  	s2 =	rddreg [dreg:$0x1]  }
0x3: {  	s1 =	srdreg.scid;
	s3 =	stileid.u32  }
0x4: {  	s4 =	simm.s32 $0x0;
	s11 =	simm.s32 $0x80;
	s15 =	simm.s32 $0x5  }
0x5: {  	s16 =	simm.s32 $0x1A840;
	s17 =	simm.s32 $0x400;
	s18 =	simm.s32 $0x8000  }
0x6: {  	s19 =	simm.s32 $0x14800;
	s20 =	simm.s32 $0x6;
	s21 =	simm.s32 $0x1C880  }
0x7: {  	s22 =	simm.s32 $0x16800;
	s23 =	simm.s32 $0x10800;
	s24 =	simm.s32 $0x2  }
0x8: {  	s28 =	simm.s32 $0x18800;
	s29 =	simm.s32 $0x12800;
	s1 =	sand.u32 $0x1, s1  }
0x9: {  	s3 =	sshll.u32 s3, $0x1;
	[smem:$0x7FF] =	sst s4;
	s4 =	sadd.s32 $0x46200, s0  }
0xa: {  	s5 =	sadd.s32 $0x800, s0;
	s3 =	sor.u32 s1, s3;
	s1 =	ssub.s32 $0x2, s1  }
0xb: {  	_ =	strace $0x80000047;
	s25 =	sshll.u32 s3, $0x4;
	s7 =	sshrl.u32 s1, $0x1  }
.Ltmp0:
0xc: {  	s30 =	sshll.u32 s3, $0x7;
	s6 =	sadd.s32 s25, s0;
	(pc) =	sbr.rel .LBB2_1-.Ltmp0, $4  }
0xd: {  	v0 =	vlaneseq.u32;
	s9 =	sshll.u32 s3, $0xA;
	s3 =	simm.s32 $0x0;
	s31 =	sadd.s32 $0x2D200, s6  }
0xe: {  	v0 =	vmul.u32 $0x81, v0;
	s26 =	ssub.s32 s1, s7;
	s6 =	sadd.s32 $0x14200, s6;
	[dreg:$0x3] =	wrdreg s31  }
0xf: {  	s8 =	sadd.s32 s2, s30;
	s0 =	smax.u32 s26, $0x1;
	[dreg:$0x4] =	wrdreg s6  }
0x10: {  	v1 =	vadd.s32 $0x810, v0;
	v2 =	vadd.s32 $0x1020, v0;
	v3 =	vadd.s32 $0x1830, v0;
	s25 =	simm.s32 $0xE800;
	s26 =	simm.s32 $0x4;
	[dreg:$0x5] =	wrdreg s0  }
.LBB2_23:
0x11: {  	s0 =	simm.s32 $0x9  }
0x12: {  	_ =	swait.ge [sflag:s0], $0x2000  }
0x13: {  	[sflag:s0] =	ssyncset.done $0x0  }
0x14: {  	s30 =	simm.s32 $0x7;
	[sflag:s0] =	ssyncadd.s32 $0xFFFFE000  }
0x15: {  	_ =	swait.ge [sflag:s30], $0x2000  }
0x16: {  	[sflag:s30] =	ssyncset.done $0x0  }
0x17: {  	s1 =	simm.s32 $0x8;
	[sflag:s30] =	ssyncadd.s32 $0xFFFFE000  }
0x18: {  	_ =	swait.ge [sflag:s1], $0x2000  }
0x19: {  	s3 =	rddreg [dreg:$0x6]  }
0x1a: {  	s31 =	rddreg [dreg:$0x5];
	s3 =	sadd.s32 $0x1, s3  }
0x1b: {  	p0 =	sne.s32 s3, s31  }
.Ltmp1:
0x1c: {  	_ = 	snop;
	(pc) =	sbr.rel @!p0 .LBB2_24-.Ltmp1, $3  }
0x1d: {  	_ =	sdelay $0x1  }
0x1e: {  	[sflag:s1] =	ssyncset.done $0x0  }
0x1f: {  	[sflag:s1] =	ssyncadd.s32 $0xFFFFE000  }
.LBB2_1:
0x20: {  	[dreg:$0x6] =	wrdreg s3;
	s0 =	simm.s32 $0x0  }
0x21: {  	s1 =	rddreg [dreg:$0x3];
	s14 =	simm.s32 $0x1000;
	s30 =	simm.s32 $0xA  }
0x22: {  	[tilespmem:s0], [sflag:$0xA] =	stream.strided.gather [hbm4b:s1+s11], $0x6400, s14, s11, $0x38;
	[tilespmem:$0x1E8C0] =	vst v63  }
0x23: {  	_ =	swait.ge [sflag:s30], $0x6400  }
0x24: {  	s6 =	simm.s32 $0x6400;
	[sflag:s30] =	ssyncset.done $0x0  }
.Ltmp2:
0x25: {  	s31 =	rddreg [dreg:$0x4];
	[sflag:s30] =	ssyncadd.s32 $0xFFFF9C00;
	(pc) =	sbr.rel .LBB2_2-.Ltmp2, $4  }
0x26: {  	[tilespmem:s6], [sflag:$0xA] =	stream.strided.gather [hbm4b:s31+s11], $0x6400, s14, s11, $0x38;
	[tilespmem:$0x1E8C0] =	vst v63  }
0x27: {  	_ =	swait.ge [sflag:s30], $0x6400  }
0x28: {  	[sflag:s30] =	ssyncset.done $0x0  }
0x29: {  	s14 =	simm.s32 $0x0;
	[sflag:s30] =	ssyncadd.s32 $0xFFFF9C00  }
.LBB2_22:
0x2a: {  	s14 =	sadd.s32 $0x1, s14  }
0x2b: {  	p0 =	sne.s32 s14, $0x46  }
.Ltmp3:
0x2c: {  	_ = 	snop;
	(pc) =	sbr.rel @!p0 .LBB2_23-.Ltmp3, $1  }
0x2d: {  	_ =	sdelay $0x3  }
.LBB2_2:
0x2e: {  	p0 =	sgt.u32 s14, $0x42;
	s10 =	smul.u32 $0x3, s14  }
0x2f: {  	s0 =	smul.u32 @!p0 $0x600, s14  }
0x30: {  	s6 =	simm.s32 @!p0 $0x80;
	s3 =	sadd.s32 $0xFFFFFFFF, s10  }
0x31: {  	s7 =	simm.s32 @!p0 $0xC800;
	s12 =	sshra.s32 @!p0 s0, $0x2;
	p1 =	sgt.u32 s3, $0xC7  }
0x32: {  	[tilespmem:s7], [sflag:$0x1] =	stream.indirect.gather @!p0 [hbm4b:s4+s6], $0x40, s12, s6, $0xb8;
	[tilespmem:$0x1E8C0] =	vst v63  }
0x33: {  	s0 =	simm.s32 @!p1 $0x3  }
0x34: {  	_ =	swait.ge @!p1 [sflag:s0], $0x2000  }
0x35: {  	s13 =	sshll.u32 @!p1 s3, $0x7;
	[sflag:s0] =	ssyncset.done @!p1 $0x0  }
0x36: {  	[sflag:s0] =	ssyncadd.s32 @!p1 $0xFFFFE000;
	s0 =	sand.u32 @!p1 $0x3FFFFF80, s13  }
0x37: {  	s30 =	simm.s32 @!p1 $0x10800;
	s13 =	simm.s32 @!p1 $0x80;
	s0 =	sadd.s32 @!p1 $0x6400, s0  }
0x38: {  	[tilespmem:s30], [sflag:$0x6] =	stream.indirect.gather.add.f32 @!p1 [hbm:s5], $0x40, s0, s13, $0xb8;
	[tilespmem:$0x1E8C0] =	vst v63  }
0x39: {  	s30 =	sadd.s32 $0xFFFFFFFE, s10  }
0x3a: {  	p3 =	sgt.u32 s30, $0xC7  }
.Ltmp4:
0x3b: {  	_ = 	snop;
	(pc) =	sbr.rel @p3 .LBB2_8-.Ltmp4, $2  }
0x3c: {  	_ =	sdelay $0x2  }
0x3d: {  	p2 =	slt.u32 s14, $0x2  }
0x3e: {  	_ =	swait.ge [sflag:s15], $0x2000  }
0x3f: {  	[sflag:s15] =	ssyncset.done $0x0  }
0x40: {  	s0 =	simm.s32 @!p2 $0x8;
	[sflag:s15] =	ssyncadd.s32 $0xFFFFE000  }
0x41: {  	_ =	swait.ge @!p2 [sflag:s0], $0x2000  }
0x42: {  	[sflag:s0] =	ssyncset.done @!p2 $0x0  }
0x43: {  	s13 =	simm.s32 $0x0;
	[sflag:s0] =	ssyncadd.s32 @!p2 $0xFFFFE000;
	s0 =	simm.s32 $0xE880  }
0x44: {  	s31 =	simm.s32 $0x4;
	v5 =	vadd.s32 s13, v0;
	v4 =	vld [tilespmem:s0+$0xFFFFFF80]  }
.LBB2_4:
0x45: {  	p3 =	sne.s32 s31, $0x7C;
	_ =	sdelay $0x3  }
0x46: {  	[tilespmem:v5+s16+$0x0] =	vst.idx.msk $0xffff, v4  }
0x47: {  	v5 =	vadd.s32 s13, v1;
	v4 =	vld [tilespmem:s0+$0xFFFFFF90];
	_ =	sdelay $0x4  }
0x48: {  	[tilespmem:v5+s16+$0x0] =	vst.idx.msk $0xffff, v4  }
0x49: {  	v5 =	vadd.s32 s13, v2;
	v4 =	vld [tilespmem:s0+$0xFFFFFFA0];
	_ =	sdelay $0x4  }
0x4a: {  	[tilespmem:v5+s16+$0x0] =	vst.idx.msk $0xffff, v4  }
0x4b: {  	v5 =	vadd.s32 s13, v3;
	v4 =	vld [tilespmem:s0+$0xFFFFFFB0];
	_ =	sdelay $0x4  }
0x4c: {  	s1 =	sadd.s32 $0x1, s13;
	[tilespmem:v5+s16+$0x0] =	vst.idx.msk $0xffff, v4  }
0x4d: {  	v5 =	vadd.s32 s1, v0;
	v4 =	vld [tilespmem:s0+$0xFFFFFFC0];
	_ =	sdelay $0x4  }
0x4e: {  	[tilespmem:v5+s16+$0x0] =	vst.idx.msk $0xffff, v4  }
0x4f: {  	v5 =	vadd.s32 s1, v1;
	v4 =	vld [tilespmem:s0+$0xFFFFFFD0];
	_ =	sdelay $0x4  }
0x50: {  	[tilespmem:v5+s16+$0x0] =	vst.idx.msk $0xffff, v4  }
0x51: {  	v5 =	vadd.s32 s1, v2;
	v4 =	vld [tilespmem:s0+$0xFFFFFFE0];
	_ =	sdelay $0x4  }
0x52: {  	[tilespmem:v5+s16+$0x0] =	vst.idx.msk $0xffff, v4  }
0x53: {  	v5 =	vadd.s32 s1, v3;
	v4 =	vld [tilespmem:s0+$0xFFFFFFF0];
	_ =	sdelay $0x4  }
0x54: {  	s1 =	sadd.s32 $0x2, s13;
	[tilespmem:v5+s16+$0x0] =	vst.idx.msk $0xffff, v4  }
0x55: {  	v5 =	vadd.s32 s1, v0;
	v4 =	vld [tilespmem:s0+$0x0];
	_ =	sdelay $0x4  }
0x56: {  	[tilespmem:v5+s16+$0x0] =	vst.idx.msk $0xffff, v4  }
0x57: {  	v5 =	vadd.s32 s1, v1;
	v4 =	vld [tilespmem:s0+$0x10];
	_ =	sdelay $0x4  }
0x58: {  	[tilespmem:v5+s16+$0x0] =	vst.idx.msk $0xffff, v4  }
0x59: {  	v5 =	vadd.s32 s1, v2;
	v4 =	vld [tilespmem:s0+$0x20];
	_ =	sdelay $0x4  }
0x5a: {  	[tilespmem:v5+s16+$0x0] =	vst.idx.msk $0xffff, v4  }
0x5b: {  	v5 =	vadd.s32 s1, v3;
	v4 =	vld [tilespmem:s0+$0x30];
	_ =	sdelay $0x4  }
0x5c: {  	s1 =	sadd.s32 $0x3, s13;
	s13 =	smov.u32 s31;
	[tilespmem:v5+s16+$0x0] =	vst.idx.msk $0xffff, v4  }
0x5d: {  	v5 =	vadd.s32 s1, v0;
	v4 =	vld [tilespmem:s0+$0x40];
	_ =	sdelay $0x4  }
0x5e: {  	[tilespmem:v5+s16+$0x0] =	vst.idx.msk $0xffff, v4  }
0x5f: {  	v5 =	vadd.s32 s1, v1;
	v4 =	vld [tilespmem:s0+$0x50];
	_ =	sdelay $0x4  }
0x60: {  	[tilespmem:v5+s16+$0x0] =	vst.idx.msk $0xffff, v4  }
0x61: {  	v5 =	vadd.s32 s1, v2;
	v4 =	vld [tilespmem:s0+$0x60];
	_ =	sdelay $0x4  }
0x62: {  	[tilespmem:v5+s16+$0x0] =	vst.idx.msk $0xffff, v4  }
0x63: {  	v5 =	vadd.s32 s1, v3;
	v4 =	vld [tilespmem:s0+$0x70];
	_ =	sdelay $0x1  }
.Ltmp5:
0x64: {  	(pc) =	sbr.rel @p3 .LBB2_4-.Ltmp5, $3  }
0x65: {  	_ =	sdelay $0x1  }
0x66: {  	s0 =	sadd.s32 $0x100, s0;
	[tilespmem:v5+s16+$0x0] =	vst.idx.msk $0xffff, v4  }
0x67: {  	s31 =	sadd.s32 $0x4, s31;
	v5 =	vadd.s32 s13, v0;
	v4 =	vld [tilespmem:s0+$0xFFFFFF80]  }
0x68: {  	_ =	sdelay $0x3  }
0x69: {  	[tilespmem:v5+s16+$0x0] =	vst.idx.msk $0xffff, v4  }
0x6a: {  	v5 =	vadd.s32 s13, v1;
	v4 =	vld [tilespmem:s0+$0xFFFFFF90];
	_ =	sdelay $0x4  }
0x6b: {  	[tilespmem:v5+s16+$0x0] =	vst.idx.msk $0xffff, v4  }
0x6c: {  	v5 =	vadd.s32 s13, v2;
	v4 =	vld [tilespmem:s0+$0xFFFFFFA0];
	_ =	sdelay $0x4  }
0x6d: {  	[tilespmem:v5+s16+$0x0] =	vst.idx.msk $0xffff, v4  }
0x6e: {  	v5 =	vadd.s32 s13, v3;
	v4 =	vld [tilespmem:s0+$0xFFFFFFB0];
	_ =	sdelay $0x4  }
0x6f: {  	s1 =	sadd.s32 $0x1, s13;
	[tilespmem:v5+s16+$0x0] =	vst.idx.msk $0xffff, v4  }
0x70: {  	v5 =	vadd.s32 s1, v0;
	v4 =	vld [tilespmem:s0+$0xFFFFFFC0];
	_ =	sdelay $0x4  }
0x71: {  	[tilespmem:v5+s16+$0x0] =	vst.idx.msk $0xffff, v4  }
0x72: {  	v5 =	vadd.s32 s1, v1;
	v4 =	vld [tilespmem:s0+$0xFFFFFFD0];
	_ =	sdelay $0x4  }
0x73: {  	[tilespmem:v5+s16+$0x0] =	vst.idx.msk $0xffff, v4  }
0x74: {  	v5 =	vadd.s32 s1, v2;
	v4 =	vld [tilespmem:s0+$0xFFFFFFE0];
	_ =	sdelay $0x4  }
0x75: {  	[tilespmem:v5+s16+$0x0] =	vst.idx.msk $0xffff, v4  }
0x76: {  	v5 =	vadd.s32 s1, v3;
	v4 =	vld [tilespmem:s0+$0xFFFFFFF0];
	_ =	sdelay $0x4  }
0x77: {  	s1 =	sadd.s32 $0x2, s13;
	[tilespmem:v5+s16+$0x0] =	vst.idx.msk $0xffff, v4  }
0x78: {  	v5 =	vadd.s32 s1, v0;
	v4 =	vld [tilespmem:s0+$0x0];
	_ =	sdelay $0x4  }
0x79: {  	[tilespmem:v5+s16+$0x0] =	vst.idx.msk $0xffff, v4  }
0x7a: {  	v5 =	vadd.s32 s1, v1;
	v4 =	vld [tilespmem:s0+$0x10];
	_ =	sdelay $0x4  }
0x7b: {  	[tilespmem:v5+s16+$0x0] =	vst.idx.msk $0xffff, v4  }
0x7c: {  	v5 =	vadd.s32 s1, v2;
	v4 =	vld [tilespmem:s0+$0x20];
	_ =	sdelay $0x4  }
0x7d: {  	[tilespmem:v5+s16+$0x0] =	vst.idx.msk $0xffff, v4  }
0x7e: {  	v5 =	vadd.s32 s1, v3;
	v4 =	vld [tilespmem:s0+$0x30];
	_ =	sdelay $0x4  }
0x7f: {  	s13 =	sadd.s32 $0x3, s13;
	[tilespmem:v5+s16+$0x0] =	vst.idx.msk $0xffff, v4  }
0x80: {  	v5 =	vadd.s32 s13, v0;
	v4 =	vld [tilespmem:s0+$0x40];
	_ =	sdelay $0x4  }
0x81: {  	[tilespmem:v5+s16+$0x0] =	vst.idx.msk $0xffff, v4  }
0x82: {  	v5 =	vadd.s32 s13, v1;
	v4 =	vld [tilespmem:s0+$0x50];
	_ =	sdelay $0x4  }
0x83: {  	[tilespmem:v5+s16+$0x0] =	vst.idx.msk $0xffff, v4  }
0x84: {  	v5 =	vadd.s32 s13, v2;
	v4 =	vld [tilespmem:s0+$0x60];
	_ =	sdelay $0x4  }
0x85: {  	[tilespmem:v5+s16+$0x0] =	vst.idx.msk $0xffff, v4  }
0x86: {  	v5 =	vadd.s32 s13, v3;
	v4 =	vld [tilespmem:s0+$0x70];
	_ =	sdelay $0x4  }
0x87: {  	s13 =	simm.s32 $0x0;
	[tilespmem:v5+s16+$0x0] =	vst.idx.msk $0xffff, v4  }
0x88: {  	v4 =	vld [tilespmem:s13+$0x1A840];
	_ =	sdelay $0x3  }
0x89: {  	s31 =	simm.s32 $0x14A00  }
0x8a: {  	[tilespmem:s31+$0xFFFFFE00] =	vst v4  }
0x8b: {  	v4 =	vld [tilespmem:s13+$0x1A850];
	_ =	sdelay $0x4  }
0x8c: {  	[tilespmem:s31+$0xFFFFFE10] =	vst v4  }
0x8d: {  	v4 =	vld [tilespmem:s13+$0x1A860];
	_ =	sdelay $0x4  }
0x8e: {  	[tilespmem:s31+$0xFFFFFE20] =	vst v4  }
0x8f: {  	v4 =	vld [tilespmem:s13+$0x1A870];
	_ =	sdelay $0x4  }
0x90: {  	[tilespmem:s31+$0xFFFFFE30] =	vst v4  }
0x91: {  	v4 =	vld [tilespmem:s13+$0x1A880];
	_ =	sdelay $0x4  }
0x92: {  	[tilespmem:s31+$0xFFFFFE40] =	vst v4  }
0x93: {  	v4 =	vld [tilespmem:s13+$0x1A890];
	_ =	sdelay $0x4  }
0x94: {  	[tilespmem:s31+$0xFFFFFE50] =	vst v4  }
0x95: {  	v4 =	vld [tilespmem:s13+$0x1A8A0];
	_ =	sdelay $0x4  }
0x96: {  	[tilespmem:s31+$0xFFFFFE60] =	vst v4  }
0x97: {  	v4 =	vld [tilespmem:s13+$0x1A8B0];
	_ =	sdelay $0x4  }
0x98: {  	[tilespmem:s31+$0xFFFFFE70] =	vst v4  }
0x99: {  	v4 =	vld [tilespmem:s13+$0x1A8C1];
	_ =	sdelay $0x4  }
0x9a: {  	[tilespmem:s31+$0xFFFFFE80] =	vst v4  }
0x9b: {  	v4 =	vld [tilespmem:s13+$0x1A8D1];
	_ =	sdelay $0x4  }
0x9c: {  	[tilespmem:s31+$0xFFFFFE90] =	vst v4  }
0x9d: {  	v4 =	vld [tilespmem:s13+$0x1A8E1];
	_ =	sdelay $0x4  }
0x9e: {  	[tilespmem:s31+$0xFFFFFEA0] =	vst v4  }
0x9f: {  	v4 =	vld [tilespmem:s13+$0x1A8F1];
	_ =	sdelay $0x4  }
0xa0: {  	[tilespmem:s31+$0xFFFFFEB0] =	vst v4  }
0xa1: {  	v4 =	vld [tilespmem:s13+$0x1A901];
	_ =	sdelay $0x4  }
0xa2: {  	[tilespmem:s31+$0xFFFFFEC0] =	vst v4  }
0xa3: {  	v4 =	vld [tilespmem:s13+$0x1A911];
	_ =	sdelay $0x4  }
0xa4: {  	[tilespmem:s31+$0xFFFFFED0] =	vst v4  }
0xa5: {  	v4 =	vld [tilespmem:s13+$0x1A921];
	_ =	sdelay $0x4  }
0xa6: {  	[tilespmem:s31+$0xFFFFFEE0] =	vst v4  }
0xa7: {  	v4 =	vld [tilespmem:s13+$0x1A931];
	_ =	sdelay $0x4  }
0xa8: {  	[tilespmem:s31+$0xFFFFFEF0] =	vst v4  }
0xa9: {  	v4 =	vld [tilespmem:s13+$0x1A942];
	_ =	sdelay $0x4  }
0xaa: {  	[tilespmem:s31+$0xFFFFFF00] =	vst v4  }
0xab: {  	v4 =	vld [tilespmem:s13+$0x1A952];
	_ =	sdelay $0x4  }
0xac: {  	[tilespmem:s31+$0xFFFFFF10] =	vst v4  }
0xad: {  	v4 =	vld [tilespmem:s13+$0x1A962];
	_ =	sdelay $0x4  }
0xae: {  	[tilespmem:s31+$0xFFFFFF20] =	vst v4  }
0xaf: {  	v4 =	vld [tilespmem:s13+$0x1A972];
	_ =	sdelay $0x4  }
0xb0: {  	[tilespmem:s31+$0xFFFFFF30] =	vst v4  }
0xb1: {  	v4 =	vld [tilespmem:s13+$0x1A982];
	_ =	sdelay $0x4  }
0xb2: {  	[tilespmem:s31+$0xFFFFFF40] =	vst v4  }
0xb3: {  	v4 =	vld [tilespmem:s13+$0x1A992];
	_ =	sdelay $0x4  }
0xb4: {  	[tilespmem:s31+$0xFFFFFF50] =	vst v4  }
0xb5: {  	v4 =	vld [tilespmem:s13+$0x1A9A2];
	_ =	sdelay $0x4  }
0xb6: {  	[tilespmem:s31+$0xFFFFFF60] =	vst v4  }
0xb7: {  	v4 =	vld [tilespmem:s13+$0x1A9B2];
	_ =	sdelay $0x4  }
0xb8: {  	[tilespmem:s31+$0xFFFFFF70] =	vst v4  }
0xb9: {  	v4 =	vld [tilespmem:s13+$0x1A9C3];
	_ =	sdelay $0x4  }
0xba: {  	[tilespmem:s31+$0xFFFFFF80] =	vst v4  }
0xbb: {  	v4 =	vld [tilespmem:s13+$0x1A9D3];
	_ =	sdelay $0x4  }
0xbc: {  	[tilespmem:s31+$0xFFFFFF90] =	vst v4  }
0xbd: {  	v4 =	vld [tilespmem:s13+$0x1A9E3];
	_ =	sdelay $0x4  }
0xbe: {  	[tilespmem:s31+$0xFFFFFFA0] =	vst v4  }
0xbf: {  	v4 =	vld [tilespmem:s13+$0x1A9F3];
	_ =	sdelay $0x4  }
0xc0: {  	[tilespmem:s31+$0xFFFFFFB0] =	vst v4  }
0xc1: {  	v4 =	vld [tilespmem:s13+$0x1AA03];
	_ =	sdelay $0x4  }
0xc2: {  	[tilespmem:s31+$0xFFFFFFC0] =	vst v4  }
0xc3: {  	v4 =	vld [tilespmem:s13+$0x1AA13];
	_ =	sdelay $0x4  }
0xc4: {  	[tilespmem:s31+$0xFFFFFFD0] =	vst v4  }
0xc5: {  	v4 =	vld [tilespmem:s13+$0x1AA23];
	_ =	sdelay $0x4  }
0xc6: {  	[tilespmem:s31+$0xFFFFFFE0] =	vst v4  }
0xc7: {  	v4 =	vld [tilespmem:s13+$0x1AA33];
	_ =	sdelay $0x4  }
0xc8: {  	[tilespmem:s31+$0xFFFFFFF0] =	vst v4  }
0xc9: {  	v4 =	vld [tilespmem:s13+$0x1AA44];
	_ =	sdelay $0x4  }
0xca: {  	[tilespmem:s31+$0x0] =	vst v4  }
0xcb: {  	v4 =	vld [tilespmem:s13+$0x1AA54];
	_ =	sdelay $0x4  }
0xcc: {  	[tilespmem:s31+$0x10] =	vst v4  }
0xcd: {  	v4 =	vld [tilespmem:s13+$0x1AA64];
	_ =	sdelay $0x4  }
0xce: {  	[tilespmem:s31+$0x20] =	vst v4  }
0xcf: {  	v4 =	vld [tilespmem:s13+$0x1AA74];
	_ =	sdelay $0x4  }
0xd0: {  	[tilespmem:s31+$0x30] =	vst v4  }
0xd1: {  	v4 =	vld [tilespmem:s13+$0x1AA84];
	_ =	sdelay $0x4  }
0xd2: {  	[tilespmem:s31+$0x40] =	vst v4  }
0xd3: {  	v4 =	vld [tilespmem:s13+$0x1AA94];
	_ =	sdelay $0x4  }
0xd4: {  	[tilespmem:s31+$0x50] =	vst v4  }
0xd5: {  	v4 =	vld [tilespmem:s13+$0x1AAA4];
	_ =	sdelay $0x4  }
0xd6: {  	[tilespmem:s31+$0x60] =	vst v4  }
0xd7: {  	v4 =	vld [tilespmem:s13+$0x1AAB4];
	_ =	sdelay $0x4  }
0xd8: {  	[tilespmem:s31+$0x70] =	vst v4  }
0xd9: {  	v4 =	vld [tilespmem:s13+$0x1AAC5];
	_ =	sdelay $0x4  }
0xda: {  	[tilespmem:s31+$0x80] =	vst v4  }
0xdb: {  	v4 =	vld [tilespmem:s13+$0x1AAD5];
	_ =	sdelay $0x4  }
0xdc: {  	[tilespmem:s31+$0x90] =	vst v4  }
0xdd: {  	v4 =	vld [tilespmem:s13+$0x1AAE5];
	_ =	sdelay $0x4  }
0xde: {  	[tilespmem:s31+$0xA0] =	vst v4  }
0xdf: {  	v4 =	vld [tilespmem:s13+$0x1AAF5];
	_ =	sdelay $0x4  }
0xe0: {  	[tilespmem:s31+$0xB0] =	vst v4  }
0xe1: {  	v4 =	vld [tilespmem:s13+$0x1AB05];
	_ =	sdelay $0x4  }
0xe2: {  	[tilespmem:s31+$0xC0] =	vst v4  }
0xe3: {  	v4 =	vld [tilespmem:s13+$0x1AB15];
	_ =	sdelay $0x4  }
0xe4: {  	[tilespmem:s31+$0xD0] =	vst v4  }
0xe5: {  	v4 =	vld [tilespmem:s13+$0x1AB25];
	_ =	sdelay $0x4  }
0xe6: {  	[tilespmem:s31+$0xE0] =	vst v4  }
0xe7: {  	v4 =	vld [tilespmem:s13+$0x1AB35];
	_ =	sdelay $0x4  }
0xe8: {  	[tilespmem:s31+$0xF0] =	vst v4  }
0xe9: {  	v4 =	vld [tilespmem:s13+$0x1AB46];
	_ =	sdelay $0x4  }
0xea: {  	[tilespmem:s31+$0x100] =	vst v4  }
0xeb: {  	v4 =	vld [tilespmem:s13+$0x1AB56];
	_ =	sdelay $0x4  }
0xec: {  	[tilespmem:s31+$0x110] =	vst v4  }
0xed: {  	v4 =	vld [tilespmem:s13+$0x1AB66];
	_ =	sdelay $0x4  }
0xee: {  	[tilespmem:s31+$0x120] =	vst v4  }
0xef: {  	v4 =	vld [tilespmem:s13+$0x1AB76];
	_ =	sdelay $0x4  }
0xf0: {  	[tilespmem:s31+$0x130] =	vst v4  }
0xf1: {  	v4 =	vld [tilespmem:s13+$0x1AB86];
	_ =	sdelay $0x4  }
0xf2: {  	[tilespmem:s31+$0x140] =	vst v4  }
0xf3: {  	v4 =	vld [tilespmem:s13+$0x1AB96];
	_ =	sdelay $0x4  }
0xf4: {  	[tilespmem:s31+$0x150] =	vst v4  }
0xf5: {  	v4 =	vld [tilespmem:s13+$0x1ABA6];
	_ =	sdelay $0x4  }
0xf6: {  	[tilespmem:s31+$0x160] =	vst v4  }
0xf7: {  	v4 =	vld [tilespmem:s13+$0x1ABB6];
	_ =	sdelay $0x4  }
0xf8: {  	[tilespmem:s31+$0x170] =	vst v4  }
0xf9: {  	v4 =	vld [tilespmem:s13+$0x1ABC7];
	_ =	sdelay $0x4  }
0xfa: {  	[tilespmem:s31+$0x180] =	vst v4  }
0xfb: {  	v4 =	vld [tilespmem:s13+$0x1ABD7];
	_ =	sdelay $0x4  }
0xfc: {  	[tilespmem:s31+$0x190] =	vst v4  }
0xfd: {  	v4 =	vld [tilespmem:s13+$0x1ABE7];
	_ =	sdelay $0x4  }
0xfe: {  	[tilespmem:s31+$0x1A0] =	vst v4  }
0xff: {  	v4 =	vld [tilespmem:s13+$0x1ABF7];
	_ =	sdelay $0x4  }
0x100: {  	[tilespmem:s31+$0x1B0] =	vst v4  }
0x101: {  	v4 =	vld [tilespmem:s13+$0x1AC07];
	_ =	sdelay $0x4  }
0x102: {  	[tilespmem:s31+$0x1C0] =	vst v4  }
0x103: {  	v4 =	vld [tilespmem:s13+$0x1AC17];
	_ =	sdelay $0x4  }
0x104: {  	[tilespmem:s31+$0x1D0] =	vst v4  }
0x105: {  	v4 =	vld [tilespmem:s13+$0x1AC27];
	_ =	sdelay $0x4  }
0x106: {  	[tilespmem:s31+$0x1E0] =	vst v4  }
0x107: {  	v4 =	vld [tilespmem:s13+$0x1AC37];
	_ =	sdelay $0x4  }
0x108: {  	s0 =	simm.s32 $0x408;
	s13 =	simm.s32 $0x2040;
	[tilespmem:s31+$0x1F0] =	vst v4  }
.LBB2_6:
0x109: {  	p3 =	sne.s32 s13, $0x70E0;
	v4 =	vld [tilespmem:s0+$0x1A840];
	_ =	sdelay $0x3  }
0x10a: {  	s31 =	sadd.s32 $0x400, s31  }
0x10b: {  	[tilespmem:s31+$0xFFFFFE00] =	vst v4  }
0x10c: {  	v4 =	vld [tilespmem:s0+$0x1A850];
	_ =	sdelay $0x4  }
0x10d: {  	[tilespmem:s31+$0xFFFFFE10] =	vst v4  }
0x10e: {  	v4 =	vld [tilespmem:s0+$0x1A860];
	_ =	sdelay $0x4  }
0x10f: {  	[tilespmem:s31+$0xFFFFFE20] =	vst v4  }
0x110: {  	v4 =	vld [tilespmem:s0+$0x1A870];
	_ =	sdelay $0x4  }
0x111: {  	[tilespmem:s31+$0xFFFFFE30] =	vst v4  }
0x112: {  	v4 =	vld [tilespmem:s0+$0x1A880];
	_ =	sdelay $0x4  }
0x113: {  	[tilespmem:s31+$0xFFFFFE40] =	vst v4  }
0x114: {  	v4 =	vld [tilespmem:s0+$0x1A890];
	_ =	sdelay $0x4  }
0x115: {  	[tilespmem:s31+$0xFFFFFE50] =	vst v4  }
0x116: {  	v4 =	vld [tilespmem:s0+$0x1A8A0];
	_ =	sdelay $0x4  }
0x117: {  	[tilespmem:s31+$0xFFFFFE60] =	vst v4  }
0x118: {  	v4 =	vld [tilespmem:s0+$0x1A8B0];
	_ =	sdelay $0x4  }
0x119: {  	[tilespmem:s31+$0xFFFFFE70] =	vst v4  }
0x11a: {  	v4 =	vld [tilespmem:s0+$0x1A8C1];
	_ =	sdelay $0x4  }
0x11b: {  	[tilespmem:s31+$0xFFFFFE80] =	vst v4  }
0x11c: {  	v4 =	vld [tilespmem:s0+$0x1A8D1];
	_ =	sdelay $0x4  }
0x11d: {  	[tilespmem:s31+$0xFFFFFE90] =	vst v4  }
0x11e: {  	v4 =	vld [tilespmem:s0+$0x1A8E1];
	_ =	sdelay $0x4  }
0x11f: {  	[tilespmem:s31+$0xFFFFFEA0] =	vst v4  }
0x120: {  	v4 =	vld [tilespmem:s0+$0x1A8F1];
	_ =	sdelay $0x4  }
0x121: {  	[tilespmem:s31+$0xFFFFFEB0] =	vst v4  }
0x122: {  	v4 =	vld [tilespmem:s0+$0x1A901];
	_ =	sdelay $0x4  }
0x123: {  	[tilespmem:s31+$0xFFFFFEC0] =	vst v4  }
0x124: {  	v4 =	vld [tilespmem:s0+$0x1A911];
	_ =	sdelay $0x4  }
0x125: {  	[tilespmem:s31+$0xFFFFFED0] =	vst v4  }
0x126: {  	v4 =	vld [tilespmem:s0+$0x1A921];
	_ =	sdelay $0x4  }
0x127: {  	[tilespmem:s31+$0xFFFFFEE0] =	vst v4  }
0x128: {  	v4 =	vld [tilespmem:s0+$0x1A931];
	_ =	sdelay $0x4  }
0x129: {  	[tilespmem:s31+$0xFFFFFEF0] =	vst v4  }
0x12a: {  	v4 =	vld [tilespmem:s0+$0x1A942];
	_ =	sdelay $0x4  }
0x12b: {  	[tilespmem:s31+$0xFFFFFF00] =	vst v4  }
0x12c: {  	v4 =	vld [tilespmem:s0+$0x1A952];
	_ =	sdelay $0x4  }
0x12d: {  	[tilespmem:s31+$0xFFFFFF10] =	vst v4  }
0x12e: {  	v4 =	vld [tilespmem:s0+$0x1A962];
	_ =	sdelay $0x4  }
0x12f: {  	[tilespmem:s31+$0xFFFFFF20] =	vst v4  }
0x130: {  	v4 =	vld [tilespmem:s0+$0x1A972];
	_ =	sdelay $0x4  }
0x131: {  	[tilespmem:s31+$0xFFFFFF30] =	vst v4  }
0x132: {  	v4 =	vld [tilespmem:s0+$0x1A982];
	_ =	sdelay $0x4  }
0x133: {  	[tilespmem:s31+$0xFFFFFF40] =	vst v4  }
0x134: {  	v4 =	vld [tilespmem:s0+$0x1A992];
	_ =	sdelay $0x4  }
0x135: {  	[tilespmem:s31+$0xFFFFFF50] =	vst v4  }
0x136: {  	v4 =	vld [tilespmem:s0+$0x1A9A2];
	_ =	sdelay $0x4  }
0x137: {  	[tilespmem:s31+$0xFFFFFF60] =	vst v4  }
0x138: {  	v4 =	vld [tilespmem:s0+$0x1A9B2];
	_ =	sdelay $0x4  }
0x139: {  	[tilespmem:s31+$0xFFFFFF70] =	vst v4  }
0x13a: {  	v4 =	vld [tilespmem:s0+$0x1A9C3];
	_ =	sdelay $0x4  }
0x13b: {  	[tilespmem:s31+$0xFFFFFF80] =	vst v4  }
0x13c: {  	v4 =	vld [tilespmem:s0+$0x1A9D3];
	_ =	sdelay $0x4  }
0x13d: {  	[tilespmem:s31+$0xFFFFFF90] =	vst v4  }
0x13e: {  	v4 =	vld [tilespmem:s0+$0x1A9E3];
	_ =	sdelay $0x4  }
0x13f: {  	[tilespmem:s31+$0xFFFFFFA0] =	vst v4  }
0x140: {  	v4 =	vld [tilespmem:s0+$0x1A9F3];
	_ =	sdelay $0x4  }
0x141: {  	[tilespmem:s31+$0xFFFFFFB0] =	vst v4  }
0x142: {  	v4 =	vld [tilespmem:s0+$0x1AA03];
	_ =	sdelay $0x4  }
0x143: {  	[tilespmem:s31+$0xFFFFFFC0] =	vst v4  }
0x144: {  	v4 =	vld [tilespmem:s0+$0x1AA13];
	_ =	sdelay $0x4  }
0x145: {  	[tilespmem:s31+$0xFFFFFFD0] =	vst v4  }
0x146: {  	v4 =	vld [tilespmem:s0+$0x1AA23];
	_ =	sdelay $0x4  }
0x147: {  	[tilespmem:s31+$0xFFFFFFE0] =	vst v4  }
0x148: {  	v4 =	vld [tilespmem:s0+$0x1AA33];
	_ =	sdelay $0x4  }
0x149: {  	[tilespmem:s31+$0xFFFFFFF0] =	vst v4  }
0x14a: {  	v4 =	vld [tilespmem:s0+$0x1AA44];
	_ =	sdelay $0x4  }
0x14b: {  	[tilespmem:s31+$0x0] =	vst v4  }
0x14c: {  	v4 =	vld [tilespmem:s0+$0x1AA54];
	_ =	sdelay $0x4  }
0x14d: {  	[tilespmem:s31+$0x10] =	vst v4  }
0x14e: {  	v4 =	vld [tilespmem:s0+$0x1AA64];
	_ =	sdelay $0x4  }
0x14f: {  	[tilespmem:s31+$0x20] =	vst v4  }
0x150: {  	v4 =	vld [tilespmem:s0+$0x1AA74];
	_ =	sdelay $0x4  }
0x151: {  	[tilespmem:s31+$0x30] =	vst v4  }
0x152: {  	v4 =	vld [tilespmem:s0+$0x1AA84];
	_ =	sdelay $0x4  }
0x153: {  	[tilespmem:s31+$0x40] =	vst v4  }
0x154: {  	v4 =	vld [tilespmem:s0+$0x1AA94];
	_ =	sdelay $0x4  }
0x155: {  	[tilespmem:s31+$0x50] =	vst v4  }
0x156: {  	v4 =	vld [tilespmem:s0+$0x1AAA4];
	_ =	sdelay $0x4  }
0x157: {  	[tilespmem:s31+$0x60] =	vst v4  }
0x158: {  	v4 =	vld [tilespmem:s0+$0x1AAB4];
	_ =	sdelay $0x4  }
0x159: {  	[tilespmem:s31+$0x70] =	vst v4  }
0x15a: {  	v4 =	vld [tilespmem:s0+$0x1AAC5];
	_ =	sdelay $0x4  }
0x15b: {  	[tilespmem:s31+$0x80] =	vst v4  }
0x15c: {  	v4 =	vld [tilespmem:s0+$0x1AAD5];
	_ =	sdelay $0x4  }
0x15d: {  	[tilespmem:s31+$0x90] =	vst v4  }
0x15e: {  	v4 =	vld [tilespmem:s0+$0x1AAE5];
	_ =	sdelay $0x4  }
0x15f: {  	[tilespmem:s31+$0xA0] =	vst v4  }
0x160: {  	v4 =	vld [tilespmem:s0+$0x1AAF5];
	_ =	sdelay $0x4  }
0x161: {  	[tilespmem:s31+$0xB0] =	vst v4  }
0x162: {  	v4 =	vld [tilespmem:s0+$0x1AB05];
	_ =	sdelay $0x4  }
0x163: {  	[tilespmem:s31+$0xC0] =	vst v4  }
0x164: {  	v4 =	vld [tilespmem:s0+$0x1AB15];
	_ =	sdelay $0x4  }
0x165: {  	[tilespmem:s31+$0xD0] =	vst v4  }
0x166: {  	v4 =	vld [tilespmem:s0+$0x1AB25];
	_ =	sdelay $0x4  }
0x167: {  	[tilespmem:s31+$0xE0] =	vst v4  }
0x168: {  	v4 =	vld [tilespmem:s0+$0x1AB35];
	_ =	sdelay $0x4  }
0x169: {  	[tilespmem:s31+$0xF0] =	vst v4  }
0x16a: {  	v4 =	vld [tilespmem:s0+$0x1AB46];
	_ =	sdelay $0x4  }
0x16b: {  	[tilespmem:s31+$0x100] =	vst v4  }
0x16c: {  	v4 =	vld [tilespmem:s0+$0x1AB56];
	_ =	sdelay $0x4  }
0x16d: {  	[tilespmem:s31+$0x110] =	vst v4  }
0x16e: {  	v4 =	vld [tilespmem:s0+$0x1AB66];
	_ =	sdelay $0x4  }
0x16f: {  	[tilespmem:s31+$0x120] =	vst v4  }
0x170: {  	v4 =	vld [tilespmem:s0+$0x1AB76];
	_ =	sdelay $0x4  }
0x171: {  	[tilespmem:s31+$0x130] =	vst v4  }
0x172: {  	v4 =	vld [tilespmem:s0+$0x1AB86];
	_ =	sdelay $0x4  }
0x173: {  	[tilespmem:s31+$0x140] =	vst v4  }
0x174: {  	v4 =	vld [tilespmem:s0+$0x1AB96];
	_ =	sdelay $0x4  }
0x175: {  	[tilespmem:s31+$0x150] =	vst v4  }
0x176: {  	v4 =	vld [tilespmem:s0+$0x1ABA6];
	_ =	sdelay $0x4  }
0x177: {  	[tilespmem:s31+$0x160] =	vst v4  }
0x178: {  	v4 =	vld [tilespmem:s0+$0x1ABB6];
	_ =	sdelay $0x4  }
0x179: {  	[tilespmem:s31+$0x170] =	vst v4  }
0x17a: {  	v4 =	vld [tilespmem:s0+$0x1ABC7];
	_ =	sdelay $0x4  }
0x17b: {  	[tilespmem:s31+$0x180] =	vst v4  }
0x17c: {  	v4 =	vld [tilespmem:s0+$0x1ABD7];
	_ =	sdelay $0x4  }
0x17d: {  	[tilespmem:s31+$0x190] =	vst v4  }
0x17e: {  	v4 =	vld [tilespmem:s0+$0x1ABE7];
	_ =	sdelay $0x4  }
0x17f: {  	[tilespmem:s31+$0x1A0] =	vst v4  }
0x180: {  	v4 =	vld [tilespmem:s0+$0x1ABF7];
	_ =	sdelay $0x4  }
0x181: {  	[tilespmem:s31+$0x1B0] =	vst v4  }
0x182: {  	v4 =	vld [tilespmem:s0+$0x1AC07];
	_ =	sdelay $0x4  }
0x183: {  	[tilespmem:s31+$0x1C0] =	vst v4  }
0x184: {  	v4 =	vld [tilespmem:s0+$0x1AC17];
	_ =	sdelay $0x4  }
0x185: {  	[tilespmem:s31+$0x1D0] =	vst v4  }
0x186: {  	v4 =	vld [tilespmem:s0+$0x1AC27];
	_ =	sdelay $0x4  }
0x187: {  	[tilespmem:s31+$0x1E0] =	vst v4  }
0x188: {  	v4 =	vld [tilespmem:s0+$0x1AC37]  }
.Ltmp6:
0x189: {  	(pc) =	sbr.rel @p3 .LBB2_6-.Ltmp6, $2  }
0x18a: {  	_ =	sdelay $0x2  }
0x18b: {  	s0 =	sshra.s32 s13, $0x2;
	s13 =	sadd.s32 $0x1020, s13;
	[tilespmem:s31+$0x1F0] =	vst v4  }
0x18c: {  	v4 =	vld [tilespmem:s0+$0x1A840];
	_ =	sdelay $0x3  }
0x18d: {  	s13 =	sadd.s32 $0x400, s31  }
0x18e: {  	[tilespmem:s13+$0xFFFFFE00] =	vst v4  }
0x18f: {  	v4 =	vld [tilespmem:s0+$0x1A850];
	_ =	sdelay $0x4  }
0x190: {  	[tilespmem:s13+$0xFFFFFE10] =	vst v4  }
0x191: {  	v4 =	vld [tilespmem:s0+$0x1A860];
	_ =	sdelay $0x4  }
0x192: {  	[tilespmem:s13+$0xFFFFFE20] =	vst v4  }
0x193: {  	v4 =	vld [tilespmem:s0+$0x1A870];
	_ =	sdelay $0x4  }
0x194: {  	[tilespmem:s13+$0xFFFFFE30] =	vst v4  }
0x195: {  	v4 =	vld [tilespmem:s0+$0x1A880];
	_ =	sdelay $0x4  }
0x196: {  	[tilespmem:s13+$0xFFFFFE40] =	vst v4  }
0x197: {  	v4 =	vld [tilespmem:s0+$0x1A890];
	_ =	sdelay $0x4  }
0x198: {  	[tilespmem:s13+$0xFFFFFE50] =	vst v4  }
0x199: {  	v4 =	vld [tilespmem:s0+$0x1A8A0];
	_ =	sdelay $0x4  }
0x19a: {  	[tilespmem:s13+$0xFFFFFE60] =	vst v4  }
0x19b: {  	v4 =	vld [tilespmem:s0+$0x1A8B0];
	_ =	sdelay $0x4  }
0x19c: {  	[tilespmem:s13+$0xFFFFFE70] =	vst v4  }
0x19d: {  	v4 =	vld [tilespmem:s0+$0x1A8C1];
	_ =	sdelay $0x4  }
0x19e: {  	[tilespmem:s13+$0xFFFFFE80] =	vst v4  }
0x19f: {  	v4 =	vld [tilespmem:s0+$0x1A8D1];
	_ =	sdelay $0x4  }
0x1a0: {  	[tilespmem:s13+$0xFFFFFE90] =	vst v4  }
0x1a1: {  	v4 =	vld [tilespmem:s0+$0x1A8E1];
	_ =	sdelay $0x4  }
0x1a2: {  	[tilespmem:s13+$0xFFFFFEA0] =	vst v4  }
0x1a3: {  	v4 =	vld [tilespmem:s0+$0x1A8F1];
	_ =	sdelay $0x4  }
0x1a4: {  	[tilespmem:s13+$0xFFFFFEB0] =	vst v4  }
0x1a5: {  	v4 =	vld [tilespmem:s0+$0x1A901];
	_ =	sdelay $0x4  }
0x1a6: {  	[tilespmem:s13+$0xFFFFFEC0] =	vst v4  }
0x1a7: {  	v4 =	vld [tilespmem:s0+$0x1A911];
	_ =	sdelay $0x4  }
0x1a8: {  	[tilespmem:s13+$0xFFFFFED0] =	vst v4  }
0x1a9: {  	v4 =	vld [tilespmem:s0+$0x1A921];
	_ =	sdelay $0x4  }
0x1aa: {  	[tilespmem:s13+$0xFFFFFEE0] =	vst v4  }
0x1ab: {  	v4 =	vld [tilespmem:s0+$0x1A931];
	_ =	sdelay $0x4  }
0x1ac: {  	[tilespmem:s13+$0xFFFFFEF0] =	vst v4  }
0x1ad: {  	v4 =	vld [tilespmem:s0+$0x1A942];
	_ =	sdelay $0x4  }
0x1ae: {  	[tilespmem:s13+$0xFFFFFF00] =	vst v4  }
0x1af: {  	v4 =	vld [tilespmem:s0+$0x1A952];
	_ =	sdelay $0x4  }
0x1b0: {  	[tilespmem:s13+$0xFFFFFF10] =	vst v4  }
0x1b1: {  	v4 =	vld [tilespmem:s0+$0x1A962];
	_ =	sdelay $0x4  }
0x1b2: {  	[tilespmem:s13+$0xFFFFFF20] =	vst v4  }
0x1b3: {  	v4 =	vld [tilespmem:s0+$0x1A972];
	_ =	sdelay $0x4  }
0x1b4: {  	[tilespmem:s13+$0xFFFFFF30] =	vst v4  }
0x1b5: {  	v4 =	vld [tilespmem:s0+$0x1A982];
	_ =	sdelay $0x4  }
0x1b6: {  	[tilespmem:s13+$0xFFFFFF40] =	vst v4  }
0x1b7: {  	v4 =	vld [tilespmem:s0+$0x1A992];
	_ =	sdelay $0x4  }
0x1b8: {  	[tilespmem:s13+$0xFFFFFF50] =	vst v4  }
0x1b9: {  	v4 =	vld [tilespmem:s0+$0x1A9A2];
	_ =	sdelay $0x4  }
0x1ba: {  	[tilespmem:s13+$0xFFFFFF60] =	vst v4  }
0x1bb: {  	v4 =	vld [tilespmem:s0+$0x1A9B2];
	_ =	sdelay $0x4  }
0x1bc: {  	[tilespmem:s13+$0xFFFFFF70] =	vst v4  }
0x1bd: {  	v4 =	vld [tilespmem:s0+$0x1A9C3];
	_ =	sdelay $0x4  }
0x1be: {  	[tilespmem:s13+$0xFFFFFF80] =	vst v4  }
0x1bf: {  	v4 =	vld [tilespmem:s0+$0x1A9D3];
	_ =	sdelay $0x4  }
0x1c0: {  	[tilespmem:s13+$0xFFFFFF90] =	vst v4  }
0x1c1: {  	v4 =	vld [tilespmem:s0+$0x1A9E3];
	_ =	sdelay $0x4  }
0x1c2: {  	[tilespmem:s13+$0xFFFFFFA0] =	vst v4  }
0x1c3: {  	v4 =	vld [tilespmem:s0+$0x1A9F3];
	_ =	sdelay $0x4  }
0x1c4: {  	[tilespmem:s13+$0xFFFFFFB0] =	vst v4  }
0x1c5: {  	v4 =	vld [tilespmem:s0+$0x1AA03];
	_ =	sdelay $0x4  }
0x1c6: {  	[tilespmem:s13+$0xFFFFFFC0] =	vst v4  }
0x1c7: {  	v4 =	vld [tilespmem:s0+$0x1AA13];
	_ =	sdelay $0x4  }
0x1c8: {  	[tilespmem:s13+$0xFFFFFFD0] =	vst v4  }
0x1c9: {  	v4 =	vld [tilespmem:s0+$0x1AA23];
	_ =	sdelay $0x4  }
0x1ca: {  	[tilespmem:s13+$0xFFFFFFE0] =	vst v4  }
0x1cb: {  	v4 =	vld [tilespmem:s0+$0x1AA33];
	_ =	sdelay $0x4  }
0x1cc: {  	[tilespmem:s13+$0xFFFFFFF0] =	vst v4  }
0x1cd: {  	v4 =	vld [tilespmem:s0+$0x1AA44];
	_ =	sdelay $0x4  }
0x1ce: {  	[tilespmem:s13+$0x0] =	vst v4  }
0x1cf: {  	v4 =	vld [tilespmem:s0+$0x1AA54];
	_ =	sdelay $0x4  }
0x1d0: {  	[tilespmem:s13+$0x10] =	vst v4  }
0x1d1: {  	v4 =	vld [tilespmem:s0+$0x1AA64];
	_ =	sdelay $0x4  }
0x1d2: {  	[tilespmem:s13+$0x20] =	vst v4  }
0x1d3: {  	v4 =	vld [tilespmem:s0+$0x1AA74];
	_ =	sdelay $0x4  }
0x1d4: {  	[tilespmem:s13+$0x30] =	vst v4  }
0x1d5: {  	v4 =	vld [tilespmem:s0+$0x1AA84];
	_ =	sdelay $0x4  }
0x1d6: {  	[tilespmem:s13+$0x40] =	vst v4  }
0x1d7: {  	v4 =	vld [tilespmem:s0+$0x1AA94];
	_ =	sdelay $0x4  }
0x1d8: {  	[tilespmem:s13+$0x50] =	vst v4  }
0x1d9: {  	v4 =	vld [tilespmem:s0+$0x1AAA4];
	_ =	sdelay $0x4  }
0x1da: {  	[tilespmem:s13+$0x60] =	vst v4  }
0x1db: {  	v4 =	vld [tilespmem:s0+$0x1AAB4];
	_ =	sdelay $0x4  }
0x1dc: {  	[tilespmem:s13+$0x70] =	vst v4  }
0x1dd: {  	v4 =	vld [tilespmem:s0+$0x1AAC5];
	_ =	sdelay $0x4  }
0x1de: {  	[tilespmem:s13+$0x80] =	vst v4  }
0x1df: {  	v4 =	vld [tilespmem:s0+$0x1AAD5];
	_ =	sdelay $0x4  }
0x1e0: {  	[tilespmem:s13+$0x90] =	vst v4  }
0x1e1: {  	v4 =	vld [tilespmem:s0+$0x1AAE5];
	_ =	sdelay $0x4  }
0x1e2: {  	[tilespmem:s13+$0xA0] =	vst v4  }
0x1e3: {  	v4 =	vld [tilespmem:s0+$0x1AAF5];
	_ =	sdelay $0x4  }
0x1e4: {  	[tilespmem:s13+$0xB0] =	vst v4  }
0x1e5: {  	v4 =	vld [tilespmem:s0+$0x1AB05];
	_ =	sdelay $0x4  }
0x1e6: {  	[tilespmem:s13+$0xC0] =	vst v4  }
0x1e7: {  	v4 =	vld [tilespmem:s0+$0x1AB15];
	_ =	sdelay $0x4  }
0x1e8: {  	[tilespmem:s13+$0xD0] =	vst v4  }
0x1e9: {  	v4 =	vld [tilespmem:s0+$0x1AB25];
	_ =	sdelay $0x4  }
0x1ea: {  	[tilespmem:s13+$0xE0] =	vst v4  }
0x1eb: {  	v4 =	vld [tilespmem:s0+$0x1AB35];
	_ =	sdelay $0x4  }
0x1ec: {  	[tilespmem:s13+$0xF0] =	vst v4  }
0x1ed: {  	v4 =	vld [tilespmem:s0+$0x1AB46];
	_ =	sdelay $0x4  }
0x1ee: {  	[tilespmem:s13+$0x100] =	vst v4  }
0x1ef: {  	v4 =	vld [tilespmem:s0+$0x1AB56];
	_ =	sdelay $0x4  }
0x1f0: {  	[tilespmem:s13+$0x110] =	vst v4  }
0x1f1: {  	v4 =	vld [tilespmem:s0+$0x1AB66];
	_ =	sdelay $0x4  }
0x1f2: {  	[tilespmem:s13+$0x120] =	vst v4  }
0x1f3: {  	v4 =	vld [tilespmem:s0+$0x1AB76];
	_ =	sdelay $0x4  }
0x1f4: {  	[tilespmem:s13+$0x130] =	vst v4  }
0x1f5: {  	v4 =	vld [tilespmem:s0+$0x1AB86];
	_ =	sdelay $0x4  }
0x1f6: {  	[tilespmem:s13+$0x140] =	vst v4  }
0x1f7: {  	v4 =	vld [tilespmem:s0+$0x1AB96];
	_ =	sdelay $0x4  }
0x1f8: {  	[tilespmem:s13+$0x150] =	vst v4  }
0x1f9: {  	v4 =	vld [tilespmem:s0+$0x1ABA6];
	_ =	sdelay $0x4  }
0x1fa: {  	[tilespmem:s13+$0x160] =	vst v4  }
0x1fb: {  	v4 =	vld [tilespmem:s0+$0x1ABB6];
	_ =	sdelay $0x4  }
0x1fc: {  	[tilespmem:s13+$0x170] =	vst v4  }
0x1fd: {  	v4 =	vld [tilespmem:s0+$0x1ABC7];
	_ =	sdelay $0x4  }
0x1fe: {  	[tilespmem:s13+$0x180] =	vst v4  }
0x1ff: {  	v4 =	vld [tilespmem:s0+$0x1ABD7];
	_ =	sdelay $0x4  }
0x200: {  	[tilespmem:s13+$0x190] =	vst v4  }
0x201: {  	v4 =	vld [tilespmem:s0+$0x1ABE7];
	_ =	sdelay $0x4  }
0x202: {  	[tilespmem:s13+$0x1A0] =	vst v4  }
0x203: {  	v4 =	vld [tilespmem:s0+$0x1ABF7];
	_ =	sdelay $0x4  }
0x204: {  	[tilespmem:s13+$0x1B0] =	vst v4  }
0x205: {  	v4 =	vld [tilespmem:s0+$0x1AC07];
	_ =	sdelay $0x4  }
0x206: {  	[tilespmem:s13+$0x1C0] =	vst v4  }
0x207: {  	v4 =	vld [tilespmem:s0+$0x1AC17];
	_ =	sdelay $0x4  }
0x208: {  	[tilespmem:s13+$0x1D0] =	vst v4  }
0x209: {  	v4 =	vld [tilespmem:s0+$0x1AC27];
	_ =	sdelay $0x4  }
0x20a: {  	[tilespmem:s13+$0x1E0] =	vst v4  }
0x20b: {  	v4 =	vld [tilespmem:s0+$0x1AC37];
	_ =	sdelay $0x3  }
0x20c: {  	s31 =	sshll.u32 s30, $0xF  }
0x20d: {  	s0 =	sadd.s32 s31, s8;
	[tilespmem:s13+$0x1F0] =	vst v4  }
0x20e: {  	[hbm4b:s0+s17] =	stream.strided.scatter [tilespmem:s19], [sflag:$0x8], $0x2000, s18, s17, $0x38;
	[tilespmem:$0x1E8C0] =	vst v63  }
.LBB2_8:
0x20f: {  	s10 =	sadd.s32 $0x1, s10  }
0x210: {  	s0 =	sshll.u32 @!p0 s10, $0x7  }
0x211: {  	s1 =	simm.s32 @!p0 $0xE800;
	s0 =	sand.u32 @!p0 $0x3FFFFF80, s0  }
0x212: {  	[tilespmem:s1], [sflag:$0x2] =	stream.indirect.gather @!p0 [hbm4b:s4+s6], $0x40, s0, s6, $0xb8;
	[tilespmem:$0x1E8C0] =	vst v63  }
.Ltmp7:
0x213: {  	s0 =	simm.s32 @!p0 $0x1;
	(pc) =	sbr.rel @p1 .LBB2_14-.Ltmp7, $4  }
0x214: {  	_ =	swait.ge @!p0 [sflag:s0], $0x2000  }
0x215: {  	[sflag:s0] =	ssyncset.done @!p0 $0x0  }
0x216: {  	[sflag:s0] =	ssyncadd.s32 @!p0 $0xFFFFE000;
	s0 =	sadd.s32 @!p0 $0x6400, s12  }
0x217: {  	[tilespmem:s7], [sflag:$0x4] =	stream.indirect.gather.add.f32 @!p0 [hbm:s5], $0x40, s0, s6, $0xb8;
	[tilespmem:$0x1E8C0] =	vst v63  }
0x218: {  	_ =	swait.ge [sflag:s20], $0x2000  }
0x219: {  	[sflag:s20] =	ssyncset.done $0x0  }
0x21a: {  	s0 =	simm.s32 @!p2 $0x9;
	[sflag:s20] =	ssyncadd.s32 $0xFFFFE000  }
0x21b: {  	_ =	swait.ge @!p2 [sflag:s0], $0x2000  }
0x21c: {  	[sflag:s0] =	ssyncset.done @!p2 $0x0  }
0x21d: {  	s6 =	simm.s32 $0x0;
	[sflag:s0] =	ssyncadd.s32 @!p2 $0xFFFFE000;
	s0 =	simm.s32 $0x10880  }
0x21e: {  	s7 =	simm.s32 $0x4;
	v5 =	vadd.s32 s6, v0;
	v4 =	vld [tilespmem:s0+$0xFFFFFF80]  }
.LBB2_10:
0x21f: {  	p1 =	sne.s32 s7, $0x7C;
	_ =	sdelay $0x3  }
0x220: {  	[tilespmem:v5+s21+$0x0] =	vst.idx.msk $0xffff, v4  }
0x221: {  	v5 =	vadd.s32 s6, v1;
	v4 =	vld [tilespmem:s0+$0xFFFFFF90];
	_ =	sdelay $0x4  }
0x222: {  	[tilespmem:v5+s21+$0x0] =	vst.idx.msk $0xffff, v4  }
0x223: {  	v5 =	vadd.s32 s6, v2;
	v4 =	vld [tilespmem:s0+$0xFFFFFFA0];
	_ =	sdelay $0x4  }
0x224: {  	[tilespmem:v5+s21+$0x0] =	vst.idx.msk $0xffff, v4  }
0x225: {  	v5 =	vadd.s32 s6, v3;
	v4 =	vld [tilespmem:s0+$0xFFFFFFB0];
	_ =	sdelay $0x4  }
0x226: {  	s1 =	sadd.s32 $0x1, s6;
	[tilespmem:v5+s21+$0x0] =	vst.idx.msk $0xffff, v4  }
0x227: {  	v5 =	vadd.s32 s1, v0;
	v4 =	vld [tilespmem:s0+$0xFFFFFFC0];
	_ =	sdelay $0x4  }
0x228: {  	[tilespmem:v5+s21+$0x0] =	vst.idx.msk $0xffff, v4  }
0x229: {  	v5 =	vadd.s32 s1, v1;
	v4 =	vld [tilespmem:s0+$0xFFFFFFD0];
	_ =	sdelay $0x4  }
0x22a: {  	[tilespmem:v5+s21+$0x0] =	vst.idx.msk $0xffff, v4  }
0x22b: {  	v5 =	vadd.s32 s1, v2;
	v4 =	vld [tilespmem:s0+$0xFFFFFFE0];
	_ =	sdelay $0x4  }
0x22c: {  	[tilespmem:v5+s21+$0x0] =	vst.idx.msk $0xffff, v4  }
0x22d: {  	v5 =	vadd.s32 s1, v3;
	v4 =	vld [tilespmem:s0+$0xFFFFFFF0];
	_ =	sdelay $0x4  }
0x22e: {  	s1 =	sadd.s32 $0x2, s6;
	[tilespmem:v5+s21+$0x0] =	vst.idx.msk $0xffff, v4  }
0x22f: {  	v5 =	vadd.s32 s1, v0;
	v4 =	vld [tilespmem:s0+$0x0];
	_ =	sdelay $0x4  }
0x230: {  	[tilespmem:v5+s21+$0x0] =	vst.idx.msk $0xffff, v4  }
0x231: {  	v5 =	vadd.s32 s1, v1;
	v4 =	vld [tilespmem:s0+$0x10];
	_ =	sdelay $0x4  }
0x232: {  	[tilespmem:v5+s21+$0x0] =	vst.idx.msk $0xffff, v4  }
0x233: {  	v5 =	vadd.s32 s1, v2;
	v4 =	vld [tilespmem:s0+$0x20];
	_ =	sdelay $0x4  }
0x234: {  	[tilespmem:v5+s21+$0x0] =	vst.idx.msk $0xffff, v4  }
0x235: {  	v5 =	vadd.s32 s1, v3;
	v4 =	vld [tilespmem:s0+$0x30];
	_ =	sdelay $0x4  }
0x236: {  	s1 =	sadd.s32 $0x3, s6;
	s6 =	smov.u32 s7;
	[tilespmem:v5+s21+$0x0] =	vst.idx.msk $0xffff, v4  }
0x237: {  	v5 =	vadd.s32 s1, v0;
	v4 =	vld [tilespmem:s0+$0x40];
	_ =	sdelay $0x4  }
0x238: {  	[tilespmem:v5+s21+$0x0] =	vst.idx.msk $0xffff, v4  }
0x239: {  	v5 =	vadd.s32 s1, v1;
	v4 =	vld [tilespmem:s0+$0x50];
	_ =	sdelay $0x4  }
0x23a: {  	[tilespmem:v5+s21+$0x0] =	vst.idx.msk $0xffff, v4  }
0x23b: {  	v5 =	vadd.s32 s1, v2;
	v4 =	vld [tilespmem:s0+$0x60];
	_ =	sdelay $0x4  }
0x23c: {  	[tilespmem:v5+s21+$0x0] =	vst.idx.msk $0xffff, v4  }
0x23d: {  	v5 =	vadd.s32 s1, v3;
	v4 =	vld [tilespmem:s0+$0x70];
	_ =	sdelay $0x1  }
.Ltmp8:
0x23e: {  	(pc) =	sbr.rel @p1 .LBB2_10-.Ltmp8, $3  }
0x23f: {  	_ =	sdelay $0x1  }
0x240: {  	s0 =	sadd.s32 $0x100, s0;
	[tilespmem:v5+s21+$0x0] =	vst.idx.msk $0xffff, v4  }
0x241: {  	s7 =	sadd.s32 $0x4, s7;
	v5 =	vadd.s32 s6, v0;
	v4 =	vld [tilespmem:s0+$0xFFFFFF80]  }
0x242: {  	_ =	sdelay $0x3  }
0x243: {  	[tilespmem:v5+s21+$0x0] =	vst.idx.msk $0xffff, v4  }
0x244: {  	v5 =	vadd.s32 s6, v1;
	v4 =	vld [tilespmem:s0+$0xFFFFFF90];
	_ =	sdelay $0x4  }
0x245: {  	[tilespmem:v5+s21+$0x0] =	vst.idx.msk $0xffff, v4  }
0x246: {  	v5 =	vadd.s32 s6, v2;
	v4 =	vld [tilespmem:s0+$0xFFFFFFA0];
	_ =	sdelay $0x4  }
0x247: {  	[tilespmem:v5+s21+$0x0] =	vst.idx.msk $0xffff, v4  }
0x248: {  	v5 =	vadd.s32 s6, v3;
	v4 =	vld [tilespmem:s0+$0xFFFFFFB0];
	_ =	sdelay $0x4  }
0x249: {  	s1 =	sadd.s32 $0x1, s6;
	[tilespmem:v5+s21+$0x0] =	vst.idx.msk $0xffff, v4  }
0x24a: {  	v5 =	vadd.s32 s1, v0;
	v4 =	vld [tilespmem:s0+$0xFFFFFFC0];
	_ =	sdelay $0x4  }
0x24b: {  	[tilespmem:v5+s21+$0x0] =	vst.idx.msk $0xffff, v4  }
0x24c: {  	v5 =	vadd.s32 s1, v1;
	v4 =	vld [tilespmem:s0+$0xFFFFFFD0];
	_ =	sdelay $0x4  }
0x24d: {  	[tilespmem:v5+s21+$0x0] =	vst.idx.msk $0xffff, v4  }
0x24e: {  	v5 =	vadd.s32 s1, v2;
	v4 =	vld [tilespmem:s0+$0xFFFFFFE0];
	_ =	sdelay $0x4  }
0x24f: {  	[tilespmem:v5+s21+$0x0] =	vst.idx.msk $0xffff, v4  }
0x250: {  	v5 =	vadd.s32 s1, v3;
	v4 =	vld [tilespmem:s0+$0xFFFFFFF0];
	_ =	sdelay $0x4  }
0x251: {  	s13 =	sadd.s32 $0x2, s6;
	[tilespmem:v5+s21+$0x0] =	vst.idx.msk $0xffff, v4  }
0x252: {  	v5 =	vadd.s32 s13, v0;
	v4 =	vld [tilespmem:s0+$0x0];
	_ =	sdelay $0x4  }
0x253: {  	[tilespmem:v5+s21+$0x0] =	vst.idx.msk $0xffff, v4  }
0x254: {  	v5 =	vadd.s32 s13, v1;
	v4 =	vld [tilespmem:s0+$0x10];
	_ =	sdelay $0x4  }
0x255: {  	[tilespmem:v5+s21+$0x0] =	vst.idx.msk $0xffff, v4  }
0x256: {  	v5 =	vadd.s32 s13, v2;
	v4 =	vld [tilespmem:s0+$0x20];
	_ =	sdelay $0x4  }
0x257: {  	[tilespmem:v5+s21+$0x0] =	vst.idx.msk $0xffff, v4  }
0x258: {  	v5 =	vadd.s32 s13, v3;
	v4 =	vld [tilespmem:s0+$0x30];
	_ =	sdelay $0x4  }
0x259: {  	s30 =	sadd.s32 $0x3, s6;
	[tilespmem:v5+s21+$0x0] =	vst.idx.msk $0xffff, v4  }
0x25a: {  	v5 =	vadd.s32 s30, v0;
	v4 =	vld [tilespmem:s0+$0x40];
	_ =	sdelay $0x4  }
0x25b: {  	[tilespmem:v5+s21+$0x0] =	vst.idx.msk $0xffff, v4  }
0x25c: {  	v5 =	vadd.s32 s30, v1;
	v4 =	vld [tilespmem:s0+$0x50];
	_ =	sdelay $0x4  }
0x25d: {  	[tilespmem:v5+s21+$0x0] =	vst.idx.msk $0xffff, v4  }
0x25e: {  	v5 =	vadd.s32 s30, v2;
	v4 =	vld [tilespmem:s0+$0x60];
	_ =	sdelay $0x4  }
0x25f: {  	[tilespmem:v5+s21+$0x0] =	vst.idx.msk $0xffff, v4  }
0x260: {  	v5 =	vadd.s32 s30, v3;
	v4 =	vld [tilespmem:s0+$0x70];
	_ =	sdelay $0x4  }
0x261: {  	s31 =	simm.s32 $0x0;
	[tilespmem:v5+s21+$0x0] =	vst.idx.msk $0xffff, v4  }
0x262: {  	v4 =	vld [tilespmem:s31+$0x1C880];
	_ =	sdelay $0x3  }
0x263: {  	s6 =	simm.s32 $0x16A00  }
0x264: {  	[tilespmem:s6+$0xFFFFFE00] =	vst v4  }
0x265: {  	v4 =	vld [tilespmem:s31+$0x1C890];
	_ =	sdelay $0x4  }
0x266: {  	[tilespmem:s6+$0xFFFFFE10] =	vst v4  }
0x267: {  	v4 =	vld [tilespmem:s31+$0x1C8A0];
	_ =	sdelay $0x4  }
0x268: {  	[tilespmem:s6+$0xFFFFFE20] =	vst v4  }
0x269: {  	v4 =	vld [tilespmem:s31+$0x1C8B0];
	_ =	sdelay $0x4  }
0x26a: {  	[tilespmem:s6+$0xFFFFFE30] =	vst v4  }
0x26b: {  	v4 =	vld [tilespmem:s31+$0x1C8C0];
	_ =	sdelay $0x4  }
0x26c: {  	[tilespmem:s6+$0xFFFFFE40] =	vst v4  }
0x26d: {  	v4 =	vld [tilespmem:s31+$0x1C8D0];
	_ =	sdelay $0x4  }
0x26e: {  	[tilespmem:s6+$0xFFFFFE50] =	vst v4  }
0x26f: {  	v4 =	vld [tilespmem:s31+$0x1C8E0];
	_ =	sdelay $0x4  }
0x270: {  	[tilespmem:s6+$0xFFFFFE60] =	vst v4  }
0x271: {  	v4 =	vld [tilespmem:s31+$0x1C8F0];
	_ =	sdelay $0x4  }
0x272: {  	[tilespmem:s6+$0xFFFFFE70] =	vst v4  }
0x273: {  	v4 =	vld [tilespmem:s31+$0x1C901];
	_ =	sdelay $0x4  }
0x274: {  	[tilespmem:s6+$0xFFFFFE80] =	vst v4  }
0x275: {  	v4 =	vld [tilespmem:s31+$0x1C911];
	_ =	sdelay $0x4  }
0x276: {  	[tilespmem:s6+$0xFFFFFE90] =	vst v4  }
0x277: {  	v4 =	vld [tilespmem:s31+$0x1C921];
	_ =	sdelay $0x4  }
0x278: {  	[tilespmem:s6+$0xFFFFFEA0] =	vst v4  }
0x279: {  	v4 =	vld [tilespmem:s31+$0x1C931];
	_ =	sdelay $0x4  }
0x27a: {  	[tilespmem:s6+$0xFFFFFEB0] =	vst v4  }
0x27b: {  	v4 =	vld [tilespmem:s31+$0x1C941];
	_ =	sdelay $0x4  }
0x27c: {  	[tilespmem:s6+$0xFFFFFEC0] =	vst v4  }
0x27d: {  	v4 =	vld [tilespmem:s31+$0x1C951];
	_ =	sdelay $0x4  }
0x27e: {  	[tilespmem:s6+$0xFFFFFED0] =	vst v4  }
0x27f: {  	v4 =	vld [tilespmem:s31+$0x1C961];
	_ =	sdelay $0x4  }
0x280: {  	[tilespmem:s6+$0xFFFFFEE0] =	vst v4  }
0x281: {  	v4 =	vld [tilespmem:s31+$0x1C971];
	_ =	sdelay $0x4  }
0x282: {  	[tilespmem:s6+$0xFFFFFEF0] =	vst v4  }
0x283: {  	v4 =	vld [tilespmem:s31+$0x1C982];
	_ =	sdelay $0x4  }
0x284: {  	[tilespmem:s6+$0xFFFFFF00] =	vst v4  }
0x285: {  	v4 =	vld [tilespmem:s31+$0x1C992];
	_ =	sdelay $0x4  }
0x286: {  	[tilespmem:s6+$0xFFFFFF10] =	vst v4  }
0x287: {  	v4 =	vld [tilespmem:s31+$0x1C9A2];
	_ =	sdelay $0x4  }
0x288: {  	[tilespmem:s6+$0xFFFFFF20] =	vst v4  }
0x289: {  	v4 =	vld [tilespmem:s31+$0x1C9B2];
	_ =	sdelay $0x4  }
0x28a: {  	[tilespmem:s6+$0xFFFFFF30] =	vst v4  }
0x28b: {  	v4 =	vld [tilespmem:s31+$0x1C9C2];
	_ =	sdelay $0x4  }
0x28c: {  	[tilespmem:s6+$0xFFFFFF40] =	vst v4  }
0x28d: {  	v4 =	vld [tilespmem:s31+$0x1C9D2];
	_ =	sdelay $0x4  }
0x28e: {  	[tilespmem:s6+$0xFFFFFF50] =	vst v4  }
0x28f: {  	v4 =	vld [tilespmem:s31+$0x1C9E2];
	_ =	sdelay $0x4  }
0x290: {  	[tilespmem:s6+$0xFFFFFF60] =	vst v4  }
0x291: {  	v4 =	vld [tilespmem:s31+$0x1C9F2];
	_ =	sdelay $0x4  }
0x292: {  	[tilespmem:s6+$0xFFFFFF70] =	vst v4  }
0x293: {  	v4 =	vld [tilespmem:s31+$0x1CA03];
	_ =	sdelay $0x4  }
0x294: {  	[tilespmem:s6+$0xFFFFFF80] =	vst v4  }
0x295: {  	v4 =	vld [tilespmem:s31+$0x1CA13];
	_ =	sdelay $0x4  }
0x296: {  	[tilespmem:s6+$0xFFFFFF90] =	vst v4  }
0x297: {  	v4 =	vld [tilespmem:s31+$0x1CA23];
	_ =	sdelay $0x4  }
0x298: {  	[tilespmem:s6+$0xFFFFFFA0] =	vst v4  }
0x299: {  	v4 =	vld [tilespmem:s31+$0x1CA33];
	_ =	sdelay $0x4  }
0x29a: {  	[tilespmem:s6+$0xFFFFFFB0] =	vst v4  }
0x29b: {  	v4 =	vld [tilespmem:s31+$0x1CA43];
	_ =	sdelay $0x4  }
0x29c: {  	[tilespmem:s6+$0xFFFFFFC0] =	vst v4  }
0x29d: {  	v4 =	vld [tilespmem:s31+$0x1CA53];
	_ =	sdelay $0x4  }
0x29e: {  	[tilespmem:s6+$0xFFFFFFD0] =	vst v4  }
0x29f: {  	v4 =	vld [tilespmem:s31+$0x1CA63];
	_ =	sdelay $0x4  }
0x2a0: {  	[tilespmem:s6+$0xFFFFFFE0] =	vst v4  }
0x2a1: {  	v4 =	vld [tilespmem:s31+$0x1CA73];
	_ =	sdelay $0x4  }
0x2a2: {  	[tilespmem:s6+$0xFFFFFFF0] =	vst v4  }
0x2a3: {  	v4 =	vld [tilespmem:s31+$0x1CA84];
	_ =	sdelay $0x4  }
0x2a4: {  	[tilespmem:s6+$0x0] =	vst v4  }
0x2a5: {  	v4 =	vld [tilespmem:s31+$0x1CA94];
	_ =	sdelay $0x4  }
0x2a6: {  	[tilespmem:s6+$0x10] =	vst v4  }
0x2a7: {  	v4 =	vld [tilespmem:s31+$0x1CAA4];
	_ =	sdelay $0x4  }
0x2a8: {  	[tilespmem:s6+$0x20] =	vst v4  }
0x2a9: {  	v4 =	vld [tilespmem:s31+$0x1CAB4];
	_ =	sdelay $0x4  }
0x2aa: {  	[tilespmem:s6+$0x30] =	vst v4  }
0x2ab: {  	v4 =	vld [tilespmem:s31+$0x1CAC4];
	_ =	sdelay $0x4  }
0x2ac: {  	[tilespmem:s6+$0x40] =	vst v4  }
0x2ad: {  	v4 =	vld [tilespmem:s31+$0x1CAD4];
	_ =	sdelay $0x4  }
0x2ae: {  	[tilespmem:s6+$0x50] =	vst v4  }
0x2af: {  	v4 =	vld [tilespmem:s31+$0x1CAE4];
	_ =	sdelay $0x4  }
0x2b0: {  	[tilespmem:s6+$0x60] =	vst v4  }
0x2b1: {  	v4 =	vld [tilespmem:s31+$0x1CAF4];
	_ =	sdelay $0x4  }
0x2b2: {  	[tilespmem:s6+$0x70] =	vst v4  }
0x2b3: {  	v4 =	vld [tilespmem:s31+$0x1CB05];
	_ =	sdelay $0x4  }
0x2b4: {  	[tilespmem:s6+$0x80] =	vst v4  }
0x2b5: {  	v4 =	vld [tilespmem:s31+$0x1CB15];
	_ =	sdelay $0x4  }
0x2b6: {  	[tilespmem:s6+$0x90] =	vst v4  }
0x2b7: {  	v4 =	vld [tilespmem:s31+$0x1CB25];
	_ =	sdelay $0x4  }
0x2b8: {  	[tilespmem:s6+$0xA0] =	vst v4  }
0x2b9: {  	v4 =	vld [tilespmem:s31+$0x1CB35];
	_ =	sdelay $0x4  }
0x2ba: {  	[tilespmem:s6+$0xB0] =	vst v4  }
0x2bb: {  	v4 =	vld [tilespmem:s31+$0x1CB45];
	_ =	sdelay $0x4  }
0x2bc: {  	[tilespmem:s6+$0xC0] =	vst v4  }
0x2bd: {  	v4 =	vld [tilespmem:s31+$0x1CB55];
	_ =	sdelay $0x4  }
0x2be: {  	[tilespmem:s6+$0xD0] =	vst v4  }
0x2bf: {  	v4 =	vld [tilespmem:s31+$0x1CB65];
	_ =	sdelay $0x4  }
0x2c0: {  	[tilespmem:s6+$0xE0] =	vst v4  }
0x2c1: {  	v4 =	vld [tilespmem:s31+$0x1CB75];
	_ =	sdelay $0x4  }
0x2c2: {  	[tilespmem:s6+$0xF0] =	vst v4  }
0x2c3: {  	v4 =	vld [tilespmem:s31+$0x1CB86];
	_ =	sdelay $0x4  }
0x2c4: {  	[tilespmem:s6+$0x100] =	vst v4  }
0x2c5: {  	v4 =	vld [tilespmem:s31+$0x1CB96];
	_ =	sdelay $0x4  }
0x2c6: {  	[tilespmem:s6+$0x110] =	vst v4  }
0x2c7: {  	v4 =	vld [tilespmem:s31+$0x1CBA6];
	_ =	sdelay $0x4  }
0x2c8: {  	[tilespmem:s6+$0x120] =	vst v4  }
0x2c9: {  	v4 =	vld [tilespmem:s31+$0x1CBB6];
	_ =	sdelay $0x4  }
0x2ca: {  	[tilespmem:s6+$0x130] =	vst v4  }
0x2cb: {  	v4 =	vld [tilespmem:s31+$0x1CBC6];
	_ =	sdelay $0x4  }
0x2cc: {  	[tilespmem:s6+$0x140] =	vst v4  }
0x2cd: {  	v4 =	vld [tilespmem:s31+$0x1CBD6];
	_ =	sdelay $0x4  }
0x2ce: {  	[tilespmem:s6+$0x150] =	vst v4  }
0x2cf: {  	v4 =	vld [tilespmem:s31+$0x1CBE6];
	_ =	sdelay $0x4  }
0x2d0: {  	[tilespmem:s6+$0x160] =	vst v4  }
0x2d1: {  	v4 =	vld [tilespmem:s31+$0x1CBF6];
	_ =	sdelay $0x4  }
0x2d2: {  	[tilespmem:s6+$0x170] =	vst v4  }
0x2d3: {  	v4 =	vld [tilespmem:s31+$0x1CC07];
	_ =	sdelay $0x4  }
0x2d4: {  	[tilespmem:s6+$0x180] =	vst v4  }
0x2d5: {  	v4 =	vld [tilespmem:s31+$0x1CC17];
	_ =	sdelay $0x4  }
0x2d6: {  	[tilespmem:s6+$0x190] =	vst v4  }
0x2d7: {  	v4 =	vld [tilespmem:s31+$0x1CC27];
	_ =	sdelay $0x4  }
0x2d8: {  	[tilespmem:s6+$0x1A0] =	vst v4  }
0x2d9: {  	v4 =	vld [tilespmem:s31+$0x1CC37];
	_ =	sdelay $0x4  }
0x2da: {  	[tilespmem:s6+$0x1B0] =	vst v4  }
0x2db: {  	v4 =	vld [tilespmem:s31+$0x1CC47];
	_ =	sdelay $0x4  }
0x2dc: {  	[tilespmem:s6+$0x1C0] =	vst v4  }
0x2dd: {  	v4 =	vld [tilespmem:s31+$0x1CC57];
	_ =	sdelay $0x4  }
0x2de: {  	[tilespmem:s6+$0x1D0] =	vst v4  }
0x2df: {  	v4 =	vld [tilespmem:s31+$0x1CC67];
	_ =	sdelay $0x4  }
0x2e0: {  	[tilespmem:s6+$0x1E0] =	vst v4  }
0x2e1: {  	v4 =	vld [tilespmem:s31+$0x1CC77];
	_ =	sdelay $0x4  }
0x2e2: {  	s7 =	simm.s32 $0x2040;
	s0 =	simm.s32 $0x408;
	[tilespmem:s6+$0x1F0] =	vst v4  }
.LBB2_12:
0x2e3: {  	p1 =	sne.s32 s7, $0x70E0;
	v4 =	vld [tilespmem:s0+$0x1C880];
	_ =	sdelay $0x3  }
0x2e4: {  	s6 =	sadd.s32 $0x400, s6  }
0x2e5: {  	[tilespmem:s6+$0xFFFFFE00] =	vst v4  }
0x2e6: {  	v4 =	vld [tilespmem:s0+$0x1C890];
	_ =	sdelay $0x4  }
0x2e7: {  	[tilespmem:s6+$0xFFFFFE10] =	vst v4  }
0x2e8: {  	v4 =	vld [tilespmem:s0+$0x1C8A0];
	_ =	sdelay $0x4  }
0x2e9: {  	[tilespmem:s6+$0xFFFFFE20] =	vst v4  }
0x2ea: {  	v4 =	vld [tilespmem:s0+$0x1C8B0];
	_ =	sdelay $0x4  }
0x2eb: {  	[tilespmem:s6+$0xFFFFFE30] =	vst v4  }
0x2ec: {  	v4 =	vld [tilespmem:s0+$0x1C8C0];
	_ =	sdelay $0x4  }
0x2ed: {  	[tilespmem:s6+$0xFFFFFE40] =	vst v4  }
0x2ee: {  	v4 =	vld [tilespmem:s0+$0x1C8D0];
	_ =	sdelay $0x4  }
0x2ef: {  	[tilespmem:s6+$0xFFFFFE50] =	vst v4  }
0x2f0: {  	v4 =	vld [tilespmem:s0+$0x1C8E0];
	_ =	sdelay $0x4  }
0x2f1: {  	[tilespmem:s6+$0xFFFFFE60] =	vst v4  }
0x2f2: {  	v4 =	vld [tilespmem:s0+$0x1C8F0];
	_ =	sdelay $0x4  }
0x2f3: {  	[tilespmem:s6+$0xFFFFFE70] =	vst v4  }
0x2f4: {  	v4 =	vld [tilespmem:s0+$0x1C901];
	_ =	sdelay $0x4  }
0x2f5: {  	[tilespmem:s6+$0xFFFFFE80] =	vst v4  }
0x2f6: {  	v4 =	vld [tilespmem:s0+$0x1C911];
	_ =	sdelay $0x4  }
0x2f7: {  	[tilespmem:s6+$0xFFFFFE90] =	vst v4  }
0x2f8: {  	v4 =	vld [tilespmem:s0+$0x1C921];
	_ =	sdelay $0x4  }
0x2f9: {  	[tilespmem:s6+$0xFFFFFEA0] =	vst v4  }
0x2fa: {  	v4 =	vld [tilespmem:s0+$0x1C931];
	_ =	sdelay $0x4  }
0x2fb: {  	[tilespmem:s6+$0xFFFFFEB0] =	vst v4  }
0x2fc: {  	v4 =	vld [tilespmem:s0+$0x1C941];
	_ =	sdelay $0x4  }
0x2fd: {  	[tilespmem:s6+$0xFFFFFEC0] =	vst v4  }
0x2fe: {  	v4 =	vld [tilespmem:s0+$0x1C951];
	_ =	sdelay $0x4  }
0x2ff: {  	[tilespmem:s6+$0xFFFFFED0] =	vst v4  }
0x300: {  	v4 =	vld [tilespmem:s0+$0x1C961];
	_ =	sdelay $0x4  }
0x301: {  	[tilespmem:s6+$0xFFFFFEE0] =	vst v4  }
0x302: {  	v4 =	vld [tilespmem:s0+$0x1C971];
	_ =	sdelay $0x4  }
0x303: {  	[tilespmem:s6+$0xFFFFFEF0] =	vst v4  }
0x304: {  	v4 =	vld [tilespmem:s0+$0x1C982];
	_ =	sdelay $0x4  }
0x305: {  	[tilespmem:s6+$0xFFFFFF00] =	vst v4  }
0x306: {  	v4 =	vld [tilespmem:s0+$0x1C992];
	_ =	sdelay $0x4  }
0x307: {  	[tilespmem:s6+$0xFFFFFF10] =	vst v4  }
0x308: {  	v4 =	vld [tilespmem:s0+$0x1C9A2];
	_ =	sdelay $0x4  }
0x309: {  	[tilespmem:s6+$0xFFFFFF20] =	vst v4  }
0x30a: {  	v4 =	vld [tilespmem:s0+$0x1C9B2];
	_ =	sdelay $0x4  }
0x30b: {  	[tilespmem:s6+$0xFFFFFF30] =	vst v4  }
0x30c: {  	v4 =	vld [tilespmem:s0+$0x1C9C2];
	_ =	sdelay $0x4  }
0x30d: {  	[tilespmem:s6+$0xFFFFFF40] =	vst v4  }
0x30e: {  	v4 =	vld [tilespmem:s0+$0x1C9D2];
	_ =	sdelay $0x4  }
0x30f: {  	[tilespmem:s6+$0xFFFFFF50] =	vst v4  }
0x310: {  	v4 =	vld [tilespmem:s0+$0x1C9E2];
	_ =	sdelay $0x4  }
0x311: {  	[tilespmem:s6+$0xFFFFFF60] =	vst v4  }
0x312: {  	v4 =	vld [tilespmem:s0+$0x1C9F2];
	_ =	sdelay $0x4  }
0x313: {  	[tilespmem:s6+$0xFFFFFF70] =	vst v4  }
0x314: {  	v4 =	vld [tilespmem:s0+$0x1CA03];
	_ =	sdelay $0x4  }
0x315: {  	[tilespmem:s6+$0xFFFFFF80] =	vst v4  }
0x316: {  	v4 =	vld [tilespmem:s0+$0x1CA13];
	_ =	sdelay $0x4  }
0x317: {  	[tilespmem:s6+$0xFFFFFF90] =	vst v4  }
0x318: {  	v4 =	vld [tilespmem:s0+$0x1CA23];
	_ =	sdelay $0x4  }
0x319: {  	[tilespmem:s6+$0xFFFFFFA0] =	vst v4  }
0x31a: {  	v4 =	vld [tilespmem:s0+$0x1CA33];
	_ =	sdelay $0x4  }
0x31b: {  	[tilespmem:s6+$0xFFFFFFB0] =	vst v4  }
0x31c: {  	v4 =	vld [tilespmem:s0+$0x1CA43];
	_ =	sdelay $0x4  }
0x31d: {  	[tilespmem:s6+$0xFFFFFFC0] =	vst v4  }
0x31e: {  	v4 =	vld [tilespmem:s0+$0x1CA53];
	_ =	sdelay $0x4  }
0x31f: {  	[tilespmem:s6+$0xFFFFFFD0] =	vst v4  }
0x320: {  	v4 =	vld [tilespmem:s0+$0x1CA63];
	_ =	sdelay $0x4  }
0x321: {  	[tilespmem:s6+$0xFFFFFFE0] =	vst v4  }
0x322: {  	v4 =	vld [tilespmem:s0+$0x1CA73];
	_ =	sdelay $0x4  }
0x323: {  	[tilespmem:s6+$0xFFFFFFF0] =	vst v4  }
0x324: {  	v4 =	vld [tilespmem:s0+$0x1CA84];
	_ =	sdelay $0x4  }
0x325: {  	[tilespmem:s6+$0x0] =	vst v4  }
0x326: {  	v4 =	vld [tilespmem:s0+$0x1CA94];
	_ =	sdelay $0x4  }
0x327: {  	[tilespmem:s6+$0x10] =	vst v4  }
0x328: {  	v4 =	vld [tilespmem:s0+$0x1CAA4];
	_ =	sdelay $0x4  }
0x329: {  	[tilespmem:s6+$0x20] =	vst v4  }
0x32a: {  	v4 =	vld [tilespmem:s0+$0x1CAB4];
	_ =	sdelay $0x4  }
0x32b: {  	[tilespmem:s6+$0x30] =	vst v4  }
0x32c: {  	v4 =	vld [tilespmem:s0+$0x1CAC4];
	_ =	sdelay $0x4  }
0x32d: {  	[tilespmem:s6+$0x40] =	vst v4  }
0x32e: {  	v4 =	vld [tilespmem:s0+$0x1CAD4];
	_ =	sdelay $0x4  }
0x32f: {  	[tilespmem:s6+$0x50] =	vst v4  }
0x330: {  	v4 =	vld [tilespmem:s0+$0x1CAE4];
	_ =	sdelay $0x4  }
0x331: {  	[tilespmem:s6+$0x60] =	vst v4  }
0x332: {  	v4 =	vld [tilespmem:s0+$0x1CAF4];
	_ =	sdelay $0x4  }
0x333: {  	[tilespmem:s6+$0x70] =	vst v4  }
0x334: {  	v4 =	vld [tilespmem:s0+$0x1CB05];
	_ =	sdelay $0x4  }
0x335: {  	[tilespmem:s6+$0x80] =	vst v4  }
0x336: {  	v4 =	vld [tilespmem:s0+$0x1CB15];
	_ =	sdelay $0x4  }
0x337: {  	[tilespmem:s6+$0x90] =	vst v4  }
0x338: {  	v4 =	vld [tilespmem:s0+$0x1CB25];
	_ =	sdelay $0x4  }
0x339: {  	[tilespmem:s6+$0xA0] =	vst v4  }
0x33a: {  	v4 =	vld [tilespmem:s0+$0x1CB35];
	_ =	sdelay $0x4  }
0x33b: {  	[tilespmem:s6+$0xB0] =	vst v4  }
0x33c: {  	v4 =	vld [tilespmem:s0+$0x1CB45];
	_ =	sdelay $0x4  }
0x33d: {  	[tilespmem:s6+$0xC0] =	vst v4  }
0x33e: {  	v4 =	vld [tilespmem:s0+$0x1CB55];
	_ =	sdelay $0x4  }
0x33f: {  	[tilespmem:s6+$0xD0] =	vst v4  }
0x340: {  	v4 =	vld [tilespmem:s0+$0x1CB65];
	_ =	sdelay $0x4  }
0x341: {  	[tilespmem:s6+$0xE0] =	vst v4  }
0x342: {  	v4 =	vld [tilespmem:s0+$0x1CB75];
	_ =	sdelay $0x4  }
0x343: {  	[tilespmem:s6+$0xF0] =	vst v4  }
0x344: {  	v4 =	vld [tilespmem:s0+$0x1CB86];
	_ =	sdelay $0x4  }
0x345: {  	[tilespmem:s6+$0x100] =	vst v4  }
0x346: {  	v4 =	vld [tilespmem:s0+$0x1CB96];
	_ =	sdelay $0x4  }
0x347: {  	[tilespmem:s6+$0x110] =	vst v4  }
0x348: {  	v4 =	vld [tilespmem:s0+$0x1CBA6];
	_ =	sdelay $0x4  }
0x349: {  	[tilespmem:s6+$0x120] =	vst v4  }
0x34a: {  	v4 =	vld [tilespmem:s0+$0x1CBB6];
	_ =	sdelay $0x4  }
0x34b: {  	[tilespmem:s6+$0x130] =	vst v4  }
0x34c: {  	v4 =	vld [tilespmem:s0+$0x1CBC6];
	_ =	sdelay $0x4  }
0x34d: {  	[tilespmem:s6+$0x140] =	vst v4  }
0x34e: {  	v4 =	vld [tilespmem:s0+$0x1CBD6];
	_ =	sdelay $0x4  }
0x34f: {  	[tilespmem:s6+$0x150] =	vst v4  }
0x350: {  	v4 =	vld [tilespmem:s0+$0x1CBE6];
	_ =	sdelay $0x4  }
0x351: {  	[tilespmem:s6+$0x160] =	vst v4  }
0x352: {  	v4 =	vld [tilespmem:s0+$0x1CBF6];
	_ =	sdelay $0x4  }
0x353: {  	[tilespmem:s6+$0x170] =	vst v4  }
0x354: {  	v4 =	vld [tilespmem:s0+$0x1CC07];
	_ =	sdelay $0x4  }
0x355: {  	[tilespmem:s6+$0x180] =	vst v4  }
0x356: {  	v4 =	vld [tilespmem:s0+$0x1CC17];
	_ =	sdelay $0x4  }
0x357: {  	[tilespmem:s6+$0x190] =	vst v4  }
0x358: {  	v4 =	vld [tilespmem:s0+$0x1CC27];
	_ =	sdelay $0x4  }
0x359: {  	[tilespmem:s6+$0x1A0] =	vst v4  }
0x35a: {  	v4 =	vld [tilespmem:s0+$0x1CC37];
	_ =	sdelay $0x4  }
0x35b: {  	[tilespmem:s6+$0x1B0] =	vst v4  }
0x35c: {  	v4 =	vld [tilespmem:s0+$0x1CC47];
	_ =	sdelay $0x4  }
0x35d: {  	[tilespmem:s6+$0x1C0] =	vst v4  }
0x35e: {  	v4 =	vld [tilespmem:s0+$0x1CC57];
	_ =	sdelay $0x4  }
0x35f: {  	[tilespmem:s6+$0x1D0] =	vst v4  }
0x360: {  	v4 =	vld [tilespmem:s0+$0x1CC67];
	_ =	sdelay $0x4  }
0x361: {  	[tilespmem:s6+$0x1E0] =	vst v4  }
0x362: {  	v4 =	vld [tilespmem:s0+$0x1CC77]  }
.Ltmp9:
0x363: {  	(pc) =	sbr.rel @p1 .LBB2_12-.Ltmp9, $2  }
0x364: {  	_ =	sdelay $0x2  }
0x365: {  	s0 =	sshra.s32 s7, $0x2;
	s7 =	sadd.s32 $0x1020, s7;
	[tilespmem:s6+$0x1F0] =	vst v4  }
0x366: {  	v4 =	vld [tilespmem:s0+$0x1C880];
	_ =	sdelay $0x3  }
0x367: {  	s6 =	sadd.s32 $0x400, s6  }
0x368: {  	[tilespmem:s6+$0xFFFFFE00] =	vst v4  }
0x369: {  	v4 =	vld [tilespmem:s0+$0x1C890];
	_ =	sdelay $0x4  }
0x36a: {  	[tilespmem:s6+$0xFFFFFE10] =	vst v4  }
0x36b: {  	v4 =	vld [tilespmem:s0+$0x1C8A0];
	_ =	sdelay $0x4  }
0x36c: {  	[tilespmem:s6+$0xFFFFFE20] =	vst v4  }
0x36d: {  	v4 =	vld [tilespmem:s0+$0x1C8B0];
	_ =	sdelay $0x4  }
0x36e: {  	[tilespmem:s6+$0xFFFFFE30] =	vst v4  }
0x36f: {  	v4 =	vld [tilespmem:s0+$0x1C8C0];
	_ =	sdelay $0x4  }
0x370: {  	[tilespmem:s6+$0xFFFFFE40] =	vst v4  }
0x371: {  	v4 =	vld [tilespmem:s0+$0x1C8D0];
	_ =	sdelay $0x4  }
0x372: {  	[tilespmem:s6+$0xFFFFFE50] =	vst v4  }
0x373: {  	v4 =	vld [tilespmem:s0+$0x1C8E0];
	_ =	sdelay $0x4  }
0x374: {  	[tilespmem:s6+$0xFFFFFE60] =	vst v4  }
0x375: {  	v4 =	vld [tilespmem:s0+$0x1C8F0];
	_ =	sdelay $0x4  }
0x376: {  	[tilespmem:s6+$0xFFFFFE70] =	vst v4  }
0x377: {  	v4 =	vld [tilespmem:s0+$0x1C901];
	_ =	sdelay $0x4  }
0x378: {  	[tilespmem:s6+$0xFFFFFE80] =	vst v4  }
0x379: {  	v4 =	vld [tilespmem:s0+$0x1C911];
	_ =	sdelay $0x4  }
0x37a: {  	[tilespmem:s6+$0xFFFFFE90] =	vst v4  }
0x37b: {  	v4 =	vld [tilespmem:s0+$0x1C921];
	_ =	sdelay $0x4  }
0x37c: {  	[tilespmem:s6+$0xFFFFFEA0] =	vst v4  }
0x37d: {  	v4 =	vld [tilespmem:s0+$0x1C931];
	_ =	sdelay $0x4  }
0x37e: {  	[tilespmem:s6+$0xFFFFFEB0] =	vst v4  }
0x37f: {  	v4 =	vld [tilespmem:s0+$0x1C941];
	_ =	sdelay $0x4  }
0x380: {  	[tilespmem:s6+$0xFFFFFEC0] =	vst v4  }
0x381: {  	v4 =	vld [tilespmem:s0+$0x1C951];
	_ =	sdelay $0x4  }
0x382: {  	[tilespmem:s6+$0xFFFFFED0] =	vst v4  }
0x383: {  	v4 =	vld [tilespmem:s0+$0x1C961];
	_ =	sdelay $0x4  }
0x384: {  	[tilespmem:s6+$0xFFFFFEE0] =	vst v4  }
0x385: {  	v4 =	vld [tilespmem:s0+$0x1C971];
	_ =	sdelay $0x4  }
0x386: {  	[tilespmem:s6+$0xFFFFFEF0] =	vst v4  }
0x387: {  	v4 =	vld [tilespmem:s0+$0x1C982];
	_ =	sdelay $0x4  }
0x388: {  	[tilespmem:s6+$0xFFFFFF00] =	vst v4  }
0x389: {  	v4 =	vld [tilespmem:s0+$0x1C992];
	_ =	sdelay $0x4  }
0x38a: {  	[tilespmem:s6+$0xFFFFFF10] =	vst v4  }
0x38b: {  	v4 =	vld [tilespmem:s0+$0x1C9A2];
	_ =	sdelay $0x4  }
0x38c: {  	[tilespmem:s6+$0xFFFFFF20] =	vst v4  }
0x38d: {  	v4 =	vld [tilespmem:s0+$0x1C9B2];
	_ =	sdelay $0x4  }
0x38e: {  	[tilespmem:s6+$0xFFFFFF30] =	vst v4  }
0x38f: {  	v4 =	vld [tilespmem:s0+$0x1C9C2];
	_ =	sdelay $0x4  }
0x390: {  	[tilespmem:s6+$0xFFFFFF40] =	vst v4  }
0x391: {  	v4 =	vld [tilespmem:s0+$0x1C9D2];
	_ =	sdelay $0x4  }
0x392: {  	[tilespmem:s6+$0xFFFFFF50] =	vst v4  }
0x393: {  	v4 =	vld [tilespmem:s0+$0x1C9E2];
	_ =	sdelay $0x4  }
0x394: {  	[tilespmem:s6+$0xFFFFFF60] =	vst v4  }
0x395: {  	v4 =	vld [tilespmem:s0+$0x1C9F2];
	_ =	sdelay $0x4  }
0x396: {  	[tilespmem:s6+$0xFFFFFF70] =	vst v4  }
0x397: {  	v4 =	vld [tilespmem:s0+$0x1CA03];
	_ =	sdelay $0x4  }
0x398: {  	[tilespmem:s6+$0xFFFFFF80] =	vst v4  }
0x399: {  	v4 =	vld [tilespmem:s0+$0x1CA13];
	_ =	sdelay $0x4  }
0x39a: {  	[tilespmem:s6+$0xFFFFFF90] =	vst v4  }
0x39b: {  	v4 =	vld [tilespmem:s0+$0x1CA23];
	_ =	sdelay $0x4  }
0x39c: {  	[tilespmem:s6+$0xFFFFFFA0] =	vst v4  }
0x39d: {  	v4 =	vld [tilespmem:s0+$0x1CA33];
	_ =	sdelay $0x4  }
0x39e: {  	[tilespmem:s6+$0xFFFFFFB0] =	vst v4  }
0x39f: {  	v4 =	vld [tilespmem:s0+$0x1CA43];
	_ =	sdelay $0x4  }
0x3a0: {  	[tilespmem:s6+$0xFFFFFFC0] =	vst v4  }
0x3a1: {  	v4 =	vld [tilespmem:s0+$0x1CA53];
	_ =	sdelay $0x4  }
0x3a2: {  	[tilespmem:s6+$0xFFFFFFD0] =	vst v4  }
0x3a3: {  	v4 =	vld [tilespmem:s0+$0x1CA63];
	_ =	sdelay $0x4  }
0x3a4: {  	[tilespmem:s6+$0xFFFFFFE0] =	vst v4  }
0x3a5: {  	v4 =	vld [tilespmem:s0+$0x1CA73];
	_ =	sdelay $0x4  }
0x3a6: {  	[tilespmem:s6+$0xFFFFFFF0] =	vst v4  }
0x3a7: {  	v4 =	vld [tilespmem:s0+$0x1CA84];
	_ =	sdelay $0x4  }
0x3a8: {  	[tilespmem:s6+$0x0] =	vst v4  }
0x3a9: {  	v4 =	vld [tilespmem:s0+$0x1CA94];
	_ =	sdelay $0x4  }
0x3aa: {  	[tilespmem:s6+$0x10] =	vst v4  }
0x3ab: {  	v4 =	vld [tilespmem:s0+$0x1CAA4];
	_ =	sdelay $0x4  }
0x3ac: {  	[tilespmem:s6+$0x20] =	vst v4  }
0x3ad: {  	v4 =	vld [tilespmem:s0+$0x1CAB4];
	_ =	sdelay $0x4  }
0x3ae: {  	[tilespmem:s6+$0x30] =	vst v4  }
0x3af: {  	v4 =	vld [tilespmem:s0+$0x1CAC4];
	_ =	sdelay $0x4  }
0x3b0: {  	[tilespmem:s6+$0x40] =	vst v4  }
0x3b1: {  	v4 =	vld [tilespmem:s0+$0x1CAD4];
	_ =	sdelay $0x4  }
0x3b2: {  	[tilespmem:s6+$0x50] =	vst v4  }
0x3b3: {  	v4 =	vld [tilespmem:s0+$0x1CAE4];
	_ =	sdelay $0x4  }
0x3b4: {  	[tilespmem:s6+$0x60] =	vst v4  }
0x3b5: {  	v4 =	vld [tilespmem:s0+$0x1CAF4];
	_ =	sdelay $0x4  }
0x3b6: {  	[tilespmem:s6+$0x70] =	vst v4  }
0x3b7: {  	v4 =	vld [tilespmem:s0+$0x1CB05];
	_ =	sdelay $0x4  }
0x3b8: {  	[tilespmem:s6+$0x80] =	vst v4  }
0x3b9: {  	v4 =	vld [tilespmem:s0+$0x1CB15];
	_ =	sdelay $0x4  }
0x3ba: {  	[tilespmem:s6+$0x90] =	vst v4  }
0x3bb: {  	v4 =	vld [tilespmem:s0+$0x1CB25];
	_ =	sdelay $0x4  }
0x3bc: {  	[tilespmem:s6+$0xA0] =	vst v4  }
0x3bd: {  	v4 =	vld [tilespmem:s0+$0x1CB35];
	_ =	sdelay $0x4  }
0x3be: {  	[tilespmem:s6+$0xB0] =	vst v4  }
0x3bf: {  	v4 =	vld [tilespmem:s0+$0x1CB45];
	_ =	sdelay $0x4  }
0x3c0: {  	[tilespmem:s6+$0xC0] =	vst v4  }
0x3c1: {  	v4 =	vld [tilespmem:s0+$0x1CB55];
	_ =	sdelay $0x4  }
0x3c2: {  	[tilespmem:s6+$0xD0] =	vst v4  }
0x3c3: {  	v4 =	vld [tilespmem:s0+$0x1CB65];
	_ =	sdelay $0x4  }
0x3c4: {  	[tilespmem:s6+$0xE0] =	vst v4  }
0x3c5: {  	v4 =	vld [tilespmem:s0+$0x1CB75];
	_ =	sdelay $0x4  }
0x3c6: {  	[tilespmem:s6+$0xF0] =	vst v4  }
0x3c7: {  	v4 =	vld [tilespmem:s0+$0x1CB86];
	_ =	sdelay $0x4  }
0x3c8: {  	[tilespmem:s6+$0x100] =	vst v4  }
0x3c9: {  	v4 =	vld [tilespmem:s0+$0x1CB96];
	_ =	sdelay $0x4  }
0x3ca: {  	[tilespmem:s6+$0x110] =	vst v4  }
0x3cb: {  	v4 =	vld [tilespmem:s0+$0x1CBA6];
	_ =	sdelay $0x4  }
0x3cc: {  	[tilespmem:s6+$0x120] =	vst v4  }
0x3cd: {  	v4 =	vld [tilespmem:s0+$0x1CBB6];
	_ =	sdelay $0x4  }
0x3ce: {  	[tilespmem:s6+$0x130] =	vst v4  }
0x3cf: {  	v4 =	vld [tilespmem:s0+$0x1CBC6];
	_ =	sdelay $0x4  }
0x3d0: {  	[tilespmem:s6+$0x140] =	vst v4  }
0x3d1: {  	v4 =	vld [tilespmem:s0+$0x1CBD6];
	_ =	sdelay $0x4  }
0x3d2: {  	[tilespmem:s6+$0x150] =	vst v4  }
0x3d3: {  	v4 =	vld [tilespmem:s0+$0x1CBE6];
	_ =	sdelay $0x4  }
0x3d4: {  	[tilespmem:s6+$0x160] =	vst v4  }
0x3d5: {  	v4 =	vld [tilespmem:s0+$0x1CBF6];
	_ =	sdelay $0x4  }
0x3d6: {  	[tilespmem:s6+$0x170] =	vst v4  }
0x3d7: {  	v4 =	vld [tilespmem:s0+$0x1CC07];
	_ =	sdelay $0x4  }
0x3d8: {  	[tilespmem:s6+$0x180] =	vst v4  }
0x3d9: {  	v4 =	vld [tilespmem:s0+$0x1CC17];
	_ =	sdelay $0x4  }
0x3da: {  	[tilespmem:s6+$0x190] =	vst v4  }
0x3db: {  	v4 =	vld [tilespmem:s0+$0x1CC27];
	_ =	sdelay $0x4  }
0x3dc: {  	[tilespmem:s6+$0x1A0] =	vst v4  }
0x3dd: {  	v4 =	vld [tilespmem:s0+$0x1CC37];
	_ =	sdelay $0x4  }
0x3de: {  	[tilespmem:s6+$0x1B0] =	vst v4  }
0x3df: {  	v4 =	vld [tilespmem:s0+$0x1CC47];
	_ =	sdelay $0x4  }
0x3e0: {  	[tilespmem:s6+$0x1C0] =	vst v4  }
0x3e1: {  	v4 =	vld [tilespmem:s0+$0x1CC57];
	_ =	sdelay $0x4  }
0x3e2: {  	[tilespmem:s6+$0x1D0] =	vst v4  }
0x3e3: {  	v4 =	vld [tilespmem:s0+$0x1CC67];
	_ =	sdelay $0x4  }
0x3e4: {  	[tilespmem:s6+$0x1E0] =	vst v4  }
0x3e5: {  	v4 =	vld [tilespmem:s0+$0x1CC77];
	_ =	sdelay $0x3  }
0x3e6: {  	s31 =	sshll.u32 s3, $0xF  }
0x3e7: {  	s0 =	sadd.s32 s31, s8;
	[tilespmem:s6+$0x1F0] =	vst v4  }
0x3e8: {  	[hbm4b:s0+s17] =	stream.strided.scatter [tilespmem:s22], [sflag:$0x9], $0x2000, s18, s17, $0x38;
	[tilespmem:$0x1E8C0] =	vst v63  }
.LBB2_14:
0x3e9: {  	p1 =	sgt.u32 s14, $0x41  }
.Ltmp10:
0x3ea: {  	_ = 	snop;
	(pc) =	sbr.rel @p1 .LBB2_16-.Ltmp10, $1  }
0x3eb: {  	_ =	sdelay $0x3  }
0x3ec: {  	s0 =	smul.u32 $0x600, s14  }
.Ltmp11:
0x3ed: {  	_ = 	snop;
	(pc) =	sbr.rel .LBB2_17-.Ltmp11, $4  }
0x3ee: {  	_ = 	snop  }
0x3ef: {  	s0 =	sshra.s32 s0, $0x2  }
0x3f0: {  	s0 =	sadd.s32 $0x100, s0  }
0x3f1: {  	[tilespmem:s23], [sflag:$0x3] =	stream.indirect.gather [hbm4b:s4+s11], $0x40, s0, s11, $0xb8;
	[tilespmem:$0x1E8C0] =	vst v63  }
.LBB2_16:
.Ltmp12:
0x3f2: {  	(pc) =	sbr.rel @p0 .LBB2_22-.Ltmp12, $1  }
0x3f3: {  	_ =	sdelay $0x3  }
.LBB2_17:
0x3f4: {  	_ =	swait.ge [sflag:s24], $0x2000;
	s0 =	sshll.u32 s10, $0x7  }
0x3f5: {  	[sflag:s24] =	ssyncset.done $0x0;
	s0 =	sand.u32 $0x3FFFFF80, s0  }
0x3f6: {  	[sflag:s24] =	ssyncadd.s32 $0xFFFFE000;
	s0 =	sadd.s32 $0x6400, s0  }
0x3f7: {  	[tilespmem:s25], [sflag:$0x5] =	stream.indirect.gather.add.f32 [hbm:s5], $0x40, s0, s11, $0xb8;
	[tilespmem:$0x1E8C0] =	vst v63  }
0x3f8: {  	_ =	swait.ge [sflag:s26], $0x2000  }
0x3f9: {  	p0 =	seq.s32 s14, $0x0;
	[sflag:s26] =	ssyncset.done $0x0  }
0x3fa: {  	s0 =	simm.s32 @!p0 $0x7;
	[sflag:s26] =	ssyncadd.s32 $0xFFFFE000  }
0x3fb: {  	_ =	swait.ge @!p0 [sflag:s0], $0x2000  }
0x3fc: {  	[sflag:s0] =	ssyncset.done @!p0 $0x0  }
0x3fd: {  	s3 =	simm.s32 $0x0;
	[sflag:s0] =	ssyncadd.s32 @!p0 $0xFFFFE000;
	s0 =	simm.s32 $0xC880  }
0x3fe: {  	s6 =	simm.s32 $0x4;
	v5 =	vadd.s32 s3, v0;
	v4 =	vld [tilespmem:s0+$0xFFFFFF80]  }
.LBB2_18:
0x3ff: {  	p0 =	sne.s32 s6, $0x7C;
	_ =	sdelay $0x3  }
0x400: {  	[tilespmem:v5+s28+$0x0] =	vst.idx.msk $0xffff, v4  }
0x401: {  	v5 =	vadd.s32 s3, v1;
	v4 =	vld [tilespmem:s0+$0xFFFFFF90];
	_ =	sdelay $0x4  }
0x402: {  	[tilespmem:v5+s28+$0x0] =	vst.idx.msk $0xffff, v4  }
0x403: {  	v5 =	vadd.s32 s3, v2;
	v4 =	vld [tilespmem:s0+$0xFFFFFFA0];
	_ =	sdelay $0x4  }
0x404: {  	[tilespmem:v5+s28+$0x0] =	vst.idx.msk $0xffff, v4  }
0x405: {  	v5 =	vadd.s32 s3, v3;
	v4 =	vld [tilespmem:s0+$0xFFFFFFB0];
	_ =	sdelay $0x4  }
0x406: {  	s1 =	sadd.s32 $0x1, s3;
	[tilespmem:v5+s28+$0x0] =	vst.idx.msk $0xffff, v4  }
0x407: {  	v5 =	vadd.s32 s1, v0;
	v4 =	vld [tilespmem:s0+$0xFFFFFFC0];
	_ =	sdelay $0x4  }
0x408: {  	[tilespmem:v5+s28+$0x0] =	vst.idx.msk $0xffff, v4  }
0x409: {  	v5 =	vadd.s32 s1, v1;
	v4 =	vld [tilespmem:s0+$0xFFFFFFD0];
	_ =	sdelay $0x4  }
0x40a: {  	[tilespmem:v5+s28+$0x0] =	vst.idx.msk $0xffff, v4  }
0x40b: {  	v5 =	vadd.s32 s1, v2;
	v4 =	vld [tilespmem:s0+$0xFFFFFFE0];
	_ =	sdelay $0x4  }
0x40c: {  	[tilespmem:v5+s28+$0x0] =	vst.idx.msk $0xffff, v4  }
0x40d: {  	v5 =	vadd.s32 s1, v3;
	v4 =	vld [tilespmem:s0+$0xFFFFFFF0];
	_ =	sdelay $0x4  }
0x40e: {  	s1 =	sadd.s32 $0x2, s3;
	[tilespmem:v5+s28+$0x0] =	vst.idx.msk $0xffff, v4  }
0x40f: {  	v5 =	vadd.s32 s1, v0;
	v4 =	vld [tilespmem:s0+$0x0];
	_ =	sdelay $0x4  }
0x410: {  	[tilespmem:v5+s28+$0x0] =	vst.idx.msk $0xffff, v4  }
0x411: {  	v5 =	vadd.s32 s1, v1;
	v4 =	vld [tilespmem:s0+$0x10];
	_ =	sdelay $0x4  }
0x412: {  	[tilespmem:v5+s28+$0x0] =	vst.idx.msk $0xffff, v4  }
0x413: {  	v5 =	vadd.s32 s1, v2;
	v4 =	vld [tilespmem:s0+$0x20];
	_ =	sdelay $0x4  }
0x414: {  	[tilespmem:v5+s28+$0x0] =	vst.idx.msk $0xffff, v4  }
0x415: {  	v5 =	vadd.s32 s1, v3;
	v4 =	vld [tilespmem:s0+$0x30];
	_ =	sdelay $0x4  }
0x416: {  	s1 =	sadd.s32 $0x3, s3;
	s3 =	smov.u32 s6;
	[tilespmem:v5+s28+$0x0] =	vst.idx.msk $0xffff, v4  }
0x417: {  	v5 =	vadd.s32 s1, v0;
	v4 =	vld [tilespmem:s0+$0x40];
	_ =	sdelay $0x4  }
0x418: {  	[tilespmem:v5+s28+$0x0] =	vst.idx.msk $0xffff, v4  }
0x419: {  	v5 =	vadd.s32 s1, v1;
	v4 =	vld [tilespmem:s0+$0x50];
	_ =	sdelay $0x4  }
0x41a: {  	[tilespmem:v5+s28+$0x0] =	vst.idx.msk $0xffff, v4  }
0x41b: {  	v5 =	vadd.s32 s1, v2;
	v4 =	vld [tilespmem:s0+$0x60];
	_ =	sdelay $0x4  }
0x41c: {  	[tilespmem:v5+s28+$0x0] =	vst.idx.msk $0xffff, v4  }
0x41d: {  	v5 =	vadd.s32 s1, v3;
	v4 =	vld [tilespmem:s0+$0x70];
	_ =	sdelay $0x1  }
.Ltmp13:
0x41e: {  	(pc) =	sbr.rel @p0 .LBB2_18-.Ltmp13, $3  }
0x41f: {  	_ =	sdelay $0x1  }
0x420: {  	s0 =	sadd.s32 $0x100, s0;
	[tilespmem:v5+s28+$0x0] =	vst.idx.msk $0xffff, v4  }
0x421: {  	s6 =	sadd.s32 $0x4, s6;
	v5 =	vadd.s32 s3, v0;
	v4 =	vld [tilespmem:s0+$0xFFFFFF80]  }
0x422: {  	_ =	sdelay $0x3  }
0x423: {  	[tilespmem:v5+s28+$0x0] =	vst.idx.msk $0xffff, v4  }
0x424: {  	v5 =	vadd.s32 s3, v1;
	v4 =	vld [tilespmem:s0+$0xFFFFFF90];
	_ =	sdelay $0x4  }
0x425: {  	[tilespmem:v5+s28+$0x0] =	vst.idx.msk $0xffff, v4  }
0x426: {  	v5 =	vadd.s32 s3, v2;
	v4 =	vld [tilespmem:s0+$0xFFFFFFA0];
	_ =	sdelay $0x4  }
0x427: {  	[tilespmem:v5+s28+$0x0] =	vst.idx.msk $0xffff, v4  }
0x428: {  	v5 =	vadd.s32 s3, v3;
	v4 =	vld [tilespmem:s0+$0xFFFFFFB0];
	_ =	sdelay $0x4  }
0x429: {  	s1 =	sadd.s32 $0x1, s3;
	[tilespmem:v5+s28+$0x0] =	vst.idx.msk $0xffff, v4  }
0x42a: {  	v5 =	vadd.s32 s1, v0;
	v4 =	vld [tilespmem:s0+$0xFFFFFFC0];
	_ =	sdelay $0x4  }
0x42b: {  	[tilespmem:v5+s28+$0x0] =	vst.idx.msk $0xffff, v4  }
0x42c: {  	v5 =	vadd.s32 s1, v1;
	v4 =	vld [tilespmem:s0+$0xFFFFFFD0];
	_ =	sdelay $0x4  }
0x42d: {  	[tilespmem:v5+s28+$0x0] =	vst.idx.msk $0xffff, v4  }
0x42e: {  	v5 =	vadd.s32 s1, v2;
	v4 =	vld [tilespmem:s0+$0xFFFFFFE0];
	_ =	sdelay $0x4  }
0x42f: {  	[tilespmem:v5+s28+$0x0] =	vst.idx.msk $0xffff, v4  }
0x430: {  	v5 =	vadd.s32 s1, v3;
	v4 =	vld [tilespmem:s0+$0xFFFFFFF0];
	_ =	sdelay $0x4  }
0x431: {  	s13 =	sadd.s32 $0x2, s3;
	[tilespmem:v5+s28+$0x0] =	vst.idx.msk $0xffff, v4  }
0x432: {  	v5 =	vadd.s32 s13, v0;
	v4 =	vld [tilespmem:s0+$0x0];
	_ =	sdelay $0x4  }
0x433: {  	[tilespmem:v5+s28+$0x0] =	vst.idx.msk $0xffff, v4  }
0x434: {  	v5 =	vadd.s32 s13, v1;
	v4 =	vld [tilespmem:s0+$0x10];
	_ =	sdelay $0x4  }
0x435: {  	[tilespmem:v5+s28+$0x0] =	vst.idx.msk $0xffff, v4  }
0x436: {  	v5 =	vadd.s32 s13, v2;
	v4 =	vld [tilespmem:s0+$0x20];
	_ =	sdelay $0x4  }
0x437: {  	[tilespmem:v5+s28+$0x0] =	vst.idx.msk $0xffff, v4  }
0x438: {  	v5 =	vadd.s32 s13, v3;
	v4 =	vld [tilespmem:s0+$0x30];
	_ =	sdelay $0x4  }
0x439: {  	s30 =	sadd.s32 $0x3, s3;
	[tilespmem:v5+s28+$0x0] =	vst.idx.msk $0xffff, v4  }
0x43a: {  	v5 =	vadd.s32 s30, v0;
	v4 =	vld [tilespmem:s0+$0x40];
	_ =	sdelay $0x4  }
0x43b: {  	[tilespmem:v5+s28+$0x0] =	vst.idx.msk $0xffff, v4  }
0x43c: {  	v5 =	vadd.s32 s30, v1;
	v4 =	vld [tilespmem:s0+$0x50];
	_ =	sdelay $0x4  }
0x43d: {  	[tilespmem:v5+s28+$0x0] =	vst.idx.msk $0xffff, v4  }
0x43e: {  	v5 =	vadd.s32 s30, v2;
	v4 =	vld [tilespmem:s0+$0x60];
	_ =	sdelay $0x4  }
0x43f: {  	[tilespmem:v5+s28+$0x0] =	vst.idx.msk $0xffff, v4  }
0x440: {  	v5 =	vadd.s32 s30, v3;
	v4 =	vld [tilespmem:s0+$0x70];
	_ =	sdelay $0x4  }
0x441: {  	s31 =	simm.s32 $0x0;
	[tilespmem:v5+s28+$0x0] =	vst.idx.msk $0xffff, v4  }
0x442: {  	v4 =	vld [tilespmem:s31+$0x18800];
	_ =	sdelay $0x3  }
0x443: {  	s3 =	simm.s32 $0x12A00  }
0x444: {  	[tilespmem:s3+$0xFFFFFE00] =	vst v4  }
0x445: {  	v4 =	vld [tilespmem:s31+$0x18810];
	_ =	sdelay $0x4  }
0x446: {  	[tilespmem:s3+$0xFFFFFE10] =	vst v4  }
0x447: {  	v4 =	vld [tilespmem:s31+$0x18820];
	_ =	sdelay $0x4  }
0x448: {  	[tilespmem:s3+$0xFFFFFE20] =	vst v4  }
0x449: {  	v4 =	vld [tilespmem:s31+$0x18830];
	_ =	sdelay $0x4  }
0x44a: {  	[tilespmem:s3+$0xFFFFFE30] =	vst v4  }
0x44b: {  	v4 =	vld [tilespmem:s31+$0x18840];
	_ =	sdelay $0x4  }
0x44c: {  	[tilespmem:s3+$0xFFFFFE40] =	vst v4  }
0x44d: {  	v4 =	vld [tilespmem:s31+$0x18850];
	_ =	sdelay $0x4  }
0x44e: {  	[tilespmem:s3+$0xFFFFFE50] =	vst v4  }
0x44f: {  	v4 =	vld [tilespmem:s31+$0x18860];
	_ =	sdelay $0x4  }
0x450: {  	[tilespmem:s3+$0xFFFFFE60] =	vst v4  }
0x451: {  	v4 =	vld [tilespmem:s31+$0x18870];
	_ =	sdelay $0x4  }
0x452: {  	[tilespmem:s3+$0xFFFFFE70] =	vst v4  }
0x453: {  	v4 =	vld [tilespmem:s31+$0x18881];
	_ =	sdelay $0x4  }
0x454: {  	[tilespmem:s3+$0xFFFFFE80] =	vst v4  }
0x455: {  	v4 =	vld [tilespmem:s31+$0x18891];
	_ =	sdelay $0x4  }
0x456: {  	[tilespmem:s3+$0xFFFFFE90] =	vst v4  }
0x457: {  	v4 =	vld [tilespmem:s31+$0x188A1];
	_ =	sdelay $0x4  }
0x458: {  	[tilespmem:s3+$0xFFFFFEA0] =	vst v4  }
0x459: {  	v4 =	vld [tilespmem:s31+$0x188B1];
	_ =	sdelay $0x4  }
0x45a: {  	[tilespmem:s3+$0xFFFFFEB0] =	vst v4  }
0x45b: {  	v4 =	vld [tilespmem:s31+$0x188C1];
	_ =	sdelay $0x4  }
0x45c: {  	[tilespmem:s3+$0xFFFFFEC0] =	vst v4  }
0x45d: {  	v4 =	vld [tilespmem:s31+$0x188D1];
	_ =	sdelay $0x4  }
0x45e: {  	[tilespmem:s3+$0xFFFFFED0] =	vst v4  }
0x45f: {  	v4 =	vld [tilespmem:s31+$0x188E1];
	_ =	sdelay $0x4  }
0x460: {  	[tilespmem:s3+$0xFFFFFEE0] =	vst v4  }
0x461: {  	v4 =	vld [tilespmem:s31+$0x188F1];
	_ =	sdelay $0x4  }
0x462: {  	[tilespmem:s3+$0xFFFFFEF0] =	vst v4  }
0x463: {  	v4 =	vld [tilespmem:s31+$0x18902];
	_ =	sdelay $0x4  }
0x464: {  	[tilespmem:s3+$0xFFFFFF00] =	vst v4  }
0x465: {  	v4 =	vld [tilespmem:s31+$0x18912];
	_ =	sdelay $0x4  }
0x466: {  	[tilespmem:s3+$0xFFFFFF10] =	vst v4  }
0x467: {  	v4 =	vld [tilespmem:s31+$0x18922];
	_ =	sdelay $0x4  }
0x468: {  	[tilespmem:s3+$0xFFFFFF20] =	vst v4  }
0x469: {  	v4 =	vld [tilespmem:s31+$0x18932];
	_ =	sdelay $0x4  }
0x46a: {  	[tilespmem:s3+$0xFFFFFF30] =	vst v4  }
0x46b: {  	v4 =	vld [tilespmem:s31+$0x18942];
	_ =	sdelay $0x4  }
0x46c: {  	[tilespmem:s3+$0xFFFFFF40] =	vst v4  }
0x46d: {  	v4 =	vld [tilespmem:s31+$0x18952];
	_ =	sdelay $0x4  }
0x46e: {  	[tilespmem:s3+$0xFFFFFF50] =	vst v4  }
0x46f: {  	v4 =	vld [tilespmem:s31+$0x18962];
	_ =	sdelay $0x4  }
0x470: {  	[tilespmem:s3+$0xFFFFFF60] =	vst v4  }
0x471: {  	v4 =	vld [tilespmem:s31+$0x18972];
	_ =	sdelay $0x4  }
0x472: {  	[tilespmem:s3+$0xFFFFFF70] =	vst v4  }
0x473: {  	v4 =	vld [tilespmem:s31+$0x18983];
	_ =	sdelay $0x4  }
0x474: {  	[tilespmem:s3+$0xFFFFFF80] =	vst v4  }
0x475: {  	v4 =	vld [tilespmem:s31+$0x18993];
	_ =	sdelay $0x4  }
0x476: {  	[tilespmem:s3+$0xFFFFFF90] =	vst v4  }
0x477: {  	v4 =	vld [tilespmem:s31+$0x189A3];
	_ =	sdelay $0x4  }
0x478: {  	[tilespmem:s3+$0xFFFFFFA0] =	vst v4  }
0x479: {  	v4 =	vld [tilespmem:s31+$0x189B3];
	_ =	sdelay $0x4  }
0x47a: {  	[tilespmem:s3+$0xFFFFFFB0] =	vst v4  }
0x47b: {  	v4 =	vld [tilespmem:s31+$0x189C3];
	_ =	sdelay $0x4  }
0x47c: {  	[tilespmem:s3+$0xFFFFFFC0] =	vst v4  }
0x47d: {  	v4 =	vld [tilespmem:s31+$0x189D3];
	_ =	sdelay $0x4  }
0x47e: {  	[tilespmem:s3+$0xFFFFFFD0] =	vst v4  }
0x47f: {  	v4 =	vld [tilespmem:s31+$0x189E3];
	_ =	sdelay $0x4  }
0x480: {  	[tilespmem:s3+$0xFFFFFFE0] =	vst v4  }
0x481: {  	v4 =	vld [tilespmem:s31+$0x189F3];
	_ =	sdelay $0x4  }
0x482: {  	[tilespmem:s3+$0xFFFFFFF0] =	vst v4  }
0x483: {  	v4 =	vld [tilespmem:s31+$0x18A04];
	_ =	sdelay $0x4  }
0x484: {  	[tilespmem:s3+$0x0] =	vst v4  }
0x485: {  	v4 =	vld [tilespmem:s31+$0x18A14];
	_ =	sdelay $0x4  }
0x486: {  	[tilespmem:s3+$0x10] =	vst v4  }
0x487: {  	v4 =	vld [tilespmem:s31+$0x18A24];
	_ =	sdelay $0x4  }
0x488: {  	[tilespmem:s3+$0x20] =	vst v4  }
0x489: {  	v4 =	vld [tilespmem:s31+$0x18A34];
	_ =	sdelay $0x4  }
0x48a: {  	[tilespmem:s3+$0x30] =	vst v4  }
0x48b: {  	v4 =	vld [tilespmem:s31+$0x18A44];
	_ =	sdelay $0x4  }
0x48c: {  	[tilespmem:s3+$0x40] =	vst v4  }
0x48d: {  	v4 =	vld [tilespmem:s31+$0x18A54];
	_ =	sdelay $0x4  }
0x48e: {  	[tilespmem:s3+$0x50] =	vst v4  }
0x48f: {  	v4 =	vld [tilespmem:s31+$0x18A64];
	_ =	sdelay $0x4  }
0x490: {  	[tilespmem:s3+$0x60] =	vst v4  }
0x491: {  	v4 =	vld [tilespmem:s31+$0x18A74];
	_ =	sdelay $0x4  }
0x492: {  	[tilespmem:s3+$0x70] =	vst v4  }
0x493: {  	v4 =	vld [tilespmem:s31+$0x18A85];
	_ =	sdelay $0x4  }
0x494: {  	[tilespmem:s3+$0x80] =	vst v4  }
0x495: {  	v4 =	vld [tilespmem:s31+$0x18A95];
	_ =	sdelay $0x4  }
0x496: {  	[tilespmem:s3+$0x90] =	vst v4  }
0x497: {  	v4 =	vld [tilespmem:s31+$0x18AA5];
	_ =	sdelay $0x4  }
0x498: {  	[tilespmem:s3+$0xA0] =	vst v4  }
0x499: {  	v4 =	vld [tilespmem:s31+$0x18AB5];
	_ =	sdelay $0x4  }
0x49a: {  	[tilespmem:s3+$0xB0] =	vst v4  }
0x49b: {  	v4 =	vld [tilespmem:s31+$0x18AC5];
	_ =	sdelay $0x4  }
0x49c: {  	[tilespmem:s3+$0xC0] =	vst v4  }
0x49d: {  	v4 =	vld [tilespmem:s31+$0x18AD5];
	_ =	sdelay $0x4  }
0x49e: {  	[tilespmem:s3+$0xD0] =	vst v4  }
0x49f: {  	v4 =	vld [tilespmem:s31+$0x18AE5];
	_ =	sdelay $0x4  }
0x4a0: {  	[tilespmem:s3+$0xE0] =	vst v4  }
0x4a1: {  	v4 =	vld [tilespmem:s31+$0x18AF5];
	_ =	sdelay $0x4  }
0x4a2: {  	[tilespmem:s3+$0xF0] =	vst v4  }
0x4a3: {  	v4 =	vld [tilespmem:s31+$0x18B06];
	_ =	sdelay $0x4  }
0x4a4: {  	[tilespmem:s3+$0x100] =	vst v4  }
0x4a5: {  	v4 =	vld [tilespmem:s31+$0x18B16];
	_ =	sdelay $0x4  }
0x4a6: {  	[tilespmem:s3+$0x110] =	vst v4  }
0x4a7: {  	v4 =	vld [tilespmem:s31+$0x18B26];
	_ =	sdelay $0x4  }
0x4a8: {  	[tilespmem:s3+$0x120] =	vst v4  }
0x4a9: {  	v4 =	vld [tilespmem:s31+$0x18B36];
	_ =	sdelay $0x4  }
0x4aa: {  	[tilespmem:s3+$0x130] =	vst v4  }
0x4ab: {  	v4 =	vld [tilespmem:s31+$0x18B46];
	_ =	sdelay $0x4  }
0x4ac: {  	[tilespmem:s3+$0x140] =	vst v4  }
0x4ad: {  	v4 =	vld [tilespmem:s31+$0x18B56];
	_ =	sdelay $0x4  }
0x4ae: {  	[tilespmem:s3+$0x150] =	vst v4  }
0x4af: {  	v4 =	vld [tilespmem:s31+$0x18B66];
	_ =	sdelay $0x4  }
0x4b0: {  	[tilespmem:s3+$0x160] =	vst v4  }
0x4b1: {  	v4 =	vld [tilespmem:s31+$0x18B76];
	_ =	sdelay $0x4  }
0x4b2: {  	[tilespmem:s3+$0x170] =	vst v4  }
0x4b3: {  	v4 =	vld [tilespmem:s31+$0x18B87];
	_ =	sdelay $0x4  }
0x4b4: {  	[tilespmem:s3+$0x180] =	vst v4  }
0x4b5: {  	v4 =	vld [tilespmem:s31+$0x18B97];
	_ =	sdelay $0x4  }
0x4b6: {  	[tilespmem:s3+$0x190] =	vst v4  }
0x4b7: {  	v4 =	vld [tilespmem:s31+$0x18BA7];
	_ =	sdelay $0x4  }
0x4b8: {  	[tilespmem:s3+$0x1A0] =	vst v4  }
0x4b9: {  	v4 =	vld [tilespmem:s31+$0x18BB7];
	_ =	sdelay $0x4  }
0x4ba: {  	[tilespmem:s3+$0x1B0] =	vst v4  }
0x4bb: {  	v4 =	vld [tilespmem:s31+$0x18BC7];
	_ =	sdelay $0x4  }
0x4bc: {  	[tilespmem:s3+$0x1C0] =	vst v4  }
0x4bd: {  	v4 =	vld [tilespmem:s31+$0x18BD7];
	_ =	sdelay $0x4  }
0x4be: {  	[tilespmem:s3+$0x1D0] =	vst v4  }
0x4bf: {  	v4 =	vld [tilespmem:s31+$0x18BE7];
	_ =	sdelay $0x4  }
0x4c0: {  	[tilespmem:s3+$0x1E0] =	vst v4  }
0x4c1: {  	v4 =	vld [tilespmem:s31+$0x18BF7];
	_ =	sdelay $0x4  }
0x4c2: {  	s6 =	simm.s32 $0x2040;
	s0 =	simm.s32 $0x408;
	[tilespmem:s3+$0x1F0] =	vst v4  }
.LBB2_20:
0x4c3: {  	p0 =	sne.s32 s6, $0x70E0;
	v4 =	vld [tilespmem:s0+$0x18800];
	_ =	sdelay $0x3  }
0x4c4: {  	s3 =	sadd.s32 $0x400, s3  }
0x4c5: {  	[tilespmem:s3+$0xFFFFFE00] =	vst v4  }
0x4c6: {  	v4 =	vld [tilespmem:s0+$0x18810];
	_ =	sdelay $0x4  }
0x4c7: {  	[tilespmem:s3+$0xFFFFFE10] =	vst v4  }
0x4c8: {  	v4 =	vld [tilespmem:s0+$0x18820];
	_ =	sdelay $0x4  }
0x4c9: {  	[tilespmem:s3+$0xFFFFFE20] =	vst v4  }
0x4ca: {  	v4 =	vld [tilespmem:s0+$0x18830];
	_ =	sdelay $0x4  }
0x4cb: {  	[tilespmem:s3+$0xFFFFFE30] =	vst v4  }
0x4cc: {  	v4 =	vld [tilespmem:s0+$0x18840];
	_ =	sdelay $0x4  }
0x4cd: {  	[tilespmem:s3+$0xFFFFFE40] =	vst v4  }
0x4ce: {  	v4 =	vld [tilespmem:s0+$0x18850];
	_ =	sdelay $0x4  }
0x4cf: {  	[tilespmem:s3+$0xFFFFFE50] =	vst v4  }
0x4d0: {  	v4 =	vld [tilespmem:s0+$0x18860];
	_ =	sdelay $0x4  }
0x4d1: {  	[tilespmem:s3+$0xFFFFFE60] =	vst v4  }
0x4d2: {  	v4 =	vld [tilespmem:s0+$0x18870];
	_ =	sdelay $0x4  }
0x4d3: {  	[tilespmem:s3+$0xFFFFFE70] =	vst v4  }
0x4d4: {  	v4 =	vld [tilespmem:s0+$0x18881];
	_ =	sdelay $0x4  }
0x4d5: {  	[tilespmem:s3+$0xFFFFFE80] =	vst v4  }
0x4d6: {  	v4 =	vld [tilespmem:s0+$0x18891];
	_ =	sdelay $0x4  }
0x4d7: {  	[tilespmem:s3+$0xFFFFFE90] =	vst v4  }
0x4d8: {  	v4 =	vld [tilespmem:s0+$0x188A1];
	_ =	sdelay $0x4  }
0x4d9: {  	[tilespmem:s3+$0xFFFFFEA0] =	vst v4  }
0x4da: {  	v4 =	vld [tilespmem:s0+$0x188B1];
	_ =	sdelay $0x4  }
0x4db: {  	[tilespmem:s3+$0xFFFFFEB0] =	vst v4  }
0x4dc: {  	v4 =	vld [tilespmem:s0+$0x188C1];
	_ =	sdelay $0x4  }
0x4dd: {  	[tilespmem:s3+$0xFFFFFEC0] =	vst v4  }
0x4de: {  	v4 =	vld [tilespmem:s0+$0x188D1];
	_ =	sdelay $0x4  }
0x4df: {  	[tilespmem:s3+$0xFFFFFED0] =	vst v4  }
0x4e0: {  	v4 =	vld [tilespmem:s0+$0x188E1];
	_ =	sdelay $0x4  }
0x4e1: {  	[tilespmem:s3+$0xFFFFFEE0] =	vst v4  }
0x4e2: {  	v4 =	vld [tilespmem:s0+$0x188F1];
	_ =	sdelay $0x4  }
0x4e3: {  	[tilespmem:s3+$0xFFFFFEF0] =	vst v4  }
0x4e4: {  	v4 =	vld [tilespmem:s0+$0x18902];
	_ =	sdelay $0x4  }
0x4e5: {  	[tilespmem:s3+$0xFFFFFF00] =	vst v4  }
0x4e6: {  	v4 =	vld [tilespmem:s0+$0x18912];
	_ =	sdelay $0x4  }
0x4e7: {  	[tilespmem:s3+$0xFFFFFF10] =	vst v4  }
0x4e8: {  	v4 =	vld [tilespmem:s0+$0x18922];
	_ =	sdelay $0x4  }
0x4e9: {  	[tilespmem:s3+$0xFFFFFF20] =	vst v4  }
0x4ea: {  	v4 =	vld [tilespmem:s0+$0x18932];
	_ =	sdelay $0x4  }
0x4eb: {  	[tilespmem:s3+$0xFFFFFF30] =	vst v4  }
0x4ec: {  	v4 =	vld [tilespmem:s0+$0x18942];
	_ =	sdelay $0x4  }
0x4ed: {  	[tilespmem:s3+$0xFFFFFF40] =	vst v4  }
0x4ee: {  	v4 =	vld [tilespmem:s0+$0x18952];
	_ =	sdelay $0x4  }
0x4ef: {  	[tilespmem:s3+$0xFFFFFF50] =	vst v4  }
0x4f0: {  	v4 =	vld [tilespmem:s0+$0x18962];
	_ =	sdelay $0x4  }
0x4f1: {  	[tilespmem:s3+$0xFFFFFF60] =	vst v4  }
0x4f2: {  	v4 =	vld [tilespmem:s0+$0x18972];
	_ =	sdelay $0x4  }
0x4f3: {  	[tilespmem:s3+$0xFFFFFF70] =	vst v4  }
0x4f4: {  	v4 =	vld [tilespmem:s0+$0x18983];
	_ =	sdelay $0x4  }
0x4f5: {  	[tilespmem:s3+$0xFFFFFF80] =	vst v4  }
0x4f6: {  	v4 =	vld [tilespmem:s0+$0x18993];
	_ =	sdelay $0x4  }
0x4f7: {  	[tilespmem:s3+$0xFFFFFF90] =	vst v4  }
0x4f8: {  	v4 =	vld [tilespmem:s0+$0x189A3];
	_ =	sdelay $0x4  }
0x4f9: {  	[tilespmem:s3+$0xFFFFFFA0] =	vst v4  }
0x4fa: {  	v4 =	vld [tilespmem:s0+$0x189B3];
	_ =	sdelay $0x4  }
0x4fb: {  	[tilespmem:s3+$0xFFFFFFB0] =	vst v4  }
0x4fc: {  	v4 =	vld [tilespmem:s0+$0x189C3];
	_ =	sdelay $0x4  }
0x4fd: {  	[tilespmem:s3+$0xFFFFFFC0] =	vst v4  }
0x4fe: {  	v4 =	vld [tilespmem:s0+$0x189D3];
	_ =	sdelay $0x4  }
0x4ff: {  	[tilespmem:s3+$0xFFFFFFD0] =	vst v4  }
0x500: {  	v4 =	vld [tilespmem:s0+$0x189E3];
	_ =	sdelay $0x4  }
0x501: {  	[tilespmem:s3+$0xFFFFFFE0] =	vst v4  }
0x502: {  	v4 =	vld [tilespmem:s0+$0x189F3];
	_ =	sdelay $0x4  }
0x503: {  	[tilespmem:s3+$0xFFFFFFF0] =	vst v4  }
0x504: {  	v4 =	vld [tilespmem:s0+$0x18A04];
	_ =	sdelay $0x4  }
0x505: {  	[tilespmem:s3+$0x0] =	vst v4  }
0x506: {  	v4 =	vld [tilespmem:s0+$0x18A14];
	_ =	sdelay $0x4  }
0x507: {  	[tilespmem:s3+$0x10] =	vst v4  }
0x508: {  	v4 =	vld [tilespmem:s0+$0x18A24];
	_ =	sdelay $0x4  }
0x509: {  	[tilespmem:s3+$0x20] =	vst v4  }
0x50a: {  	v4 =	vld [tilespmem:s0+$0x18A34];
	_ =	sdelay $0x4  }
0x50b: {  	[tilespmem:s3+$0x30] =	vst v4  }
0x50c: {  	v4 =	vld [tilespmem:s0+$0x18A44];
	_ =	sdelay $0x4  }
0x50d: {  	[tilespmem:s3+$0x40] =	vst v4  }
0x50e: {  	v4 =	vld [tilespmem:s0+$0x18A54];
	_ =	sdelay $0x4  }
0x50f: {  	[tilespmem:s3+$0x50] =	vst v4  }
0x510: {  	v4 =	vld [tilespmem:s0+$0x18A64];
	_ =	sdelay $0x4  }
0x511: {  	[tilespmem:s3+$0x60] =	vst v4  }
0x512: {  	v4 =	vld [tilespmem:s0+$0x18A74];
	_ =	sdelay $0x4  }
0x513: {  	[tilespmem:s3+$0x70] =	vst v4  }
0x514: {  	v4 =	vld [tilespmem:s0+$0x18A85];
	_ =	sdelay $0x4  }
0x515: {  	[tilespmem:s3+$0x80] =	vst v4  }
0x516: {  	v4 =	vld [tilespmem:s0+$0x18A95];
	_ =	sdelay $0x4  }
0x517: {  	[tilespmem:s3+$0x90] =	vst v4  }
0x518: {  	v4 =	vld [tilespmem:s0+$0x18AA5];
	_ =	sdelay $0x4  }
0x519: {  	[tilespmem:s3+$0xA0] =	vst v4  }
0x51a: {  	v4 =	vld [tilespmem:s0+$0x18AB5];
	_ =	sdelay $0x4  }
0x51b: {  	[tilespmem:s3+$0xB0] =	vst v4  }
0x51c: {  	v4 =	vld [tilespmem:s0+$0x18AC5];
	_ =	sdelay $0x4  }
0x51d: {  	[tilespmem:s3+$0xC0] =	vst v4  }
0x51e: {  	v4 =	vld [tilespmem:s0+$0x18AD5];
	_ =	sdelay $0x4  }
0x51f: {  	[tilespmem:s3+$0xD0] =	vst v4  }
0x520: {  	v4 =	vld [tilespmem:s0+$0x18AE5];
	_ =	sdelay $0x4  }
0x521: {  	[tilespmem:s3+$0xE0] =	vst v4  }
0x522: {  	v4 =	vld [tilespmem:s0+$0x18AF5];
	_ =	sdelay $0x4  }
0x523: {  	[tilespmem:s3+$0xF0] =	vst v4  }
0x524: {  	v4 =	vld [tilespmem:s0+$0x18B06];
	_ =	sdelay $0x4  }
0x525: {  	[tilespmem:s3+$0x100] =	vst v4  }
0x526: {  	v4 =	vld [tilespmem:s0+$0x18B16];
	_ =	sdelay $0x4  }
0x527: {  	[tilespmem:s3+$0x110] =	vst v4  }
0x528: {  	v4 =	vld [tilespmem:s0+$0x18B26];
	_ =	sdelay $0x4  }
0x529: {  	[tilespmem:s3+$0x120] =	vst v4  }
0x52a: {  	v4 =	vld [tilespmem:s0+$0x18B36];
	_ =	sdelay $0x4  }
0x52b: {  	[tilespmem:s3+$0x130] =	vst v4  }
0x52c: {  	v4 =	vld [tilespmem:s0+$0x18B46];
	_ =	sdelay $0x4  }
0x52d: {  	[tilespmem:s3+$0x140] =	vst v4  }
0x52e: {  	v4 =	vld [tilespmem:s0+$0x18B56];
	_ =	sdelay $0x4  }
0x52f: {  	[tilespmem:s3+$0x150] =	vst v4  }
0x530: {  	v4 =	vld [tilespmem:s0+$0x18B66];
	_ =	sdelay $0x4  }
0x531: {  	[tilespmem:s3+$0x160] =	vst v4  }
0x532: {  	v4 =	vld [tilespmem:s0+$0x18B76];
	_ =	sdelay $0x4  }
0x533: {  	[tilespmem:s3+$0x170] =	vst v4  }
0x534: {  	v4 =	vld [tilespmem:s0+$0x18B87];
	_ =	sdelay $0x4  }
0x535: {  	[tilespmem:s3+$0x180] =	vst v4  }
0x536: {  	v4 =	vld [tilespmem:s0+$0x18B97];
	_ =	sdelay $0x4  }
0x537: {  	[tilespmem:s3+$0x190] =	vst v4  }
0x538: {  	v4 =	vld [tilespmem:s0+$0x18BA7];
	_ =	sdelay $0x4  }
0x539: {  	[tilespmem:s3+$0x1A0] =	vst v4  }
0x53a: {  	v4 =	vld [tilespmem:s0+$0x18BB7];
	_ =	sdelay $0x4  }
0x53b: {  	[tilespmem:s3+$0x1B0] =	vst v4  }
0x53c: {  	v4 =	vld [tilespmem:s0+$0x18BC7];
	_ =	sdelay $0x4  }
0x53d: {  	[tilespmem:s3+$0x1C0] =	vst v4  }
0x53e: {  	v4 =	vld [tilespmem:s0+$0x18BD7];
	_ =	sdelay $0x4  }
0x53f: {  	[tilespmem:s3+$0x1D0] =	vst v4  }
0x540: {  	v4 =	vld [tilespmem:s0+$0x18BE7];
	_ =	sdelay $0x4  }
0x541: {  	[tilespmem:s3+$0x1E0] =	vst v4  }
0x542: {  	v4 =	vld [tilespmem:s0+$0x18BF7]  }
.Ltmp14:
0x543: {  	(pc) =	sbr.rel @p0 .LBB2_20-.Ltmp14, $2  }
0x544: {  	_ =	sdelay $0x2  }
0x545: {  	s0 =	sshra.s32 s6, $0x2;
	s6 =	sadd.s32 $0x1020, s6;
	[tilespmem:s3+$0x1F0] =	vst v4  }
0x546: {  	v4 =	vld [tilespmem:s0+$0x18800];
	_ =	sdelay $0x3  }
0x547: {  	s3 =	sadd.s32 $0x400, s3  }
0x548: {  	[tilespmem:s3+$0xFFFFFE00] =	vst v4  }
0x549: {  	v4 =	vld [tilespmem:s0+$0x18810];
	_ =	sdelay $0x4  }
0x54a: {  	[tilespmem:s3+$0xFFFFFE10] =	vst v4  }
0x54b: {  	v4 =	vld [tilespmem:s0+$0x18820];
	_ =	sdelay $0x4  }
0x54c: {  	[tilespmem:s3+$0xFFFFFE20] =	vst v4  }
0x54d: {  	v4 =	vld [tilespmem:s0+$0x18830];
	_ =	sdelay $0x4  }
0x54e: {  	[tilespmem:s3+$0xFFFFFE30] =	vst v4  }
0x54f: {  	v4 =	vld [tilespmem:s0+$0x18840];
	_ =	sdelay $0x4  }
0x550: {  	[tilespmem:s3+$0xFFFFFE40] =	vst v4  }
0x551: {  	v4 =	vld [tilespmem:s0+$0x18850];
	_ =	sdelay $0x4  }
0x552: {  	[tilespmem:s3+$0xFFFFFE50] =	vst v4  }
0x553: {  	v4 =	vld [tilespmem:s0+$0x18860];
	_ =	sdelay $0x4  }
0x554: {  	[tilespmem:s3+$0xFFFFFE60] =	vst v4  }
0x555: {  	v4 =	vld [tilespmem:s0+$0x18870];
	_ =	sdelay $0x4  }
0x556: {  	[tilespmem:s3+$0xFFFFFE70] =	vst v4  }
0x557: {  	v4 =	vld [tilespmem:s0+$0x18881];
	_ =	sdelay $0x4  }
0x558: {  	[tilespmem:s3+$0xFFFFFE80] =	vst v4  }
0x559: {  	v4 =	vld [tilespmem:s0+$0x18891];
	_ =	sdelay $0x4  }
0x55a: {  	[tilespmem:s3+$0xFFFFFE90] =	vst v4  }
0x55b: {  	v4 =	vld [tilespmem:s0+$0x188A1];
	_ =	sdelay $0x4  }
0x55c: {  	[tilespmem:s3+$0xFFFFFEA0] =	vst v4  }
0x55d: {  	v4 =	vld [tilespmem:s0+$0x188B1];
	_ =	sdelay $0x4  }
0x55e: {  	[tilespmem:s3+$0xFFFFFEB0] =	vst v4  }
0x55f: {  	v4 =	vld [tilespmem:s0+$0x188C1];
	_ =	sdelay $0x4  }
0x560: {  	[tilespmem:s3+$0xFFFFFEC0] =	vst v4  }
0x561: {  	v4 =	vld [tilespmem:s0+$0x188D1];
	_ =	sdelay $0x4  }
0x562: {  	[tilespmem:s3+$0xFFFFFED0] =	vst v4  }
0x563: {  	v4 =	vld [tilespmem:s0+$0x188E1];
	_ =	sdelay $0x4  }
0x564: {  	[tilespmem:s3+$0xFFFFFEE0] =	vst v4  }
0x565: {  	v4 =	vld [tilespmem:s0+$0x188F1];
	_ =	sdelay $0x4  }
0x566: {  	[tilespmem:s3+$0xFFFFFEF0] =	vst v4  }
0x567: {  	v4 =	vld [tilespmem:s0+$0x18902];
	_ =	sdelay $0x4  }
0x568: {  	[tilespmem:s3+$0xFFFFFF00] =	vst v4  }
0x569: {  	v4 =	vld [tilespmem:s0+$0x18912];
	_ =	sdelay $0x4  }
0x56a: {  	[tilespmem:s3+$0xFFFFFF10] =	vst v4  }
0x56b: {  	v4 =	vld [tilespmem:s0+$0x18922];
	_ =	sdelay $0x4  }
0x56c: {  	[tilespmem:s3+$0xFFFFFF20] =	vst v4  }
0x56d: {  	v4 =	vld [tilespmem:s0+$0x18932];
	_ =	sdelay $0x4  }
0x56e: {  	[tilespmem:s3+$0xFFFFFF30] =	vst v4  }
0x56f: {  	v4 =	vld [tilespmem:s0+$0x18942];
	_ =	sdelay $0x4  }
0x570: {  	[tilespmem:s3+$0xFFFFFF40] =	vst v4  }
0x571: {  	v4 =	vld [tilespmem:s0+$0x18952];
	_ =	sdelay $0x4  }
0x572: {  	[tilespmem:s3+$0xFFFFFF50] =	vst v4  }
0x573: {  	v4 =	vld [tilespmem:s0+$0x18962];
	_ =	sdelay $0x4  }
0x574: {  	[tilespmem:s3+$0xFFFFFF60] =	vst v4  }
0x575: {  	v4 =	vld [tilespmem:s0+$0x18972];
	_ =	sdelay $0x4  }
0x576: {  	[tilespmem:s3+$0xFFFFFF70] =	vst v4  }
0x577: {  	v4 =	vld [tilespmem:s0+$0x18983];
	_ =	sdelay $0x4  }
0x578: {  	[tilespmem:s3+$0xFFFFFF80] =	vst v4  }
0x579: {  	v4 =	vld [tilespmem:s0+$0x18993];
	_ =	sdelay $0x4  }
0x57a: {  	[tilespmem:s3+$0xFFFFFF90] =	vst v4  }
0x57b: {  	v4 =	vld [tilespmem:s0+$0x189A3];
	_ =	sdelay $0x4  }
0x57c: {  	[tilespmem:s3+$0xFFFFFFA0] =	vst v4  }
0x57d: {  	v4 =	vld [tilespmem:s0+$0x189B3];
	_ =	sdelay $0x4  }
0x57e: {  	[tilespmem:s3+$0xFFFFFFB0] =	vst v4  }
0x57f: {  	v4 =	vld [tilespmem:s0+$0x189C3];
	_ =	sdelay $0x4  }
0x580: {  	[tilespmem:s3+$0xFFFFFFC0] =	vst v4  }
0x581: {  	v4 =	vld [tilespmem:s0+$0x189D3];
	_ =	sdelay $0x4  }
0x582: {  	[tilespmem:s3+$0xFFFFFFD0] =	vst v4  }
0x583: {  	v4 =	vld [tilespmem:s0+$0x189E3];
	_ =	sdelay $0x4  }
0x584: {  	[tilespmem:s3+$0xFFFFFFE0] =	vst v4  }
0x585: {  	v4 =	vld [tilespmem:s0+$0x189F3];
	_ =	sdelay $0x4  }
0x586: {  	[tilespmem:s3+$0xFFFFFFF0] =	vst v4  }
0x587: {  	v4 =	vld [tilespmem:s0+$0x18A04];
	_ =	sdelay $0x4  }
0x588: {  	[tilespmem:s3+$0x0] =	vst v4  }
0x589: {  	v4 =	vld [tilespmem:s0+$0x18A14];
	_ =	sdelay $0x4  }
0x58a: {  	[tilespmem:s3+$0x10] =	vst v4  }
0x58b: {  	v4 =	vld [tilespmem:s0+$0x18A24];
	_ =	sdelay $0x4  }
0x58c: {  	[tilespmem:s3+$0x20] =	vst v4  }
0x58d: {  	v4 =	vld [tilespmem:s0+$0x18A34];
	_ =	sdelay $0x4  }
0x58e: {  	[tilespmem:s3+$0x30] =	vst v4  }
0x58f: {  	v4 =	vld [tilespmem:s0+$0x18A44];
	_ =	sdelay $0x4  }
0x590: {  	[tilespmem:s3+$0x40] =	vst v4  }
0x591: {  	v4 =	vld [tilespmem:s0+$0x18A54];
	_ =	sdelay $0x4  }
0x592: {  	[tilespmem:s3+$0x50] =	vst v4  }
0x593: {  	v4 =	vld [tilespmem:s0+$0x18A64];
	_ =	sdelay $0x4  }
0x594: {  	[tilespmem:s3+$0x60] =	vst v4  }
0x595: {  	v4 =	vld [tilespmem:s0+$0x18A74];
	_ =	sdelay $0x4  }
0x596: {  	[tilespmem:s3+$0x70] =	vst v4  }
0x597: {  	v4 =	vld [tilespmem:s0+$0x18A85];
	_ =	sdelay $0x4  }
0x598: {  	[tilespmem:s3+$0x80] =	vst v4  }
0x599: {  	v4 =	vld [tilespmem:s0+$0x18A95];
	_ =	sdelay $0x4  }
0x59a: {  	[tilespmem:s3+$0x90] =	vst v4  }
0x59b: {  	v4 =	vld [tilespmem:s0+$0x18AA5];
	_ =	sdelay $0x4  }
0x59c: {  	[tilespmem:s3+$0xA0] =	vst v4  }
0x59d: {  	v4 =	vld [tilespmem:s0+$0x18AB5];
	_ =	sdelay $0x4  }
0x59e: {  	[tilespmem:s3+$0xB0] =	vst v4  }
0x59f: {  	v4 =	vld [tilespmem:s0+$0x18AC5];
	_ =	sdelay $0x4  }
0x5a0: {  	[tilespmem:s3+$0xC0] =	vst v4  }
0x5a1: {  	v4 =	vld [tilespmem:s0+$0x18AD5];
	_ =	sdelay $0x4  }
0x5a2: {  	[tilespmem:s3+$0xD0] =	vst v4  }
0x5a3: {  	v4 =	vld [tilespmem:s0+$0x18AE5];
	_ =	sdelay $0x4  }
0x5a4: {  	[tilespmem:s3+$0xE0] =	vst v4  }
0x5a5: {  	v4 =	vld [tilespmem:s0+$0x18AF5];
	_ =	sdelay $0x4  }
0x5a6: {  	[tilespmem:s3+$0xF0] =	vst v4  }
0x5a7: {  	v4 =	vld [tilespmem:s0+$0x18B06];
	_ =	sdelay $0x4  }
0x5a8: {  	[tilespmem:s3+$0x100] =	vst v4  }
0x5a9: {  	v4 =	vld [tilespmem:s0+$0x18B16];
	_ =	sdelay $0x4  }
0x5aa: {  	[tilespmem:s3+$0x110] =	vst v4  }
0x5ab: {  	v4 =	vld [tilespmem:s0+$0x18B26];
	_ =	sdelay $0x4  }
0x5ac: {  	[tilespmem:s3+$0x120] =	vst v4  }
0x5ad: {  	v4 =	vld [tilespmem:s0+$0x18B36];
	_ =	sdelay $0x4  }
0x5ae: {  	[tilespmem:s3+$0x130] =	vst v4  }
0x5af: {  	v4 =	vld [tilespmem:s0+$0x18B46];
	_ =	sdelay $0x4  }
0x5b0: {  	[tilespmem:s3+$0x140] =	vst v4  }
0x5b1: {  	v4 =	vld [tilespmem:s0+$0x18B56];
	_ =	sdelay $0x4  }
0x5b2: {  	[tilespmem:s3+$0x150] =	vst v4  }
0x5b3: {  	v4 =	vld [tilespmem:s0+$0x18B66];
	_ =	sdelay $0x4  }
0x5b4: {  	[tilespmem:s3+$0x160] =	vst v4  }
0x5b5: {  	v4 =	vld [tilespmem:s0+$0x18B76];
	_ =	sdelay $0x4  }
0x5b6: {  	[tilespmem:s3+$0x170] =	vst v4  }
0x5b7: {  	v4 =	vld [tilespmem:s0+$0x18B87];
	_ =	sdelay $0x4  }
0x5b8: {  	[tilespmem:s3+$0x180] =	vst v4  }
0x5b9: {  	v4 =	vld [tilespmem:s0+$0x18B97];
	_ =	sdelay $0x4  }
0x5ba: {  	[tilespmem:s3+$0x190] =	vst v4  }
0x5bb: {  	v4 =	vld [tilespmem:s0+$0x18BA7];
	_ =	sdelay $0x4  }
0x5bc: {  	[tilespmem:s3+$0x1A0] =	vst v4  }
0x5bd: {  	v4 =	vld [tilespmem:s0+$0x18BB7];
	_ =	sdelay $0x4  }
0x5be: {  	[tilespmem:s3+$0x1B0] =	vst v4  }
0x5bf: {  	v4 =	vld [tilespmem:s0+$0x18BC7];
	_ =	sdelay $0x4  }
0x5c0: {  	[tilespmem:s3+$0x1C0] =	vst v4  }
0x5c1: {  	v4 =	vld [tilespmem:s0+$0x18BD7];
	_ =	sdelay $0x4  }
0x5c2: {  	[tilespmem:s3+$0x1D0] =	vst v4  }
0x5c3: {  	v4 =	vld [tilespmem:s0+$0x18BE7];
	_ =	sdelay $0x4  }
0x5c4: {  	[tilespmem:s3+$0x1E0] =	vst v4  }
0x5c5: {  	v4 =	vld [tilespmem:s0+$0x18BF7]  }
0x5c6: {  	s31 =	smul.u32 $0xC0000, s14  }
.Ltmp15:
0x5c7: {  	_ = 	snop;
	(pc) =	sbr.rel .LBB2_22-.Ltmp15, $4  }
0x5c8: {  	s0 =	sor.u32 s9, s31  }
0x5c9: {  	s0 =	sshrl.u32 s0, $0x3  }
0x5ca: {  	s0 =	sadd.s32 s2, s0;
	[tilespmem:s3+$0x1F0] =	vst v4  }
0x5cb: {  	[hbm4b:s0+s17] =	stream.strided.scatter [tilespmem:s29], [sflag:$0x7], $0x2000, s18, s17, $0x38;
	[tilespmem:$0x1E8C0] =	vst v63  }
.LBB2_24:
0x5cc: {  	_ =	sfence.sel $0x180000  }
0x5cd: {  	[bflag:$0x0] =	sbarrier.arrive $0xFFFF  }
0x5ce: {  	_ =	strace $0x90000047  }
0x5cf: {  	s0 =	stileid.u32;
	[bflag:$0x2] =	sbarrier.arrive $0xFFFF  }
0x5d0: {  	p0 =	sne.s32 s0, $0x0;
	s0 =	rddreg [dreg:$0x2]  }
0x5d1: {  	s0 =	sadd.s32 @!p0 $0x100000, s0  }
0x5d2: {  	[sflag:s0] =	ssyncadd.tile.s32 @!p0 $0x1;
	_ =	shalt  }
.Lfunc_end2:
_tile_overlayer_lowered:
.L_overlay_start_2:
0x5d3: {  	(tag) =	ssettag $0x2  }
0x5d4: {  	s0 =	rddreg [dreg:$0x0];
	s2 =	stileid.u32  }
0x5d5: {  	s1 =	rddreg [dreg:$0x1];
	p0 =	sne.s32 s2, $0x0  }
0x5d6: {  	s3 =	rddreg [dreg:$0x2];
	[bflag:$0x3] =	sbarrier.arrive $0xFFFF;
	s2 =	simm.s32 @!p0 $0x1C0A  }
0x5d7: {  	[timem:s3], [sflag:s2] =	dma.local @!p0 [hbm:s0], s1  }
0x5d8: {  	s0 =	simm.s32 @!p0 $0xA  }
0x5d9: {  	_ =	swait.ge @!p0 [sflag:s0], s1  }
0x5da: {  	s1 =	ssub.s32 @!p0 $0x0, s1;
	[sflag:s0] =	ssyncset.done @!p0 $0x0  }
0x5db: {  	[sflag:s0] =	ssyncadd.s32 @!p0 s1  }
0x5dc: {  	[bflag:$0x3] =	sbarrier.arrive $0xFFFF  }
0x5dd: {  	_ =	shalt  }

</sc_bundles>
